<compile_context>
chip_gen: v7x
topology: tpu7x:2x2x1
jax: 0.10.2.dev20260603
libtpu: 0.0.44.dev20260713+nightly
codegen_flags: <defaults>
</compile_context>

<pallas_src>
import functools
import numpy as np
import jax
import jax.numpy as jnp
from jax import lax
from jax.experimental import pallas as pl
from jax.experimental.pallas import tpu as pltpu
from jax.experimental.pallas import tpu_sc as plsc

M = 16
A = 16
NB = 4
NGP = 512
BN = 2000
DMA_ROWS = 40
KJ = 25
NP = 102400


def _softplus(x):
    return jnp.maximum(x, 0.0) + jnp.log(1.0 + jnp.exp(-jnp.abs(x)))


def _sigmoid(x):
    return 1.0 / (1.0 + jnp.exp(-x))


def _sc_gather(table, idx_flat):
    B = idx_flat.shape[0]
    info = plsc.get_sparse_core_info()
    nc, ns = info.num_cores, info.num_subcores
    nw = nc * ns
    chunk = KJ * DMA_ROWS
    n_outer = B // (nw * chunk)

    mesh = plsc.VectorSubcoreMesh(core_axis_name="c", subcore_axis_name="s")

    @functools.partial(
        pl.kernel,
        mesh=mesh,
        compiler_params=pltpu.CompilerParams(use_tc_tiling_on_sc=False),
        out_type=jax.ShapeDtypeStruct((B, A), jnp.float32),
        scratch_types=[
            pltpu.VMEM((chunk,), jnp.int32),
            pltpu.VMEM((chunk,), jnp.int32),
            pltpu.VMEM((chunk, A), jnp.float32),
            pltpu.VMEM((chunk, A), jnp.float32),
            pltpu.SemaphoreType.DMA,
            pltpu.SemaphoreType.DMA,
            pltpu.SemaphoreType.DMA,
        ],
    )
    def gather_kernel(table_hbm, idx_hbm, out_hbm, idx_v0, idx_v1,
                      rows_v0, rows_v1, sem_i, sem_g, sem_w):
        wid = lax.axis_index("s") * nc + lax.axis_index("c")
        base = wid * n_outer
        idx_bufs = [idx_v0, idx_v1]
        row_bufs = [rows_v0, rows_v1]
        pltpu.async_copy(idx_hbm.at[pl.ds(base * chunk, chunk)], idx_v0, sem_i)

        def body(t, carry):
            for b in range(2):
                i = t * 2 + b
                g = base + i
                pltpu.make_async_copy(
                    idx_hbm.at[pl.ds(0, chunk)], idx_bufs[b], sem_i).wait()

                @pl.when(i + 1 < n_outer)
                def _():
                    pltpu.async_copy(
                        idx_hbm.at[pl.ds((g + 1) * chunk, chunk)],
                        idx_bufs[1 - b], sem_i)

                @pl.when(i >= 2)
                def _():
                    pltpu.make_async_copy(
                        out_hbm.at[pl.ds(0, chunk)], row_bufs[b], sem_w).wait()

                copies = [
                    pltpu.async_copy(
                        table_hbm.at[idx_bufs[b].at[pl.ds(j * DMA_ROWS, DMA_ROWS)]],
                        row_bufs[b].at[pl.ds(j * DMA_ROWS, DMA_ROWS)],
                        sem_g,
                    )
                    for j in range(KJ)
                ]
                for c in copies:
                    c.wait()
                pltpu.async_copy(row_bufs[b], out_hbm.at[pl.ds(g * chunk, chunk)],
                                 sem_w)
            return carry

        lax.fori_loop(0, n_outer // 2, body, 0)
        pltpu.make_async_copy(out_hbm.at[pl.ds(0, chunk)], rows_v0, sem_w).wait()
        pltpu.make_async_copy(out_hbm.at[pl.ds(0, chunk)], rows_v1, sem_w).wait()

    return gather_kernel(table, idx_flat)


def _sc_segsum(vals, idx, zeros):
    info = plsc.get_sparse_core_info()
    nc, ns = info.num_cores, info.num_subcores
    nw = nc * ns
    per_w = NP // nw
    ch = 800
    n_it = per_w // ch

    mesh = plsc.VectorSubcoreMesh(core_axis_name="c", subcore_axis_name="s")

    @functools.partial(
        pl.kernel,
        mesh=mesh,
        compiler_params=pltpu.CompilerParams(use_tc_tiling_on_sc=False),
        out_type=jax.ShapeDtypeStruct((2, NGP, A), jnp.float32),
        scratch_types=[
            pltpu.VMEM((ch, A), jnp.float32),
            pltpu.VMEM((ch,), jnp.int32),
            pltpu.VMEM_SHARED((NGP, A), jnp.float32),
        ],
    )
    def seg_kernel(vals_hbm, idx_hbm, zeros_hbm, out_hbm, v_v, i_v, acc_sh):
        cid = lax.axis_index("c")
        sid = lax.axis_index("s")
        wid = sid * nc + cid

        @pl.when(sid == 0)
        def _():
            pltpu.sync_copy(zeros_hbm, acc_sh)

        plsc.subcore_barrier()

        def body(i, carry):
            b0 = wid * per_w + i * ch
            pltpu.sync_copy(vals_hbm.at[pl.ds(b0, ch)], v_v)
            pltpu.sync_copy(idx_hbm.at[pl.ds(b0, ch)], i_v)
            pltpu.sync_copy(v_v, acc_sh.at[i_v], add=True)
            return carry

        lax.fori_loop(0, n_it, body, 0)
        plsc.subcore_barrier()

        @pl.when(sid == 0)
        def _():
            pltpu.sync_copy(acc_sh, out_hbm.at[cid])

    return seg_kernel(vals, idx, zeros)


def _atom_body(af_ref, g1_ref, nb_ref, st_ref, wself_ref, wst_ref,
               ba_ref, bdn_ref, bde_ref, t1m_ref, s16_ref, s4_ref, ssm_ref,
               xsm_ref, out_ref, ex_ref):
    af = af_ref[...]
    g1 = g1_ref[...]
    nb = nb_ref[...]
    st = st_ref[...][:, :4]
    t1 = (jnp.dot(af, wself_ref[...], preferred_element_type=jnp.float32)
          + jnp.dot(st, wst_ref[...], preferred_element_type=jnp.float32)
          + ba_ref[...])
    fc = (jnp.dot(g1, bdn_ref[...], preferred_element_type=jnp.float32)
          + jnp.dot(nb, bde_ref[...], preferred_element_type=jnp.float32)
          + jnp.dot(t1, t1m_ref[...], preferred_element_type=jnp.float32))
    filt = fc[:, :M * A]
    core = fc[:, M * A:]
    h = _sigmoid(filt) * _softplus(core)
    nbr_sumed = jnp.dot(h, s16_ref[...], preferred_element_type=jnp.float32)
    out_ref[...] = _softplus(af + nbr_sumed)
    sm = jnp.dot(nb, ssm_ref[...], preferred_element_type=jnp.float32)
    sn = jnp.dot(nb, s4_ref[...], preferred_element_type=jnp.float32)
    smexp = jnp.dot(sm, xsm_ref[...], preferred_element_type=jnp.float32)
    sns = jnp.dot(smexp * nb, s4_ref[...], preferred_element_type=jnp.float32)
    ex_ref[...] = jnp.concatenate([sn, sns, sm], axis=1)


def _sym_body(g2_ref, ex_ref, s16_ref, x16_ref, acc_ref):
    g2 = g2_ref[...]
    ex = ex_ref[...]
    sn = ex[:, 0:NB]
    sns = ex[:, NB:2 * NB]
    sm = ex[:, 2 * NB:2 * NB + M]
    gsum = jnp.dot(g2, s16_ref[...], preferred_element_type=jnp.float32)
    smexp = jnp.dot(sm, x16_ref[...], preferred_element_type=jnp.float32)
    gwsum = jnp.dot(smexp * g2, s16_ref[...], preferred_element_type=jnp.float32)
    a1 = (jnp.sum(sns * sns, axis=1, keepdims=True)
          + jnp.sum(gwsum * gwsum, axis=1, keepdims=True))
    b1 = (jnp.sum(sns * sn, axis=1, keepdims=True)
          + jnp.sum(gwsum * gsum, axis=1, keepdims=True))
    c1 = (jnp.sum(sn * sn, axis=1, keepdims=True)
          + jnp.sum(gsum * gsum, axis=1, keepdims=True))
    s1 = jnp.sum(sm, axis=1, keepdims=True)
    ones = jnp.ones_like(s1)
    pad = jnp.zeros((BN, A - 6), jnp.float32)
    acc_ref[...] = jnp.concatenate([a1, b1, c1, s1, s1 * s1, ones, pad], axis=1)


def _final_body(seg_ref, sp_ref, r_ref, bfc_ref, out_ref):
    seg = seg_ref[...]
    acc = seg[:NGP] + seg[NGP:]
    cnt = jnp.maximum(acc[:, 5:6], 1.0)
    a1 = acc[:, 0:1] / cnt
    b1 = acc[:, 1:2] / cnt
    c1 = acc[:, 2:3] / cnt
    s1 = acc[:, 3:4] / cnt
    s2 = acc[:, 4:5] / cnt
    sp = sp_ref[...]
    q = jnp.sum(sp * sp, axis=1, keepdims=True)
    al = a1 + q * s2
    be = b1 + float(M) * q * s1
    ga = c1 + float(M * M) * q
    zero = jnp.zeros_like(al)
    mz = jnp.concatenate([al, be, ga, zero, zero, zero, zero, zero], axis=1)
    g2f = jnp.dot(mz, r_ref[...], preferred_element_type=jnp.float32) + bfc_ref[...]
    pf = g2f[:, :4]
    pc = g2f[:, 4:]
    out_ref[...] = _softplus(_sigmoid(pf) * pc)


def kernel(atom_fea, nbr_fea, state_fea, atom_nbr_idx, node_atom_idx,
           W_atom, b_atom, W_embed, b_embed, W_fc, b_fc):
    N = atom_fea.shape[0]
    n_graph = state_fea.shape[0]
    nblk = N // BN

    W_self = W_atom[:A]
    W_nbr = W_atom[A:2 * A]
    W_e = W_atom[2 * A:2 * A + NB]
    W_st = W_atom[2 * A + NB:]
    eye_m = jnp.eye(M, dtype=jnp.float32)
    bdn = jnp.concatenate([jnp.kron(eye_m, W_nbr[:, :A]),
                           jnp.kron(eye_m, W_nbr[:, A:])], axis=1)
    bde = jnp.concatenate([jnp.kron(eye_m, W_e[:, :A]),
                           jnp.kron(eye_m, W_e[:, A:])], axis=1)
    tile_i = np.tile(np.eye(A, dtype=np.float32), (1, M))
    t1m = np.block([[tile_i, np.zeros_like(tile_i)],
                    [np.zeros_like(tile_i), tile_i]])
    s16 = np.tile(np.eye(A, dtype=np.float32), (M, 1))
    s4 = np.tile(np.eye(NB, dtype=np.float32), (M, 1))
    ssm = np.zeros((M * NB, M), dtype=np.float32)
    ssm[np.arange(M) * NB, np.arange(M)] = 1.0
    xsm = np.kron(np.eye(M, dtype=np.float32), np.ones((1, NB), np.float32))
    x16 = np.kron(np.eye(M, dtype=np.float32), np.ones((1, A), np.float32))
    ba2 = b_atom.reshape(1, 2 * A)
    state_pad = jnp.zeros((NGP, state_fea.shape[1]), jnp.float32).at[:n_graph].set(state_fea)
    w_emb = W_embed.sum(axis=0)
    wr = W_fc.reshape(A, 8, 8)
    r_a = jnp.einsum('i,k,iko->o', w_emb, w_emb[:8], wr)
    r_b = (jnp.einsum('i,k,iko->o', w_emb, b_embed[:8], wr)
           + jnp.einsum('i,k,iko->o', b_embed, w_emb[:8], wr))
    r_g = jnp.einsum('i,k,iko->o', b_embed, b_embed[:8], wr)
    rmat = jnp.zeros((8, 8), jnp.float32).at[0].set(r_a).at[1].set(r_b).at[2].set(r_g)
    bfc2 = b_fc.reshape(1, 8)

    idx2 = atom_nbr_idx.astype(jnp.int32).reshape(N * M)
    nbrrow = nbr_fea.reshape(N, M * NB)

    g1row = _sc_gather(atom_fea, idx2).reshape(N, M * A)
    state_pad16 = jnp.pad(state_fea, ((0, NGP - n_graph), (0, A - state_fea.shape[1])))
    npg = 128000
    ni_pad = jnp.pad(node_atom_idx.astype(jnp.int32), (0, npg - N),
                     constant_values=NGP - 1)
    st16 = _sc_gather(state_pad16, ni_pad)[:N]

    blk = lambda shape: pl.BlockSpec(shape, lambda i: (i, 0))
    full = lambda shape: pl.BlockSpec(shape, lambda i: (0, 0))
    atom_out, ex = pl.pallas_call(
        _atom_body,
        grid=(nblk,),
        in_specs=[
            blk((BN, A)), blk((BN, M * A)), blk((BN, M * NB)), blk((BN, A)),
            full((A, 2 * A)),
            full((state_fea.shape[1], 2 * A)), full((1, 2 * A)),
            full((M * A, 2 * M * A)), full((M * NB, 2 * M * A)),
            full((2 * A, 2 * M * A)), full((M * A, A)), full((M * NB, NB)),
            full((M * NB, M)), full((M, M * NB)),
        ],
        out_specs=[blk((BN, A)), blk((BN, 2 * NB + M))],
        out_shape=[jax.ShapeDtypeStruct((N, A), jnp.float32),
                   jax.ShapeDtypeStruct((N, 2 * NB + M), jnp.float32)],
    )(atom_fea, g1row, nbrrow, st16, W_self, W_st, ba2, bdn, bde,
      jnp.asarray(t1m), jnp.asarray(s16), jnp.asarray(s4), jnp.asarray(ssm),
      jnp.asarray(xsm))

    g2row = _sc_gather(atom_out, idx2).reshape(N, M * A)

    vals = pl.pallas_call(
        _sym_body,
        grid=(nblk,),
        in_specs=[
            blk((BN, M * A)), blk((BN, 2 * NB + M)),
            full((M * A, A)), full((M, M * A)),
        ],
        out_specs=blk((BN, A)),
        out_shape=jax.ShapeDtypeStruct((N, A), jnp.float32),
    )(g2row, ex, jnp.asarray(s16), jnp.asarray(x16))

    vals_p = jnp.pad(vals, ((0, NP - N), (0, 0)))
    seg = _sc_segsum(vals_p, ni_pad[:NP], jnp.zeros((NGP, A), jnp.float32))
    seg2 = seg.reshape(2 * NGP, A)

    state_out = pl.pallas_call(
        _final_body,
        in_specs=[
            pl.BlockSpec((2 * NGP, A), lambda: (0, 0)),
            pl.BlockSpec((NGP, state_fea.shape[1]), lambda: (0, 0)),
            pl.BlockSpec((8, 8), lambda: (0, 0)),
            pl.BlockSpec((1, 8), lambda: (0, 0)),
        ],
        out_specs=pl.BlockSpec((NGP, 4), lambda: (0, 0)),
        out_shape=jax.ShapeDtypeStruct((NGP, 4), jnp.float32),
    )(seg2, state_pad, rmat, bfc2)

    return atom_out, nbr_fea, state_out[:n_graph]

# --- scband reference (transcript-rebuilt; emitter-appended) ---
"""Pipeline reference for scband-block2-53231824666625 (READ-ONLY COPY).

The authoritative reference and input builder live on the scoring server;
editing this copy changes nothing except your own understanding.
"""

import jax, jax.numpy as jnp
import numpy as np

N_ATOMS = 100000
M = 16
A = 16   # atom_fea_len
NB = 4   # nbr_fea_len
S = 4    # state_fea_len
M1 = 16
M2 = 8
OUT_S = 4
N_GRAPH = 500


def _softplus(x):
    return jnp.logaddexp(x, 0.0)


def _segment_mean(x, seg, n):
    sums = jax.ops.segment_sum(x, seg, num_segments=n)
    cnt = jax.ops.segment_sum(jnp.ones((x.shape[0], 1), x.dtype), seg, num_segments=n)
    return sums / jnp.maximum(cnt, 1.0)


def setup_inputs(seed: int = 0) -> dict:
    key = jax.random.key(seed)
    ks = jax.random.split(key, 12)
    atom_fea = jax.random.normal(ks[0], (N_ATOMS, A), dtype=jnp.float32)
    nbr_fea = jax.random.normal(ks[1], (N_ATOMS, M, NB), dtype=jnp.float32)
    state_fea = jax.random.normal(ks[2], (N_GRAPH, S), dtype=jnp.float32)
    atom_nbr_idx = jax.random.randint(ks[3], (N_ATOMS, M), 0, N_ATOMS)
    node_atom_idx = jnp.sort(jax.random.randint(ks[4], (N_ATOMS,), 0, N_GRAPH))
    # AtomLayer params: Linear(2*A + NB + S -> 2*A)
    W_atom = jax.random.normal(ks[5], (2 * A + NB + S, 2 * A), dtype=jnp.float32) * 0.05
    b_atom = jnp.zeros((2 * A,), dtype=jnp.float32)
    # Embed2 params: Linear(NB -> M1)
    W_embed = jax.random.normal(ks[6], (NB, M1), dtype=jnp.float32) * 0.05
    b_embed = jnp.zeros((M1,), dtype=jnp.float32)
    # FeatureSymLayer fc_full: Linear(M1*M2 -> 2*OUT_S)
    W_fc = jax.random.normal(ks[7], (M1 * M2, 2 * OUT_S), dtype=jnp.float32) * 0.05
    b_fc = jnp.zeros((2 * OUT_S,), dtype=jnp.float32)
    return {
        'atom_fea': atom_fea, 'nbr_fea': nbr_fea, 'state_fea': state_fea,
        'atom_nbr_idx': atom_nbr_idx, 'node_atom_idx': node_atom_idx,
        'W_atom': W_atom, 'b_atom': b_atom,
        'W_embed': W_embed, 'b_embed': b_embed,
        'W_fc': W_fc, 'b_fc': b_fc,
    }


def _forward(atom_fea, nbr_fea, state_fea, W_atom, b_atom, W_embed, b_embed, W_fc, b_fc, atom_nbr_idx, node_atom_idx):
    N, Mn = atom_nbr_idx.shape
    # ---- AtomLayer (CGCNN-style conv with state features) ----
    atom_nbr_fea = atom_fea[atom_nbr_idx]                                  # (N, M, A)
    st = state_fea[node_atom_idx]                                          # (N, S)  expand_idx
    self_fea = jnp.broadcast_to(atom_fea[:, None, :], (N, Mn, atom_fea.shape[1]))
    st_b = jnp.broadcast_to(st[:, None, :], (N, Mn, st.shape[1]))
    total = jnp.concatenate([self_fea, atom_nbr_fea, nbr_fea, st_b], axis=2)
    gated = total @ W_atom + b_atom
    filt, core = jnp.split(gated, 2, axis=2)
    nbr_sumed = jnp.sum(jax.nn.sigmoid(filt) * _softplus(core), axis=1)
    atom_out = _softplus(atom_fea + nbr_sumed)                             # (N, A)
    # ---- FeatureSymLayer ----
    atom_nbr_fea2 = atom_out[atom_nbr_idx]                                 # (N, M, A)
    total2 = jnp.concatenate([nbr_fea, atom_nbr_fea2, st_b], axis=2)       # (N, M, NB+A+S)
    # Embed2
    smooth = total2[:, :, 0:1]                                             # (N, M, 1)
    G = jnp.repeat(smooth, NB, axis=2)                                     # (N, M, NB)
    G = G @ W_embed + b_embed                                              # (N, M, M1)
    G_bar = G[:, :, :M2]                                                   # (N, M, M2)
    D = jnp.einsum('nmi,nml->nil', G, total2)                              # (N, M1, L)
    D = jnp.einsum('nil,nml->nim', D, total2)                              # (N, M1, M)
    D = jnp.einsum('nim,nmk->nik', D, G_bar)                               # (N, M1, M2)
    new_state = D.reshape(N, -1)                                           # (N, M1*M2)
    merged = _segment_mean(new_state, node_atom_idx, N_GRAPH)              # merge_idx -> (N_GRAPH, M1*M2)
    g2 = merged @ W_fc + b_fc
    pf, pc = jnp.split(g2, 2, axis=1)
    state_out = _softplus(jax.nn.sigmoid(pf) * pc)                         # (N_GRAPH, OUT_S)
    return atom_out, nbr_fea, state_out


def reference(atom_fea, nbr_fea, state_fea, atom_nbr_idx, node_atom_idx, W_atom, b_atom, W_embed, b_embed, W_fc, b_fc):
    return _forward(atom_fea, nbr_fea, state_fea, W_atom, b_atom, W_embed, b_embed, W_fc, b_fc, atom_nbr_idx, node_atom_idx)

if __name__ == "__main__":
    import jax
    _d = setup_inputs()
    print(jax.jit(kernel)(*tuple(_d.values())))

</pallas_src>

<mosaic_0001>
#map = affine_map<(d0, d1) -> (0, 0)>
#map1 = affine_map<(d0, d1) -> (0)>
#map2 = affine_map<(d0, d1) -> (0, 0, 0)>
module attributes {stable_mosaic.version = 14 : i64} {
  func.func @seg_kernel(%arg0: i32, %arg1: i32, %arg2: memref<102400x16xf32, #tpu.memory_space<hbm>>, %arg3: memref<102400xi32, #tpu.memory_space<hbm>>, %arg4: memref<512x16xf32, #tpu.memory_space<hbm>>, %arg5: memref<2x512x16xf32, #tpu.memory_space<hbm>>, %arg6: memref<800x16xf32, #tpu.memory_space<vmem>>, %arg7: memref<800xi32, #tpu.memory_space<vmem>>, %arg8: memref<512x16xf32, #tpu.memory_space<vmem_shared>>) attributes {dimension_semantics = [#tpu.dimension_semantics<core_parallel>, #tpu.dimension_semantics<subcore_parallel>], iteration_bounds = array<i64: 2, 16>, scalar_prefetch = 0 : i64, scratch_operands = 3 : i64, tpu.core_type = #tpu.core_type<sc_vector_subcore>, window_params = [{transform_indices = #map}, {transform_indices = #map1}, {transform_indices = #map}, {transform_indices = #map2}]} {
    %mul3A = arith.constant 2 : i32
    %mul3A_0 = arith.muli %arg1, %mul3A : i32
    %add3A = arith.addi %mul3A_0, %arg0 : i32
    %eq3A = arith.constant 0 : i32
    %eq3A_1 = arith.cmpi eq, %arg1, %eq3A : i32
    %convert_element_type3A = arith.extui %eq3A_1 : i1 to i32
    %cond3A = arith.constant 0 : i32
    %cond3A_2 = arith.cmpi ne, %convert_element_type3A, %cond3A : i32
    scf.if %cond3A_2 {
      "tpu.region"() ({
        %run_scoped3A = tpu.sem_alloc : memref<!tpu.dma_semaphore, #tpu.memory_space<semaphore_mem>>
        tpu.enqueue_dma source(%arg4 : memref<512x16xf32, #tpu.memory_space<hbm>>) target(%arg8 : memref<512x16xf32, #tpu.memory_space<vmem_shared>>) target_semaphore(%run_scoped3A : memref<!tpu.dma_semaphore, #tpu.memory_space<semaphore_mem>>)
        tpu.wait_dma2 semaphore(%run_scoped3A : memref<!tpu.dma_semaphore, #tpu.memory_space<semaphore_mem>>) src(%arg4 : memref<512x16xf32, #tpu.memory_space<hbm>>) dst(%arg8 : memref<512x16xf32, #tpu.memory_space<vmem_shared>>)
        tpu.yield
      }) : () -> ()
    } else {
    }
    %barrier3A = arith.constant 0 : index
    tpu.barrier barrier_id(%barrier3A)
    %scan3A = arith.constant 0 : i32
    %scan3A_3 = arith.constant 0 : i32
    %scan3A_4 = arith.constant 4 : i32
    %scan3A_5 = arith.addi %scan3A_3, %scan3A_4 : i32
    %scan3A_6 = arith.constant 1 : i32
    scf.for %scan3A_14 = %scan3A_3 to %scan3A_5 step %scan3A_6  : i32 {
      %mul3A_15 = arith.constant 3200 : i32
      %mul3A_16 = arith.muli %add3A, %mul3A_15 : i32
      %mul3A_17 = arith.constant 800 : i32
      %mul3A_18 = arith.muli %scan3A_14, %mul3A_17 : i32
      %add3A_19 = arith.addi %mul3A_16, %mul3A_18 : i32
      "tpu.region"() ({
        %run_scoped3A = tpu.sem_alloc : memref<!tpu.dma_semaphore, #tpu.memory_space<semaphore_mem>>
        %dma_start3A = arith.constant 0 : i32
        %dma_start3A_20 = tpu.memref_slice %arg2[%add3A_19, %dma_start3A] : memref<102400x16xf32, #tpu.memory_space<hbm>> -> memref<800x16xf32, #tpu.memory_space<hbm>>
        %dma_start3A_21 = arith.constant 0 : i32
        %dma_start3A_22 = tpu.memref_slice %arg2[%add3A_19, %dma_start3A_21] : memref<102400x16xf32, #tpu.memory_space<hbm>> -> memref<800x16xf32, #tpu.memory_space<hbm>>
        tpu.enqueue_dma source(%dma_start3A_22 : memref<800x16xf32, #tpu.memory_space<hbm>>) target(%arg6 : memref<800x16xf32, #tpu.memory_space<vmem>>) target_semaphore(%run_scoped3A : memref<!tpu.dma_semaphore, #tpu.memory_space<semaphore_mem>>)
        %dma_wait3A = arith.constant 0 : i32
        %dma_wait3A_23 = tpu.memref_slice %arg2[%add3A_19, %dma_wait3A] : memref<102400x16xf32, #tpu.memory_space<hbm>> -> memref<800x16xf32, #tpu.memory_space<hbm>>
        %dma_wait3A_24 = arith.constant 0 : i32
        %dma_wait3A_25 = tpu.memref_slice %arg2[%add3A_19, %dma_wait3A_24] : memref<102400x16xf32, #tpu.memory_space<hbm>> -> memref<800x16xf32, #tpu.memory_space<hbm>>
        tpu.wait_dma2 semaphore(%run_scoped3A : memref<!tpu.dma_semaphore, #tpu.memory_space<semaphore_mem>>) src(%dma_wait3A_25 : memref<800x16xf32, #tpu.memory_space<hbm>>) dst(%arg6 : memref<800x16xf32, #tpu.memory_space<vmem>>)
        tpu.yield
      }) : () -> ()
      "tpu.region"() ({
        %run_scoped3A = tpu.sem_alloc : memref<!tpu.dma_semaphore, #tpu.memory_space<semaphore_mem>>
        %dma_start3A = tpu.memref_slice %arg3[%add3A_19] : memref<102400xi32, #tpu.memory_space<hbm>> -> memref<800xi32, #tpu.memory_space<hbm>>
        %dma_start3A_20 = tpu.memref_slice %arg3[%add3A_19] : memref<102400xi32, #tpu.memory_space<hbm>> -> memref<800xi32, #tpu.memory_space<hbm>>
        tpu.enqueue_dma source(%dma_start3A_20 : memref<800xi32, #tpu.memory_space<hbm>>) target(%arg7 : memref<800xi32, #tpu.memory_space<vmem>>) target_semaphore(%run_scoped3A : memref<!tpu.dma_semaphore, #tpu.memory_space<semaphore_mem>>)
        %dma_wait3A = tpu.memref_slice %arg3[%add3A_19] : memref<102400xi32, #tpu.memory_space<hbm>> -> memref<800xi32, #tpu.memory_space<hbm>>
        %dma_wait3A_21 = tpu.memref_slice %arg3[%add3A_19] : memref<102400xi32, #tpu.memory_space<hbm>> -> memref<800xi32, #tpu.memory_space<hbm>>
        tpu.wait_dma2 semaphore(%run_scoped3A : memref<!tpu.dma_semaphore, #tpu.memory_space<semaphore_mem>>) src(%dma_wait3A_21 : memref<800xi32, #tpu.memory_space<hbm>>) dst(%arg7 : memref<800xi32, #tpu.memory_space<vmem>>)
        tpu.yield
      }) : () -> ()
      "tpu.region"() ({
        %run_scoped3A = tpu.sem_alloc : memref<!tpu.dma_semaphore, #tpu.memory_space<semaphore_mem>>
        %dma_start3A = arith.constant 0 : i32
        %dma_start3A_20 = arith.constant 0 : i32
        %dma_start3A_21 = tpu.memref_slice %arg8[%dma_start3A, %dma_start3A_20] : memref<512x16xf32, #tpu.memory_space<vmem_shared>> -> memref<512x16xf32, #tpu.memory_space<vmem_shared>>
        tpu.enqueue_indirect_dma source(%arg6 : memref<800x16xf32, #tpu.memory_space<vmem>>) target(%dma_start3A_21 : memref<512x16xf32, #tpu.memory_space<vmem_shared>>) offsets(%arg7 : memref<800xi32, #tpu.memory_space<vmem>>) semaphore(%run_scoped3A : memref<!tpu.dma_semaphore, #tpu.memory_space<semaphore_mem>>) {add = true}
        %dma_wait3A = arith.constant 0 : i32
        %dma_wait3A_22 = arith.constant 0 : i32
        %dma_wait3A_23 = tpu.memref_slice %arg8[%dma_wait3A, %dma_wait3A_22] : memref<512x16xf32, #tpu.memory_space<vmem_shared>> -> memref<512x16xf32, #tpu.memory_space<vmem_shared>>
        tpu.wait_indirect_dma semaphore(%run_scoped3A : memref<!tpu.dma_semaphore, #tpu.memory_space<semaphore_mem>>) src(%arg6 : memref<800x16xf32, #tpu.memory_space<vmem>>) dst(%dma_wait3A_23 : memref<512x16xf32, #tpu.memory_space<vmem_shared>>)
        tpu.yield
      }) : () -> ()
    }
    %scan3A_7 = arith.constant 4 : i32
    %barrier3A_8 = arith.constant 0 : index
    tpu.barrier barrier_id(%barrier3A_8)
    %eq3A_9 = arith.constant 0 : i32
    %eq3A_10 = arith.cmpi eq, %arg1, %eq3A_9 : i32
    %convert_element_type3A_11 = arith.extui %eq3A_10 : i1 to i32
    %cond3A_12 = arith.constant 0 : i32
    %cond3A_13 = arith.cmpi ne, %convert_element_type3A_11, %cond3A_12 : i32
    scf.if %cond3A_13 {
      "tpu.region"() ({
        %run_scoped3A = tpu.sem_alloc : memref<!tpu.dma_semaphore, #tpu.memory_space<semaphore_mem>>
        %dma_start3A = arith.constant 0 : i32
        %dma_start3A_14 = arith.constant 0 : i32
        %dma_start3A_15 = tpu.memref_slice %arg5[%arg0, %dma_start3A, %dma_start3A_14] : memref<2x512x16xf32, #tpu.memory_space<hbm>> -> memref<1x512x16xf32, #tpu.memory_space<hbm>>
        %dma_start3A_16 = tpu.memref_squeeze %dma_start3A_15 : memref<1x512x16xf32, #tpu.memory_space<hbm>> -> memref<512x16xf32, #tpu.memory_space<hbm>>
        tpu.enqueue_dma source(%arg8 : memref<512x16xf32, #tpu.memory_space<vmem_shared>>) target(%dma_start3A_16 : memref<512x16xf32, #tpu.memory_space<hbm>>) target_semaphore(%run_scoped3A : memref<!tpu.dma_semaphore, #tpu.memory_space<semaphore_mem>>)
        %dma_wait3A = arith.constant 0 : i32
        %dma_wait3A_17 = arith.constant 0 : i32
        %dma_wait3A_18 = tpu.memref_slice %arg5[%arg0, %dma_wait3A, %dma_wait3A_17] : memref<2x512x16xf32, #tpu.memory_space<hbm>> -> memref<1x512x16xf32, #tpu.memory_space<hbm>>
        %dma_wait3A_19 = tpu.memref_squeeze %dma_wait3A_18 : memref<1x512x16xf32, #tpu.memory_space<hbm>> -> memref<512x16xf32, #tpu.memory_space<hbm>>
        tpu.wait_dma2 semaphore(%run_scoped3A : memref<!tpu.dma_semaphore, #tpu.memory_space<semaphore_mem>>) src(%arg8 : memref<512x16xf32, #tpu.memory_space<vmem_shared>>) dst(%dma_wait3A_19 : memref<512x16xf32, #tpu.memory_space<hbm>>)
        tpu.yield
      }) : () -> ()
    } else {
    }
    return
  }
}

#map = affine_map<(d0, d1) -> (0, 0)>
#map1 = affine_map<(d0, d1) -> (0)>
module attributes {stable_mosaic.version = 14 : i64} {
  func.func @gather_kernel(%arg0: i32, %arg1: i32, %arg2: memref<100000x16xf32, #tpu.memory_space<hbm>>, %arg3: memref<1600000xi32, #tpu.memory_space<hbm>>, %arg4: memref<1600000x16xf32, #tpu.memory_space<hbm>>, %arg5: memref<1000xi32, #tpu.memory_space<vmem>>, %arg6: memref<1000xi32, #tpu.memory_space<vmem>>, %arg7: memref<1000x16xf32, #tpu.memory_space<vmem>>, %arg8: memref<1000x16xf32, #tpu.memory_space<vmem>>, %arg9: memref<!tpu.dma_semaphore, #tpu.memory_space<semaphore_mem>>, %arg10: memref<!tpu.dma_semaphore, #tpu.memory_space<semaphore_mem>>, %arg11: memref<!tpu.dma_semaphore, #tpu.memory_space<semaphore_mem>>) attributes {dimension_semantics = [#tpu.dimension_semantics<core_parallel>, #tpu.dimension_semantics<subcore_parallel>], iteration_bounds = array<i64: 2, 16>, scalar_prefetch = 0 : i64, scratch_operands = 7 : i64, tpu.core_type = #tpu.core_type<sc_vector_subcore>, window_params = [{transform_indices = #map}, {transform_indices = #map1}, {transform_indices = #map}]} {
    %mul3A = arith.constant 2 : i32
    %mul3A_0 = arith.muli %arg1, %mul3A : i32
    %add3A = arith.addi %mul3A_0, %arg0 : i32
    %mul3A_1 = arith.constant 50 : i32
    %mul3A_2 = arith.muli %add3A, %mul3A_1 : i32
    %mul3A_3 = arith.constant 1000 : i32
    %mul3A_4 = arith.muli %mul3A_2, %mul3A_3 : i32
    %dma_start3A = tpu.memref_slice %arg3[%mul3A_4] : memref<1600000xi32, #tpu.memory_space<hbm>> -> memref<1000xi32, #tpu.memory_space<hbm>>
    %dma_start3A_5 = tpu.memref_slice %arg3[%mul3A_4] : memref<1600000xi32, #tpu.memory_space<hbm>> -> memref<1000xi32, #tpu.memory_space<hbm>>
    tpu.enqueue_dma source(%dma_start3A_5 : memref<1000xi32, #tpu.memory_space<hbm>>) target(%arg5 : memref<1000xi32, #tpu.memory_space<vmem>>) target_semaphore(%arg9 : memref<!tpu.dma_semaphore, #tpu.memory_space<semaphore_mem>>)
    %scan3A = arith.constant 0 : i32
    %scan3A_6 = arith.constant 0 : i32
    %scan3A_7 = arith.constant 25 : i32
    %scan3A_8 = arith.addi %scan3A_6, %scan3A_7 : i32
    %scan3A_9 = arith.constant 1 : i32
    scf.for %scan3A_22 = %scan3A_6 to %scan3A_8 step %scan3A_9  : i32 {
      %mul3A_23 = arith.constant 2 : i32
      %mul3A_24 = arith.muli %scan3A_22, %mul3A_23 : i32
      %add3A_25 = arith.constant 0 : i32
      %add3A_26 = arith.addi %mul3A_24, %add3A_25 : i32
      %add3A_27 = arith.addi %mul3A_2, %add3A_26 : i32
      %dma_wait3A_28 = arith.constant 0 : i32
      %dma_wait3A_29 = tpu.memref_slice %arg3[%dma_wait3A_28] : memref<1600000xi32, #tpu.memory_space<hbm>> -> memref<1000xi32, #tpu.memory_space<hbm>>
      %dma_wait3A_30 = arith.constant 0 : i32
      %dma_wait3A_31 = tpu.memref_slice %arg3[%dma_wait3A_30] : memref<1600000xi32, #tpu.memory_space<hbm>> -> memref<1000xi32, #tpu.memory_space<hbm>>
      tpu.wait_dma2 semaphore(%arg9 : memref<!tpu.dma_semaphore, #tpu.memory_space<semaphore_mem>>) src(%dma_wait3A_31 : memref<1000xi32, #tpu.memory_space<hbm>>) dst(%arg5 : memref<1000xi32, #tpu.memory_space<vmem>>)
      %add3A_32 = arith.constant 1 : i32
      %add3A_33 = arith.addi %add3A_26, %add3A_32 : i32
      %lt3A = arith.constant 50 : i32
      %lt3A_34 = arith.cmpi slt, %add3A_33, %lt3A : i32
      %convert_element_type3A = arith.extui %lt3A_34 : i1 to i32
      %cond3A = arith.constant 0 : i32
      %cond3A_35 = arith.cmpi ne, %convert_element_type3A, %cond3A : i32
      scf.if %cond3A_35 {
        %add3A_873 = arith.constant 1 : i32
        %add3A_874 = arith.addi %add3A_27, %add3A_873 : i32
        %mul3A_875 = arith.constant 1000 : i32
        %mul3A_876 = arith.muli %add3A_874, %mul3A_875 : i32
        %dma_start3A_877 = tpu.memref_slice %arg3[%mul3A_876] : memref<1600000xi32, #tpu.memory_space<hbm>> -> memref<1000xi32, #tpu.memory_space<hbm>>
        %dma_start3A_878 = tpu.memref_slice %arg3[%mul3A_876] : memref<1600000xi32, #tpu.memory_space<hbm>> -> memref<1000xi32, #tpu.memory_space<hbm>>
        tpu.enqueue_dma source(%dma_start3A_878 : memref<1000xi32, #tpu.memory_space<hbm>>) target(%arg6 : memref<1000xi32, #tpu.memory_space<vmem>>) target_semaphore(%arg9 : memref<!tpu.dma_semaphore, #tpu.memory_space<semaphore_mem>>)
      } else {
      }
      %ge3A = arith.constant 2 : i32
      %ge3A_36 = arith.cmpi sge, %add3A_26, %ge3A : i32
      %convert_element_type3A_37 = arith.extui %ge3A_36 : i1 to i32
      %cond3A_38 = arith.constant 0 : i32
      %cond3A_39 = arith.cmpi ne, %convert_element_type3A_37, %cond3A_38 : i32
      scf.if %cond3A_39 {
        %dma_wait3A_873 = arith.constant 0 : i32
        %dma_wait3A_874 = arith.constant 0 : i32
        %dma_wait3A_875 = tpu.memref_slice %arg4[%dma_wait3A_873, %dma_wait3A_874] : memref<1600000x16xf32, #tpu.memory_space<hbm>> -> memref<1000x16xf32, #tpu.memory_space<hbm>>
        %dma_wait3A_876 = arith.constant 0 : i32
        %dma_wait3A_877 = arith.constant 0 : i32
        %dma_wait3A_878 = tpu.memref_slice %arg4[%dma_wait3A_876, %dma_wait3A_877] : memref<1600000x16xf32, #tpu.memory_space<hbm>> -> memref<1000x16xf32, #tpu.memory_space<hbm>>
        tpu.wait_dma2 semaphore(%arg11 : memref<!tpu.dma_semaphore, #tpu.memory_space<semaphore_mem>>) src(%dma_wait3A_878 : memref<1000x16xf32, #tpu.memory_space<hbm>>) dst(%arg7 : memref<1000x16xf32, #tpu.memory_space<vmem>>)
      } else {
      }
      %dma_start3A_40 = arith.constant 0 : i32
      %dma_start3A_41 = arith.constant 0 : i32
      %dma_start3A_42 = tpu.memref_slice %arg7[%dma_start3A_40, %dma_start3A_41] : memref<1000x16xf32, #tpu.memory_space<vmem>> -> memref<40x16xf32, #tpu.memory_space<vmem>>
      %dma_start3A_43 = arith.constant 0 : i32
      %dma_start3A_44 = tpu.memref_slice %arg5[%dma_start3A_43] : memref<1000xi32, #tpu.memory_space<vmem>> -> memref<40xi32, #tpu.memory_space<vmem>>
      %dma_start3A_45 = arith.constant 0 : i32
      %dma_start3A_46 = arith.constant 0 : i32
      %dma_start3A_47 = tpu.memref_slice %arg2[%dma_start3A_45, %dma_start3A_46] : memref<100000x16xf32, #tpu.memory_space<hbm>> -> memref<100000x16xf32, #tpu.memory_space<hbm>>
      tpu.enqueue_indirect_dma source(%dma_start3A_47 : memref<100000x16xf32, #tpu.memory_space<hbm>>) target(%dma_start3A_42 : memref<40x16xf32, #tpu.memory_space<vmem>>) offsets(%dma_start3A_44 : memref<40xi32, #tpu.memory_space<vmem>>) semaphore(%arg10 : memref<!tpu.dma_semaphore, #tpu.memory_space<semaphore_mem>>)
      %dma_start3A_48 = arith.constant 40 : i32
      %dma_start3A_49 = arith.constant 0 : i32
      %dma_start3A_50 = tpu.memref_slice %arg7[%dma_start3A_48, %dma_start3A_49] : memref<1000x16xf32, #tpu.memory_space<vmem>> -> memref<40x16xf32, #tpu.memory_space<vmem>>
      %dma_start3A_51 = arith.constant 40 : i32
      %dma_start3A_52 = tpu.memref_slice %arg5[%dma_start3A_51] : memref<1000xi32, #tpu.memory_space<vmem>> -> memref<40xi32, #tpu.memory_space<vmem>>
      %dma_start3A_53 = arith.constant 0 : i32
      %dma_start3A_54 = arith.constant 0 : i32
      %dma_start3A_55 = tpu.memref_slice %arg2[%dma_start3A_53, %dma_start3A_54] : memref<100000x16xf32, #tpu.memory_space<hbm>> -> memref<100000x16xf32, #tpu.memory_space<hbm>>
      tpu.enqueue_indirect_dma source(%dma_start3A_55 : memref<100000x16xf32, #tpu.memory_space<hbm>>) target(%dma_start3A_50 : memref<40x16xf32, #tpu.memory_space<vmem>>) offsets(%dma_start3A_52 : memref<40xi32, #tpu.memory_space<vmem>>) semaphore(%arg10 : memref<!tpu.dma_semaphore, #tpu.memory_space<semaphore_mem>>)
      %dma_start3A_56 = arith.constant 80 : i32
      %dma_start3A_57 = arith.constant 0 : i32
      %dma_start3A_58 = tpu.memref_slice %arg7[%dma_start3A_56, %dma_start3A_57] : memref<1000x16xf32, #tpu.memory_space<vmem>> -> memref<40x16xf32, #tpu.memory_space<vmem>>
      %dma_start3A_59 = arith.constant 80 : i32
      %dma_start3A_60 = tpu.memref_slice %arg5[%dma_start3A_59] : memref<1000xi32, #tpu.memory_space<vmem>> -> memref<40xi32, #tpu.memory_space<vmem>>
      %dma_start3A_61 = arith.constant 0 : i32
      %dma_start3A_62 = arith.constant 0 : i32
      %dma_start3A_63 = tpu.memref_slice %arg2[%dma_start3A_61, %dma_start3A_62] : memref<100000x16xf32, #tpu.memory_space<hbm>> -> memref<100000x16xf32, #tpu.memory_space<hbm>>
      tpu.enqueue_indirect_dma source(%dma_start3A_63 : memref<100000x16xf32, #tpu.memory_space<hbm>>) target(%dma_start3A_58 : memref<40x16xf32, #tpu.memory_space<vmem>>) offsets(%dma_start3A_60 : memref<40xi32, #tpu.memory_space<vmem>>) semaphore(%arg10 : memref<!tpu.dma_semaphore, #tpu.memory_space<semaphore_mem>>)
      %dma_start3A_64 = arith.constant 120 : i32
      %dma_start3A_65 = arith.constant 0 : i32
      %dma_start3A_66 = tpu.memref_slice %arg7[%dma_start3A_64, %dma_start3A_65] : memref<1000x16xf32, #tpu.memory_space<vmem>> -> memref<40x16xf32, #tpu.memory_space<vmem>>
      %dma_start3A_67 = arith.constant 120 : i32
      %dma_start3A_68 = tpu.memref_slice %arg5[%dma_start3A_67] : memref<1000xi32, #tpu.memory_space<vmem>> -> memref<40xi32, #tpu.memory_space<vmem>>
      %dma_start3A_69 = arith.constant 0 : i32
      %dma_start3A_70 = arith.constant 0 : i32
      %dma_start3A_71 = tpu.memref_slice %arg2[%dma_start3A_69, %dma_start3A_70] : memref<100000x16xf32, #tpu.memory_space<hbm>> -> memref<100000x16xf32, #tpu.memory_space<hbm>>
      tpu.enqueue_indirect_dma source(%dma_start3A_71 : memref<100000x16xf32, #tpu.memory_space<hbm>>) target(%dma_start3A_66 : memref<40x16xf32, #tpu.memory_space<vmem>>) offsets(%dma_start3A_68 : memref<40xi32, #tpu.memory_space<vmem>>) semaphore(%arg10 : memref<!tpu.dma_semaphore, #tpu.memory_space<semaphore_mem>>)
      %dma_start3A_72 = arith.constant 160 : i32
      %dma_start3A_73 = arith.constant 0 : i32
      %dma_start3A_74 = tpu.memref_slice %arg7[%dma_start3A_72, %dma_start3A_73] : memref<1000x16xf32, #tpu.memory_space<vmem>> -> memref<40x16xf32, #tpu.memory_space<vmem>>
      %dma_start3A_75 = arith.constant 160 : i32
      %dma_start3A_76 = tpu.memref_slice %arg5[%dma_start3A_75] : memref<1000xi32, #tpu.memory_space<vmem>> -> memref<40xi32, #tpu.memory_space<vmem>>
      %dma_start3A_77 = arith.constant 0 : i32
      %dma_start3A_78 = arith.constant 0 : i32
      %dma_start3A_79 = tpu.memref_slice %arg2[%dma_start3A_77, %dma_start3A_78] : memref<100000x16xf32, #tpu.memory_space<hbm>> -> memref<100000x16xf32, #tpu.memory_space<hbm>>
      tpu.enqueue_indirect_dma source(%dma_start3A_79 : memref<100000x16xf32, #tpu.memory_space<hbm>>) target(%dma_start3A_74 : memref<40x16xf32, #tpu.memory_space<vmem>>) offsets(%dma_start3A_76 : memref<40xi32, #tpu.memory_space<vmem>>) semaphore(%arg10 : memref<!tpu.dma_semaphore, #tpu.memory_space<semaphore_mem>>)
      %dma_start3A_80 = arith.constant 200 : i32
      %dma_start3A_81 = arith.constant 0 : i32
      %dma_start3A_82 = tpu.memref_slice %arg7[%dma_start3A_80, %dma_start3A_81] : memref<1000x16xf32, #tpu.memory_space<vmem>> -> memref<40x16xf32, #tpu.memory_space<vmem>>
      %dma_start3A_83 = arith.constant 200 : i32
      %dma_start3A_84 = tpu.memref_slice %arg5[%dma_start3A_83] : memref<1000xi32, #tpu.memory_space<vmem>> -> memref<40xi32, #tpu.memory_space<vmem>>
      %dma_start3A_85 = arith.constant 0 : i32
      %dma_start3A_86 = arith.constant 0 : i32
      %dma_start3A_87 = tpu.memref_slice %arg2[%dma_start3A_85, %dma_start3A_86] : memref<100000x16xf32, #tpu.memory_space<hbm>> -> memref<100000x16xf32, #tpu.memory_space<hbm>>
      tpu.enqueue_indirect_dma source(%dma_start3A_87 : memref<100000x16xf32, #tpu.memory_space<hbm>>) target(%dma_start3A_82 : memref<40x16xf32, #tpu.memory_space<vmem>>) offsets(%dma_start3A_84 : memref<40xi32, #tpu.memory_space<vmem>>) semaphore(%arg10 : memref<!tpu.dma_semaphore, #tpu.memory_space<semaphore_mem>>)
      %dma_start3A_88 = arith.constant 240 : i32
      %dma_start3A_89 = arith.constant 0 : i32
      %dma_start3A_90 = tpu.memref_slice %arg7[%dma_start3A_88, %dma_start3A_89] : memref<1000x16xf32, #tpu.memory_space<vmem>> -> memref<40x16xf32, #tpu.memory_space<vmem>>
      %dma_start3A_91 = arith.constant 240 : i32
      %dma_start3A_92 = tpu.memref_slice %arg5[%dma_start3A_91] : memref<1000xi32, #tpu.memory_space<vmem>> -> memref<40xi32, #tpu.memory_space<vmem>>
      %dma_start3A_93 = arith.constant 0 : i32
      %dma_start3A_94 = arith.constant 0 : i32
      %dma_start3A_95 = tpu.memref_slice %arg2[%dma_start3A_93, %dma_start3A_94] : memref<100000x16xf32, #tpu.memory_space<hbm>> -> memref<100000x16xf32, #tpu.memory_space<hbm>>
      tpu.enqueue_indirect_dma source(%dma_start3A_95 : memref<100000x16xf32, #tpu.memory_space<hbm>>) target(%dma_start3A_90 : memref<40x16xf32, #tpu.memory_space<vmem>>) offsets(%dma_start3A_92 : memref<40xi32, #tpu.memory_space<vmem>>) semaphore(%arg10 : memref<!tpu.dma_semaphore, #tpu.memory_space<semaphore_mem>>)
      %dma_start3A_96 = arith.constant 280 : i32
      %dma_start3A_97 = arith.constant 0 : i32
      %dma_start3A_98 = tpu.memref_slice %arg7[%dma_start3A_96, %dma_start3A_97] : memref<1000x16xf32, #tpu.memory_space<vmem>> -> memref<40x16xf32, #tpu.memory_space<vmem>>
      %dma_start3A_99 = arith.constant 280 : i32
      %dma_start3A_100 = tpu.memref_slice %arg5[%dma_start3A_99] : memref<1000xi32, #tpu.memory_space<vmem>> -> memref<40xi32, #tpu.memory_space<vmem>>
      %dma_start3A_101 = arith.constant 0 : i32
      %dma_start3A_102 = arith.constant 0 : i32
      %dma_start3A_103 = tpu.memref_slice %arg2[%dma_start3A_101, %dma_start3A_102] : memref<100000x16xf32, #tpu.memory_space<hbm>> -> memref<100000x16xf32, #tpu.memory_space<hbm>>
      tpu.enqueue_indirect_dma source(%dma_start3A_103 : memref<100000x16xf32, #tpu.memory_space<hbm>>) target(%dma_start3A_98 : memref<40x16xf32, #tpu.memory_space<vmem>>) offsets(%dma_start3A_100 : memref<40xi32, #tpu.memory_space<vmem>>) semaphore(%arg10 : memref<!tpu.dma_semaphore, #tpu.memory_space<semaphore_mem>>)
      %dma_start3A_104 = arith.constant 320 : i32
      %dma_start3A_105 = arith.constant 0 : i32
      %dma_start3A_106 = tpu.memref_slice %arg7[%dma_start3A_104, %dma_start3A_105] : memref<1000x16xf32, #tpu.memory_space<vmem>> -> memref<40x16xf32, #tpu.memory_space<vmem>>
      %dma_start3A_107 = arith.constant 320 : i32
      %dma_start3A_108 = tpu.memref_slice %arg5[%dma_start3A_107] : memref<1000xi32, #tpu.memory_space<vmem>> -> memref<40xi32, #tpu.memory_space<vmem>>
      %dma_start3A_109 = arith.constant 0 : i32
      %dma_start3A_110 = arith.constant 0 : i32
      %dma_start3A_111 = tpu.memref_slice %arg2[%dma_start3A_109, %dma_start3A_110] : memref<100000x16xf32, #tpu.memory_space<hbm>> -> memref<100000x16xf32, #tpu.memory_space<hbm>>
      tpu.enqueue_indirect_dma source(%dma_start3A_111 : memref<100000x16xf32, #tpu.memory_space<hbm>>) target(%dma_start3A_106 : memref<40x16xf32, #tpu.memory_space<vmem>>) offsets(%dma_start3A_108 : memref<40xi32, #tpu.memory_space<vmem>>) semaphore(%arg10 : memref<!tpu.dma_semaphore, #tpu.memory_space<semaphore_mem>>)
      %dma_start3A_112 = arith.constant 360 : i32
      %dma_start3A_113 = arith.constant 0 : i32
      %dma_start3A_114 = tpu.memref_slice %arg7[%dma_start3A_112, %dma_start3A_113] : memref<1000x16xf32, #tpu.memory_space<vmem>> -> memref<40x16xf32, #tpu.memory_space<vmem>>
      %dma_start3A_115 = arith.constant 360 : i32
      %dma_start3A_116 = tpu.memref_slice %arg5[%dma_start3A_115] : memref<1000xi32, #tpu.memory_space<vmem>> -> memref<40xi32, #tpu.memory_space<vmem>>
      %dma_start3A_117 = arith.constant 0 : i32
      %dma_start3A_118 = arith.constant 0 : i32
      %dma_start3A_119 = tpu.memref_slice %arg2[%dma_start3A_117, %dma_start3A_118] : memref<100000x16xf32, #tpu.memory_space<hbm>> -> memref<100000x16xf32, #tpu.memory_space<hbm>>
      tpu.enqueue_indirect_dma source(%dma_start3A_119 : memref<100000x16xf32, #tpu.memory_space<hbm>>) target(%dma_start3A_114 : memref<40x16xf32, #tpu.memory_space<vmem>>) offsets(%dma_start3A_116 : memref<40xi32, #tpu.memory_space<vmem>>) semaphore(%arg10 : memref<!tpu.dma_semaphore, #tpu.memory_space<semaphore_mem>>)
      %dma_start3A_120 = arith.constant 400 : i32
      %dma_start3A_121 = arith.constant 0 : i32
      %dma_start3A_122 = tpu.memref_slice %arg7[%dma_start3A_120, %dma_start3A_121] : memref<1000x16xf32, #tpu.memory_space<vmem>> -> memref<40x16xf32, #tpu.memory_space<vmem>>
      %dma_start3A_123 = arith.constant 400 : i32
      %dma_start3A_124 = tpu.memref_slice %arg5[%dma_start3A_123] : memref<1000xi32, #tpu.memory_space<vmem>> -> memref<40xi32, #tpu.memory_space<vmem>>
      %dma_start3A_125 = arith.constant 0 : i32
      %dma_start3A_126 = arith.constant 0 : i32
      %dma_start3A_127 = tpu.memref_slice %arg2[%dma_start3A_125, %dma_start3A_126] : memref<100000x16xf32, #tpu.memory_space<hbm>> -> memref<100000x16xf32, #tpu.memory_space<hbm>>
      tpu.enqueue_indirect_dma source(%dma_start3A_127 : memref<100000x16xf32, #tpu.memory_space<hbm>>) target(%dma_start3A_122 : memref<40x16xf32, #tpu.memory_space<vmem>>) offsets(%dma_start3A_124 : memref<40xi32, #tpu.memory_space<vmem>>) semaphore(%arg10 : memref<!tpu.dma_semaphore, #tpu.memory_space<semaphore_mem>>)
      %dma_start3A_128 = arith.constant 440 : i32
      %dma_start3A_129 = arith.constant 0 : i32
      %dma_start3A_130 = tpu.memref_slice %arg7[%dma_start3A_128, %dma_start3A_129] : memref<1000x16xf32, #tpu.memory_space<vmem>> -> memref<40x16xf32, #tpu.memory_space<vmem>>
      %dma_start3A_131 = arith.constant 440 : i32
      %dma_start3A_132 = tpu.memref_slice %arg5[%dma_start3A_131] : memref<1000xi32, #tpu.memory_space<vmem>> -> memref<40xi32, #tpu.memory_space<vmem>>
      %dma_start3A_133 = arith.constant 0 : i32
      %dma_start3A_134 = arith.constant 0 : i32
      %dma_start3A_135 = tpu.memref_slice %arg2[%dma_start3A_133, %dma_start3A_134] : memref<100000x16xf32, #tpu.memory_space<hbm>> -> memref<100000x16xf32, #tpu.memory_space<hbm>>
      tpu.enqueue_indirect_dma source(%dma_start3A_135 : memref<100000x16xf32, #tpu.memory_space<hbm>>) target(%dma_start3A_130 : memref<40x16xf32, #tpu.memory_space<vmem>>) offsets(%dma_start3A_132 : memref<40xi32, #tpu.memory_space<vmem>>) semaphore(%arg10 : memref<!tpu.dma_semaphore, #tpu.memory_space<semaphore_mem>>)
      %dma_start3A_136 = arith.constant 480 : i32
      %dma_start3A_137 = arith.constant 0 : i32
      %dma_start3A_138 = tpu.memref_slice %arg7[%dma_start3A_136, %dma_start3A_137] : memref<1000x16xf32, #tpu.memory_space<vmem>> -> memref<40x16xf32, #tpu.memory_space<vmem>>
      %dma_start3A_139 = arith.constant 480 : i32
      %dma_start3A_140 = tpu.memref_slice %arg5[%dma_start3A_139] : memref<1000xi32, #tpu.memory_space<vmem>> -> memref<40xi32, #tpu.memory_space<vmem>>
      %dma_start3A_141 = arith.constant 0 : i32
      %dma_start3A_142 = arith.constant 0 : i32
      %dma_start3A_143 = tpu.memref_slice %arg2[%dma_start3A_141, %dma_start3A_142] : memref<100000x16xf32, #tpu.memory_space<hbm>> -> memref<100000x16xf32, #tpu.memory_space<hbm>>
      tpu.enqueue_indirect_dma source(%dma_start3A_143 : memref<100000x16xf32, #tpu.memory_space<hbm>>) target(%dma_start3A_138 : memref<40x16xf32, #tpu.memory_space<vmem>>) offsets(%dma_start3A_140 : memref<40xi32, #tpu.memory_space<vmem>>) semaphore(%arg10 : memref<!tpu.dma_semaphore, #tpu.memory_space<semaphore_mem>>)
      %dma_start3A_144 = arith.constant 520 : i32
      %dma_start3A_145 = arith.constant 0 : i32
      %dma_start3A_146 = tpu.memref_slice %arg7[%dma_start3A_144, %dma_start3A_145] : memref<1000x16xf32, #tpu.memory_space<vmem>> -> memref<40x16xf32, #tpu.memory_space<vmem>>
      %dma_start3A_147 = arith.constant 520 : i32
      %dma_start3A_148 = tpu.memref_slice %arg5[%dma_start3A_147] : memref<1000xi32, #tpu.memory_space<vmem>> -> memref<40xi32, #tpu.memory_space<vmem>>
      %dma_start3A_149 = arith.constant 0 : i32
      %dma_start3A_150 = arith.constant 0 : i32
      %dma_start3A_151 = tpu.memref_slice %arg2[%dma_start3A_149, %dma_start3A_150] : memref<100000x16xf32, #tpu.memory_space<hbm>> -> memref<100000x16xf32, #tpu.memory_space<hbm>>
      tpu.enqueue_indirect_dma source(%dma_start3A_151 : memref<100000x16xf32, #tpu.memory_space<hbm>>) target(%dma_start3A_146 : memref<40x16xf32, #tpu.memory_space<vmem>>) offsets(%dma_start3A_148 : memref<40xi32, #tpu.memory_space<vmem>>) semaphore(%arg10 : memref<!tpu.dma_semaphore, #tpu.memory_space<semaphore_mem>>)
      %dma_start3A_152 = arith.constant 560 : i32
      %dma_start3A_153 = arith.constant 0 : i32
      %dma_start3A_154 = tpu.memref_slice %arg7[%dma_start3A_152, %dma_start3A_153] : memref<1000x16xf32, #tpu.memory_space<vmem>> -> memref<40x16xf32, #tpu.memory_space<vmem>>
      %dma_start3A_155 = arith.constant 560 : i32
      %dma_start3A_156 = tpu.memref_slice %arg5[%dma_start3A_155] : memref<1000xi32, #tpu.memory_space<vmem>> -> memref<40xi32, #tpu.memory_space<vmem>>
      %dma_start3A_157 = arith.constant 0 : i32
      %dma_start3A_158 = arith.constant 0 : i32
      %dma_start3A_159 = tpu.memref_slice %arg2[%dma_start3A_157, %dma_start3A_158] : memref<100000x16xf32, #tpu.memory_space<hbm>> -> memref<100000x16xf32, #tpu.memory_space<hbm>>
      tpu.enqueue_indirect_dma source(%dma_start3A_159 : memref<100000x16xf32, #tpu.memory_space<hbm>>) target(%dma_start3A_154 : memref<40x16xf32, #tpu.memory_space<vmem>>) offsets(%dma_start3A_156 : memref<40xi32, #tpu.memory_space<vmem>>) semaphore(%arg10 : memref<!tpu.dma_semaphore, #tpu.memory_space<semaphore_mem>>)
      %dma_start3A_160 = arith.constant 600 : i32
      %dma_start3A_161 = arith.constant 0 : i32
      %dma_start3A_162 = tpu.memref_slice %arg7[%dma_start3A_160, %dma_start3A_161] : memref<1000x16xf32, #tpu.memory_space<vmem>> -> memref<40x16xf32, #tpu.memory_space<vmem>>
      %dma_start3A_163 = arith.constant 600 : i32
      %dma_start3A_164 = tpu.memref_slice %arg5[%dma_start3A_163] : memref<1000xi32, #tpu.memory_space<vmem>> -> memref<40xi32, #tpu.memory_space<vmem>>
      %dma_start3A_165 = arith.constant 0 : i32
      %dma_start3A_166 = arith.constant 0 : i32
      %dma_start3A_167 = tpu.memref_slice %arg2[%dma_start3A_165, %dma_start3A_166] : memref<100000x16xf32, #tpu.memory_space<hbm>> -> memref<100000x16xf32, #tpu.memory_space<hbm>>
      tpu.enqueue_indirect_dma source(%dma_start3A_167 : memref<100000x16xf32, #tpu.memory_space<hbm>>) target(%dma_start3A_162 : memref<40x16xf32, #tpu.memory_space<vmem>>) offsets(%dma_start3A_164 : memref<40xi32, #tpu.memory_space<vmem>>) semaphore(%arg10 : memref<!tpu.dma_semaphore, #tpu.memory_space<semaphore_mem>>)
      %dma_start3A_168 = arith.constant 640 : i32
      %dma_start3A_169 = arith.constant 0 : i32
      %dma_start3A_170 = tpu.memref_slice %arg7[%dma_start3A_168, %dma_start3A_169] : memref<1000x16xf32, #tpu.memory_space<vmem>> -> memref<40x16xf32, #tpu.memory_space<vmem>>
      %dma_start3A_171 = arith.constant 640 : i32
      %dma_start3A_172 = tpu.memref_slice %arg5[%dma_start3A_171] : memref<1000xi32, #tpu.memory_space<vmem>> -> memref<40xi32, #tpu.memory_space<vmem>>
      %dma_start3A_173 = arith.constant 0 : i32
      %dma_start3A_174 = arith.constant 0 : i32
      %dma_start3A_175 = tpu.memref_slice %arg2[%dma_start3A_173, %dma_start3A_174] : memref<100000x16xf32, #tpu.memory_space<hbm>> -> memref<100000x16xf32, #tpu.memory_space<hbm>>
      tpu.enqueue_indirect_dma source(%dma_start3A_175 : memref<100000x16xf32, #tpu.memory_space<hbm>>) target(%dma_start3A_170 : memref<40x16xf32, #tpu.memory_space<vmem>>) offsets(%dma_start3A_172 : memref<40xi32, #tpu.memory_space<vmem>>) semaphore(%arg10 : memref<!tpu.dma_semaphore, #tpu.memory_space<semaphore_mem>>)
      %dma_start3A_176 = arith.constant 680 : i32
      %dma_start3A_177 = arith.constant 0 : i32
      %dma_start3A_178 = tpu.memref_slice %arg7[%dma_start3A_176, %dma_start3A_177] : memref<1000x16xf32, #tpu.memory_space<vmem>> -> memref<40x16xf32, #tpu.memory_space<vmem>>
      %dma_start3A_179 = arith.constant 680 : i32
      %dma_start3A_180 = tpu.memref_slice %arg5[%dma_start3A_179] : memref<1000xi32, #tpu.memory_space<vmem>> -> memref<40xi32, #tpu.memory_space<vmem>>
      %dma_start3A_181 = arith.constant 0 : i32
      %dma_start3A_182 = arith.constant 0 : i32
      %dma_start3A_183 = tpu.memref_slice %arg2[%dma_start3A_181, %dma_start3A_182] : memref<100000x16xf32, #tpu.memory_space<hbm>> -> memref<100000x16xf32, #tpu.memory_space<hbm>>
      tpu.enqueue_indirect_dma source(%dma_start3A_183 : memref<100000x16xf32, #tpu.memory_space<hbm>>) target(%dma_start3A_178 : memref<40x16xf32, #tpu.memory_space<vmem>>) offsets(%dma_start3A_180 : memref<40xi32, #tpu.memory_space<vmem>>) semaphore(%arg10 : memref<!tpu.dma_semaphore, #tpu.memory_space<semaphore_mem>>)
      %dma_start3A_184 = arith.constant 720 : i32
      %dma_start3A_185 = arith.constant 0 : i32
      %dma_start3A_186 = tpu.memref_slice %arg7[%dma_start3A_184, %dma_start3A_185] : memref<1000x16xf32, #tpu.memory_space<vmem>> -> memref<40x16xf32, #tpu.memory_space<vmem>>
      %dma_start3A_187 = arith.constant 720 : i32
      %dma_start3A_188 = tpu.memref_slice %arg5[%dma_start3A_187] : memref<1000xi32, #tpu.memory_space<vmem>> -> memref<40xi32, #tpu.memory_space<vmem>>
      %dma_start3A_189 = arith.constant 0 : i32
      %dma_start3A_190 = arith.constant 0 : i32
      %dma_start3A_191 = tpu.memref_slice %arg2[%dma_start3A_189, %dma_start3A_190] : memref<100000x16xf32, #tpu.memory_space<hbm>> -> memref<100000x16xf32, #tpu.memory_space<hbm>>
      tpu.enqueue_indirect_dma source(%dma_start3A_191 : memref<100000x16xf32, #tpu.memory_space<hbm>>) target(%dma_start3A_186 : memref<40x16xf32, #tpu.memory_space<vmem>>) offsets(%dma_start3A_188 : memref<40xi32, #tpu.memory_space<vmem>>) semaphore(%arg10 : memref<!tpu.dma_semaphore, #tpu.memory_space<semaphore_mem>>)
      %dma_start3A_192 = arith.constant 760 : i32
      %dma_start3A_193 = arith.constant 0 : i32
      %dma_start3A_194 = tpu.memref_slice %arg7[%dma_start3A_192, %dma_start3A_193] : memref<1000x16xf32, #tpu.memory_space<vmem>> -> memref<40x16xf32, #tpu.memory_space<vmem>>
      %dma_start3A_195 = arith.constant 760 : i32
      %dma_start3A_196 = tpu.memref_slice %arg5[%dma_start3A_195] : memref<1000xi32, #tpu.memory_space<vmem>> -> memref<40xi32, #tpu.memory_space<vmem>>
      %dma_start3A_197 = arith.constant 0 : i32
      %dma_start3A_198 = arith.constant 0 : i32
      %dma_start3A_199 = tpu.memref_slice %arg2[%dma_start3A_197, %dma_start3A_198] : memref<100000x16xf32, #tpu.memory_space<hbm>> -> memref<100000x16xf32, #tpu.memory_space<hbm>>
      tpu.enqueue_indirect_dma source(%dma_start3A_199 : memref<100000x16xf32, #tpu.memory_space<hbm>>) target(%dma_start3A_194 : memref<40x16xf32, #tpu.memory_space<vmem>>) offsets(%dma_start3A_196 : memref<40xi32, #tpu.memory_space<vmem>>) semaphore(%arg10 : memref<!tpu.dma_semaphore, #tpu.memory_space<semaphore_mem>>)
      %dma_start3A_200 = arith.constant 800 : i32
      %dma_start3A_201 = arith.constant 0 : i32
      %dma_start3A_202 = tpu.memref_slice %arg7[%dma_start3A_200, %dma_start3A_201] : memref<1000x16xf32, #tpu.memory_space<vmem>> -> memref<40x16xf32, #tpu.memory_space<vmem>>
      %dma_start3A_203 = arith.constant 800 : i32
      %dma_start3A_204 = tpu.memref_slice %arg5[%dma_start3A_203] : memref<1000xi32, #tpu.memory_space<vmem>> -> memref<40xi32, #tpu.memory_space<vmem>>
      %dma_start3A_205 = arith.constant 0 : i32
      %dma_start3A_206 = arith.constant 0 : i32
      %dma_start3A_207 = tpu.memref_slice %arg2[%dma_start3A_205, %dma_start3A_206] : memref<100000x16xf32, #tpu.memory_space<hbm>> -> memref<100000x16xf32, #tpu.memory_space<hbm>>
      tpu.enqueue_indirect_dma source(%dma_start3A_207 : memref<100000x16xf32, #tpu.memory_space<hbm>>) target(%dma_start3A_202 : memref<40x16xf32, #tpu.memory_space<vmem>>) offsets(%dma_start3A_204 : memref<40xi32, #tpu.memory_space<vmem>>) semaphore(%arg10 : memref<!tpu.dma_semaphore, #tpu.memory_space<semaphore_mem>>)
      %dma_start3A_208 = arith.constant 840 : i32
      %dma_start3A_209 = arith.constant 0 : i32
      %dma_start3A_210 = tpu.memref_slice %arg7[%dma_start3A_208, %dma_start3A_209] : memref<1000x16xf32, #tpu.memory_space<vmem>> -> memref<40x16xf32, #tpu.memory_space<vmem>>
      %dma_start3A_211 = arith.constant 840 : i32
      %dma_start3A_212 = tpu.memref_slice %arg5[%dma_start3A_211] : memref<1000xi32, #tpu.memory_space<vmem>> -> memref<40xi32, #tpu.memory_space<vmem>>
      %dma_start3A_213 = arith.constant 0 : i32
      %dma_start3A_214 = arith.constant 0 : i32
      %dma_start3A_215 = tpu.memref_slice %arg2[%dma_start3A_213, %dma_start3A_214] : memref<100000x16xf32, #tpu.memory_space<hbm>> -> memref<100000x16xf32, #tpu.memory_space<hbm>>
      tpu.enqueue_indirect_dma source(%dma_start3A_215 : memref<100000x16xf32, #tpu.memory_space<hbm>>) target(%dma_start3A_210 : memref<40x16xf32, #tpu.memory_space<vmem>>) offsets(%dma_start3A_212 : memref<40xi32, #tpu.memory_space<vmem>>) semaphore(%arg10 : memref<!tpu.dma_semaphore, #tpu.memory_space<semaphore_mem>>)
      %dma_start3A_216 = arith.constant 880 : i32
      %dma_start3A_217 = arith.constant 0 : i32
      %dma_start3A_218 = tpu.memref_slice %arg7[%dma_start3A_216, %dma_start3A_217] : memref<1000x16xf32, #tpu.memory_space<vmem>> -> memref<40x16xf32, #tpu.memory_space<vmem>>
      %dma_start3A_219 = arith.constant 880 : i32
      %dma_start3A_220 = tpu.memref_slice %arg5[%dma_start3A_219] : memref<1000xi32, #tpu.memory_space<vmem>> -> memref<40xi32, #tpu.memory_space<vmem>>
      %dma_start3A_221 = arith.constant 0 : i32
      %dma_start3A_222 = arith.constant 0 : i32
      %dma_start3A_223 = tpu.memref_slice %arg2[%dma_start3A_221, %dma_start3A_222] : memref<100000x16xf32, #tpu.memory_space<hbm>> -> memref<100000x16xf32, #tpu.memory_space<hbm>>
      tpu.enqueue_indirect_dma source(%dma_start3A_223 : memref<100000x16xf32, #tpu.memory_space<hbm>>) target(%dma_start3A_218 : memref<40x16xf32, #tpu.memory_space<vmem>>) offsets(%dma_start3A_220 : memref<40xi32, #tpu.memory_space<vmem>>) semaphore(%arg10 : memref<!tpu.dma_semaphore, #tpu.memory_space<semaphore_mem>>)
      %dma_start3A_224 = arith.constant 920 : i32
      %dma_start3A_225 = arith.constant 0 : i32
      %dma_start3A_226 = tpu.memref_slice %arg7[%dma_start3A_224, %dma_start3A_225] : memref<1000x16xf32, #tpu.memory_space<vmem>> -> memref<40x16xf32, #tpu.memory_space<vmem>>
      %dma_start3A_227 = arith.constant 920 : i32
      %dma_start3A_228 = tpu.memref_slice %arg5[%dma_start3A_227] : memref<1000xi32, #tpu.memory_space<vmem>> -> memref<40xi32, #tpu.memory_space<vmem>>
      %dma_start3A_229 = arith.constant 0 : i32
      %dma_start3A_230 = arith.constant 0 : i32
      %dma_start3A_231 = tpu.memref_slice %arg2[%dma_start3A_229, %dma_start3A_230] : memref<100000x16xf32, #tpu.memory_space<hbm>> -> memref<100000x16xf32, #tpu.memory_space<hbm>>
      tpu.enqueue_indirect_dma source(%dma_start3A_231 : memref<100000x16xf32, #tpu.memory_space<hbm>>) target(%dma_start3A_226 : memref<40x16xf32, #tpu.memory_space<vmem>>) offsets(%dma_start3A_228 : memref<40xi32, #tpu.memory_space<vmem>>) semaphore(%arg10 : memref<!tpu.dma_semaphore, #tpu.memory_space<semaphore_mem>>)
      %dma_start3A_232 = arith.constant 960 : i32
      %dma_start3A_233 = arith.constant 0 : i32
      %dma_start3A_234 = tpu.memref_slice %arg7[%dma_start3A_232, %dma_start3A_233] : memref<1000x16xf32, #tpu.memory_space<vmem>> -> memref<40x16xf32, #tpu.memory_space<vmem>>
      %dma_start3A_235 = arith.constant 960 : i32
      %dma_start3A_236 = tpu.memref_slice %arg5[%dma_start3A_235] : memref<1000xi32, #tpu.memory_space<vmem>> -> memref<40xi32, #tpu.memory_space<vmem>>
      %dma_start3A_237 = arith.constant 0 : i32
      %dma_start3A_238 = arith.constant 0 : i32
      %dma_start3A_239 = tpu.memref_slice %arg2[%dma_start3A_237, %dma_start3A_238] : memref<100000x16xf32, #tpu.memory_space<hbm>> -> memref<100000x16xf32, #tpu.memory_space<hbm>>
      tpu.enqueue_indirect_dma source(%dma_start3A_239 : memref<100000x16xf32, #tpu.memory_space<hbm>>) target(%dma_start3A_234 : memref<40x16xf32, #tpu.memory_space<vmem>>) offsets(%dma_start3A_236 : memref<40xi32, #tpu.memory_space<vmem>>) semaphore(%arg10 : memref<!tpu.dma_semaphore, #tpu.memory_space<semaphore_mem>>)
      %dma_wait3A_240 = arith.constant 0 : i32
      %dma_wait3A_241 = arith.constant 0 : i32
      %dma_wait3A_242 = tpu.memref_slice %arg7[%dma_wait3A_240, %dma_wait3A_241] : memref<1000x16xf32, #tpu.memory_space<vmem>> -> memref<40x16xf32, #tpu.memory_space<vmem>>
      %dma_wait3A_243 = arith.constant 0 : i32
      %dma_wait3A_244 = tpu.memref_slice %arg5[%dma_wait3A_243] : memref<1000xi32, #tpu.memory_space<vmem>> -> memref<40xi32, #tpu.memory_space<vmem>>
      %dma_wait3A_245 = arith.constant 0 : i32
      %dma_wait3A_246 = arith.constant 0 : i32
      %dma_wait3A_247 = tpu.memref_slice %arg2[%dma_wait3A_245, %dma_wait3A_246] : memref<100000x16xf32, #tpu.memory_space<hbm>> -> memref<100000x16xf32, #tpu.memory_space<hbm>>
      tpu.wait_indirect_dma semaphore(%arg10 : memref<!tpu.dma_semaphore, #tpu.memory_space<semaphore_mem>>) src(%dma_wait3A_247 : memref<100000x16xf32, #tpu.memory_space<hbm>>) dst(%dma_wait3A_242 : memref<40x16xf32, #tpu.memory_space<vmem>>)
      %dma_wait3A_248 = arith.constant 40 : i32
      %dma_wait3A_249 = arith.constant 0 : i32
      %dma_wait3A_250 = tpu.memref_slice %arg7[%dma_wait3A_248, %dma_wait3A_249] : memref<1000x16xf32, #tpu.memory_space<vmem>> -> memref<40x16xf32, #tpu.memory_space<vmem>>
      %dma_wait3A_251 = arith.constant 40 : i32
      %dma_wait3A_252 = tpu.memref_slice %arg5[%dma_wait3A_251] : memref<1000xi32, #tpu.memory_space<vmem>> -> memref<40xi32, #tpu.memory_space<vmem>>
      %dma_wait3A_253 = arith.constant 0 : i32
      %dma_wait3A_254 = arith.constant 0 : i32
      %dma_wait3A_255 = tpu.memref_slice %arg2[%dma_wait3A_253, %dma_wait3A_254] : memref<100000x16xf32, #tpu.memory_space<hbm>> -> memref<100000x16xf32, #tpu.memory_space<hbm>>
      tpu.wait_indirect_dma semaphore(%arg10 : memref<!tpu.dma_semaphore, #tpu.memory_space<semaphore_mem>>) src(%dma_wait3A_255 : memref<100000x16xf32, #tpu.memory_space<hbm>>) dst(%dma_wait3A_250 : memref<40x16xf32, #tpu.memory_space<vmem>>)
      %dma_wait3A_256 = arith.constant 80 : i32
      %dma_wait3A_257 = arith.constant 0 : i32
      %dma_wait3A_258 = tpu.memref_slice %arg7[%dma_wait3A_256, %dma_wait3A_257] : memref<1000x16xf32, #tpu.memory_space<vmem>> -> memref<40x16xf32, #tpu.memory_space<vmem>>
      %dma_wait3A_259 = arith.constant 80 : i32
      %dma_wait3A_260 = tpu.memref_slice %arg5[%dma_wait3A_259] : memref<1000xi32, #tpu.memory_space<vmem>> -> memref<40xi32, #tpu.memory_space<vmem>>
      %dma_wait3A_261 = arith.constant 0 : i32
      %dma_wait3A_262 = arith.constant 0 : i32
      %dma_wait3A_263 = tpu.memref_slice %arg2[%dma_wait3A_261, %dma_wait3A_262] : memref<100000x16xf32, #tpu.memory_space<hbm>> -> memref<100000x16xf32, #tpu.memory_space<hbm>>
      tpu.wait_indirect_dma semaphore(%arg10 : memref<!tpu.dma_semaphore, #tpu.memory_space<semaphore_mem>>) src(%dma_wait3A_263 : memref<100000x16xf32, #tpu.memory_space<hbm>>) dst(%dma_wait3A_258 : memref<40x16xf32, #tpu.memory_space<vmem>>)
      %dma_wait3A_264 = arith.constant 120 : i32
      %dma_wait3A_265 = arith.constant 0 : i32
      %dma_wait3A_266 = tpu.memref_slice %arg7[%dma_wait3A_264, %dma_wait3A_265] : memref<1000x16xf32, #tpu.memory_space<vmem>> -> memref<40x16xf32, #tpu.memory_space<vmem>>
      %dma_wait3A_267 = arith.constant 120 : i32
      %dma_wait3A_268 = tpu.memref_slice %arg5[%dma_wait3A_267] : memref<1000xi32, #tpu.memory_space<vmem>> -> memref<40xi32, #tpu.memory_space<vmem>>
      %dma_wait3A_269 = arith.constant 0 : i32
      %dma_wait3A_270 = arith.constant 0 : i32
      %dma_wait3A_271 = tpu.memref_slice %arg2[%dma_wait3A_269, %dma_wait3A_270] : memref<100000x16xf32, #tpu.memory_space<hbm>> -> memref<100000x16xf32, #tpu.memory_space<hbm>>
      tpu.wait_indirect_dma semaphore(%arg10 : memref<!tpu.dma_semaphore, #tpu.memory_space<semaphore_mem>>) src(%dma_wait3A_271 : memref<100000x16xf32, #tpu.memory_space<hbm>>) dst(%dma_wait3A_266 : memref<40x16xf32, #tpu.memory_space<vmem>>)
      %dma_wait3A_272 = arith.constant 160 : i32
      %dma_wait3A_273 = arith.constant 0 : i32
      %dma_wait3A_274 = tpu.memref_slice %arg7[%dma_wait3A_272, %dma_wait3A_273] : memref<1000x16xf32, #tpu.memory_space<vmem>> -> memref<40x16xf32, #tpu.memory_space<vmem>>
      %dma_wait3A_275 = arith.constant 160 : i32
      %dma_wait3A_276 = tpu.memref_slice %arg5[%dma_wait3A_275] : memref<1000xi32, #tpu.memory_space<vmem>> -> memref<40xi32, #tpu.memory_space<vmem>>
      %dma_wait3A_277 = arith.constant 0 : i32
      %dma_wait3A_278 = arith.constant 0 : i32
      %dma_wait3A_279 = tpu.memref_slice %arg2[%dma_wait3A_277, %dma_wait3A_278] : memref<100000x16xf32, #tpu.memory_space<hbm>> -> memref<100000x16xf32, #tpu.memory_space<hbm>>
      tpu.wait_indirect_dma semaphore(%arg10 : memref<!tpu.dma_semaphore, #tpu.memory_space<semaphore_mem>>) src(%dma_wait3A_279 : memref<100000x16xf32, #tpu.memory_space<hbm>>) dst(%dma_wait3A_274 : memref<40x16xf32, #tpu.memory_space<vmem>>)
      %dma_wait3A_280 = arith.constant 200 : i32
      %dma_wait3A_281 = arith.constant 0 : i32
      %dma_wait3A_282 = tpu.memref_slice %arg7[%dma_wait3A_280, %dma_wait3A_281] : memref<1000x16xf32, #tpu.memory_space<vmem>> -> memref<40x16xf32, #tpu.memory_space<vmem>>
      %dma_wait3A_283 = arith.constant 200 : i32
      %dma_wait3A_284 = tpu.memref_slice %arg5[%dma_wait3A_283] : memref<1000xi32, #tpu.memory_space<vmem>> -> memref<40xi32, #tpu.memory_space<vmem>>
      %dma_wait3A_285 = arith.constant 0 : i32
      %dma_wait3A_286 = arith.constant 0 : i32
      %dma_wait3A_287 = tpu.memref_slice %arg2[%dma_wait3A_285, %dma_wait3A_286] : memref<100000x16xf32, #tpu.memory_space<hbm>> -> memref<100000x16xf32, #tpu.memory_space<hbm>>
      tpu.wait_indirect_dma semaphore(%arg10 : memref<!tpu.dma_semaphore, #tpu.memory_space<semaphore_mem>>) src(%dma_wait3A_287 : memref<100000x16xf32, #tpu.memory_space<hbm>>) dst(%dma_wait3A_282 : memref<40x16xf32, #tpu.memory_space<vmem>>)
      %dma_wait3A_288 = arith.constant 240 : i32
      %dma_wait3A_289 = arith.constant 0 : i32
      %dma_wait3A_290 = tpu.memref_slice %arg7[%dma_wait3A_288, %dma_wait3A_289] : memref<1000x16xf32, #tpu.memory_space<vmem>> -> memref<40x16xf32, #tpu.memory_space<vmem>>
      %dma_wait3A_291 = arith.constant 240 : i32
      %dma_wait3A_292 = tpu.memref_slice %arg5[%dma_wait3A_291] : memref<1000xi32, #tpu.memory_space<vmem>> -> memref<40xi32, #tpu.memory_space<vmem>>
      %dma_wait3A_293 = arith.constant 0 : i32
      %dma_wait3A_294 = arith.constant 0 : i32
      %dma_wait3A_295 = tpu.memref_slice %arg2[%dma_wait3A_293, %dma_wait3A_294] : memref<100000x16xf32, #tpu.memory_space<hbm>> -> memref<100000x16xf32, #tpu.memory_space<hbm>>
      tpu.wait_indirect_dma semaphore(%arg10 : memref<!tpu.dma_semaphore, #tpu.memory_space<semaphore_mem>>) src(%dma_wait3A_295 : memref<100000x16xf32, #tpu.memory_space<hbm>>) dst(%dma_wait3A_290 : memref<40x16xf32, #tpu.memory_space<vmem>>)
      %dma_wait3A_296 = arith.constant 280 : i32
      %dma_wait3A_297 = arith.constant 0 : i32
      %dma_wait3A_298 = tpu.memref_slice %arg7[%dma_wait3A_296, %dma_wait3A_297] : memref<1000x16xf32, #tpu.memory_space<vmem>> -> memref<40x16xf32, #tpu.memory_space<vmem>>
      %dma_wait3A_299 = arith.constant 280 : i32
      %dma_wait3A_300 = tpu.memref_slice %arg5[%dma_wait3A_299] : memref<1000xi32, #tpu.memory_space<vmem>> -> memref<40xi32, #tpu.memory_space<vmem>>
      %dma_wait3A_301 = arith.constant 0 : i32
      %dma_wait3A_302 = arith.constant 0 : i32
      %dma_wait3A_303 = tpu.memref_slice %arg2[%dma_wait3A_301, %dma_wait3A_302] : memref<100000x16xf32, #tpu.memory_space<hbm>> -> memref<100000x16xf32, #tpu.memory_space<hbm>>
      tpu.wait_indirect_dma semaphore(%arg10 : memref<!tpu.dma_semaphore, #tpu.memory_space<semaphore_mem>>) src(%dma_wait3A_303 : memref<100000x16xf32, #tpu.memory_space<hbm>>) dst(%dma_wait3A_298 : memref<40x16xf32, #tpu.memory_space<vmem>>)
      %dma_wait3A_304 = arith.constant 320 : i32
      %dma_wait3A_305 = arith.constant 0 : i32
      %dma_wait3A_306 = tpu.memref_slice %arg7[%dma_wait3A_304, %dma_wait3A_305] : memref<1000x16xf32, #tpu.memory_space<vmem>> -> memref<40x16xf32, #tpu.memory_space<vmem>>
      %dma_wait3A_307 = arith.constant 320 : i32
      %dma_wait3A_308 = tpu.memref_slice %arg5[%dma_wait3A_307] : memref<1000xi32, #tpu.memory_space<vmem>> -> memref<40xi32, #tpu.memory_space<vmem>>
      %dma_wait3A_309 = arith.constant 0 : i32
      %dma_wait3A_310 = arith.constant 0 : i32
      %dma_wait3A_311 = tpu.memref_slice %arg2[%dma_wait3A_309, %dma_wait3A_310] : memref<100000x16xf32, #tpu.memory_space<hbm>> -> memref<100000x16xf32, #tpu.memory_space<hbm>>
      tpu.wait_indirect_dma semaphore(%arg10 : memref<!tpu.dma_semaphore, #tpu.memory_space<semaphore_mem>>) src(%dma_wait3A_311 : memref<100000x16xf32, #tpu.memory_space<hbm>>) dst(%dma_wait3A_306 : memref<40x16xf32, #tpu.memory_space<vmem>>)
      %dma_wait3A_312 = arith.constant 360 : i32
      %dma_wait3A_313 = arith.constant 0 : i32
      %dma_wait3A_314 = tpu.memref_slice %arg7[%dma_wait3A_312, %dma_wait3A_313] : memref<1000x16xf32, #tpu.memory_space<vmem>> -> memref<40x16xf32, #tpu.memory_space<vmem>>
      %dma_wait3A_315 = arith.constant 360 : i32
      %dma_wait3A_316 = tpu.memref_slice %arg5[%dma_wait3A_315] : memref<1000xi32, #tpu.memory_space<vmem>> -> memref<40xi32, #tpu.memory_space<vmem>>
      %dma_wait3A_317 = arith.constant 0 : i32
      %dma_wait3A_318 = arith.constant 0 : i32
      %dma_wait3A_319 = tpu.memref_slice %arg2[%dma_wait3A_317, %dma_wait3A_318] : memref<100000x16xf32, #tpu.memory_space<hbm>> -> memref<100000x16xf32, #tpu.memory_space<hbm>>
      tpu.wait_indirect_dma semaphore(%arg10 : memref<!tpu.dma_semaphore, #tpu.memory_space<semaphore_mem>>) src(%dma_wait3A_319 : memref<100000x16xf32, #tpu.memory_space<hbm>>) dst(%dma_wait3A_314 : memref<40x16xf32, #tpu.memory_space<vmem>>)
      %dma_wait3A_320 = arith.constant 400 : i32
      %dma_wait3A_321 = arith.constant 0 : i32
      %dma_wait3A_322 = tpu.memref_slice %arg7[%dma_wait3A_320, %dma_wait3A_321] : memref<1000x16xf32, #tpu.memory_space<vmem>> -> memref<40x16xf32, #tpu.memory_space<vmem>>
      %dma_wait3A_323 = arith.constant 400 : i32
      %dma_wait3A_324 = tpu.memref_slice %arg5[%dma_wait3A_323] : memref<1000xi32, #tpu.memory_space<vmem>> -> memref<40xi32, #tpu.memory_space<vmem>>
      %dma_wait3A_325 = arith.constant 0 : i32
      %dma_wait3A_326 = arith.constant 0 : i32
      %dma_wait3A_327 = tpu.memref_slice %arg2[%dma_wait3A_325, %dma_wait3A_326] : memref<100000x16xf32, #tpu.memory_space<hbm>> -> memref<100000x16xf32, #tpu.memory_space<hbm>>
      tpu.wait_indirect_dma semaphore(%arg10 : memref<!tpu.dma_semaphore, #tpu.memory_space<semaphore_mem>>) src(%dma_wait3A_327 : memref<100000x16xf32, #tpu.memory_space<hbm>>) dst(%dma_wait3A_322 : memref<40x16xf32, #tpu.memory_space<vmem>>)
      %dma_wait3A_328 = arith.constant 440 : i32
      %dma_wait3A_329 = arith.constant 0 : i32
      %dma_wait3A_330 = tpu.memref_slice %arg7[%dma_wait3A_328, %dma_wait3A_329] : memref<1000x16xf32, #tpu.memory_space<vmem>> -> memref<40x16xf32, #tpu.memory_space<vmem>>
      %dma_wait3A_331 = arith.constant 440 : i32
      %dma_wait3A_332 = tpu.memref_slice %arg5[%dma_wait3A_331] : memref<1000xi32, #tpu.memory_space<vmem>> -> memref<40xi32, #tpu.memory_space<vmem>>
      %dma_wait3A_333 = arith.constant 0 : i32
      %dma_wait3A_334 = arith.constant 0 : i32
      %dma_wait3A_335 = tpu.memref_slice %arg2[%dma_wait3A_333, %dma_wait3A_334] : memref<100000x16xf32, #tpu.memory_space<hbm>> -> memref<100000x16xf32, #tpu.memory_space<hbm>>
      tpu.wait_indirect_dma semaphore(%arg10 : memref<!tpu.dma_semaphore, #tpu.memory_space<semaphore_mem>>) src(%dma_wait3A_335 : memref<100000x16xf32, #tpu.memory_space<hbm>>) dst(%dma_wait3A_330 : memref<40x16xf32, #tpu.memory_space<vmem>>)
      %dma_wait3A_336 = arith.constant 480 : i32
      %dma_wait3A_337 = arith.constant 0 : i32
      %dma_wait3A_338 = tpu.memref_slice %arg7[%dma_wait3A_336, %dma_wait3A_337] : memref<1000x16xf32, #tpu.memory_space<vmem>> -> memref<40x16xf32, #tpu.memory_space<vmem>>
      %dma_wait3A_339 = arith.constant 480 : i32
      %dma_wait3A_340 = tpu.memref_slice %arg5[%dma_wait3A_339] : memref<1000xi32, #tpu.memory_space<vmem>> -> memref<40xi32, #tpu.memory_space<vmem>>
      %dma_wait3A_341 = arith.constant 0 : i32
      %dma_wait3A_342 = arith.constant 0 : i32
      %dma_wait3A_343 = tpu.memref_slice %arg2[%dma_wait3A_341, %dma_wait3A_342] : memref<100000x16xf32, #tpu.memory_space<hbm>> -> memref<100000x16xf32, #tpu.memory_space<hbm>>
      tpu.wait_indirect_dma semaphore(%arg10 : memref<!tpu.dma_semaphore, #tpu.memory_space<semaphore_mem>>) src(%dma_wait3A_343 : memref<100000x16xf32, #tpu.memory_space<hbm>>) dst(%dma_wait3A_338 : memref<40x16xf32, #tpu.memory_space<vmem>>)
      %dma_wait3A_344 = arith.constant 520 : i32
      %dma_wait3A_345 = arith.constant 0 : i32
      %dma_wait3A_346 = tpu.memref_slice %arg7[%dma_wait3A_344, %dma_wait3A_345] : memref<1000x16xf32, #tpu.memory_space<vmem>> -> memref<40x16xf32, #tpu.memory_space<vmem>>
      %dma_wait3A_347 = arith.constant 520 : i32
      %dma_wait3A_348 = tpu.memref_slice %arg5[%dma_wait3A_347] : memref<1000xi32, #tpu.memory_space<vmem>> -> memref<40xi32, #tpu.memory_space<vmem>>
      %dma_wait3A_349 = arith.constant 0 : i32
      %dma_wait3A_350 = arith.constant 0 : i32
      %dma_wait3A_351 = tpu.memref_slice %arg2[%dma_wait3A_349, %dma_wait3A_350] : memref<100000x16xf32, #tpu.memory_space<hbm>> -> memref<100000x16xf32, #tpu.memory_space<hbm>>
      tpu.wait_indirect_dma semaphore(%arg10 : memref<!tpu.dma_semaphore, #tpu.memory_space<semaphore_mem>>) src(%dma_wait3A_351 : memref<100000x16xf32, #tpu.memory_space<hbm>>) dst(%dma_wait3A_346 : memref<40x16xf32, #tpu.memory_space<vmem>>)
      %dma_wait3A_352 = arith.constant 560 : i32
      %dma_wait3A_353 = arith.constant 0 : i32
      %dma_wait3A_354 = tpu.memref_slice %arg7[%dma_wait3A_352, %dma_wait3A_353] : memref<1000x16xf32, #tpu.memory_space<vmem>> -> memref<40x16xf32, #tpu.memory_space<vmem>>
      %dma_wait3A_355 = arith.constant 560 : i32
      %dma_wait3A_356 = tpu.memref_slice %arg5[%dma_wait3A_355] : memref<1000xi32, #tpu.memory_space<vmem>> -> memref<40xi32, #tpu.memory_space<vmem>>
      %dma_wait3A_357 = arith.constant 0 : i32
      %dma_wait3A_358 = arith.constant 0 : i32
      %dma_wait3A_359 = tpu.memref_slice %arg2[%dma_wait3A_357, %dma_wait3A_358] : memref<100000x16xf32, #tpu.memory_space<hbm>> -> memref<100000x16xf32, #tpu.memory_space<hbm>>
      tpu.wait_indirect_dma semaphore(%arg10 : memref<!tpu.dma_semaphore, #tpu.memory_space<semaphore_mem>>) src(%dma_wait3A_359 : memref<100000x16xf32, #tpu.memory_space<hbm>>) dst(%dma_wait3A_354 : memref<40x16xf32, #tpu.memory_space<vmem>>)
      %dma_wait3A_360 = arith.constant 600 : i32
      %dma_wait3A_361 = arith.constant 0 : i32
      %dma_wait3A_362 = tpu.memref_slice %arg7[%dma_wait3A_360, %dma_wait3A_361] : memref<1000x16xf32, #tpu.memory_space<vmem>> -> memref<40x16xf32, #tpu.memory_space<vmem>>
      %dma_wait3A_363 = arith.constant 600 : i32
      %dma_wait3A_364 = tpu.memref_slice %arg5[%dma_wait3A_363] : memref<1000xi32, #tpu.memory_space<vmem>> -> memref<40xi32, #tpu.memory_space<vmem>>
      %dma_wait3A_365 = arith.constant 0 : i32
      %dma_wait3A_366 = arith.constant 0 : i32
      %dma_wait3A_367 = tpu.memref_slice %arg2[%dma_wait3A_365, %dma_wait3A_366] : memref<100000x16xf32, #tpu.memory_space<hbm>> -> memref<100000x16xf32, #tpu.memory_space<hbm>>
      tpu.wait_indirect_dma semaphore(%arg10 : memref<!tpu.dma_semaphore, #tpu.memory_space<semaphore_mem>>) src(%dma_wait3A_367 : memref<100000x16xf32, #tpu.memory_space<hbm>>) dst(%dma_wait3A_362 : memref<40x16xf32, #tpu.memory_space<vmem>>)
      %dma_wait3A_368 = arith.constant 640 : i32
      %dma_wait3A_369 = arith.constant 0 : i32
      %dma_wait3A_370 = tpu.memref_slice %arg7[%dma_wait3A_368, %dma_wait3A_369] : memref<1000x16xf32, #tpu.memory_space<vmem>> -> memref<40x16xf32, #tpu.memory_space<vmem>>
      %dma_wait3A_371 = arith.constant 640 : i32
      %dma_wait3A_372 = tpu.memref_slice %arg5[%dma_wait3A_371] : memref<1000xi32, #tpu.memory_space<vmem>> -> memref<40xi32, #tpu.memory_space<vmem>>
      %dma_wait3A_373 = arith.constant 0 : i32
      %dma_wait3A_374 = arith.constant 0 : i32
      %dma_wait3A_375 = tpu.memref_slice %arg2[%dma_wait3A_373, %dma_wait3A_374] : memref<100000x16xf32, #tpu.memory_space<hbm>> -> memref<100000x16xf32, #tpu.memory_space<hbm>>
      tpu.wait_indirect_dma semaphore(%arg10 : memref<!tpu.dma_semaphore, #tpu.memory_space<semaphore_mem>>) src(%dma_wait3A_375 : memref<100000x16xf32, #tpu.memory_space<hbm>>) dst(%dma_wait3A_370 : memref<40x16xf32, #tpu.memory_space<vmem>>)
      %dma_wait3A_376 = arith.constant 680 : i32
      %dma_wait3A_377 = arith.constant 0 : i32
      %dma_wait3A_378 = tpu.memref_slice %arg7[%dma_wait3A_376, %dma_wait3A_377] : memref<1000x16xf32, #tpu.memory_space<vmem>> -> memref<40x16xf32, #tpu.memory_space<vmem>>
      %dma_wait3A_379 = arith.constant 680 : i32
      %dma_wait3A_380 = tpu.memref_slice %arg5[%dma_wait3A_379] : memref<1000xi32, #tpu.memory_space<vmem>> -> memref<40xi32, #tpu.memory_space<vmem>>
      %dma_wait3A_381 = arith.constant 0 : i32
      %dma_wait3A_382 = arith.constant 0 : i32
      %dma_wait3A_383 = tpu.memref_slice %arg2[%dma_wait3A_381, %dma_wait3A_382] : memref<100000x16xf32, #tpu.memory_space<hbm>> -> memref<100000x16xf32, #tpu.memory_space<hbm>>
      tpu.wait_indirect_dma semaphore(%arg10 : memref<!tpu.dma_semaphore, #tpu.memory_space<semaphore_mem>>) src(%dma_wait3A_383 : memref<100000x16xf32, #tpu.memory_space<hbm>>) dst(%dma_wait3A_378 : memref<40x16xf32, #tpu.memory_space<vmem>>)
      %dma_wait3A_384 = arith.constant 720 : i32
      %dma_wait3A_385 = arith.constant 0 : i32
      %dma_wait3A_386 = tpu.memref_slice %arg7[%dma_wait3A_384, %dma_wait3A_385] : memref<1000x16xf32, #tpu.memory_space<vmem>> -> memref<40x16xf32, #tpu.memory_space<vmem>>
      %dma_wait3A_387 = arith.constant 720 : i32
      %dma_wait3A_388 = tpu.memref_slice %arg5[%dma_wait3A_387] : memref<1000xi32, #tpu.memory_space<vmem>> -> memref<40xi32, #tpu.memory_space<vmem>>
      %dma_wait3A_389 = arith.constant 0 : i32
      %dma_wait3A_390 = arith.constant 0 : i32
      %dma_wait3A_391 = tpu.memref_slice %arg2[%dma_wait3A_389, %dma_wait3A_390] : memref<100000x16xf32, #tpu.memory_space<hbm>> -> memref<100000x16xf32, #tpu.memory_space<hbm>>
      tpu.wait_indirect_dma semaphore(%arg10 : memref<!tpu.dma_semaphore, #tpu.memory_space<semaphore_mem>>) src(%dma_wait3A_391 : memref<100000x16xf32, #tpu.memory_space<hbm>>) dst(%dma_wait3A_386 : memref<40x16xf32, #tpu.memory_space<vmem>>)
      %dma_wait3A_392 = arith.constant 760 : i32
      %dma_wait3A_393 = arith.constant 0 : i32
      %dma_wait3A_394 = tpu.memref_slice %arg7[%dma_wait3A_392, %dma_wait3A_393] : memref<1000x16xf32, #tpu.memory_space<vmem>> -> memref<40x16xf32, #tpu.memory_space<vmem>>
      %dma_wait3A_395 = arith.constant 760 : i32
      %dma_wait3A_396 = tpu.memref_slice %arg5[%dma_wait3A_395] : memref<1000xi32, #tpu.memory_space<vmem>> -> memref<40xi32, #tpu.memory_space<vmem>>
      %dma_wait3A_397 = arith.constant 0 : i32
      %dma_wait3A_398 = arith.constant 0 : i32
      %dma_wait3A_399 = tpu.memref_slice %arg2[%dma_wait3A_397, %dma_wait3A_398] : memref<100000x16xf32, #tpu.memory_space<hbm>> -> memref<100000x16xf32, #tpu.memory_space<hbm>>
      tpu.wait_indirect_dma semaphore(%arg10 : memref<!tpu.dma_semaphore, #tpu.memory_space<semaphore_mem>>) src(%dma_wait3A_399 : memref<100000x16xf32, #tpu.memory_space<hbm>>) dst(%dma_wait3A_394 : memref<40x16xf32, #tpu.memory_space<vmem>>)
      %dma_wait3A_400 = arith.constant 800 : i32
      %dma_wait3A_401 = arith.constant 0 : i32
      %dma_wait3A_402 = tpu.memref_slice %arg7[%dma_wait3A_400, %dma_wait3A_401] : memref<1000x16xf32, #tpu.memory_space<vmem>> -> memref<40x16xf32, #tpu.memory_space<vmem>>
      %dma_wait3A_403 = arith.constant 800 : i32
      %dma_wait3A_404 = tpu.memref_slice %arg5[%dma_wait3A_403] : memref<1000xi32, #tpu.memory_space<vmem>> -> memref<40xi32, #tpu.memory_space<vmem>>
      %dma_wait3A_405 = arith.constant 0 : i32
      %dma_wait3A_406 = arith.constant 0 : i32
      %dma_wait3A_407 = tpu.memref_slice %arg2[%dma_wait3A_405, %dma_wait3A_406] : memref<100000x16xf32, #tpu.memory_space<hbm>> -> memref<100000x16xf32, #tpu.memory_space<hbm>>
      tpu.wait_indirect_dma semaphore(%arg10 : memref<!tpu.dma_semaphore, #tpu.memory_space<semaphore_mem>>) src(%dma_wait3A_407 : memref<100000x16xf32, #tpu.memory_space<hbm>>) dst(%dma_wait3A_402 : memref<40x16xf32, #tpu.memory_space<vmem>>)
      %dma_wait3A_408 = arith.constant 840 : i32
      %dma_wait3A_409 = arith.constant 0 : i32
      %dma_wait3A_410 = tpu.memref_slice %arg7[%dma_wait3A_408, %dma_wait3A_409] : memref<1000x16xf32, #tpu.memory_space<vmem>> -> memref<40x16xf32, #tpu.memory_space<vmem>>
      %dma_wait3A_411 = arith.constant 840 : i32
      %dma_wait3A_412 = tpu.memref_slice %arg5[%dma_wait3A_411] : memref<1000xi32, #tpu.memory_space<vmem>> -> memref<40xi32, #tpu.memory_space<vmem>>
      %dma_wait3A_413 = arith.constant 0 : i32
      %dma_wait3A_414 = arith.constant 0 : i32
      %dma_wait3A_415 = tpu.memref_slice %arg2[%dma_wait3A_413, %dma_wait3A_414] : memref<100000x16xf32, #tpu.memory_space<hbm>> -> memref<100000x16xf32, #tpu.memory_space<hbm>>
      tpu.wait_indirect_dma semaphore(%arg10 : memref<!tpu.dma_semaphore, #tpu.memory_space<semaphore_mem>>) src(%dma_wait3A_415 : memref<100000x16xf32, #tpu.memory_space<hbm>>) dst(%dma_wait3A_410 : memref<40x16xf32, #tpu.memory_space<vmem>>)
      %dma_wait3A_416 = arith.constant 880 : i32
      %dma_wait3A_417 = arith.constant 0 : i32
      %dma_wait3A_418 = tpu.memref_slice %arg7[%dma_wait3A_416, %dma_wait3A_417] : memref<1000x16xf32, #tpu.memory_space<vmem>> -> memref<40x16xf32, #tpu.memory_space<vmem>>
      %dma_wait3A_419 = arith.constant 880 : i32
      %dma_wait3A_420 = tpu.memref_slice %arg5[%dma_wait3A_419] : memref<1000xi32, #tpu.memory_space<vmem>> -> memref<40xi32, #tpu.memory_space<vmem>>
      %dma_wait3A_421 = arith.constant 0 : i32
      %dma_wait3A_422 = arith.constant 0 : i32
      %dma_wait3A_423 = tpu.memref_slice %arg2[%dma_wait3A_421, %dma_wait3A_422] : memref<100000x16xf32, #tpu.memory_space<hbm>> -> memref<100000x16xf32, #tpu.memory_space<hbm>>
      tpu.wait_indirect_dma semaphore(%arg10 : memref<!tpu.dma_semaphore, #tpu.memory_space<semaphore_mem>>) src(%dma_wait3A_423 : memref<100000x16xf32, #tpu.memory_space<hbm>>) dst(%dma_wait3A_418 : memref<40x16xf32, #tpu.memory_space<vmem>>)
      %dma_wait3A_424 = arith.constant 920 : i32
      %dma_wait3A_425 = arith.constant 0 : i32
      %dma_wait3A_426 = tpu.memref_slice %arg7[%dma_wait3A_424, %dma_wait3A_425] : memref<1000x16xf32, #tpu.memory_space<vmem>> -> memref<40x16xf32, #tpu.memory_space<vmem>>
      %dma_wait3A_427 = arith.constant 920 : i32
      %dma_wait3A_428 = tpu.memref_slice %arg5[%dma_wait3A_427] : memref<1000xi32, #tpu.memory_space<vmem>> -> memref<40xi32, #tpu.memory_space<vmem>>
      %dma_wait3A_429 = arith.constant 0 : i32
      %dma_wait3A_430 = arith.constant 0 : i32
      %dma_wait3A_431 = tpu.memref_slice %arg2[%dma_wait3A_429, %dma_wait3A_430] : memref<100000x16xf32, #tpu.memory_space<hbm>> -> memref<100000x16xf32, #tpu.memory_space<hbm>>
      tpu.wait_indirect_dma semaphore(%arg10 : memref<!tpu.dma_semaphore, #tpu.memory_space<semaphore_mem>>) src(%dma_wait3A_431 : memref<100000x16xf32, #tpu.memory_space<hbm>>) dst(%dma_wait3A_426 : memref<40x16xf32, #tpu.memory_space<vmem>>)
      %dma_wait3A_432 = arith.constant 960 : i32
      %dma_wait3A_433 = arith.constant 0 : i32
      %dma_wait3A_434 = tpu.memref_slice %arg7[%dma_wait3A_432, %dma_wait3A_433] : memref<1000x16xf32, #tpu.memory_space<vmem>> -> memref<40x16xf32, #tpu.memory_space<vmem>>
      %dma_wait3A_435 = arith.constant 960 : i32
      %dma_wait3A_436 = tpu.memref_slice %arg5[%dma_wait3A_435] : memref<1000xi32, #tpu.memory_space<vmem>> -> memref<40xi32, #tpu.memory_space<vmem>>
      %dma_wait3A_437 = arith.constant 0 : i32
      %dma_wait3A_438 = arith.constant 0 : i32
      %dma_wait3A_439 = tpu.memref_slice %arg2[%dma_wait3A_437, %dma_wait3A_438] : memref<100000x16xf32, #tpu.memory_space<hbm>> -> memref<100000x16xf32, #tpu.memory_space<hbm>>
      tpu.wait_indirect_dma semaphore(%arg10 : memref<!tpu.dma_semaphore, #tpu.memory_space<semaphore_mem>>) src(%dma_wait3A_439 : memref<100000x16xf32, #tpu.memory_space<hbm>>) dst(%dma_wait3A_434 : memref<40x16xf32, #tpu.memory_space<vmem>>)
      %mul3A_440 = arith.constant 1000 : i32
      %mul3A_441 = arith.muli %add3A_27, %mul3A_440 : i32
      %dma_start3A_442 = arith.constant 0 : i32
      %dma_start3A_443 = tpu.memref_slice %arg4[%mul3A_441, %dma_start3A_442] : memref<1600000x16xf32, #tpu.memory_space<hbm>> -> memref<1000x16xf32, #tpu.memory_space<hbm>>
      %dma_start3A_444 = arith.constant 0 : i32
      %dma_start3A_445 = tpu.memref_slice %arg4[%mul3A_441, %dma_start3A_444] : memref<1600000x16xf32, #tpu.memory_space<hbm>> -> memref<1000x16xf32, #tpu.memory_space<hbm>>
      tpu.enqueue_dma source(%arg7 : memref<1000x16xf32, #tpu.memory_space<vmem>>) target(%dma_start3A_445 : memref<1000x16xf32, #tpu.memory_space<hbm>>) target_semaphore(%arg11 : memref<!tpu.dma_semaphore, #tpu.memory_space<semaphore_mem>>)
      %mul3A_446 = arith.constant 2 : i32
      %mul3A_447 = arith.muli %scan3A_22, %mul3A_446 : i32
      %add3A_448 = arith.constant 1 : i32
      %add3A_449 = arith.addi %mul3A_447, %add3A_448 : i32
      %add3A_450 = arith.addi %mul3A_2, %add3A_449 : i32
      %dma_wait3A_451 = arith.constant 0 : i32
      %dma_wait3A_452 = tpu.memref_slice %arg3[%dma_wait3A_451] : memref<1600000xi32, #tpu.memory_space<hbm>> -> memref<1000xi32, #tpu.memory_space<hbm>>
      %dma_wait3A_453 = arith.constant 0 : i32
      %dma_wait3A_454 = tpu.memref_slice %arg3[%dma_wait3A_453] : memref<1600000xi32, #tpu.memory_space<hbm>> -> memref<1000xi32, #tpu.memory_space<hbm>>
      tpu.wait_dma2 semaphore(%arg9 : memref<!tpu.dma_semaphore, #tpu.memory_space<semaphore_mem>>) src(%dma_wait3A_454 : memref<1000xi32, #tpu.memory_space<hbm>>) dst(%arg6 : memref<1000xi32, #tpu.memory_space<vmem>>)
      %add3A_455 = arith.constant 1 : i32
      %add3A_456 = arith.addi %add3A_449, %add3A_455 : i32
      %lt3A_457 = arith.constant 50 : i32
      %lt3A_458 = arith.cmpi slt, %add3A_456, %lt3A_457 : i32
      %convert_element_type3A_459 = arith.extui %lt3A_458 : i1 to i32
      %cond3A_460 = arith.constant 0 : i32
      %cond3A_461 = arith.cmpi ne, %convert_element_type3A_459, %cond3A_460 : i32
      scf.if %cond3A_461 {
        %add3A_873 = arith.constant 1 : i32
        %add3A_874 = arith.addi %add3A_450, %add3A_873 : i32
        %mul3A_875 = arith.constant 1000 : i32
        %mul3A_876 = arith.muli %add3A_874, %mul3A_875 : i32
        %dma_start3A_877 = tpu.memref_slice %arg3[%mul3A_876] : memref<1600000xi32, #tpu.memory_space<hbm>> -> memref<1000xi32, #tpu.memory_space<hbm>>
        %dma_start3A_878 = tpu.memref_slice %arg3[%mul3A_876] : memref<1600000xi32, #tpu.memory_space<hbm>> -> memref<1000xi32, #tpu.memory_space<hbm>>
        tpu.enqueue_dma source(%dma_start3A_878 : memref<1000xi32, #tpu.memory_space<hbm>>) target(%arg5 : memref<1000xi32, #tpu.memory_space<vmem>>) target_semaphore(%arg9 : memref<!tpu.dma_semaphore, #tpu.memory_space<semaphore_mem>>)
      } else {
      }
      %ge3A_462 = arith.constant 2 : i32
      %ge3A_463 = arith.cmpi sge, %add3A_449, %ge3A_462 : i32
      %convert_element_type3A_464 = arith.extui %ge3A_463 : i1 to i32
      %cond3A_465 = arith.constant 0 : i32
      %cond3A_466 = arith.cmpi ne, %convert_element_type3A_464, %cond3A_465 : i32
      scf.if %cond3A_466 {
        %dma_wait3A_873 = arith.constant 0 : i32
        %dma_wait3A_874 = arith.constant 0 : i32
        %dma_wait3A_875 = tpu.memref_slice %arg4[%dma_wait3A_873, %dma_wait3A_874] : memref<1600000x16xf32, #tpu.memory_space<hbm>> -> memref<1000x16xf32, #tpu.memory_space<hbm>>
        %dma_wait3A_876 = arith.constant 0 : i32
        %dma_wait3A_877 = arith.constant 0 : i32
        %dma_wait3A_878 = tpu.memref_slice %arg4[%dma_wait3A_876, %dma_wait3A_877] : memref<1600000x16xf32, #tpu.memory_space<hbm>> -> memref<1000x16xf32, #tpu.memory_space<hbm>>
        tpu.wait_dma2 semaphore(%arg11 : memref<!tpu.dma_semaphore, #tpu.memory_space<semaphore_mem>>) src(%dma_wait3A_878 : memref<1000x16xf32, #tpu.memory_space<hbm>>) dst(%arg8 : memref<1000x16xf32, #tpu.memory_space<vmem>>)
      } else {
      }
      %dma_start3A_467 = arith.constant 0 : i32
      %dma_start3A_468 = arith.constant 0 : i32
      %dma_start3A_469 = tpu.memref_slice %arg8[%dma_start3A_467, %dma_start3A_468] : memref<1000x16xf32, #tpu.memory_space<vmem>> -> memref<40x16xf32, #tpu.memory_space<vmem>>
      %dma_start3A_470 = arith.constant 0 : i32
      %dma_start3A_471 = tpu.memref_slice %arg6[%dma_start3A_470] : memref<1000xi32, #tpu.memory_space<vmem>> -> memref<40xi32, #tpu.memory_space<vmem>>
      %dma_start3A_472 = arith.constant 0 : i32
      %dma_start3A_473 = arith.constant 0 : i32
      %dma_start3A_474 = tpu.memref_slice %arg2[%dma_start3A_472, %dma_start3A_473] : memref<100000x16xf32, #tpu.memory_space<hbm>> -> memref<100000x16xf32, #tpu.memory_space<hbm>>
      tpu.enqueue_indirect_dma source(%dma_start3A_474 : memref<100000x16xf32, #tpu.memory_space<hbm>>) target(%dma_start3A_469 : memref<40x16xf32, #tpu.memory_space<vmem>>) offsets(%dma_start3A_471 : memref<40xi32, #tpu.memory_space<vmem>>) semaphore(%arg10 : memref<!tpu.dma_semaphore, #tpu.memory_space<semaphore_mem>>)
      %dma_start3A_475 = arith.constant 40 : i32
      %dma_start3A_476 = arith.constant 0 : i32
      %dma_start3A_477 = tpu.memref_slice %arg8[%dma_start3A_475, %dma_start3A_476] : memref<1000x16xf32, #tpu.memory_space<vmem>> -> memref<40x16xf32, #tpu.memory_space<vmem>>
      %dma_start3A_478 = arith.constant 40 : i32
      %dma_start3A_479 = tpu.memref_slice %arg6[%dma_start3A_478] : memref<1000xi32, #tpu.memory_space<vmem>> -> memref<40xi32, #tpu.memory_space<vmem>>
      %dma_start3A_480 = arith.constant 0 : i32
      %dma_start3A_481 = arith.constant 0 : i32
      %dma_start3A_482 = tpu.memref_slice %arg2[%dma_start3A_480, %dma_start3A_481] : memref<100000x16xf32, #tpu.memory_space<hbm>> -> memref<100000x16xf32, #tpu.memory_space<hbm>>
      tpu.enqueue_indirect_dma source(%dma_start3A_482 : memref<100000x16xf32, #tpu.memory_space<hbm>>) target(%dma_start3A_477 : memref<40x16xf32, #tpu.memory_space<vmem>>) offsets(%dma_start3A_479 : memref<40xi32, #tpu.memory_space<vmem>>) semaphore(%arg10 : memref<!tpu.dma_semaphore, #tpu.memory_space<semaphore_mem>>)
      %dma_start3A_483 = arith.constant 80 : i32
      %dma_start3A_484 = arith.constant 0 : i32
      %dma_start3A_485 = tpu.memref_slice %arg8[%dma_start3A_483, %dma_start3A_484] : memref<1000x16xf32, #tpu.memory_space<vmem>> -> memref<40x16xf32, #tpu.memory_space<vmem>>
      %dma_start3A_486 = arith.constant 80 : i32
      %dma_start3A_487 = tpu.memref_slice %arg6[%dma_start3A_486] : memref<1000xi32, #tpu.memory_space<vmem>> -> memref<40xi32, #tpu.memory_space<vmem>>
      %dma_start3A_488 = arith.constant 0 : i32
      %dma_start3A_489 = arith.constant 0 : i32
      %dma_start3A_490 = tpu.memref_slice %arg2[%dma_start3A_488, %dma_start3A_489] : memref<100000x16xf32, #tpu.memory_space<hbm>> -> memref<100000x16xf32, #tpu.memory_space<hbm>>
      tpu.enqueue_indirect_dma source(%dma_start3A_490 : memref<100000x16xf32, #tpu.memory_space<hbm>>) target(%dma_start3A_485 : memref<40x16xf32, #tpu.memory_space<vmem>>) offsets(%dma_start3A_487 : memref<40xi32, #tpu.memory_space<vmem>>) semaphore(%arg10 : memref<!tpu.dma_semaphore, #tpu.memory_space<semaphore_mem>>)
      %dma_start3A_491 = arith.constant 120 : i32
      %dma_start3A_492 = arith.constant 0 : i32
      %dma_start3A_493 = tpu.memref_slice %arg8[%dma_start3A_491, %dma_start3A_492] : memref<1000x16xf32, #tpu.memory_space<vmem>> -> memref<40x16xf32, #tpu.memory_space<vmem>>
      %dma_start3A_494 = arith.constant 120 : i32
      %dma_start3A_495 = tpu.memref_slice %arg6[%dma_start3A_494] : memref<1000xi32, #tpu.memory_space<vmem>> -> memref<40xi32, #tpu.memory_space<vmem>>
      %dma_start3A_496 = arith.constant 0 : i32
      %dma_start3A_497 = arith.constant 0 : i32
      %dma_start3A_498 = tpu.memref_slice %arg2[%dma_start3A_496, %dma_start3A_497] : memref<100000x16xf32, #tpu.memory_space<hbm>> -> memref<100000x16xf32, #tpu.memory_space<hbm>>
      tpu.enqueue_indirect_dma source(%dma_start3A_498 : memref<100000x16xf32, #tpu.memory_space<hbm>>) target(%dma_start3A_493 : memref<40x16xf32, #tpu.memory_space<vmem>>) offsets(%dma_start3A_495 : memref<40xi32, #tpu.memory_space<vmem>>) semaphore(%arg10 : memref<!tpu.dma_semaphore, #tpu.memory_space<semaphore_mem>>)
      %dma_start3A_499 = arith.constant 160 : i32
      %dma_start3A_500 = arith.constant 0 : i32
      %dma_start3A_501 = tpu.memref_slice %arg8[%dma_start3A_499, %dma_start3A_500] : memref<1000x16xf32, #tpu.memory_space<vmem>> -> memref<40x16xf32, #tpu.memory_space<vmem>>
      %dma_start3A_502 = arith.constant 160 : i32
      %dma_start3A_503 = tpu.memref_slice %arg6[%dma_start3A_502] : memref<1000xi32, #tpu.memory_space<vmem>> -> memref<40xi32, #tpu.memory_space<vmem>>
      %dma_start3A_504 = arith.constant 0 : i32
      %dma_start3A_505 = arith.constant 0 : i32
      %dma_start3A_506 = tpu.memref_slice %arg2[%dma_start3A_504, %dma_start3A_505] : memref<100000x16xf32, #tpu.memory_space<hbm>> -> memref<100000x16xf32, #tpu.memory_space<hbm>>
      tpu.enqueue_indirect_dma source(%dma_start3A_506 : memref<100000x16xf32, #tpu.memory_space<hbm>>) target(%dma_start3A_501 : memref<40x16xf32, #tpu.memory_space<vmem>>) offsets(%dma_start3A_503 : memref<40xi32, #tpu.memory_space<vmem>>) semaphore(%arg10 : memref<!tpu.dma_semaphore, #tpu.memory_space<semaphore_mem>>)
      %dma_start3A_507 = arith.constant 200 : i32
      %dma_start3A_508 = arith.constant 0 : i32
      %dma_start3A_509 = tpu.memref_slice %arg8[%dma_start3A_507, %dma_start3A_508] : memref<1000x16xf32, #tpu.memory_space<vmem>> -> memref<40x16xf32, #tpu.memory_space<vmem>>
      %dma_start3A_510 = arith.constant 200 : i32
      %dma_start3A_511 = tpu.memref_slice %arg6[%dma_start3A_510] : memref<1000xi32, #tpu.memory_space<vmem>> -> memref<40xi32, #tpu.memory_space<vmem>>
      %dma_start3A_512 = arith.constant 0 : i32
      %dma_start3A_513 = arith.constant 0 : i32
      %dma_start3A_514 = tpu.memref_slice %arg2[%dma_start3A_512, %dma_start3A_513] : memref<100000x16xf32, #tpu.memory_space<hbm>> -> memref<100000x16xf32, #tpu.memory_space<hbm>>
      tpu.enqueue_indirect_dma source(%dma_start3A_514 : memref<100000x16xf32, #tpu.memory_space<hbm>>) target(%dma_start3A_509 : memref<40x16xf32, #tpu.memory_space<vmem>>) offsets(%dma_start3A_511 : memref<40xi32, #tpu.memory_space<vmem>>) semaphore(%arg10 : memref<!tpu.dma_semaphore, #tpu.memory_space<semaphore_mem>>)
      %dma_start3A_515 = arith.constant 240 : i32
      %dma_start3A_516 = arith.constant 0 : i32
      %dma_start3A_517 = tpu.memref_slice %arg8[%dma_start3A_515, %dma_start3A_516] : memref<1000x16xf32, #tpu.memory_space<vmem>> -> memref<40x16xf32, #tpu.memory_space<vmem>>
      %dma_start3A_518 = arith.constant 240 : i32
      %dma_start3A_519 = tpu.memref_slice %arg6[%dma_start3A_518] : memref<1000xi32, #tpu.memory_space<vmem>> -> memref<40xi32, #tpu.memory_space<vmem>>
      %dma_start3A_520 = arith.constant 0 : i32
      %dma_start3A_521 = arith.constant 0 : i32
      %dma_start3A_522 = tpu.memref_slice %arg2[%dma_start3A_520, %dma_start3A_521] : memref<100000x16xf32, #tpu.memory_space<hbm>> -> memref<100000x16xf32, #tpu.memory_space<hbm>>
      tpu.enqueue_indirect_dma source(%dma_start3A_522 : memref<100000x16xf32, #tpu.memory_space<hbm>>) target(%dma_start3A_517 : memref<40x16xf32, #tpu.memory_space<vmem>>) offsets(%dma_start3A_519 : memref<40xi32, #tpu.memory_space<vmem>>) semaphore(%arg10 : memref<!tpu.dma_semaphore, #tpu.memory_space<semaphore_mem>>)
      %dma_start3A_523 = arith.constant 280 : i32
      %dma_start3A_524 = arith.constant 0 : i32
      %dma_start3A_525 = tpu.memref_slice %arg8[%dma_start3A_523, %dma_start3A_524] : memref<1000x16xf32, #tpu.memory_space<vmem>> -> memref<40x16xf32, #tpu.memory_space<vmem>>
      %dma_start3A_526 = arith.constant 280 : i32
      %dma_start3A_527 = tpu.memref_slice %arg6[%dma_start3A_526] : memref<1000xi32, #tpu.memory_space<vmem>> -> memref<40xi32, #tpu.memory_space<vmem>>
      %dma_start3A_528 = arith.constant 0 : i32
      %dma_start3A_529 = arith.constant 0 : i32
      %dma_start3A_530 = tpu.memref_slice %arg2[%dma_start3A_528, %dma_start3A_529] : memref<100000x16xf32, #tpu.memory_space<hbm>> -> memref<100000x16xf32, #tpu.memory_space<hbm>>
      tpu.enqueue_indirect_dma source(%dma_start3A_530 : memref<100000x16xf32, #tpu.memory_space<hbm>>) target(%dma_start3A_525 : memref<40x16xf32, #tpu.memory_space<vmem>>) offsets(%dma_start3A_527 : memref<40xi32, #tpu.memory_space<vmem>>) semaphore(%arg10 : memref<!tpu.dma_semaphore, #tpu.memory_space<semaphore_mem>>)
      %dma_start3A_531 = arith.constant 320 : i32
      %dma_start3A_532 = arith.constant 0 : i32
      %dma_start3A_533 = tpu.memref_slice %arg8[%dma_start3A_531, %dma_start3A_532] : memref<1000x16xf32, #tpu.memory_space<vmem>> -> memref<40x16xf32, #tpu.memory_space<vmem>>
      %dma_start3A_534 = arith.constant 320 : i32
      %dma_start3A_535 = tpu.memref_slice %arg6[%dma_start3A_534] : memref<1000xi32, #tpu.memory_space<vmem>> -> memref<40xi32, #tpu.memory_space<vmem>>
      %dma_start3A_536 = arith.constant 0 : i32
      %dma_start3A_537 = arith.constant 0 : i32
      %dma_start3A_538 = tpu.memref_slice %arg2[%dma_start3A_536, %dma_start3A_537] : memref<100000x16xf32, #tpu.memory_space<hbm>> -> memref<100000x16xf32, #tpu.memory_space<hbm>>
      tpu.enqueue_indirect_dma source(%dma_start3A_538 : memref<100000x16xf32, #tpu.memory_space<hbm>>) target(%dma_start3A_533 : memref<40x16xf32, #tpu.memory_space<vmem>>) offsets(%dma_start3A_535 : memref<40xi32, #tpu.memory_space<vmem>>) semaphore(%arg10 : memref<!tpu.dma_semaphore, #tpu.memory_space<semaphore_mem>>)
      %dma_start3A_539 = arith.constant 360 : i32
      %dma_start3A_540 = arith.constant 0 : i32
      %dma_start3A_541 = tpu.memref_slice %arg8[%dma_start3A_539, %dma_start3A_540] : memref<1000x16xf32, #tpu.memory_space<vmem>> -> memref<40x16xf32, #tpu.memory_space<vmem>>
      %dma_start3A_542 = arith.constant 360 : i32
      %dma_start3A_543 = tpu.memref_slice %arg6[%dma_start3A_542] : memref<1000xi32, #tpu.memory_space<vmem>> -> memref<40xi32, #tpu.memory_space<vmem>>
      %dma_start3A_544 = arith.constant 0 : i32
      %dma_start3A_545 = arith.constant 0 : i32
      %dma_start3A_546 = tpu.memref_slice %arg2[%dma_start3A_544, %dma_start3A_545] : memref<100000x16xf32, #tpu.memory_space<hbm>> -> memref<100000x16xf32, #tpu.memory_space<hbm>>
      tpu.enqueue_indirect_dma source(%dma_start3A_546 : memref<100000x16xf32, #tpu.memory_space<hbm>>) target(%dma_start3A_541 : memref<40x16xf32, #tpu.memory_space<vmem>>) offsets(%dma_start3A_543 : memref<40xi32, #tpu.memory_space<vmem>>) semaphore(%arg10 : memref<!tpu.dma_semaphore, #tpu.memory_space<semaphore_mem>>)
      %dma_start3A_547 = arith.constant 400 : i32
      %dma_start3A_548 = arith.constant 0 : i32
      %dma_start3A_549 = tpu.memref_slice %arg8[%dma_start3A_547, %dma_start3A_548] : memref<1000x16xf32, #tpu.memory_space<vmem>> -> memref<40x16xf32, #tpu.memory_space<vmem>>
      %dma_start3A_550 = arith.constant 400 : i32
      %dma_start3A_551 = tpu.memref_slice %arg6[%dma_start3A_550] : memref<1000xi32, #tpu.memory_space<vmem>> -> memref<40xi32, #tpu.memory_space<vmem>>
      %dma_start3A_552 = arith.constant 0 : i32
      %dma_start3A_553 = arith.constant 0 : i32
      %dma_start3A_554 = tpu.memref_slice %arg2[%dma_start3A_552, %dma_start3A_553] : memref<100000x16xf32, #tpu.memory_space<hbm>> -> memref<100000x16xf32, #tpu.memory_space<hbm>>
      tpu.enqueue_indirect_dma source(%dma_start3A_554 : memref<100000x16xf32, #tpu.memory_space<hbm>>) target(%dma_start3A_549 : memref<40x16xf32, #tpu.memory_space<vmem>>) offsets(%dma_start3A_551 : memref<40xi32, #tpu.memory_space<vmem>>) semaphore(%arg10 : memref<!tpu.dma_semaphore, #tpu.memory_space<semaphore_mem>>)
      %dma_start3A_555 = arith.constant 440 : i32
      %dma_start3A_556 = arith.constant 0 : i32
      %dma_start3A_557 = tpu.memref_slice %arg8[%dma_start3A_555, %dma_start3A_556] : memref<1000x16xf32, #tpu.memory_space<vmem>> -> memref<40x16xf32, #tpu.memory_space<vmem>>
      %dma_start3A_558 = arith.constant 440 : i32
      %dma_start3A_559 = tpu.memref_slice %arg6[%dma_start3A_558] : memref<1000xi32, #tpu.memory_space<vmem>> -> memref<40xi32, #tpu.memory_space<vmem>>
      %dma_start3A_560 = arith.constant 0 : i32
      %dma_start3A_561 = arith.constant 0 : i32
      %dma_start3A_562 = tpu.memref_slice %arg2[%dma_start3A_560, %dma_start3A_561] : memref<100000x16xf32, #tpu.memory_space<hbm>> -> memref<100000x16xf32, #tpu.memory_space<hbm>>
      tpu.enqueue_indirect_dma source(%dma_start3A_562 : memref<100000x16xf32, #tpu.memory_space<hbm>>) target(%dma_start3A_557 : memref<40x16xf32, #tpu.memory_space<vmem>>) offsets(%dma_start3A_559 : memref<40xi32, #tpu.memory_space<vmem>>) semaphore(%arg10 : memref<!tpu.dma_semaphore, #tpu.memory_space<semaphore_mem>>)
      %dma_start3A_563 = arith.constant 480 : i32
      %dma_start3A_564 = arith.constant 0 : i32
      %dma_start3A_565 = tpu.memref_slice %arg8[%dma_start3A_563, %dma_start3A_564] : memref<1000x16xf32, #tpu.memory_space<vmem>> -> memref<40x16xf32, #tpu.memory_space<vmem>>
      %dma_start3A_566 = arith.constant 480 : i32
      %dma_start3A_567 = tpu.memref_slice %arg6[%dma_start3A_566] : memref<1000xi32, #tpu.memory_space<vmem>> -> memref<40xi32, #tpu.memory_space<vmem>>
      %dma_start3A_568 = arith.constant 0 : i32
      %dma_start3A_569 = arith.constant 0 : i32
      %dma_start3A_570 = tpu.memref_slice %arg2[%dma_start3A_568, %dma_start3A_569] : memref<100000x16xf32, #tpu.memory_space<hbm>> -> memref<100000x16xf32, #tpu.memory_space<hbm>>
      tpu.enqueue_indirect_dma source(%dma_start3A_570 : memref<100000x16xf32, #tpu.memory_space<hbm>>) target(%dma_start3A_565 : memref<40x16xf32, #tpu.memory_space<vmem>>) offsets(%dma_start3A_567 : memref<40xi32, #tpu.memory_space<vmem>>) semaphore(%arg10 : memref<!tpu.dma_semaphore, #tpu.memory_space<semaphore_mem>>)
      %dma_start3A_571 = arith.constant 520 : i32
      %dma_start3A_572 = arith.constant 0 : i32
      %dma_start3A_573 = tpu.memref_slice %arg8[%dma_start3A_571, %dma_start3A_572] : memref<1000x16xf32, #tpu.memory_space<vmem>> -> memref<40x16xf32, #tpu.memory_space<vmem>>
      %dma_start3A_574 = arith.constant 520 : i32
      %dma_start3A_575 = tpu.memref_slice %arg6[%dma_start3A_574] : memref<1000xi32, #tpu.memory_space<vmem>> -> memref<40xi32, #tpu.memory_space<vmem>>
      %dma_start3A_576 = arith.constant 0 : i32
      %dma_start3A_577 = arith.constant 0 : i32
      %dma_start3A_578 = tpu.memref_slice %arg2[%dma_start3A_576, %dma_start3A_577] : memref<100000x16xf32, #tpu.memory_space<hbm>> -> memref<100000x16xf32, #tpu.memory_space<hbm>>
      tpu.enqueue_indirect_dma source(%dma_start3A_578 : memref<100000x16xf32, #tpu.memory_space<hbm>>) target(%dma_start3A_573 : memref<40x16xf32, #tpu.memory_space<vmem>>) offsets(%dma_start3A_575 : memref<40xi32, #tpu.memory_space<vmem>>) semaphore(%arg10 : memref<!tpu.dma_semaphore, #tpu.memory_space<semaphore_mem>>)
      %dma_start3A_579 = arith.constant 560 : i32
      %dma_start3A_580 = arith.constant 0 : i32
      %dma_start3A_581 = tpu.memref_slice %arg8[%dma_start3A_579, %dma_start3A_580] : memref<1000x16xf32, #tpu.memory_space<vmem>> -> memref<40x16xf32, #tpu.memory_space<vmem>>
      %dma_start3A_582 = arith.constant 560 : i32
      %dma_start3A_583 = tpu.memref_slice %arg6[%dma_start3A_582] : memref<1000xi32, #tpu.memory_space<vmem>> -> memref<40xi32, #tpu.memory_space<vmem>>
      %dma_start3A_584 = arith.constant 0 : i32
      %dma_start3A_585 = arith.constant 0 : i32
      %dma_start3A_586 = tpu.memref_slice %arg2[%dma_start3A_584, %dma_start3A_585] : memref<100000x16xf32, #tpu.memory_space<hbm>> -> memref<100000x16xf32, #tpu.memory_space<hbm>>
      tpu.enqueue_indirect_dma source(%dma_start3A_586 : memref<100000x16xf32, #tpu.memory_space<hbm>>) target(%dma_start3A_581 : memref<40x16xf32, #tpu.memory_space<vmem>>) offsets(%dma_start3A_583 : memref<40xi32, #tpu.memory_space<vmem>>) semaphore(%arg10 : memref<!tpu.dma_semaphore, #tpu.memory_space<semaphore_mem>>)
      %dma_start3A_587 = arith.constant 600 : i32
      %dma_start3A_588 = arith.constant 0 : i32
      %dma_start3A_589 = tpu.memref_slice %arg8[%dma_start3A_587, %dma_start3A_588] : memref<1000x16xf32, #tpu.memory_space<vmem>> -> memref<40x16xf32, #tpu.memory_space<vmem>>
      %dma_start3A_590 = arith.constant 600 : i32
      %dma_start3A_591 = tpu.memref_slice %arg6[%dma_start3A_590] : memref<1000xi32, #tpu.memory_space<vmem>> -> memref<40xi32, #tpu.memory_space<vmem>>
      %dma_start3A_592 = arith.constant 0 : i32
      %dma_start3A_593 = arith.constant 0 : i32
      %dma_start3A_594 = tpu.memref_slice %arg2[%dma_start3A_592, %dma_start3A_593] : memref<100000x16xf32, #tpu.memory_space<hbm>> -> memref<100000x16xf32, #tpu.memory_space<hbm>>
      tpu.enqueue_indirect_dma source(%dma_start3A_594 : memref<100000x16xf32, #tpu.memory_space<hbm>>) target(%dma_start3A_589 : memref<40x16xf32, #tpu.memory_space<vmem>>) offsets(%dma_start3A_591 : memref<40xi32, #tpu.memory_space<vmem>>) semaphore(%arg10 : memref<!tpu.dma_semaphore, #tpu.memory_space<semaphore_mem>>)
      %dma_start3A_595 = arith.constant 640 : i32
      %dma_start3A_596 = arith.constant 0 : i32
      %dma_start3A_597 = tpu.memref_slice %arg8[%dma_start3A_595, %dma_start3A_596] : memref<1000x16xf32, #tpu.memory_space<vmem>> -> memref<40x16xf32, #tpu.memory_space<vmem>>
      %dma_start3A_598 = arith.constant 640 : i32
      %dma_start3A_599 = tpu.memref_slice %arg6[%dma_start3A_598] : memref<1000xi32, #tpu.memory_space<vmem>> -> memref<40xi32, #tpu.memory_space<vmem>>
      %dma_start3A_600 = arith.constant 0 : i32
      %dma_start3A_601 = arith.constant 0 : i32
      %dma_start3A_602 = tpu.memref_slice %arg2[%dma_start3A_600, %dma_start3A_601] : memref<100000x16xf32, #tpu.memory_space<hbm>> -> memref<100000x16xf32, #tpu.memory_space<hbm>>
      tpu.enqueue_indirect_dma source(%dma_start3A_602 : memref<100000x16xf32, #tpu.memory_space<hbm>>) target(%dma_start3A_597 : memref<40x16xf32, #tpu.memory_space<vmem>>) offsets(%dma_start3A_599 : memref<40xi32, #tpu.memory_space<vmem>>) semaphore(%arg10 : memref<!tpu.dma_semaphore, #tpu.memory_space<semaphore_mem>>)
      %dma_start3A_603 = arith.constant 680 : i32
      %dma_start3A_604 = arith.constant 0 : i32
      %dma_start3A_605 = tpu.memref_slice %arg8[%dma_start3A_603, %dma_start3A_604] : memref<1000x16xf32, #tpu.memory_space<vmem>> -> memref<40x16xf32, #tpu.memory_space<vmem>>
      %dma_start3A_606 = arith.constant 680 : i32
      %dma_start3A_607 = tpu.memref_slice %arg6[%dma_start3A_606] : memref<1000xi32, #tpu.memory_space<vmem>> -> memref<40xi32, #tpu.memory_space<vmem>>
      %dma_start3A_608 = arith.constant 0 : i32
      %dma_start3A_609 = arith.constant 0 : i32
      %dma_start3A_610 = tpu.memref_slice %arg2[%dma_start3A_608, %dma_start3A_609] : memref<100000x16xf32, #tpu.memory_space<hbm>> -> memref<100000x16xf32, #tpu.memory_space<hbm>>
      tpu.enqueue_indirect_dma source(%dma_start3A_610 : memref<100000x16xf32, #tpu.memory_space<hbm>>) target(%dma_start3A_605 : memref<40x16xf32, #tpu.memory_space<vmem>>) offsets(%dma_start3A_607 : memref<40xi32, #tpu.memory_space<vmem>>) semaphore(%arg10 : memref<!tpu.dma_semaphore, #tpu.memory_space<semaphore_mem>>)
      %dma_start3A_611 = arith.constant 720 : i32
      %dma_start3A_612 = arith.constant 0 : i32
      %dma_start3A_613 = tpu.memref_slice %arg8[%dma_start3A_611, %dma_start3A_612] : memref<1000x16xf32, #tpu.memory_space<vmem>> -> memref<40x16xf32, #tpu.memory_space<vmem>>
      %dma_start3A_614 = arith.constant 720 : i32
      %dma_start3A_615 = tpu.memref_slice %arg6[%dma_start3A_614] : memref<1000xi32, #tpu.memory_space<vmem>> -> memref<40xi32, #tpu.memory_space<vmem>>
      %dma_start3A_616 = arith.constant 0 : i32
      %dma_start3A_617 = arith.constant 0 : i32
      %dma_start3A_618 = tpu.memref_slice %arg2[%dma_start3A_616, %dma_start3A_617] : memref<100000x16xf32, #tpu.memory_space<hbm>> -> memref<100000x16xf32, #tpu.memory_space<hbm>>
      tpu.enqueue_indirect_dma source(%dma_start3A_618 : memref<100000x16xf32, #tpu.memory_space<hbm>>) target(%dma_start3A_613 : memref<40x16xf32, #tpu.memory_space<vmem>>) offsets(%dma_start3A_615 : memref<40xi32, #tpu.memory_space<vmem>>) semaphore(%arg10 : memref<!tpu.dma_semaphore, #tpu.memory_space<semaphore_mem>>)
      %dma_start3A_619 = arith.constant 760 : i32
      %dma_start3A_620 = arith.constant 0 : i32
      %dma_start3A_621 = tpu.memref_slice %arg8[%dma_start3A_619, %dma_start3A_620] : memref<1000x16xf32, #tpu.memory_space<vmem>> -> memref<40x16xf32, #tpu.memory_space<vmem>>
      %dma_start3A_622 = arith.constant 760 : i32
      %dma_start3A_623 = tpu.memref_slice %arg6[%dma_start3A_622] : memref<1000xi32, #tpu.memory_space<vmem>> -> memref<40xi32, #tpu.memory_space<vmem>>
      %dma_start3A_624 = arith.constant 0 : i32
      %dma_start3A_625 = arith.constant 0 : i32
      %dma_start3A_626 = tpu.memref_slice %arg2[%dma_start3A_624, %dma_start3A_625] : memref<100000x16xf32, #tpu.memory_space<hbm>> -> memref<100000x16xf32, #tpu.memory_space<hbm>>
      tpu.enqueue_indirect_dma source(%dma_start3A_626 : memref<100000x16xf32, #tpu.memory_space<hbm>>) target(%dma_start3A_621 : memref<40x16xf32, #tpu.memory_space<vmem>>) offsets(%dma_start3A_623 : memref<40xi32, #tpu.memory_space<vmem>>) semaphore(%arg10 : memref<!tpu.dma_semaphore, #tpu.memory_space<semaphore_mem>>)
      %dma_start3A_627 = arith.constant 800 : i32
      %dma_start3A_628 = arith.constant 0 : i32
      %dma_start3A_629 = tpu.memref_slice %arg8[%dma_start3A_627, %dma_start3A_628] : memref<1000x16xf32, #tpu.memory_space<vmem>> -> memref<40x16xf32, #tpu.memory_space<vmem>>
      %dma_start3A_630 = arith.constant 800 : i32
      %dma_start3A_631 = tpu.memref_slice %arg6[%dma_start3A_630] : memref<1000xi32, #tpu.memory_space<vmem>> -> memref<40xi32, #tpu.memory_space<vmem>>
      %dma_start3A_632 = arith.constant 0 : i32
      %dma_start3A_633 = arith.constant 0 : i32
      %dma_start3A_634 = tpu.memref_slice %arg2[%dma_start3A_632, %dma_start3A_633] : memref<100000x16xf32, #tpu.memory_space<hbm>> -> memref<100000x16xf32, #tpu.memory_space<hbm>>
      tpu.enqueue_indirect_dma source(%dma_start3A_634 : memref<100000x16xf32, #tpu.memory_space<hbm>>) target(%dma_start3A_629 : memref<40x16xf32, #tpu.memory_space<vmem>>) offsets(%dma_start3A_631 : memref<40xi32, #tpu.memory_space<vmem>>) semaphore(%arg10 : memref<!tpu.dma_semaphore, #tpu.memory_space<semaphore_mem>>)
      %dma_start3A_635 = arith.constant 840 : i32
      %dma_start3A_636 = arith.constant 0 : i32
      %dma_start3A_637 = tpu.memref_slice %arg8[%dma_start3A_635, %dma_start3A_636] : memref<1000x16xf32, #tpu.memory_space<vmem>> -> memref<40x16xf32, #tpu.memory_space<vmem>>
      %dma_start3A_638 = arith.constant 840 : i32
      %dma_start3A_639 = tpu.memref_slice %arg6[%dma_start3A_638] : memref<1000xi32, #tpu.memory_space<vmem>> -> memref<40xi32, #tpu.memory_space<vmem>>
      %dma_start3A_640 = arith.constant 0 : i32
      %dma_start3A_641 = arith.constant 0 : i32
      %dma_start3A_642 = tpu.memref_slice %arg2[%dma_start3A_640, %dma_start3A_641] : memref<100000x16xf32, #tpu.memory_space<hbm>> -> memref<100000x16xf32, #tpu.memory_space<hbm>>
      tpu.enqueue_indirect_dma source(%dma_start3A_642 : memref<100000x16xf32, #tpu.memory_space<hbm>>) target(%dma_start3A_637 : memref<40x16xf32, #tpu.memory_space<vmem>>) offsets(%dma_start3A_639 : memref<40xi32, #tpu.memory_space<vmem>>) semaphore(%arg10 : memref<!tpu.dma_semaphore, #tpu.memory_space<semaphore_mem>>)
      %dma_start3A_643 = arith.constant 880 : i32
      %dma_start3A_644 = arith.constant 0 : i32
      %dma_start3A_645 = tpu.memref_slice %arg8[%dma_start3A_643, %dma_start3A_644] : memref<1000x16xf32, #tpu.memory_space<vmem>> -> memref<40x16xf32, #tpu.memory_space<vmem>>
      %dma_start3A_646 = arith.constant 880 : i32
      %dma_start3A_647 = tpu.memref_slice %arg6[%dma_start3A_646] : memref<1000xi32, #tpu.memory_space<vmem>> -> memref<40xi32, #tpu.memory_space<vmem>>
      %dma_start3A_648 = arith.constant 0 : i32
      %dma_start3A_649 = arith.constant 0 : i32
      %dma_start3A_650 = tpu.memref_slice %arg2[%dma_start3A_648, %dma_start3A_649] : memref<100000x16xf32, #tpu.memory_space<hbm>> -> memref<100000x16xf32, #tpu.memory_space<hbm>>
      tpu.enqueue_indirect_dma source(%dma_start3A_650 : memref<100000x16xf32, #tpu.memory_space<hbm>>) target(%dma_start3A_645 : memref<40x16xf32, #tpu.memory_space<vmem>>) offsets(%dma_start3A_647 : memref<40xi32, #tpu.memory_space<vmem>>) semaphore(%arg10 : memref<!tpu.dma_semaphore, #tpu.memory_space<semaphore_mem>>)
      %dma_start3A_651 = arith.constant 920 : i32
      %dma_start3A_652 = arith.constant 0 : i32
      %dma_start3A_653 = tpu.memref_slice %arg8[%dma_start3A_651, %dma_start3A_652] : memref<1000x16xf32, #tpu.memory_space<vmem>> -> memref<40x16xf32, #tpu.memory_space<vmem>>
      %dma_start3A_654 = arith.constant 920 : i32
      %dma_start3A_655 = tpu.memref_slice %arg6[%dma_start3A_654] : memref<1000xi32, #tpu.memory_space<vmem>> -> memref<40xi32, #tpu.memory_space<vmem>>
      %dma_start3A_656 = arith.constant 0 : i32
      %dma_start3A_657 = arith.constant 0 : i32
      %dma_start3A_658 = tpu.memref_slice %arg2[%dma_start3A_656, %dma_start3A_657] : memref<100000x16xf32, #tpu.memory_space<hbm>> -> memref<100000x16xf32, #tpu.memory_space<hbm>>
      tpu.enqueue_indirect_dma source(%dma_start3A_658 : memref<100000x16xf32, #tpu.memory_space<hbm>>) target(%dma_start3A_653 : memref<40x16xf32, #tpu.memory_space<vmem>>) offsets(%dma_start3A_655 : memref<40xi32, #tpu.memory_space<vmem>>) semaphore(%arg10 : memref<!tpu.dma_semaphore, #tpu.memory_space<semaphore_mem>>)
      %dma_start3A_659 = arith.constant 960 : i32
      %dma_start3A_660 = arith.constant 0 : i32
      %dma_start3A_661 = tpu.memref_slice %arg8[%dma_start3A_659, %dma_start3A_660] : memref<1000x16xf32, #tpu.memory_space<vmem>> -> memref<40x16xf32, #tpu.memory_space<vmem>>
      %dma_start3A_662 = arith.constant 960 : i32
      %dma_start3A_663 = tpu.memref_slice %arg6[%dma_start3A_662] : memref<1000xi32, #tpu.memory_space<vmem>> -> memref<40xi32, #tpu.memory_space<vmem>>
      %dma_start3A_664 = arith.constant 0 : i32
      %dma_start3A_665 = arith.constant 0 : i32
      %dma_start3A_666 = tpu.memref_slice %arg2[%dma_start3A_664, %dma_start3A_665] : memref<100000x16xf32, #tpu.memory_space<hbm>> -> memref<100000x16xf32, #tpu.memory_space<hbm>>
      tpu.enqueue_indirect_dma source(%dma_start3A_666 : memref<100000x16xf32, #tpu.memory_space<hbm>>) target(%dma_start3A_661 : memref<40x16xf32, #tpu.memory_space<vmem>>) offsets(%dma_start3A_663 : memref<40xi32, #tpu.memory_space<vmem>>) semaphore(%arg10 : memref<!tpu.dma_semaphore, #tpu.memory_space<semaphore_mem>>)
      %dma_wait3A_667 = arith.constant 0 : i32
      %dma_wait3A_668 = arith.constant 0 : i32
      %dma_wait3A_669 = tpu.memref_slice %arg8[%dma_wait3A_667, %dma_wait3A_668] : memref<1000x16xf32, #tpu.memory_space<vmem>> -> memref<40x16xf32, #tpu.memory_space<vmem>>
      %dma_wait3A_670 = arith.constant 0 : i32
      %dma_wait3A_671 = tpu.memref_slice %arg6[%dma_wait3A_670] : memref<1000xi32, #tpu.memory_space<vmem>> -> memref<40xi32, #tpu.memory_space<vmem>>
      %dma_wait3A_672 = arith.constant 0 : i32
      %dma_wait3A_673 = arith.constant 0 : i32
      %dma_wait3A_674 = tpu.memref_slice %arg2[%dma_wait3A_672, %dma_wait3A_673] : memref<100000x16xf32, #tpu.memory_space<hbm>> -> memref<100000x16xf32, #tpu.memory_space<hbm>>
      tpu.wait_indirect_dma semaphore(%arg10 : memref<!tpu.dma_semaphore, #tpu.memory_space<semaphore_mem>>) src(%dma_wait3A_674 : memref<100000x16xf32, #tpu.memory_space<hbm>>) dst(%dma_wait3A_669 : memref<40x16xf32, #tpu.memory_space<vmem>>)
      %dma_wait3A_675 = arith.constant 40 : i32
      %dma_wait3A_676 = arith.constant 0 : i32
      %dma_wait3A_677 = tpu.memref_slice %arg8[%dma_wait3A_675, %dma_wait3A_676] : memref<1000x16xf32, #tpu.memory_space<vmem>> -> memref<40x16xf32, #tpu.memory_space<vmem>>
      %dma_wait3A_678 = arith.constant 40 : i32
      %dma_wait3A_679 = tpu.memref_slice %arg6[%dma_wait3A_678] : memref<1000xi32, #tpu.memory_space<vmem>> -> memref<40xi32, #tpu.memory_space<vmem>>
      %dma_wait3A_680 = arith.constant 0 : i32
      %dma_wait3A_681 = arith.constant 0 : i32
      %dma_wait3A_682 = tpu.memref_slice %arg2[%dma_wait3A_680, %dma_wait3A_681] : memref<100000x16xf32, #tpu.memory_space<hbm>> -> memref<100000x16xf32, #tpu.memory_space<hbm>>
      tpu.wait_indirect_dma semaphore(%arg10 : memref<!tpu.dma_semaphore, #tpu.memory_space<semaphore_mem>>) src(%dma_wait3A_682 : memref<100000x16xf32, #tpu.memory_space<hbm>>) dst(%dma_wait3A_677 : memref<40x16xf32, #tpu.memory_space<vmem>>)
      %dma_wait3A_683 = arith.constant 80 : i32
      %dma_wait3A_684 = arith.constant 0 : i32
      %dma_wait3A_685 = tpu.memref_slice %arg8[%dma_wait3A_683, %dma_wait3A_684] : memref<1000x16xf32, #tpu.memory_space<vmem>> -> memref<40x16xf32, #tpu.memory_space<vmem>>
      %dma_wait3A_686 = arith.constant 80 : i32
      %dma_wait3A_687 = tpu.memref_slice %arg6[%dma_wait3A_686] : memref<1000xi32, #tpu.memory_space<vmem>> -> memref<40xi32, #tpu.memory_space<vmem>>
      %dma_wait3A_688 = arith.constant 0 : i32
      %dma_wait3A_689 = arith.constant 0 : i32
      %dma_wait3A_690 = tpu.memref_slice %arg2[%dma_wait3A_688, %dma_wait3A_689] : memref<100000x16xf32, #tpu.memory_space<hbm>> -> memref<100000x16xf32, #tpu.memory_space<hbm>>
      tpu.wait_indirect_dma semaphore(%arg10 : memref<!tpu.dma_semaphore, #tpu.memory_space<semaphore_mem>>) src(%dma_wait3A_690 : memref<100000x16xf32, #tpu.memory_space<hbm>>) dst(%dma_wait3A_685 : memref<40x16xf32, #tpu.memory_space<vmem>>)
      %dma_wait3A_691 = arith.constant 120 : i32
      %dma_wait3A_692 = arith.constant 0 : i32
      %dma_wait3A_693 = tpu.memref_slice %arg8[%dma_wait3A_691, %dma_wait3A_692] : memref<1000x16xf32, #tpu.memory_space<vmem>> -> memref<40x16xf32, #tpu.memory_space<vmem>>
      %dma_wait3A_694 = arith.constant 120 : i32
      %dma_wait3A_695 = tpu.memref_slice %arg6[%dma_wait3A_694] : memref<1000xi32, #tpu.memory_space<vmem>> -> memref<40xi32, #tpu.memory_space<vmem>>
      %dma_wait3A_696 = arith.constant 0 : i32
      %dma_wait3A_697 = arith.constant 0 : i32
      %dma_wait3A_698 = tpu.memref_slice %arg2[%dma_wait3A_696, %dma_wait3A_697] : memref<100000x16xf32, #tpu.memory_space<hbm>> -> memref<100000x16xf32, #tpu.memory_space<hbm>>
      tpu.wait_indirect_dma semaphore(%arg10 : memref<!tpu.dma_semaphore, #tpu.memory_space<semaphore_mem>>) src(%dma_wait3A_698 : memref<100000x16xf32, #tpu.memory_space<hbm>>) dst(%dma_wait3A_693 : memref<40x16xf32, #tpu.memory_space<vmem>>)
      %dma_wait3A_699 = arith.constant 160 : i32
      %dma_wait3A_700 = arith.constant 0 : i32
      %dma_wait3A_701 = tpu.memref_slice %arg8[%dma_wait3A_699, %dma_wait3A_700] : memref<1000x16xf32, #tpu.memory_space<vmem>> -> memref<40x16xf32, #tpu.memory_space<vmem>>
      %dma_wait3A_702 = arith.constant 160 : i32
      %dma_wait3A_703 = tpu.memref_slice %arg6[%dma_wait3A_702] : memref<1000xi32, #tpu.memory_space<vmem>> -> memref<40xi32, #tpu.memory_space<vmem>>
      %dma_wait3A_704 = arith.constant 0 : i32
      %dma_wait3A_705 = arith.constant 0 : i32
      %dma_wait3A_706 = tpu.memref_slice %arg2[%dma_wait3A_704, %dma_wait3A_705] : memref<100000x16xf32, #tpu.memory_space<hbm>> -> memref<100000x16xf32, #tpu.memory_space<hbm>>
      tpu.wait_indirect_dma semaphore(%arg10 : memref<!tpu.dma_semaphore, #tpu.memory_space<semaphore_mem>>) src(%dma_wait3A_706 : memref<100000x16xf32, #tpu.memory_space<hbm>>) dst(%dma_wait3A_701 : memref<40x16xf32, #tpu.memory_space<vmem>>)
      %dma_wait3A_707 = arith.constant 200 : i32
      %dma_wait3A_708 = arith.constant 0 : i32
      %dma_wait3A_709 = tpu.memref_slice %arg8[%dma_wait3A_707, %dma_wait3A_708] : memref<1000x16xf32, #tpu.memory_space<vmem>> -> memref<40x16xf32, #tpu.memory_space<vmem>>
      %dma_wait3A_710 = arith.constant 200 : i32
      %dma_wait3A_711 = tpu.memref_slice %arg6[%dma_wait3A_710] : memref<1000xi32, #tpu.memory_space<vmem>> -> memref<40xi32, #tpu.memory_space<vmem>>
      %dma_wait3A_712 = arith.constant 0 : i32
      %dma_wait3A_713 = arith.constant 0 : i32
      %dma_wait3A_714 = tpu.memref_slice %arg2[%dma_wait3A_712, %dma_wait3A_713] : memref<100000x16xf32, #tpu.memory_space<hbm>> -> memref<100000x16xf32, #tpu.memory_space<hbm>>
      tpu.wait_indirect_dma semaphore(%arg10 : memref<!tpu.dma_semaphore, #tpu.memory_space<semaphore_mem>>) src(%dma_wait3A_714 : memref<100000x16xf32, #tpu.memory_space<hbm>>) dst(%dma_wait3A_709 : memref<40x16xf32, #tpu.memory_space<vmem>>)
      %dma_wait3A_715 = arith.constant 240 : i32
      %dma_wait3A_716 = arith.constant 0 : i32
      %dma_wait3A_717 = tpu.memref_slice %arg8[%dma_wait3A_715, %dma_wait3A_716] : memref<1000x16xf32, #tpu.memory_space<vmem>> -> memref<40x16xf32, #tpu.memory_space<vmem>>
      %dma_wait3A_718 = arith.constant 240 : i32
      %dma_wait3A_719 = tpu.memref_slice %arg6[%dma_wait3A_718] : memref<1000xi32, #tpu.memory_space<vmem>> -> memref<40xi32, #tpu.memory_space<vmem>>
      %dma_wait3A_720 = arith.constant 0 : i32
      %dma_wait3A_721 = arith.constant 0 : i32
      %dma_wait3A_722 = tpu.memref_slice %arg2[%dma_wait3A_720, %dma_wait3A_721] : memref<100000x16xf32, #tpu.memory_space<hbm>> -> memref<100000x16xf32, #tpu.memory_space<hbm>>
      tpu.wait_indirect_dma semaphore(%arg10 : memref<!tpu.dma_semaphore, #tpu.memory_space<semaphore_mem>>) src(%dma_wait3A_722 : memref<100000x16xf32, #tpu.memory_space<hbm>>) dst(%dma_wait3A_717 : memref<40x16xf32, #tpu.memory_space<vmem>>)
      %dma_wait3A_723 = arith.constant 280 : i32
      %dma_wait3A_724 = arith.constant 0 : i32
      %dma_wait3A_725 = tpu.memref_slice %arg8[%dma_wait3A_723, %dma_wait3A_724] : memref<1000x16xf32, #tpu.memory_space<vmem>> -> memref<40x16xf32, #tpu.memory_space<vmem>>
      %dma_wait3A_726 = arith.constant 280 : i32
      %dma_wait3A_727 = tpu.memref_slice %arg6[%dma_wait3A_726] : memref<1000xi32, #tpu.memory_space<vmem>> -> memref<40xi32, #tpu.memory_space<vmem>>
      %dma_wait3A_728 = arith.constant 0 : i32
      %dma_wait3A_729 = arith.constant 0 : i32
      %dma_wait3A_730 = tpu.memref_slice %arg2[%dma_wait3A_728, %dma_wait3A_729] : memref<100000x16xf32, #tpu.memory_space<hbm>> -> memref<100000x16xf32, #tpu.memory_space<hbm>>
      tpu.wait_indirect_dma semaphore(%arg10 : memref<!tpu.dma_semaphore, #tpu.memory_space<semaphore_mem>>) src(%dma_wait3A_730 : memref<100000x16xf32, #tpu.memory_space<hbm>>) dst(%dma_wait3A_725 : memref<40x16xf32, #tpu.memory_space<vmem>>)
      %dma_wait3A_731 = arith.constant 320 : i32
      %dma_wait3A_732 = arith.constant 0 : i32
      %dma_wait3A_733 = tpu.memref_slice %arg8[%dma_wait3A_731, %dma_wait3A_732] : memref<1000x16xf32, #tpu.memory_space<vmem>> -> memref<40x16xf32, #tpu.memory_space<vmem>>
      %dma_wait3A_734 = arith.constant 320 : i32
      %dma_wait3A_735 = tpu.memref_slice %arg6[%dma_wait3A_734] : memref<1000xi32, #tpu.memory_space<vmem>> -> memref<40xi32, #tpu.memory_space<vmem>>
      %dma_wait3A_736 = arith.constant 0 : i32
      %dma_wait3A_737 = arith.constant 0 : i32
      %dma_wait3A_738 = tpu.memref_slice %arg2[%dma_wait3A_736, %dma_wait3A_737] : memref<100000x16xf32, #tpu.memory_space<hbm>> -> memref<100000x16xf32, #tpu.memory_space<hbm>>
      tpu.wait_indirect_dma semaphore(%arg10 : memref<!tpu.dma_semaphore, #tpu.memory_space<semaphore_mem>>) src(%dma_wait3A_738 : memref<100000x16xf32, #tpu.memory_space<hbm>>) dst(%dma_wait3A_733 : memref<40x16xf32, #tpu.memory_space<vmem>>)
      %dma_wait3A_739 = arith.constant 360 : i32
      %dma_wait3A_740 = arith.constant 0 : i32
      %dma_wait3A_741 = tpu.memref_slice %arg8[%dma_wait3A_739, %dma_wait3A_740] : memref<1000x16xf32, #tpu.memory_space<vmem>> -> memref<40x16xf32, #tpu.memory_space<vmem>>
      %dma_wait3A_742 = arith.constant 360 : i32
      %dma_wait3A_743 = tpu.memref_slice %arg6[%dma_wait3A_742] : memref<1000xi32, #tpu.memory_space<vmem>> -> memref<40xi32, #tpu.memory_space<vmem>>
      %dma_wait3A_744 = arith.constant 0 : i32
      %dma_wait3A_745 = arith.constant 0 : i32
      %dma_wait3A_746 = tpu.memref_slice %arg2[%dma_wait3A_744, %dma_wait3A_745] : memref<100000x16xf32, #tpu.memory_space<hbm>> -> memref<100000x16xf32, #tpu.memory_space<hbm>>
      tpu.wait_indirect_dma semaphore(%arg10 : memref<!tpu.dma_semaphore, #tpu.memory_space<semaphore_mem>>) src(%dma_wait3A_746 : memref<100000x16xf32, #tpu.memory_space<hbm>>) dst(%dma_wait3A_741 : memref<40x16xf32, #tpu.memory_space<vmem>>)
      %dma_wait3A_747 = arith.constant 400 : i32
      %dma_wait3A_748 = arith.constant 0 : i32
      %dma_wait3A_749 = tpu.memref_slice %arg8[%dma_wait3A_747, %dma_wait3A_748] : memref<1000x16xf32, #tpu.memory_space<vmem>> -> memref<40x16xf32, #tpu.memory_space<vmem>>
      %dma_wait3A_750 = arith.constant 400 : i32
      %dma_wait3A_751 = tpu.memref_slice %arg6[%dma_wait3A_750] : memref<1000xi32, #tpu.memory_space<vmem>> -> memref<40xi32, #tpu.memory_space<vmem>>
      %dma_wait3A_752 = arith.constant 0 : i32
      %dma_wait3A_753 = arith.constant 0 : i32
      %dma_wait3A_754 = tpu.memref_slice %arg2[%dma_wait3A_752, %dma_wait3A_753] : memref<100000x16xf32, #tpu.memory_space<hbm>> -> memref<100000x16xf32, #tpu.memory_space<hbm>>
      tpu.wait_indirect_dma semaphore(%arg10 : memref<!tpu.dma_semaphore, #tpu.memory_space<semaphore_mem>>) src(%dma_wait3A_754 : memref<100000x16xf32, #tpu.memory_space<hbm>>) dst(%dma_wait3A_749 : memref<40x16xf32, #tpu.memory_space<vmem>>)
      %dma_wait3A_755 = arith.constant 440 : i32
      %dma_wait3A_756 = arith.constant 0 : i32
      %dma_wait3A_757 = tpu.memref_slice %arg8[%dma_wait3A_755, %dma_wait3A_756] : memref<1000x16xf32, #tpu.memory_space<vmem>> -> memref<40x16xf32, #tpu.memory_space<vmem>>
      %dma_wait3A_758 = arith.constant 440 : i32
      %dma_wait3A_759 = tpu.memref_slice %arg6[%dma_wait3A_758] : memref<1000xi32, #tpu.memory_space<vmem>> -> memref<40xi32, #tpu.memory_space<vmem>>
      %dma_wait3A_760 = arith.constant 0 : i32
      %dma_wait3A_761 = arith.constant 0 : i32
      %dma_wait3A_762 = tpu.memref_slice %arg2[%dma_wait3A_760, %dma_wait3A_761] : memref<100000x16xf32, #tpu.memory_space<hbm>> -> memref<100000x16xf32, #tpu.memory_space<hbm>>
      tpu.wait_indirect_dma semaphore(%arg10 : memref<!tpu.dma_semaphore, #tpu.memory_space<semaphore_mem>>) src(%dma_wait3A_762 : memref<100000x16xf32, #tpu.memory_space<hbm>>) dst(%dma_wait3A_757 : memref<40x16xf32, #tpu.memory_space<vmem>>)
      %dma_wait3A_763 = arith.constant 480 : i32
      %dma_wait3A_764 = arith.constant 0 : i32
      %dma_wait3A_765 = tpu.memref_slice %arg8[%dma_wait3A_763, %dma_wait3A_764] : memref<1000x16xf32, #tpu.memory_space<vmem>> -> memref<40x16xf32, #tpu.memory_space<vmem>>
      %dma_wait3A_766 = arith.constant 480 : i32
      %dma_wait3A_767 = tpu.memref_slice %arg6[%dma_wait3A_766] : memref<1000xi32, #tpu.memory_space<vmem>> -> memref<40xi32, #tpu.memory_space<vmem>>
      %dma_wait3A_768 = arith.constant 0 : i32
      %dma_wait3A_769 = arith.constant 0 : i32
      %dma_wait3A_770 = tpu.memref_slice %arg2[%dma_wait3A_768, %dma_wait3A_769] : memref<100000x16xf32, #tpu.memory_space<hbm>> -> memref<100000x16xf32, #tpu.memory_space<hbm>>
      tpu.wait_indirect_dma semaphore(%arg10 : memref<!tpu.dma_semaphore, #tpu.memory_space<semaphore_mem>>) src(%dma_wait3A_770 : memref<100000x16xf32, #tpu.memory_space<hbm>>) dst(%dma_wait3A_765 : memref<40x16xf32, #tpu.memory_space<vmem>>)
      %dma_wait3A_771 = arith.constant 520 : i32
      %dma_wait3A_772 = arith.constant 0 : i32
      %dma_wait3A_773 = tpu.memref_slice %arg8[%dma_wait3A_771, %dma_wait3A_772] : memref<1000x16xf32, #tpu.memory_space<vmem>> -> memref<40x16xf32, #tpu.memory_space<vmem>>
      %dma_wait3A_774 = arith.constant 520 : i32
      %dma_wait3A_775 = tpu.memref_slice %arg6[%dma_wait3A_774] : memref<1000xi32, #tpu.memory_space<vmem>> -> memref<40xi32, #tpu.memory_space<vmem>>
      %dma_wait3A_776 = arith.constant 0 : i32
      %dma_wait3A_777 = arith.constant 0 : i32
      %dma_wait3A_778 = tpu.memref_slice %arg2[%dma_wait3A_776, %dma_wait3A_777] : memref<100000x16xf32, #tpu.memory_space<hbm>> -> memref<100000x16xf32, #tpu.memory_space<hbm>>
      tpu.wait_indirect_dma semaphore(%arg10 : memref<!tpu.dma_semaphore, #tpu.memory_space<semaphore_mem>>) src(%dma_wait3A_778 : memref<100000x16xf32, #tpu.memory_space<hbm>>) dst(%dma_wait3A_773 : memref<40x16xf32, #tpu.memory_space<vmem>>)
      %dma_wait3A_779 = arith.constant 560 : i32
      %dma_wait3A_780 = arith.constant 0 : i32
      %dma_wait3A_781 = tpu.memref_slice %arg8[%dma_wait3A_779, %dma_wait3A_780] : memref<1000x16xf32, #tpu.memory_space<vmem>> -> memref<40x16xf32, #tpu.memory_space<vmem>>
      %dma_wait3A_782 = arith.constant 560 : i32
      %dma_wait3A_783 = tpu.memref_slice %arg6[%dma_wait3A_782] : memref<1000xi32, #tpu.memory_space<vmem>> -> memref<40xi32, #tpu.memory_space<vmem>>
      %dma_wait3A_784 = arith.constant 0 : i32
      %dma_wait3A_785 = arith.constant 0 : i32
      %dma_wait3A_786 = tpu.memref_slice %arg2[%dma_wait3A_784, %dma_wait3A_785] : memref<100000x16xf32, #tpu.memory_space<hbm>> -> memref<100000x16xf32, #tpu.memory_space<hbm>>
      tpu.wait_indirect_dma semaphore(%arg10 : memref<!tpu.dma_semaphore, #tpu.memory_space<semaphore_mem>>) src(%dma_wait3A_786 : memref<100000x16xf32, #tpu.memory_space<hbm>>) dst(%dma_wait3A_781 : memref<40x16xf32, #tpu.memory_space<vmem>>)
      %dma_wait3A_787 = arith.constant 600 : i32
      %dma_wait3A_788 = arith.constant 0 : i32
      %dma_wait3A_789 = tpu.memref_slice %arg8[%dma_wait3A_787, %dma_wait3A_788] : memref<1000x16xf32, #tpu.memory_space<vmem>> -> memref<40x16xf32, #tpu.memory_space<vmem>>
      %dma_wait3A_790 = arith.constant 600 : i32
      %dma_wait3A_791 = tpu.memref_slice %arg6[%dma_wait3A_790] : memref<1000xi32, #tpu.memory_space<vmem>> -> memref<40xi32, #tpu.memory_space<vmem>>
      %dma_wait3A_792 = arith.constant 0 : i32
      %dma_wait3A_793 = arith.constant 0 : i32
      %dma_wait3A_794 = tpu.memref_slice %arg2[%dma_wait3A_792, %dma_wait3A_793] : memref<100000x16xf32, #tpu.memory_space<hbm>> -> memref<100000x16xf32, #tpu.memory_space<hbm>>
      tpu.wait_indirect_dma semaphore(%arg10 : memref<!tpu.dma_semaphore, #tpu.memory_space<semaphore_mem>>) src(%dma_wait3A_794 : memref<100000x16xf32, #tpu.memory_space<hbm>>) dst(%dma_wait3A_789 : memref<40x16xf32, #tpu.memory_space<vmem>>)
      %dma_wait3A_795 = arith.constant 640 : i32
      %dma_wait3A_796 = arith.constant 0 : i32
      %dma_wait3A_797 = tpu.memref_slice %arg8[%dma_wait3A_795, %dma_wait3A_796] : memref<1000x16xf32, #tpu.memory_space<vmem>> -> memref<40x16xf32, #tpu.memory_space<vmem>>
      %dma_wait3A_798 = arith.constant 640 : i32
      %dma_wait3A_799 = tpu.memref_slice %arg6[%dma_wait3A_798] : memref<1000xi32, #tpu.memory_space<vmem>> -> memref<40xi32, #tpu.memory_space<vmem>>
      %dma_wait3A_800 = arith.constant 0 : i32
      %dma_wait3A_801 = arith.constant 0 : i32
      %dma_wait3A_802 = tpu.memref_slice %arg2[%dma_wait3A_800, %dma_wait3A_801] : memref<100000x16xf32, #tpu.memory_space<hbm>> -> memref<100000x16xf32, #tpu.memory_space<hbm>>
      tpu.wait_indirect_dma semaphore(%arg10 : memref<!tpu.dma_semaphore, #tpu.memory_space<semaphore_mem>>) src(%dma_wait3A_802 : memref<100000x16xf32, #tpu.memory_space<hbm>>) dst(%dma_wait3A_797 : memref<40x16xf32, #tpu.memory_space<vmem>>)
      %dma_wait3A_803 = arith.constant 680 : i32
      %dma_wait3A_804 = arith.constant 0 : i32
      %dma_wait3A_805 = tpu.memref_slice %arg8[%dma_wait3A_803, %dma_wait3A_804] : memref<1000x16xf32, #tpu.memory_space<vmem>> -> memref<40x16xf32, #tpu.memory_space<vmem>>
      %dma_wait3A_806 = arith.constant 680 : i32
      %dma_wait3A_807 = tpu.memref_slice %arg6[%dma_wait3A_806] : memref<1000xi32, #tpu.memory_space<vmem>> -> memref<40xi32, #tpu.memory_space<vmem>>
      %dma_wait3A_808 = arith.constant 0 : i32
      %dma_wait3A_809 = arith.constant 0 : i32
      %dma_wait3A_810 = tpu.memref_slice %arg2[%dma_wait3A_808, %dma_wait3A_809] : memref<100000x16xf32, #tpu.memory_space<hbm>> -> memref<100000x16xf32, #tpu.memory_space<hbm>>
      tpu.wait_indirect_dma semaphore(%arg10 : memref<!tpu.dma_semaphore, #tpu.memory_space<semaphore_mem>>) src(%dma_wait3A_810 : memref<100000x16xf32, #tpu.memory_space<hbm>>) dst(%dma_wait3A_805 : memref<40x16xf32, #tpu.memory_space<vmem>>)
      %dma_wait3A_811 = arith.constant 720 : i32
      %dma_wait3A_812 = arith.constant 0 : i32
      %dma_wait3A_813 = tpu.memref_slice %arg8[%dma_wait3A_811, %dma_wait3A_812] : memref<1000x16xf32, #tpu.memory_space<vmem>> -> memref<40x16xf32, #tpu.memory_space<vmem>>
      %dma_wait3A_814 = arith.constant 720 : i32
      %dma_wait3A_815 = tpu.memref_slice %arg6[%dma_wait3A_814] : memref<1000xi32, #tpu.memory_space<vmem>> -> memref<40xi32, #tpu.memory_space<vmem>>
      %dma_wait3A_816 = arith.constant 0 : i32
      %dma_wait3A_817 = arith.constant 0 : i32
      %dma_wait3A_818 = tpu.memref_slice %arg2[%dma_wait3A_816, %dma_wait3A_817] : memref<100000x16xf32, #tpu.memory_space<hbm>> -> memref<100000x16xf32, #tpu.memory_space<hbm>>
      tpu.wait_indirect_dma semaphore(%arg10 : memref<!tpu.dma_semaphore, #tpu.memory_space<semaphore_mem>>) src(%dma_wait3A_818 : memref<100000x16xf32, #tpu.memory_space<hbm>>) dst(%dma_wait3A_813 : memref<40x16xf32, #tpu.memory_space<vmem>>)
      %dma_wait3A_819 = arith.constant 760 : i32
      %dma_wait3A_820 = arith.constant 0 : i32
      %dma_wait3A_821 = tpu.memref_slice %arg8[%dma_wait3A_819, %dma_wait3A_820] : memref<1000x16xf32, #tpu.memory_space<vmem>> -> memref<40x16xf32, #tpu.memory_space<vmem>>
      %dma_wait3A_822 = arith.constant 760 : i32
      %dma_wait3A_823 = tpu.memref_slice %arg6[%dma_wait3A_822] : memref<1000xi32, #tpu.memory_space<vmem>> -> memref<40xi32, #tpu.memory_space<vmem>>
      %dma_wait3A_824 = arith.constant 0 : i32
      %dma_wait3A_825 = arith.constant 0 : i32
      %dma_wait3A_826 = tpu.memref_slice %arg2[%dma_wait3A_824, %dma_wait3A_825] : memref<100000x16xf32, #tpu.memory_space<hbm>> -> memref<100000x16xf32, #tpu.memory_space<hbm>>
      tpu.wait_indirect_dma semaphore(%arg10 : memref<!tpu.dma_semaphore, #tpu.memory_space<semaphore_mem>>) src(%dma_wait3A_826 : memref<100000x16xf32, #tpu.memory_space<hbm>>) dst(%dma_wait3A_821 : memref<40x16xf32, #tpu.memory_space<vmem>>)
      %dma_wait3A_827 = arith.constant 800 : i32
      %dma_wait3A_828 = arith.constant 0 : i32
      %dma_wait3A_829 = tpu.memref_slice %arg8[%dma_wait3A_827, %dma_wait3A_828] : memref<1000x16xf32, #tpu.memory_space<vmem>> -> memref<40x16xf32, #tpu.memory_space<vmem>>
      %dma_wait3A_830 = arith.constant 800 : i32
      %dma_wait3A_831 = tpu.memref_slice %arg6[%dma_wait3A_830] : memref<1000xi32, #tpu.memory_space<vmem>> -> memref<40xi32, #tpu.memory_space<vmem>>
      %dma_wait3A_832 = arith.constant 0 : i32
      %dma_wait3A_833 = arith.constant 0 : i32
      %dma_wait3A_834 = tpu.memref_slice %arg2[%dma_wait3A_832, %dma_wait3A_833] : memref<100000x16xf32, #tpu.memory_space<hbm>> -> memref<100000x16xf32, #tpu.memory_space<hbm>>
      tpu.wait_indirect_dma semaphore(%arg10 : memref<!tpu.dma_semaphore, #tpu.memory_space<semaphore_mem>>) src(%dma_wait3A_834 : memref<100000x16xf32, #tpu.memory_space<hbm>>) dst(%dma_wait3A_829 : memref<40x16xf32, #tpu.memory_space<vmem>>)
      %dma_wait3A_835 = arith.constant 840 : i32
      %dma_wait3A_836 = arith.constant 0 : i32
      %dma_wait3A_837 = tpu.memref_slice %arg8[%dma_wait3A_835, %dma_wait3A_836] : memref<1000x16xf32, #tpu.memory_space<vmem>> -> memref<40x16xf32, #tpu.memory_space<vmem>>
      %dma_wait3A_838 = arith.constant 840 : i32
      %dma_wait3A_839 = tpu.memref_slice %arg6[%dma_wait3A_838] : memref<1000xi32, #tpu.memory_space<vmem>> -> memref<40xi32, #tpu.memory_space<vmem>>
      %dma_wait3A_840 = arith.constant 0 : i32
      %dma_wait3A_841 = arith.constant 0 : i32
      %dma_wait3A_842 = tpu.memref_slice %arg2[%dma_wait3A_840, %dma_wait3A_841] : memref<100000x16xf32, #tpu.memory_space<hbm>> -> memref<100000x16xf32, #tpu.memory_space<hbm>>
      tpu.wait_indirect_dma semaphore(%arg10 : memref<!tpu.dma_semaphore, #tpu.memory_space<semaphore_mem>>) src(%dma_wait3A_842 : memref<100000x16xf32, #tpu.memory_space<hbm>>) dst(%dma_wait3A_837 : memref<40x16xf32, #tpu.memory_space<vmem>>)
      %dma_wait3A_843 = arith.constant 880 : i32
      %dma_wait3A_844 = arith.constant 0 : i32
      %dma_wait3A_845 = tpu.memref_slice %arg8[%dma_wait3A_843, %dma_wait3A_844] : memref<1000x16xf32, #tpu.memory_space<vmem>> -> memref<40x16xf32, #tpu.memory_space<vmem>>
      %dma_wait3A_846 = arith.constant 880 : i32
      %dma_wait3A_847 = tpu.memref_slice %arg6[%dma_wait3A_846] : memref<1000xi32, #tpu.memory_space<vmem>> -> memref<40xi32, #tpu.memory_space<vmem>>
      %dma_wait3A_848 = arith.constant 0 : i32
      %dma_wait3A_849 = arith.constant 0 : i32
      %dma_wait3A_850 = tpu.memref_slice %arg2[%dma_wait3A_848, %dma_wait3A_849] : memref<100000x16xf32, #tpu.memory_space<hbm>> -> memref<100000x16xf32, #tpu.memory_space<hbm>>
      tpu.wait_indirect_dma semaphore(%arg10 : memref<!tpu.dma_semaphore, #tpu.memory_space<semaphore_mem>>) src(%dma_wait3A_850 : memref<100000x16xf32, #tpu.memory_space<hbm>>) dst(%dma_wait3A_845 : memref<40x16xf32, #tpu.memory_space<vmem>>)
      %dma_wait3A_851 = arith.constant 920 : i32
      %dma_wait3A_852 = arith.constant 0 : i32
      %dma_wait3A_853 = tpu.memref_slice %arg8[%dma_wait3A_851, %dma_wait3A_852] : memref<1000x16xf32, #tpu.memory_space<vmem>> -> memref<40x16xf32, #tpu.memory_space<vmem>>
      %dma_wait3A_854 = arith.constant 920 : i32
      %dma_wait3A_855 = tpu.memref_slice %arg6[%dma_wait3A_854] : memref<1000xi32, #tpu.memory_space<vmem>> -> memref<40xi32, #tpu.memory_space<vmem>>
      %dma_wait3A_856 = arith.constant 0 : i32
      %dma_wait3A_857 = arith.constant 0 : i32
      %dma_wait3A_858 = tpu.memref_slice %arg2[%dma_wait3A_856, %dma_wait3A_857] : memref<100000x16xf32, #tpu.memory_space<hbm>> -> memref<100000x16xf32, #tpu.memory_space<hbm>>
      tpu.wait_indirect_dma semaphore(%arg10 : memref<!tpu.dma_semaphore, #tpu.memory_space<semaphore_mem>>) src(%dma_wait3A_858 : memref<100000x16xf32, #tpu.memory_space<hbm>>) dst(%dma_wait3A_853 : memref<40x16xf32, #tpu.memory_space<vmem>>)
      %dma_wait3A_859 = arith.constant 960 : i32
      %dma_wait3A_860 = arith.constant 0 : i32
      %dma_wait3A_861 = tpu.memref_slice %arg8[%dma_wait3A_859, %dma_wait3A_860] : memref<1000x16xf32, #tpu.memory_space<vmem>> -> memref<40x16xf32, #tpu.memory_space<vmem>>
      %dma_wait3A_862 = arith.constant 960 : i32
      %dma_wait3A_863 = tpu.memref_slice %arg6[%dma_wait3A_862] : memref<1000xi32, #tpu.memory_space<vmem>> -> memref<40xi32, #tpu.memory_space<vmem>>
      %dma_wait3A_864 = arith.constant 0 : i32
      %dma_wait3A_865 = arith.constant 0 : i32
      %dma_wait3A_866 = tpu.memref_slice %arg2[%dma_wait3A_864, %dma_wait3A_865] : memref<100000x16xf32, #tpu.memory_space<hbm>> -> memref<100000x16xf32, #tpu.memory_space<hbm>>
      tpu.wait_indirect_dma semaphore(%arg10 : memref<!tpu.dma_semaphore, #tpu.memory_space<semaphore_mem>>) src(%dma_wait3A_866 : memref<100000x16xf32, #tpu.memory_space<hbm>>) dst(%dma_wait3A_861 : memref<40x16xf32, #tpu.memory_space<vmem>>)
      %mul3A_867 = arith.constant 1000 : i32
      %mul3A_868 = arith.muli %add3A_450, %mul3A_867 : i32
      %dma_start3A_869 = arith.constant 0 : i32
      %dma_start3A_870 = tpu.memref_slice %arg4[%mul3A_868, %dma_start3A_869] : memref<1600000x16xf32, #tpu.memory_space<hbm>> -> memref<1000x16xf32, #tpu.memory_space<hbm>>
      %dma_start3A_871 = arith.constant 0 : i32
      %dma_start3A_872 = tpu.memref_slice %arg4[%mul3A_868, %dma_start3A_871] : memref<1600000x16xf32, #tpu.memory_space<hbm>> -> memref<1000x16xf32, #tpu.memory_space<hbm>>
      tpu.enqueue_dma source(%arg8 : memref<1000x16xf32, #tpu.memory_space<vmem>>) target(%dma_start3A_872 : memref<1000x16xf32, #tpu.memory_space<hbm>>) target_semaphore(%arg11 : memref<!tpu.dma_semaphore, #tpu.memory_space<semaphore_mem>>)
    }
    %scan3A_10 = arith.constant 25 : i32
    %dma_wait3A = arith.constant 0 : i32
    %dma_wait3A_11 = arith.constant 0 : i32
    %dma_wait3A_12 = tpu.memref_slice %arg4[%dma_wait3A, %dma_wait3A_11] : memref<1600000x16xf32, #tpu.memory_space<hbm>> -> memref<1000x16xf32, #tpu.memory_space<hbm>>
    %dma_wait3A_13 = arith.constant 0 : i32
    %dma_wait3A_14 = arith.constant 0 : i32
    %dma_wait3A_15 = tpu.memref_slice %arg4[%dma_wait3A_13, %dma_wait3A_14] : memref<1600000x16xf32, #tpu.memory_space<hbm>> -> memref<1000x16xf32, #tpu.memory_space<hbm>>
    tpu.wait_dma2 semaphore(%arg11 : memref<!tpu.dma_semaphore, #tpu.memory_space<semaphore_mem>>) src(%dma_wait3A_15 : memref<1000x16xf32, #tpu.memory_space<hbm>>) dst(%arg7 : memref<1000x16xf32, #tpu.memory_space<vmem>>)
    %dma_wait3A_16 = arith.constant 0 : i32
    %dma_wait3A_17 = arith.constant 0 : i32
    %dma_wait3A_18 = tpu.memref_slice %arg4[%dma_wait3A_16, %dma_wait3A_17] : memref<1600000x16xf32, #tpu.memory_space<hbm>> -> memref<1000x16xf32, #tpu.memory_space<hbm>>
    %dma_wait3A_19 = arith.constant 0 : i32
    %dma_wait3A_20 = arith.constant 0 : i32
    %dma_wait3A_21 = tpu.memref_slice %arg4[%dma_wait3A_19, %dma_wait3A_20] : memref<1600000x16xf32, #tpu.memory_space<hbm>> -> memref<1000x16xf32, #tpu.memory_space<hbm>>
    tpu.wait_dma2 semaphore(%arg11 : memref<!tpu.dma_semaphore, #tpu.memory_space<semaphore_mem>>) src(%dma_wait3A_21 : memref<1000x16xf32, #tpu.memory_space<hbm>>) dst(%arg8 : memref<1000x16xf32, #tpu.memory_space<vmem>>)
    return
  }
}

#map = affine_map<(d0, d1) -> (0, 0)>
#map1 = affine_map<(d0, d1) -> (0)>
module attributes {stable_mosaic.version = 14 : i64} {
  func.func @gather_kernel(%arg0: i32, %arg1: i32, %arg2: memref<100000x16xf32, #tpu.memory_space<hbm>>, %arg3: memref<1600000xi32, #tpu.memory_space<hbm>>, %arg4: memref<1600000x16xf32, #tpu.memory_space<hbm>>, %arg5: memref<1000xi32, #tpu.memory_space<vmem>>, %arg6: memref<1000xi32, #tpu.memory_space<vmem>>, %arg7: memref<1000x16xf32, #tpu.memory_space<vmem>>, %arg8: memref<1000x16xf32, #tpu.memory_space<vmem>>, %arg9: memref<!tpu.dma_semaphore, #tpu.memory_space<semaphore_mem>>, %arg10: memref<!tpu.dma_semaphore, #tpu.memory_space<semaphore_mem>>, %arg11: memref<!tpu.dma_semaphore, #tpu.memory_space<semaphore_mem>>) attributes {dimension_semantics = [#tpu.dimension_semantics<core_parallel>, #tpu.dimension_semantics<subcore_parallel>], iteration_bounds = array<i64: 2, 16>, scalar_prefetch = 0 : i64, scratch_operands = 7 : i64, tpu.core_type = #tpu.core_type<sc_vector_subcore>, window_params = [{transform_indices = #map}, {transform_indices = #map1}, {transform_indices = #map}]} {
    %mul3A = arith.constant 2 : i32
    %mul3A_0 = arith.muli %arg1, %mul3A : i32
    %add3A = arith.addi %mul3A_0, %arg0 : i32
    %mul3A_1 = arith.constant 50 : i32
    %mul3A_2 = arith.muli %add3A, %mul3A_1 : i32
    %mul3A_3 = arith.constant 1000 : i32
    %mul3A_4 = arith.muli %mul3A_2, %mul3A_3 : i32
    %dma_start3A = tpu.memref_slice %arg3[%mul3A_4] : memref<1600000xi32, #tpu.memory_space<hbm>> -> memref<1000xi32, #tpu.memory_space<hbm>>
    %dma_start3A_5 = tpu.memref_slice %arg3[%mul3A_4] : memref<1600000xi32, #tpu.memory_space<hbm>> -> memref<1000xi32, #tpu.memory_space<hbm>>
    tpu.enqueue_dma source(%dma_start3A_5 : memref<1000xi32, #tpu.memory_space<hbm>>) target(%arg5 : memref<1000xi32, #tpu.memory_space<vmem>>) target_semaphore(%arg9 : memref<!tpu.dma_semaphore, #tpu.memory_space<semaphore_mem>>)
    %scan3A = arith.constant 0 : i32
    %scan3A_6 = arith.constant 0 : i32
    %scan3A_7 = arith.constant 25 : i32
    %scan3A_8 = arith.addi %scan3A_6, %scan3A_7 : i32
    %scan3A_9 = arith.constant 1 : i32
    scf.for %scan3A_22 = %scan3A_6 to %scan3A_8 step %scan3A_9  : i32 {
      %mul3A_23 = arith.constant 2 : i32
      %mul3A_24 = arith.muli %scan3A_22, %mul3A_23 : i32
      %add3A_25 = arith.constant 0 : i32
      %add3A_26 = arith.addi %mul3A_24, %add3A_25 : i32
      %add3A_27 = arith.addi %mul3A_2, %add3A_26 : i32
      %dma_wait3A_28 = arith.constant 0 : i32
      %dma_wait3A_29 = tpu.memref_slice %arg3[%dma_wait3A_28] : memref<1600000xi32, #tpu.memory_space<hbm>> -> memref<1000xi32, #tpu.memory_space<hbm>>
      %dma_wait3A_30 = arith.constant 0 : i32
      %dma_wait3A_31 = tpu.memref_slice %arg3[%dma_wait3A_30] : memref<1600000xi32, #tpu.memory_space<hbm>> -> memref<1000xi32, #tpu.memory_space<hbm>>
      tpu.wait_dma2 semaphore(%arg9 : memref<!tpu.dma_semaphore, #tpu.memory_space<semaphore_mem>>) src(%dma_wait3A_31 : memref<1000xi32, #tpu.memory_space<hbm>>) dst(%arg5 : memref<1000xi32, #tpu.memory_space<vmem>>)
      %add3A_32 = arith.constant 1 : i32
      %add3A_33 = arith.addi %add3A_26, %add3A_32 : i32
      %lt3A = arith.constant 50 : i32
      %lt3A_34 = arith.cmpi slt, %add3A_33, %lt3A : i32
      %convert_element_type3A = arith.extui %lt3A_34 : i1 to i32
      %cond3A = arith.constant 0 : i32
      %cond3A_35 = arith.cmpi ne, %convert_element_type3A, %cond3A : i32
      scf.if %cond3A_35 {
        %add3A_873 = arith.constant 1 : i32
        %add3A_874 = arith.addi %add3A_27, %add3A_873 : i32
        %mul3A_875 = arith.constant 1000 : i32
        %mul3A_876 = arith.muli %add3A_874, %mul3A_875 : i32
        %dma_start3A_877 = tpu.memref_slice %arg3[%mul3A_876] : memref<1600000xi32, #tpu.memory_space<hbm>> -> memref<1000xi32, #tpu.memory_space<hbm>>
        %dma_start3A_878 = tpu.memref_slice %arg3[%mul3A_876] : memref<1600000xi32, #tpu.memory_space<hbm>> -> memref<1000xi32, #tpu.memory_space<hbm>>
        tpu.enqueue_dma source(%dma_start3A_878 : memref<1000xi32, #tpu.memory_space<hbm>>) target(%arg6 : memref<1000xi32, #tpu.memory_space<vmem>>) target_semaphore(%arg9 : memref<!tpu.dma_semaphore, #tpu.memory_space<semaphore_mem>>)
      } else {
      }
      %ge3A = arith.constant 2 : i32
      %ge3A_36 = arith.cmpi sge, %add3A_26, %ge3A : i32
      %convert_element_type3A_37 = arith.extui %ge3A_36 : i1 to i32
      %cond3A_38 = arith.constant 0 : i32
      %cond3A_39 = arith.cmpi ne, %convert_element_type3A_37, %cond3A_38 : i32
      scf.if %cond3A_39 {
        %dma_wait3A_873 = arith.constant 0 : i32
        %dma_wait3A_874 = arith.constant 0 : i32
        %dma_wait3A_875 = tpu.memref_slice %arg4[%dma_wait3A_873, %dma_wait3A_874] : memref<1600000x16xf32, #tpu.memory_space<hbm>> -> memref<1000x16xf32, #tpu.memory_space<hbm>>
        %dma_wait3A_876 = arith.constant 0 : i32
        %dma_wait3A_877 = arith.constant 0 : i32
        %dma_wait3A_878 = tpu.memref_slice %arg4[%dma_wait3A_876, %dma_wait3A_877] : memref<1600000x16xf32, #tpu.memory_space<hbm>> -> memref<1000x16xf32, #tpu.memory_space<hbm>>
        tpu.wait_dma2 semaphore(%arg11 : memref<!tpu.dma_semaphore, #tpu.memory_space<semaphore_mem>>) src(%dma_wait3A_878 : memref<1000x16xf32, #tpu.memory_space<hbm>>) dst(%arg7 : memref<1000x16xf32, #tpu.memory_space<vmem>>)
      } else {
      }
      %dma_start3A_40 = arith.constant 0 : i32
      %dma_start3A_41 = arith.constant 0 : i32
      %dma_start3A_42 = tpu.memref_slice %arg7[%dma_start3A_40, %dma_start3A_41] : memref<1000x16xf32, #tpu.memory_space<vmem>> -> memref<40x16xf32, #tpu.memory_space<vmem>>
      %dma_start3A_43 = arith.constant 0 : i32
      %dma_start3A_44 = tpu.memref_slice %arg5[%dma_start3A_43] : memref<1000xi32, #tpu.memory_space<vmem>> -> memref<40xi32, #tpu.memory_space<vmem>>
      %dma_start3A_45 = arith.constant 0 : i32
      %dma_start3A_46 = arith.constant 0 : i32
      %dma_start3A_47 = tpu.memref_slice %arg2[%dma_start3A_45, %dma_start3A_46] : memref<100000x16xf32, #tpu.memory_space<hbm>> -> memref<100000x16xf32, #tpu.memory_space<hbm>>
      tpu.enqueue_indirect_dma source(%dma_start3A_47 : memref<100000x16xf32, #tpu.memory_space<hbm>>) target(%dma_start3A_42 : memref<40x16xf32, #tpu.memory_space<vmem>>) offsets(%dma_start3A_44 : memref<40xi32, #tpu.memory_space<vmem>>) semaphore(%arg10 : memref<!tpu.dma_semaphore, #tpu.memory_space<semaphore_mem>>)
      %dma_start3A_48 = arith.constant 40 : i32
      %dma_start3A_49 = arith.constant 0 : i32
      %dma_start3A_50 = tpu.memref_slice %arg7[%dma_start3A_48, %dma_start3A_49] : memref<1000x16xf32, #tpu.memory_space<vmem>> -> memref<40x16xf32, #tpu.memory_space<vmem>>
      %dma_start3A_51 = arith.constant 40 : i32
      %dma_start3A_52 = tpu.memref_slice %arg5[%dma_start3A_51] : memref<1000xi32, #tpu.memory_space<vmem>> -> memref<40xi32, #tpu.memory_space<vmem>>
      %dma_start3A_53 = arith.constant 0 : i32
      %dma_start3A_54 = arith.constant 0 : i32
      %dma_start3A_55 = tpu.memref_slice %arg2[%dma_start3A_53, %dma_start3A_54] : memref<100000x16xf32, #tpu.memory_space<hbm>> -> memref<100000x16xf32, #tpu.memory_space<hbm>>
      tpu.enqueue_indirect_dma source(%dma_start3A_55 : memref<100000x16xf32, #tpu.memory_space<hbm>>) target(%dma_start3A_50 : memref<40x16xf32, #tpu.memory_space<vmem>>) offsets(%dma_start3A_52 : memref<40xi32, #tpu.memory_space<vmem>>) semaphore(%arg10 : memref<!tpu.dma_semaphore, #tpu.memory_space<semaphore_mem>>)
      %dma_start3A_56 = arith.constant 80 : i32
      %dma_start3A_57 = arith.constant 0 : i32
      %dma_start3A_58 = tpu.memref_slice %arg7[%dma_start3A_56, %dma_start3A_57] : memref<1000x16xf32, #tpu.memory_space<vmem>> -> memref<40x16xf32, #tpu.memory_space<vmem>>
      %dma_start3A_59 = arith.constant 80 : i32
      %dma_start3A_60 = tpu.memref_slice %arg5[%dma_start3A_59] : memref<1000xi32, #tpu.memory_space<vmem>> -> memref<40xi32, #tpu.memory_space<vmem>>
      %dma_start3A_61 = arith.constant 0 : i32
      %dma_start3A_62 = arith.constant 0 : i32
      %dma_start3A_63 = tpu.memref_slice %arg2[%dma_start3A_61, %dma_start3A_62] : memref<100000x16xf32, #tpu.memory_space<hbm>> -> memref<100000x16xf32, #tpu.memory_space<hbm>>
      tpu.enqueue_indirect_dma source(%dma_start3A_63 : memref<100000x16xf32, #tpu.memory_space<hbm>>) target(%dma_start3A_58 : memref<40x16xf32, #tpu.memory_space<vmem>>) offsets(%dma_start3A_60 : memref<40xi32, #tpu.memory_space<vmem>>) semaphore(%arg10 : memref<!tpu.dma_semaphore, #tpu.memory_space<semaphore_mem>>)
      %dma_start3A_64 = arith.constant 120 : i32
      %dma_start3A_65 = arith.constant 0 : i32
      %dma_start3A_66 = tpu.memref_slice %arg7[%dma_start3A_64, %dma_start3A_65] : memref<1000x16xf32, #tpu.memory_space<vmem>> -> memref<40x16xf32, #tpu.memory_space<vmem>>
      %dma_start3A_67 = arith.constant 120 : i32
      %dma_start3A_68 = tpu.memref_slice %arg5[%dma_start3A_67] : memref<1000xi32, #tpu.memory_space<vmem>> -> memref<40xi32, #tpu.memory_space<vmem>>
      %dma_start3A_69 = arith.constant 0 : i32
      %dma_start3A_70 = arith.constant 0 : i32
      %dma_start3A_71 = tpu.memref_slice %arg2[%dma_start3A_69, %dma_start3A_70] : memref<100000x16xf32, #tpu.memory_space<hbm>> -> memref<100000x16xf32, #tpu.memory_space<hbm>>
      tpu.enqueue_indirect_dma source(%dma_start3A_71 : memref<100000x16xf32, #tpu.memory_space<hbm>>) target(%dma_start3A_66 : memref<40x16xf32, #tpu.memory_space<vmem>>) offsets(%dma_start3A_68 : memref<40xi32, #tpu.memory_space<vmem>>) semaphore(%arg10 : memref<!tpu.dma_semaphore, #tpu.memory_space<semaphore_mem>>)
      %dma_start3A_72 = arith.constant 160 : i32
      %dma_start3A_73 = arith.constant 0 : i32
      %dma_start3A_74 = tpu.memref_slice %arg7[%dma_start3A_72, %dma_start3A_73] : memref<1000x16xf32, #tpu.memory_space<vmem>> -> memref<40x16xf32, #tpu.memory_space<vmem>>
      %dma_start3A_75 = arith.constant 160 : i32
      %dma_start3A_76 = tpu.memref_slice %arg5[%dma_start3A_75] : memref<1000xi32, #tpu.memory_space<vmem>> -> memref<40xi32, #tpu.memory_space<vmem>>
      %dma_start3A_77 = arith.constant 0 : i32
      %dma_start3A_78 = arith.constant 0 : i32
      %dma_start3A_79 = tpu.memref_slice %arg2[%dma_start3A_77, %dma_start3A_78] : memref<100000x16xf32, #tpu.memory_space<hbm>> -> memref<100000x16xf32, #tpu.memory_space<hbm>>
      tpu.enqueue_indirect_dma source(%dma_start3A_79 : memref<100000x16xf32, #tpu.memory_space<hbm>>) target(%dma_start3A_74 : memref<40x16xf32, #tpu.memory_space<vmem>>) offsets(%dma_start3A_76 : memref<40xi32, #tpu.memory_space<vmem>>) semaphore(%arg10 : memref<!tpu.dma_semaphore, #tpu.memory_space<semaphore_mem>>)
      %dma_start3A_80 = arith.constant 200 : i32
      %dma_start3A_81 = arith.constant 0 : i32
      %dma_start3A_82 = tpu.memref_slice %arg7[%dma_start3A_80, %dma_start3A_81] : memref<1000x16xf32, #tpu.memory_space<vmem>> -> memref<40x16xf32, #tpu.memory_space<vmem>>
      %dma_start3A_83 = arith.constant 200 : i32
      %dma_start3A_84 = tpu.memref_slice %arg5[%dma_start3A_83] : memref<1000xi32, #tpu.memory_space<vmem>> -> memref<40xi32, #tpu.memory_space<vmem>>
      %dma_start3A_85 = arith.constant 0 : i32
      %dma_start3A_86 = arith.constant 0 : i32
      %dma_start3A_87 = tpu.memref_slice %arg2[%dma_start3A_85, %dma_start3A_86] : memref<100000x16xf32, #tpu.memory_space<hbm>> -> memref<100000x16xf32, #tpu.memory_space<hbm>>
      tpu.enqueue_indirect_dma source(%dma_start3A_87 : memref<100000x16xf32, #tpu.memory_space<hbm>>) target(%dma_start3A_82 : memref<40x16xf32, #tpu.memory_space<vmem>>) offsets(%dma_start3A_84 : memref<40xi32, #tpu.memory_space<vmem>>) semaphore(%arg10 : memref<!tpu.dma_semaphore, #tpu.memory_space<semaphore_mem>>)
      %dma_start3A_88 = arith.constant 240 : i32
      %dma_start3A_89 = arith.constant 0 : i32
      %dma_start3A_90 = tpu.memref_slice %arg7[%dma_start3A_88, %dma_start3A_89] : memref<1000x16xf32, #tpu.memory_space<vmem>> -> memref<40x16xf32, #tpu.memory_space<vmem>>
      %dma_start3A_91 = arith.constant 240 : i32
      %dma_start3A_92 = tpu.memref_slice %arg5[%dma_start3A_91] : memref<1000xi32, #tpu.memory_space<vmem>> -> memref<40xi32, #tpu.memory_space<vmem>>
      %dma_start3A_93 = arith.constant 0 : i32
      %dma_start3A_94 = arith.constant 0 : i32
      %dma_start3A_95 = tpu.memref_slice %arg2[%dma_start3A_93, %dma_start3A_94] : memref<100000x16xf32, #tpu.memory_space<hbm>> -> memref<100000x16xf32, #tpu.memory_space<hbm>>
      tpu.enqueue_indirect_dma source(%dma_start3A_95 : memref<100000x16xf32, #tpu.memory_space<hbm>>) target(%dma_start3A_90 : memref<40x16xf32, #tpu.memory_space<vmem>>) offsets(%dma_start3A_92 : memref<40xi32, #tpu.memory_space<vmem>>) semaphore(%arg10 : memref<!tpu.dma_semaphore, #tpu.memory_space<semaphore_mem>>)
      %dma_start3A_96 = arith.constant 280 : i32
      %dma_start3A_97 = arith.constant 0 : i32
      %dma_start3A_98 = tpu.memref_slice %arg7[%dma_start3A_96, %dma_start3A_97] : memref<1000x16xf32, #tpu.memory_space<vmem>> -> memref<40x16xf32, #tpu.memory_space<vmem>>
      %dma_start3A_99 = arith.constant 280 : i32
      %dma_start3A_100 = tpu.memref_slice %arg5[%dma_start3A_99] : memref<1000xi32, #tpu.memory_space<vmem>> -> memref<40xi32, #tpu.memory_space<vmem>>
      %dma_start3A_101 = arith.constant 0 : i32
      %dma_start3A_102 = arith.constant 0 : i32
      %dma_start3A_103 = tpu.memref_slice %arg2[%dma_start3A_101, %dma_start3A_102] : memref<100000x16xf32, #tpu.memory_space<hbm>> -> memref<100000x16xf32, #tpu.memory_space<hbm>>
      tpu.enqueue_indirect_dma source(%dma_start3A_103 : memref<100000x16xf32, #tpu.memory_space<hbm>>) target(%dma_start3A_98 : memref<40x16xf32, #tpu.memory_space<vmem>>) offsets(%dma_start3A_100 : memref<40xi32, #tpu.memory_space<vmem>>) semaphore(%arg10 : memref<!tpu.dma_semaphore, #tpu.memory_space<semaphore_mem>>)
      %dma_start3A_104 = arith.constant 320 : i32
      %dma_start3A_105 = arith.constant 0 : i32
      %dma_start3A_106 = tpu.memref_slice %arg7[%dma_start3A_104, %dma_start3A_105] : memref<1000x16xf32, #tpu.memory_space<vmem>> -> memref<40x16xf32, #tpu.memory_space<vmem>>
      %dma_start3A_107 = arith.constant 320 : i32
      %dma_start3A_108 = tpu.memref_slice %arg5[%dma_start3A_107] : memref<1000xi32, #tpu.memory_space<vmem>> -> memref<40xi32, #tpu.memory_space<vmem>>
      %dma_start3A_109 = arith.constant 0 : i32
      %dma_start3A_110 = arith.constant 0 : i32
      %dma_start3A_111 = tpu.memref_slice %arg2[%dma_start3A_109, %dma_start3A_110] : memref<100000x16xf32, #tpu.memory_space<hbm>> -> memref<100000x16xf32, #tpu.memory_space<hbm>>
      tpu.enqueue_indirect_dma source(%dma_start3A_111 : memref<100000x16xf32, #tpu.memory_space<hbm>>) target(%dma_start3A_106 : memref<40x16xf32, #tpu.memory_space<vmem>>) offsets(%dma_start3A_108 : memref<40xi32, #tpu.memory_space<vmem>>) semaphore(%arg10 : memref<!tpu.dma_semaphore, #tpu.memory_space<semaphore_mem>>)
      %dma_start3A_112 = arith.constant 360 : i32
      %dma_start3A_113 = arith.constant 0 : i32
      %dma_start3A_114 = tpu.memref_slice %arg7[%dma_start3A_112, %dma_start3A_113] : memref<1000x16xf32, #tpu.memory_space<vmem>> -> memref<40x16xf32, #tpu.memory_space<vmem>>
      %dma_start3A_115 = arith.constant 360 : i32
      %dma_start3A_116 = tpu.memref_slice %arg5[%dma_start3A_115] : memref<1000xi32, #tpu.memory_space<vmem>> -> memref<40xi32, #tpu.memory_space<vmem>>
      %dma_start3A_117 = arith.constant 0 : i32
      %dma_start3A_118 = arith.constant 0 : i32
      %dma_start3A_119 = tpu.memref_slice %arg2[%dma_start3A_117, %dma_start3A_118] : memref<100000x16xf32, #tpu.memory_space<hbm>> -> memref<100000x16xf32, #tpu.memory_space<hbm>>
      tpu.enqueue_indirect_dma source(%dma_start3A_119 : memref<100000x16xf32, #tpu.memory_space<hbm>>) target(%dma_start3A_114 : memref<40x16xf32, #tpu.memory_space<vmem>>) offsets(%dma_start3A_116 : memref<40xi32, #tpu.memory_space<vmem>>) semaphore(%arg10 : memref<!tpu.dma_semaphore, #tpu.memory_space<semaphore_mem>>)
      %dma_start3A_120 = arith.constant 400 : i32
      %dma_start3A_121 = arith.constant 0 : i32
      %dma_start3A_122 = tpu.memref_slice %arg7[%dma_start3A_120, %dma_start3A_121] : memref<1000x16xf32, #tpu.memory_space<vmem>> -> memref<40x16xf32, #tpu.memory_space<vmem>>
      %dma_start3A_123 = arith.constant 400 : i32
      %dma_start3A_124 = tpu.memref_slice %arg5[%dma_start3A_123] : memref<1000xi32, #tpu.memory_space<vmem>> -> memref<40xi32, #tpu.memory_space<vmem>>
      %dma_start3A_125 = arith.constant 0 : i32
      %dma_start3A_126 = arith.constant 0 : i32
      %dma_start3A_127 = tpu.memref_slice %arg2[%dma_start3A_125, %dma_start3A_126] : memref<100000x16xf32, #tpu.memory_space<hbm>> -> memref<100000x16xf32, #tpu.memory_space<hbm>>
      tpu.enqueue_indirect_dma source(%dma_start3A_127 : memref<100000x16xf32, #tpu.memory_space<hbm>>) target(%dma_start3A_122 : memref<40x16xf32, #tpu.memory_space<vmem>>) offsets(%dma_start3A_124 : memref<40xi32, #tpu.memory_space<vmem>>) semaphore(%arg10 : memref<!tpu.dma_semaphore, #tpu.memory_space<semaphore_mem>>)
      %dma_start3A_128 = arith.constant 440 : i32
      %dma_start3A_129 = arith.constant 0 : i32
      %dma_start3A_130 = tpu.memref_slice %arg7[%dma_start3A_128, %dma_start3A_129] : memref<1000x16xf32, #tpu.memory_space<vmem>> -> memref<40x16xf32, #tpu.memory_space<vmem>>
      %dma_start3A_131 = arith.constant 440 : i32
      %dma_start3A_132 = tpu.memref_slice %arg5[%dma_start3A_131] : memref<1000xi32, #tpu.memory_space<vmem>> -> memref<40xi32, #tpu.memory_space<vmem>>
      %dma_start3A_133 = arith.constant 0 : i32
      %dma_start3A_134 = arith.constant 0 : i32
      %dma_start3A_135 = tpu.memref_slice %arg2[%dma_start3A_133, %dma_start3A_134] : memref<100000x16xf32, #tpu.memory_space<hbm>> -> memref<100000x16xf32, #tpu.memory_space<hbm>>
      tpu.enqueue_indirect_dma source(%dma_start3A_135 : memref<100000x16xf32, #tpu.memory_space<hbm>>) target(%dma_start3A_130 : memref<40x16xf32, #tpu.memory_space<vmem>>) offsets(%dma_start3A_132 : memref<40xi32, #tpu.memory_space<vmem>>) semaphore(%arg10 : memref<!tpu.dma_semaphore, #tpu.memory_space<semaphore_mem>>)
      %dma_start3A_136 = arith.constant 480 : i32
      %dma_start3A_137 = arith.constant 0 : i32
      %dma_start3A_138 = tpu.memref_slice %arg7[%dma_start3A_136, %dma_start3A_137] : memref<1000x16xf32, #tpu.memory_space<vmem>> -> memref<40x16xf32, #tpu.memory_space<vmem>>
      %dma_start3A_139 = arith.constant 480 : i32
      %dma_start3A_140 = tpu.memref_slice %arg5[%dma_start3A_139] : memref<1000xi32, #tpu.memory_space<vmem>> -> memref<40xi32, #tpu.memory_space<vmem>>
      %dma_start3A_141 = arith.constant 0 : i32
      %dma_start3A_142 = arith.constant 0 : i32
      %dma_start3A_143 = tpu.memref_slice %arg2[%dma_start3A_141, %dma_start3A_142] : memref<100000x16xf32, #tpu.memory_space<hbm>> -> memref<100000x16xf32, #tpu.memory_space<hbm>>
      tpu.enqueue_indirect_dma source(%dma_start3A_143 : memref<100000x16xf32, #tpu.memory_space<hbm>>) target(%dma_start3A_138 : memref<40x16xf32, #tpu.memory_space<vmem>>) offsets(%dma_start3A_140 : memref<40xi32, #tpu.memory_space<vmem>>) semaphore(%arg10 : memref<!tpu.dma_semaphore, #tpu.memory_space<semaphore_mem>>)
      %dma_start3A_144 = arith.constant 520 : i32
      %dma_start3A_145 = arith.constant 0 : i32
      %dma_start3A_146 = tpu.memref_slice %arg7[%dma_start3A_144, %dma_start3A_145] : memref<1000x16xf32, #tpu.memory_space<vmem>> -> memref<40x16xf32, #tpu.memory_space<vmem>>
      %dma_start3A_147 = arith.constant 520 : i32
      %dma_start3A_148 = tpu.memref_slice %arg5[%dma_start3A_147] : memref<1000xi32, #tpu.memory_space<vmem>> -> memref<40xi32, #tpu.memory_space<vmem>>
      %dma_start3A_149 = arith.constant 0 : i32
      %dma_start3A_150 = arith.constant 0 : i32
      %dma_start3A_151 = tpu.memref_slice %arg2[%dma_start3A_149, %dma_start3A_150] : memref<100000x16xf32, #tpu.memory_space<hbm>> -> memref<100000x16xf32, #tpu.memory_space<hbm>>
      tpu.enqueue_indirect_dma source(%dma_start3A_151 : memref<100000x16xf32, #tpu.memory_space<hbm>>) target(%dma_start3A_146 : memref<40x16xf32, #tpu.memory_space<vmem>>) offsets(%dma_start3A_148 : memref<40xi32, #tpu.memory_space<vmem>>) semaphore(%arg10 : memref<!tpu.dma_semaphore, #tpu.memory_space<semaphore_mem>>)
      %dma_start3A_152 = arith.constant 560 : i32
      %dma_start3A_153 = arith.constant 0 : i32
      %dma_start3A_154 = tpu.memref_slice %arg7[%dma_start3A_152, %dma_start3A_153] : memref<1000x16xf32, #tpu.memory_space<vmem>> -> memref<40x16xf32, #tpu.memory_space<vmem>>
      %dma_start3A_155 = arith.constant 560 : i32
      %dma_start3A_156 = tpu.memref_slice %arg5[%dma_start3A_155] : memref<1000xi32, #tpu.memory_space<vmem>> -> memref<40xi32, #tpu.memory_space<vmem>>
      %dma_start3A_157 = arith.constant 0 : i32
      %dma_start3A_158 = arith.constant 0 : i32
      %dma_start3A_159 = tpu.memref_slice %arg2[%dma_start3A_157, %dma_start3A_158] : memref<100000x16xf32, #tpu.memory_space<hbm>> -> memref<100000x16xf32, #tpu.memory_space<hbm>>
      tpu.enqueue_indirect_dma source(%dma_start3A_159 : memref<100000x16xf32, #tpu.memory_space<hbm>>) target(%dma_start3A_154 : memref<40x16xf32, #tpu.memory_space<vmem>>) offsets(%dma_start3A_156 : memref<40xi32, #tpu.memory_space<vmem>>) semaphore(%arg10 : memref<!tpu.dma_semaphore, #tpu.memory_space<semaphore_mem>>)
      %dma_start3A_160 = arith.constant 600 : i32
      %dma_start3A_161 = arith.constant 0 : i32
      %dma_start3A_162 = tpu.memref_slice %arg7[%dma_start3A_160, %dma_start3A_161] : memref<1000x16xf32, #tpu.memory_space<vmem>> -> memref<40x16xf32, #tpu.memory_space<vmem>>
      %dma_start3A_163 = arith.constant 600 : i32
      %dma_start3A_164 = tpu.memref_slice %arg5[%dma_start3A_163] : memref<1000xi32, #tpu.memory_space<vmem>> -> memref<40xi32, #tpu.memory_space<vmem>>
      %dma_start3A_165 = arith.constant 0 : i32
      %dma_start3A_166 = arith.constant 0 : i32
      %dma_start3A_167 = tpu.memref_slice %arg2[%dma_start3A_165, %dma_start3A_166] : memref<100000x16xf32, #tpu.memory_space<hbm>> -> memref<100000x16xf32, #tpu.memory_space<hbm>>
      tpu.enqueue_indirect_dma source(%dma_start3A_167 : memref<100000x16xf32, #tpu.memory_space<hbm>>) target(%dma_start3A_162 : memref<40x16xf32, #tpu.memory_space<vmem>>) offsets(%dma_start3A_164 : memref<40xi32, #tpu.memory_space<vmem>>) semaphore(%arg10 : memref<!tpu.dma_semaphore, #tpu.memory_space<semaphore_mem>>)
      %dma_start3A_168 = arith.constant 640 : i32
      %dma_start3A_169 = arith.constant 0 : i32
      %dma_start3A_170 = tpu.memref_slice %arg7[%dma_start3A_168, %dma_start3A_169] : memref<1000x16xf32, #tpu.memory_space<vmem>> -> memref<40x16xf32, #tpu.memory_space<vmem>>
      %dma_start3A_171 = arith.constant 640 : i32
      %dma_start3A_172 = tpu.memref_slice %arg5[%dma_start3A_171] : memref<1000xi32, #tpu.memory_space<vmem>> -> memref<40xi32, #tpu.memory_space<vmem>>
      %dma_start3A_173 = arith.constant 0 : i32
      %dma_start3A_174 = arith.constant 0 : i32
      %dma_start3A_175 = tpu.memref_slice %arg2[%dma_start3A_173, %dma_start3A_174] : memref<100000x16xf32, #tpu.memory_space<hbm>> -> memref<100000x16xf32, #tpu.memory_space<hbm>>
      tpu.enqueue_indirect_dma source(%dma_start3A_175 : memref<100000x16xf32, #tpu.memory_space<hbm>>) target(%dma_start3A_170 : memref<40x16xf32, #tpu.memory_space<vmem>>) offsets(%dma_start3A_172 : memref<40xi32, #tpu.memory_space<vmem>>) semaphore(%arg10 : memref<!tpu.dma_semaphore, #tpu.memory_space<semaphore_mem>>)
      %dma_start3A_176 = arith.constant 680 : i32
      %dma_start3A_177 = arith.constant 0 : i32
      %dma_start3A_178 = tpu.memref_slice %arg7[%dma_start3A_176, %dma_start3A_177] : memref<1000x16xf32, #tpu.memory_space<vmem>> -> memref<40x16xf32, #tpu.memory_space<vmem>>
      %dma_start3A_179 = arith.constant 680 : i32
      %dma_start3A_180 = tpu.memref_slice %arg5[%dma_start3A_179] : memref<1000xi32, #tpu.memory_space<vmem>> -> memref<40xi32, #tpu.memory_space<vmem>>
      %dma_start3A_181 = arith.constant 0 : i32
      %dma_start3A_182 = arith.constant 0 : i32
      %dma_start3A_183 = tpu.memref_slice %arg2[%dma_start3A_181, %dma_start3A_182] : memref<100000x16xf32, #tpu.memory_space<hbm>> -> memref<100000x16xf32, #tpu.memory_space<hbm>>
      tpu.enqueue_indirect_dma source(%dma_start3A_183 : memref<100000x16xf32, #tpu.memory_space<hbm>>) target(%dma_start3A_178 : memref<40x16xf32, #tpu.memory_space<vmem>>) offsets(%dma_start3A_180 : memref<40xi32, #tpu.memory_space<vmem>>) semaphore(%arg10 : memref<!tpu.dma_semaphore, #tpu.memory_space<semaphore_mem>>)
      %dma_start3A_184 = arith.constant 720 : i32
      %dma_start3A_185 = arith.constant 0 : i32
      %dma_start3A_186 = tpu.memref_slice %arg7[%dma_start3A_184, %dma_start3A_185] : memref<1000x16xf32, #tpu.memory_space<vmem>> -> memref<40x16xf32, #tpu.memory_space<vmem>>
      %dma_start3A_187 = arith.constant 720 : i32
      %dma_start3A_188 = tpu.memref_slice %arg5[%dma_start3A_187] : memref<1000xi32, #tpu.memory_space<vmem>> -> memref<40xi32, #tpu.memory_space<vmem>>
      %dma_start3A_189 = arith.constant 0 : i32
      %dma_start3A_190 = arith.constant 0 : i32
      %dma_start3A_191 = tpu.memref_slice %arg2[%dma_start3A_189, %dma_start3A_190] : memref<100000x16xf32, #tpu.memory_space<hbm>> -> memref<100000x16xf32, #tpu.memory_space<hbm>>
      tpu.enqueue_indirect_dma source(%dma_start3A_191 : memref<100000x16xf32, #tpu.memory_space<hbm>>) target(%dma_start3A_186 : memref<40x16xf32, #tpu.memory_space<vmem>>) offsets(%dma_start3A_188 : memref<40xi32, #tpu.memory_space<vmem>>) semaphore(%arg10 : memref<!tpu.dma_semaphore, #tpu.memory_space<semaphore_mem>>)
      %dma_start3A_192 = arith.constant 760 : i32
      %dma_start3A_193 = arith.constant 0 : i32
      %dma_start3A_194 = tpu.memref_slice %arg7[%dma_start3A_192, %dma_start3A_193] : memref<1000x16xf32, #tpu.memory_space<vmem>> -> memref<40x16xf32, #tpu.memory_space<vmem>>
      %dma_start3A_195 = arith.constant 760 : i32
      %dma_start3A_196 = tpu.memref_slice %arg5[%dma_start3A_195] : memref<1000xi32, #tpu.memory_space<vmem>> -> memref<40xi32, #tpu.memory_space<vmem>>
      %dma_start3A_197 = arith.constant 0 : i32
      %dma_start3A_198 = arith.constant 0 : i32
      %dma_start3A_199 = tpu.memref_slice %arg2[%dma_start3A_197, %dma_start3A_198] : memref<100000x16xf32, #tpu.memory_space<hbm>> -> memref<100000x16xf32, #tpu.memory_space<hbm>>
      tpu.enqueue_indirect_dma source(%dma_start3A_199 : memref<100000x16xf32, #tpu.memory_space<hbm>>) target(%dma_start3A_194 : memref<40x16xf32, #tpu.memory_space<vmem>>) offsets(%dma_start3A_196 : memref<40xi32, #tpu.memory_space<vmem>>) semaphore(%arg10 : memref<!tpu.dma_semaphore, #tpu.memory_space<semaphore_mem>>)
      %dma_start3A_200 = arith.constant 800 : i32
      %dma_start3A_201 = arith.constant 0 : i32
      %dma_start3A_202 = tpu.memref_slice %arg7[%dma_start3A_200, %dma_start3A_201] : memref<1000x16xf32, #tpu.memory_space<vmem>> -> memref<40x16xf32, #tpu.memory_space<vmem>>
      %dma_start3A_203 = arith.constant 800 : i32
      %dma_start3A_204 = tpu.memref_slice %arg5[%dma_start3A_203] : memref<1000xi32, #tpu.memory_space<vmem>> -> memref<40xi32, #tpu.memory_space<vmem>>
      %dma_start3A_205 = arith.constant 0 : i32
      %dma_start3A_206 = arith.constant 0 : i32
      %dma_start3A_207 = tpu.memref_slice %arg2[%dma_start3A_205, %dma_start3A_206] : memref<100000x16xf32, #tpu.memory_space<hbm>> -> memref<100000x16xf32, #tpu.memory_space<hbm>>
      tpu.enqueue_indirect_dma source(%dma_start3A_207 : memref<100000x16xf32, #tpu.memory_space<hbm>>) target(%dma_start3A_202 : memref<40x16xf32, #tpu.memory_space<vmem>>) offsets(%dma_start3A_204 : memref<40xi32, #tpu.memory_space<vmem>>) semaphore(%arg10 : memref<!tpu.dma_semaphore, #tpu.memory_space<semaphore_mem>>)
      %dma_start3A_208 = arith.constant 840 : i32
      %dma_start3A_209 = arith.constant 0 : i32
      %dma_start3A_210 = tpu.memref_slice %arg7[%dma_start3A_208, %dma_start3A_209] : memref<1000x16xf32, #tpu.memory_space<vmem>> -> memref<40x16xf32, #tpu.memory_space<vmem>>
      %dma_start3A_211 = arith.constant 840 : i32
      %dma_start3A_212 = tpu.memref_slice %arg5[%dma_start3A_211] : memref<1000xi32, #tpu.memory_space<vmem>> -> memref<40xi32, #tpu.memory_space<vmem>>
      %dma_start3A_213 = arith.constant 0 : i32
      %dma_start3A_214 = arith.constant 0 : i32
      %dma_start3A_215 = tpu.memref_slice %arg2[%dma_start3A_213, %dma_start3A_214] : memref<100000x16xf32, #tpu.memory_space<hbm>> -> memref<100000x16xf32, #tpu.memory_space<hbm>>
      tpu.enqueue_indirect_dma source(%dma_start3A_215 : memref<100000x16xf32, #tpu.memory_space<hbm>>) target(%dma_start3A_210 : memref<40x16xf32, #tpu.memory_space<vmem>>) offsets(%dma_start3A_212 : memref<40xi32, #tpu.memory_space<vmem>>) semaphore(%arg10 : memref<!tpu.dma_semaphore, #tpu.memory_space<semaphore_mem>>)
      %dma_start3A_216 = arith.constant 880 : i32
      %dma_start3A_217 = arith.constant 0 : i32
      %dma_start3A_218 = tpu.memref_slice %arg7[%dma_start3A_216, %dma_start3A_217] : memref<1000x16xf32, #tpu.memory_space<vmem>> -> memref<40x16xf32, #tpu.memory_space<vmem>>
      %dma_start3A_219 = arith.constant 880 : i32
      %dma_start3A_220 = tpu.memref_slice %arg5[%dma_start3A_219] : memref<1000xi32, #tpu.memory_space<vmem>> -> memref<40xi32, #tpu.memory_space<vmem>>
      %dma_start3A_221 = arith.constant 0 : i32
      %dma_start3A_222 = arith.constant 0 : i32
      %dma_start3A_223 = tpu.memref_slice %arg2[%dma_start3A_221, %dma_start3A_222] : memref<100000x16xf32, #tpu.memory_space<hbm>> -> memref<100000x16xf32, #tpu.memory_space<hbm>>
      tpu.enqueue_indirect_dma source(%dma_start3A_223 : memref<100000x16xf32, #tpu.memory_space<hbm>>) target(%dma_start3A_218 : memref<40x16xf32, #tpu.memory_space<vmem>>) offsets(%dma_start3A_220 : memref<40xi32, #tpu.memory_space<vmem>>) semaphore(%arg10 : memref<!tpu.dma_semaphore, #tpu.memory_space<semaphore_mem>>)
      %dma_start3A_224 = arith.constant 920 : i32
      %dma_start3A_225 = arith.constant 0 : i32
      %dma_start3A_226 = tpu.memref_slice %arg7[%dma_start3A_224, %dma_start3A_225] : memref<1000x16xf32, #tpu.memory_space<vmem>> -> memref<40x16xf32, #tpu.memory_space<vmem>>
      %dma_start3A_227 = arith.constant 920 : i32
      %dma_start3A_228 = tpu.memref_slice %arg5[%dma_start3A_227] : memref<1000xi32, #tpu.memory_space<vmem>> -> memref<40xi32, #tpu.memory_space<vmem>>
      %dma_start3A_229 = arith.constant 0 : i32
      %dma_start3A_230 = arith.constant 0 : i32
      %dma_start3A_231 = tpu.memref_slice %arg2[%dma_start3A_229, %dma_start3A_230] : memref<100000x16xf32, #tpu.memory_space<hbm>> -> memref<100000x16xf32, #tpu.memory_space<hbm>>
      tpu.enqueue_indirect_dma source(%dma_start3A_231 : memref<100000x16xf32, #tpu.memory_space<hbm>>) target(%dma_start3A_226 : memref<40x16xf32, #tpu.memory_space<vmem>>) offsets(%dma_start3A_228 : memref<40xi32, #tpu.memory_space<vmem>>) semaphore(%arg10 : memref<!tpu.dma_semaphore, #tpu.memory_space<semaphore_mem>>)
      %dma_start3A_232 = arith.constant 960 : i32
      %dma_start3A_233 = arith.constant 0 : i32
      %dma_start3A_234 = tpu.memref_slice %arg7[%dma_start3A_232, %dma_start3A_233] : memref<1000x16xf32, #tpu.memory_space<vmem>> -> memref<40x16xf32, #tpu.memory_space<vmem>>
      %dma_start3A_235 = arith.constant 960 : i32
      %dma_start3A_236 = tpu.memref_slice %arg5[%dma_start3A_235] : memref<1000xi32, #tpu.memory_space<vmem>> -> memref<40xi32, #tpu.memory_space<vmem>>
      %dma_start3A_237 = arith.constant 0 : i32
      %dma_start3A_238 = arith.constant 0 : i32
      %dma_start3A_239 = tpu.memref_slice %arg2[%dma_start3A_237, %dma_start3A_238] : memref<100000x16xf32, #tpu.memory_space<hbm>> -> memref<100000x16xf32, #tpu.memory_space<hbm>>
      tpu.enqueue_indirect_dma source(%dma_start3A_239 : memref<100000x16xf32, #tpu.memory_space<hbm>>) target(%dma_start3A_234 : memref<40x16xf32, #tpu.memory_space<vmem>>) offsets(%dma_start3A_236 : memref<40xi32, #tpu.memory_space<vmem>>) semaphore(%arg10 : memref<!tpu.dma_semaphore, #tpu.memory_space<semaphore_mem>>)
      %dma_wait3A_240 = arith.constant 0 : i32
      %dma_wait3A_241 = arith.constant 0 : i32
      %dma_wait3A_242 = tpu.memref_slice %arg7[%dma_wait3A_240, %dma_wait3A_241] : memref<1000x16xf32, #tpu.memory_space<vmem>> -> memref<40x16xf32, #tpu.memory_space<vmem>>
      %dma_wait3A_243 = arith.constant 0 : i32
      %dma_wait3A_244 = tpu.memref_slice %arg5[%dma_wait3A_243] : memref<1000xi32, #tpu.memory_space<vmem>> -> memref<40xi32, #tpu.memory_space<vmem>>
      %dma_wait3A_245 = arith.constant 0 : i32
      %dma_wait3A_246 = arith.constant 0 : i32
      %dma_wait3A_247 = tpu.memref_slice %arg2[%dma_wait3A_245, %dma_wait3A_246] : memref<100000x16xf32, #tpu.memory_space<hbm>> -> memref<100000x16xf32, #tpu.memory_space<hbm>>
      tpu.wait_indirect_dma semaphore(%arg10 : memref<!tpu.dma_semaphore, #tpu.memory_space<semaphore_mem>>) src(%dma_wait3A_247 : memref<100000x16xf32, #tpu.memory_space<hbm>>) dst(%dma_wait3A_242 : memref<40x16xf32, #tpu.memory_space<vmem>>)
      %dma_wait3A_248 = arith.constant 40 : i32
      %dma_wait3A_249 = arith.constant 0 : i32
      %dma_wait3A_250 = tpu.memref_slice %arg7[%dma_wait3A_248, %dma_wait3A_249] : memref<1000x16xf32, #tpu.memory_space<vmem>> -> memref<40x16xf32, #tpu.memory_space<vmem>>
      %dma_wait3A_251 = arith.constant 40 : i32
      %dma_wait3A_252 = tpu.memref_slice %arg5[%dma_wait3A_251] : memref<1000xi32, #tpu.memory_space<vmem>> -> memref<40xi32, #tpu.memory_space<vmem>>
      %dma_wait3A_253 = arith.constant 0 : i32
      %dma_wait3A_254 = arith.constant 0 : i32
      %dma_wait3A_255 = tpu.memref_slice %arg2[%dma_wait3A_253, %dma_wait3A_254] : memref<100000x16xf32, #tpu.memory_space<hbm>> -> memref<100000x16xf32, #tpu.memory_space<hbm>>
      tpu.wait_indirect_dma semaphore(%arg10 : memref<!tpu.dma_semaphore, #tpu.memory_space<semaphore_mem>>) src(%dma_wait3A_255 : memref<100000x16xf32, #tpu.memory_space<hbm>>) dst(%dma_wait3A_250 : memref<40x16xf32, #tpu.memory_space<vmem>>)
      %dma_wait3A_256 = arith.constant 80 : i32
      %dma_wait3A_257 = arith.constant 0 : i32
      %dma_wait3A_258 = tpu.memref_slice %arg7[%dma_wait3A_256, %dma_wait3A_257] : memref<1000x16xf32, #tpu.memory_space<vmem>> -> memref<40x16xf32, #tpu.memory_space<vmem>>
      %dma_wait3A_259 = arith.constant 80 : i32
      %dma_wait3A_260 = tpu.memref_slice %arg5[%dma_wait3A_259] : memref<1000xi32, #tpu.memory_space<vmem>> -> memref<40xi32, #tpu.memory_space<vmem>>
      %dma_wait3A_261 = arith.constant 0 : i32
      %dma_wait3A_262 = arith.constant 0 : i32
      %dma_wait3A_263 = tpu.memref_slice %arg2[%dma_wait3A_261, %dma_wait3A_262] : memref<100000x16xf32, #tpu.memory_space<hbm>> -> memref<100000x16xf32, #tpu.memory_space<hbm>>
      tpu.wait_indirect_dma semaphore(%arg10 : memref<!tpu.dma_semaphore, #tpu.memory_space<semaphore_mem>>) src(%dma_wait3A_263 : memref<100000x16xf32, #tpu.memory_space<hbm>>) dst(%dma_wait3A_258 : memref<40x16xf32, #tpu.memory_space<vmem>>)
      %dma_wait3A_264 = arith.constant 120 : i32
      %dma_wait3A_265 = arith.constant 0 : i32
      %dma_wait3A_266 = tpu.memref_slice %arg7[%dma_wait3A_264, %dma_wait3A_265] : memref<1000x16xf32, #tpu.memory_space<vmem>> -> memref<40x16xf32, #tpu.memory_space<vmem>>
      %dma_wait3A_267 = arith.constant 120 : i32
      %dma_wait3A_268 = tpu.memref_slice %arg5[%dma_wait3A_267] : memref<1000xi32, #tpu.memory_space<vmem>> -> memref<40xi32, #tpu.memory_space<vmem>>
      %dma_wait3A_269 = arith.constant 0 : i32
      %dma_wait3A_270 = arith.constant 0 : i32
      %dma_wait3A_271 = tpu.memref_slice %arg2[%dma_wait3A_269, %dma_wait3A_270] : memref<100000x16xf32, #tpu.memory_space<hbm>> -> memref<100000x16xf32, #tpu.memory_space<hbm>>
      tpu.wait_indirect_dma semaphore(%arg10 : memref<!tpu.dma_semaphore, #tpu.memory_space<semaphore_mem>>) src(%dma_wait3A_271 : memref<100000x16xf32, #tpu.memory_space<hbm>>) dst(%dma_wait3A_266 : memref<40x16xf32, #tpu.memory_space<vmem>>)
      %dma_wait3A_272 = arith.constant 160 : i32
      %dma_wait3A_273 = arith.constant 0 : i32
      %dma_wait3A_274 = tpu.memref_slice %arg7[%dma_wait3A_272, %dma_wait3A_273] : memref<1000x16xf32, #tpu.memory_space<vmem>> -> memref<40x16xf32, #tpu.memory_space<vmem>>
      %dma_wait3A_275 = arith.constant 160 : i32
      %dma_wait3A_276 = tpu.memref_slice %arg5[%dma_wait3A_275] : memref<1000xi32, #tpu.memory_space<vmem>> -> memref<40xi32, #tpu.memory_space<vmem>>
      %dma_wait3A_277 = arith.constant 0 : i32
      %dma_wait3A_278 = arith.constant 0 : i32
      %dma_wait3A_279 = tpu.memref_slice %arg2[%dma_wait3A_277, %dma_wait3A_278] : memref<100000x16xf32, #tpu.memory_space<hbm>> -> memref<100000x16xf32, #tpu.memory_space<hbm>>
      tpu.wait_indirect_dma semaphore(%arg10 : memref<!tpu.dma_semaphore, #tpu.memory_space<semaphore_mem>>) src(%dma_wait3A_279 : memref<100000x16xf32, #tpu.memory_space<hbm>>) dst(%dma_wait3A_274 : memref<40x16xf32, #tpu.memory_space<vmem>>)
      %dma_wait3A_280 = arith.constant 200 : i32
      %dma_wait3A_281 = arith.constant 0 : i32
      %dma_wait3A_282 = tpu.memref_slice %arg7[%dma_wait3A_280, %dma_wait3A_281] : memref<1000x16xf32, #tpu.memory_space<vmem>> -> memref<40x16xf32, #tpu.memory_space<vmem>>
      %dma_wait3A_283 = arith.constant 200 : i32
      %dma_wait3A_284 = tpu.memref_slice %arg5[%dma_wait3A_283] : memref<1000xi32, #tpu.memory_space<vmem>> -> memref<40xi32, #tpu.memory_space<vmem>>
      %dma_wait3A_285 = arith.constant 0 : i32
      %dma_wait3A_286 = arith.constant 0 : i32
      %dma_wait3A_287 = tpu.memref_slice %arg2[%dma_wait3A_285, %dma_wait3A_286] : memref<100000x16xf32, #tpu.memory_space<hbm>> -> memref<100000x16xf32, #tpu.memory_space<hbm>>
      tpu.wait_indirect_dma semaphore(%arg10 : memref<!tpu.dma_semaphore, #tpu.memory_space<semaphore_mem>>) src(%dma_wait3A_287 : memref<100000x16xf32, #tpu.memory_space<hbm>>) dst(%dma_wait3A_282 : memref<40x16xf32, #tpu.memory_space<vmem>>)
      %dma_wait3A_288 = arith.constant 240 : i32
      %dma_wait3A_289 = arith.constant 0 : i32
      %dma_wait3A_290 = tpu.memref_slice %arg7[%dma_wait3A_288, %dma_wait3A_289] : memref<1000x16xf32, #tpu.memory_space<vmem>> -> memref<40x16xf32, #tpu.memory_space<vmem>>
      %dma_wait3A_291 = arith.constant 240 : i32
      %dma_wait3A_292 = tpu.memref_slice %arg5[%dma_wait3A_291] : memref<1000xi32, #tpu.memory_space<vmem>> -> memref<40xi32, #tpu.memory_space<vmem>>
      %dma_wait3A_293 = arith.constant 0 : i32
      %dma_wait3A_294 = arith.constant 0 : i32
      %dma_wait3A_295 = tpu.memref_slice %arg2[%dma_wait3A_293, %dma_wait3A_294] : memref<100000x16xf32, #tpu.memory_space<hbm>> -> memref<100000x16xf32, #tpu.memory_space<hbm>>
      tpu.wait_indirect_dma semaphore(%arg10 : memref<!tpu.dma_semaphore, #tpu.memory_space<semaphore_mem>>) src(%dma_wait3A_295 : memref<100000x16xf32, #tpu.memory_space<hbm>>) dst(%dma_wait3A_290 : memref<40x16xf32, #tpu.memory_space<vmem>>)
      %dma_wait3A_296 = arith.constant 280 : i32
      %dma_wait3A_297 = arith.constant 0 : i32
      %dma_wait3A_298 = tpu.memref_slice %arg7[%dma_wait3A_296, %dma_wait3A_297] : memref<1000x16xf32, #tpu.memory_space<vmem>> -> memref<40x16xf32, #tpu.memory_space<vmem>>
      %dma_wait3A_299 = arith.constant 280 : i32
      %dma_wait3A_300 = tpu.memref_slice %arg5[%dma_wait3A_299] : memref<1000xi32, #tpu.memory_space<vmem>> -> memref<40xi32, #tpu.memory_space<vmem>>
      %dma_wait3A_301 = arith.constant 0 : i32
      %dma_wait3A_302 = arith.constant 0 : i32
      %dma_wait3A_303 = tpu.memref_slice %arg2[%dma_wait3A_301, %dma_wait3A_302] : memref<100000x16xf32, #tpu.memory_space<hbm>> -> memref<100000x16xf32, #tpu.memory_space<hbm>>
      tpu.wait_indirect_dma semaphore(%arg10 : memref<!tpu.dma_semaphore, #tpu.memory_space<semaphore_mem>>) src(%dma_wait3A_303 : memref<100000x16xf32, #tpu.memory_space<hbm>>) dst(%dma_wait3A_298 : memref<40x16xf32, #tpu.memory_space<vmem>>)
      %dma_wait3A_304 = arith.constant 320 : i32
      %dma_wait3A_305 = arith.constant 0 : i32
      %dma_wait3A_306 = tpu.memref_slice %arg7[%dma_wait3A_304, %dma_wait3A_305] : memref<1000x16xf32, #tpu.memory_space<vmem>> -> memref<40x16xf32, #tpu.memory_space<vmem>>
      %dma_wait3A_307 = arith.constant 320 : i32
      %dma_wait3A_308 = tpu.memref_slice %arg5[%dma_wait3A_307] : memref<1000xi32, #tpu.memory_space<vmem>> -> memref<40xi32, #tpu.memory_space<vmem>>
      %dma_wait3A_309 = arith.constant 0 : i32
      %dma_wait3A_310 = arith.constant 0 : i32
      %dma_wait3A_311 = tpu.memref_slice %arg2[%dma_wait3A_309, %dma_wait3A_310] : memref<100000x16xf32, #tpu.memory_space<hbm>> -> memref<100000x16xf32, #tpu.memory_space<hbm>>
      tpu.wait_indirect_dma semaphore(%arg10 : memref<!tpu.dma_semaphore, #tpu.memory_space<semaphore_mem>>) src(%dma_wait3A_311 : memref<100000x16xf32, #tpu.memory_space<hbm>>) dst(%dma_wait3A_306 : memref<40x16xf32, #tpu.memory_space<vmem>>)
      %dma_wait3A_312 = arith.constant 360 : i32
      %dma_wait3A_313 = arith.constant 0 : i32
      %dma_wait3A_314 = tpu.memref_slice %arg7[%dma_wait3A_312, %dma_wait3A_313] : memref<1000x16xf32, #tpu.memory_space<vmem>> -> memref<40x16xf32, #tpu.memory_space<vmem>>
      %dma_wait3A_315 = arith.constant 360 : i32
      %dma_wait3A_316 = tpu.memref_slice %arg5[%dma_wait3A_315] : memref<1000xi32, #tpu.memory_space<vmem>> -> memref<40xi32, #tpu.memory_space<vmem>>
      %dma_wait3A_317 = arith.constant 0 : i32
      %dma_wait3A_318 = arith.constant 0 : i32
      %dma_wait3A_319 = tpu.memref_slice %arg2[%dma_wait3A_317, %dma_wait3A_318] : memref<100000x16xf32, #tpu.memory_space<hbm>> -> memref<100000x16xf32, #tpu.memory_space<hbm>>
      tpu.wait_indirect_dma semaphore(%arg10 : memref<!tpu.dma_semaphore, #tpu.memory_space<semaphore_mem>>) src(%dma_wait3A_319 : memref<100000x16xf32, #tpu.memory_space<hbm>>) dst(%dma_wait3A_314 : memref<40x16xf32, #tpu.memory_space<vmem>>)
      %dma_wait3A_320 = arith.constant 400 : i32
      %dma_wait3A_321 = arith.constant 0 : i32
      %dma_wait3A_322 = tpu.memref_slice %arg7[%dma_wait3A_320, %dma_wait3A_321] : memref<1000x16xf32, #tpu.memory_space<vmem>> -> memref<40x16xf32, #tpu.memory_space<vmem>>
      %dma_wait3A_323 = arith.constant 400 : i32
      %dma_wait3A_324 = tpu.memref_slice %arg5[%dma_wait3A_323] : memref<1000xi32, #tpu.memory_space<vmem>> -> memref<40xi32, #tpu.memory_space<vmem>>
      %dma_wait3A_325 = arith.constant 0 : i32
      %dma_wait3A_326 = arith.constant 0 : i32
      %dma_wait3A_327 = tpu.memref_slice %arg2[%dma_wait3A_325, %dma_wait3A_326] : memref<100000x16xf32, #tpu.memory_space<hbm>> -> memref<100000x16xf32, #tpu.memory_space<hbm>>
      tpu.wait_indirect_dma semaphore(%arg10 : memref<!tpu.dma_semaphore, #tpu.memory_space<semaphore_mem>>) src(%dma_wait3A_327 : memref<100000x16xf32, #tpu.memory_space<hbm>>) dst(%dma_wait3A_322 : memref<40x16xf32, #tpu.memory_space<vmem>>)
      %dma_wait3A_328 = arith.constant 440 : i32
      %dma_wait3A_329 = arith.constant 0 : i32
      %dma_wait3A_330 = tpu.memref_slice %arg7[%dma_wait3A_328, %dma_wait3A_329] : memref<1000x16xf32, #tpu.memory_space<vmem>> -> memref<40x16xf32, #tpu.memory_space<vmem>>
      %dma_wait3A_331 = arith.constant 440 : i32
      %dma_wait3A_332 = tpu.memref_slice %arg5[%dma_wait3A_331] : memref<1000xi32, #tpu.memory_space<vmem>> -> memref<40xi32, #tpu.memory_space<vmem>>
      %dma_wait3A_333 = arith.constant 0 : i32
      %dma_wait3A_334 = arith.constant 0 : i32
      %dma_wait3A_335 = tpu.memref_slice %arg2[%dma_wait3A_333, %dma_wait3A_334] : memref<100000x16xf32, #tpu.memory_space<hbm>> -> memref<100000x16xf32, #tpu.memory_space<hbm>>
      tpu.wait_indirect_dma semaphore(%arg10 : memref<!tpu.dma_semaphore, #tpu.memory_space<semaphore_mem>>) src(%dma_wait3A_335 : memref<100000x16xf32, #tpu.memory_space<hbm>>) dst(%dma_wait3A_330 : memref<40x16xf32, #tpu.memory_space<vmem>>)
      %dma_wait3A_336 = arith.constant 480 : i32
      %dma_wait3A_337 = arith.constant 0 : i32
      %dma_wait3A_338 = tpu.memref_slice %arg7[%dma_wait3A_336, %dma_wait3A_337] : memref<1000x16xf32, #tpu.memory_space<vmem>> -> memref<40x16xf32, #tpu.memory_space<vmem>>
      %dma_wait3A_339 = arith.constant 480 : i32
      %dma_wait3A_340 = tpu.memref_slice %arg5[%dma_wait3A_339] : memref<1000xi32, #tpu.memory_space<vmem>> -> memref<40xi32, #tpu.memory_space<vmem>>
      %dma_wait3A_341 = arith.constant 0 : i32
      %dma_wait3A_342 = arith.constant 0 : i32
      %dma_wait3A_343 = tpu.memref_slice %arg2[%dma_wait3A_341, %dma_wait3A_342] : memref<100000x16xf32, #tpu.memory_space<hbm>> -> memref<100000x16xf32, #tpu.memory_space<hbm>>
      tpu.wait_indirect_dma semaphore(%arg10 : memref<!tpu.dma_semaphore, #tpu.memory_space<semaphore_mem>>) src(%dma_wait3A_343 : memref<100000x16xf32, #tpu.memory_space<hbm>>) dst(%dma_wait3A_338 : memref<40x16xf32, #tpu.memory_space<vmem>>)
      %dma_wait3A_344 = arith.constant 520 : i32
      %dma_wait3A_345 = arith.constant 0 : i32
      %dma_wait3A_346 = tpu.memref_slice %arg7[%dma_wait3A_344, %dma_wait3A_345] : memref<1000x16xf32, #tpu.memory_space<vmem>> -> memref<40x16xf32, #tpu.memory_space<vmem>>
      %dma_wait3A_347 = arith.constant 520 : i32
      %dma_wait3A_348 = tpu.memref_slice %arg5[%dma_wait3A_347] : memref<1000xi32, #tpu.memory_space<vmem>> -> memref<40xi32, #tpu.memory_space<vmem>>
      %dma_wait3A_349 = arith.constant 0 : i32
      %dma_wait3A_350 = arith.constant 0 : i32
      %dma_wait3A_351 = tpu.memref_slice %arg2[%dma_wait3A_349, %dma_wait3A_350] : memref<100000x16xf32, #tpu.memory_space<hbm>> -> memref<100000x16xf32, #tpu.memory_space<hbm>>
      tpu.wait_indirect_dma semaphore(%arg10 : memref<!tpu.dma_semaphore, #tpu.memory_space<semaphore_mem>>) src(%dma_wait3A_351 : memref<100000x16xf32, #tpu.memory_space<hbm>>) dst(%dma_wait3A_346 : memref<40x16xf32, #tpu.memory_space<vmem>>)
      %dma_wait3A_352 = arith.constant 560 : i32
      %dma_wait3A_353 = arith.constant 0 : i32
      %dma_wait3A_354 = tpu.memref_slice %arg7[%dma_wait3A_352, %dma_wait3A_353] : memref<1000x16xf32, #tpu.memory_space<vmem>> -> memref<40x16xf32, #tpu.memory_space<vmem>>
      %dma_wait3A_355 = arith.constant 560 : i32
      %dma_wait3A_356 = tpu.memref_slice %arg5[%dma_wait3A_355] : memref<1000xi32, #tpu.memory_space<vmem>> -> memref<40xi32, #tpu.memory_space<vmem>>
      %dma_wait3A_357 = arith.constant 0 : i32
      %dma_wait3A_358 = arith.constant 0 : i32
      %dma_wait3A_359 = tpu.memref_slice %arg2[%dma_wait3A_357, %dma_wait3A_358] : memref<100000x16xf32, #tpu.memory_space<hbm>> -> memref<100000x16xf32, #tpu.memory_space<hbm>>
      tpu.wait_indirect_dma semaphore(%arg10 : memref<!tpu.dma_semaphore, #tpu.memory_space<semaphore_mem>>) src(%dma_wait3A_359 : memref<100000x16xf32, #tpu.memory_space<hbm>>) dst(%dma_wait3A_354 : memref<40x16xf32, #tpu.memory_space<vmem>>)
      %dma_wait3A_360 = arith.constant 600 : i32
      %dma_wait3A_361 = arith.constant 0 : i32
      %dma_wait3A_362 = tpu.memref_slice %arg7[%dma_wait3A_360, %dma_wait3A_361] : memref<1000x16xf32, #tpu.memory_space<vmem>> -> memref<40x16xf32, #tpu.memory_space<vmem>>
      %dma_wait3A_363 = arith.constant 600 : i32
      %dma_wait3A_364 = tpu.memref_slice %arg5[%dma_wait3A_363] : memref<1000xi32, #tpu.memory_space<vmem>> -> memref<40xi32, #tpu.memory_space<vmem>>
      %dma_wait3A_365 = arith.constant 0 : i32
      %dma_wait3A_366 = arith.constant 0 : i32
      %dma_wait3A_367 = tpu.memref_slice %arg2[%dma_wait3A_365, %dma_wait3A_366] : memref<100000x16xf32, #tpu.memory_space<hbm>> -> memref<100000x16xf32, #tpu.memory_space<hbm>>
      tpu.wait_indirect_dma semaphore(%arg10 : memref<!tpu.dma_semaphore, #tpu.memory_space<semaphore_mem>>) src(%dma_wait3A_367 : memref<100000x16xf32, #tpu.memory_space<hbm>>) dst(%dma_wait3A_362 : memref<40x16xf32, #tpu.memory_space<vmem>>)
      %dma_wait3A_368 = arith.constant 640 : i32
      %dma_wait3A_369 = arith.constant 0 : i32
      %dma_wait3A_370 = tpu.memref_slice %arg7[%dma_wait3A_368, %dma_wait3A_369] : memref<1000x16xf32, #tpu.memory_space<vmem>> -> memref<40x16xf32, #tpu.memory_space<vmem>>
      %dma_wait3A_371 = arith.constant 640 : i32
      %dma_wait3A_372 = tpu.memref_slice %arg5[%dma_wait3A_371] : memref<1000xi32, #tpu.memory_space<vmem>> -> memref<40xi32, #tpu.memory_space<vmem>>
      %dma_wait3A_373 = arith.constant 0 : i32
      %dma_wait3A_374 = arith.constant 0 : i32
      %dma_wait3A_375 = tpu.memref_slice %arg2[%dma_wait3A_373, %dma_wait3A_374] : memref<100000x16xf32, #tpu.memory_space<hbm>> -> memref<100000x16xf32, #tpu.memory_space<hbm>>
      tpu.wait_indirect_dma semaphore(%arg10 : memref<!tpu.dma_semaphore, #tpu.memory_space<semaphore_mem>>) src(%dma_wait3A_375 : memref<100000x16xf32, #tpu.memory_space<hbm>>) dst(%dma_wait3A_370 : memref<40x16xf32, #tpu.memory_space<vmem>>)
      %dma_wait3A_376 = arith.constant 680 : i32
      %dma_wait3A_377 = arith.constant 0 : i32
      %dma_wait3A_378 = tpu.memref_slice %arg7[%dma_wait3A_376, %dma_wait3A_377] : memref<1000x16xf32, #tpu.memory_space<vmem>> -> memref<40x16xf32, #tpu.memory_space<vmem>>
      %dma_wait3A_379 = arith.constant 680 : i32
      %dma_wait3A_380 = tpu.memref_slice %arg5[%dma_wait3A_379] : memref<1000xi32, #tpu.memory_space<vmem>> -> memref<40xi32, #tpu.memory_space<vmem>>
      %dma_wait3A_381 = arith.constant 0 : i32
      %dma_wait3A_382 = arith.constant 0 : i32
      %dma_wait3A_383 = tpu.memref_slice %arg2[%dma_wait3A_381, %dma_wait3A_382] : memref<100000x16xf32, #tpu.memory_space<hbm>> -> memref<100000x16xf32, #tpu.memory_space<hbm>>
      tpu.wait_indirect_dma semaphore(%arg10 : memref<!tpu.dma_semaphore, #tpu.memory_space<semaphore_mem>>) src(%dma_wait3A_383 : memref<100000x16xf32, #tpu.memory_space<hbm>>) dst(%dma_wait3A_378 : memref<40x16xf32, #tpu.memory_space<vmem>>)
      %dma_wait3A_384 = arith.constant 720 : i32
      %dma_wait3A_385 = arith.constant 0 : i32
      %dma_wait3A_386 = tpu.memref_slice %arg7[%dma_wait3A_384, %dma_wait3A_385] : memref<1000x16xf32, #tpu.memory_space<vmem>> -> memref<40x16xf32, #tpu.memory_space<vmem>>
      %dma_wait3A_387 = arith.constant 720 : i32
      %dma_wait3A_388 = tpu.memref_slice %arg5[%dma_wait3A_387] : memref<1000xi32, #tpu.memory_space<vmem>> -> memref<40xi32, #tpu.memory_space<vmem>>
      %dma_wait3A_389 = arith.constant 0 : i32
      %dma_wait3A_390 = arith.constant 0 : i32
      %dma_wait3A_391 = tpu.memref_slice %arg2[%dma_wait3A_389, %dma_wait3A_390] : memref<100000x16xf32, #tpu.memory_space<hbm>> -> memref<100000x16xf32, #tpu.memory_space<hbm>>
      tpu.wait_indirect_dma semaphore(%arg10 : memref<!tpu.dma_semaphore, #tpu.memory_space<semaphore_mem>>) src(%dma_wait3A_391 : memref<100000x16xf32, #tpu.memory_space<hbm>>) dst(%dma_wait3A_386 : memref<40x16xf32, #tpu.memory_space<vmem>>)
      %dma_wait3A_392 = arith.constant 760 : i32
      %dma_wait3A_393 = arith.constant 0 : i32
      %dma_wait3A_394 = tpu.memref_slice %arg7[%dma_wait3A_392, %dma_wait3A_393] : memref<1000x16xf32, #tpu.memory_space<vmem>> -> memref<40x16xf32, #tpu.memory_space<vmem>>
      %dma_wait3A_395 = arith.constant 760 : i32
      %dma_wait3A_396 = tpu.memref_slice %arg5[%dma_wait3A_395] : memref<1000xi32, #tpu.memory_space<vmem>> -> memref<40xi32, #tpu.memory_space<vmem>>
      %dma_wait3A_397 = arith.constant 0 : i32
      %dma_wait3A_398 = arith.constant 0 : i32
      %dma_wait3A_399 = tpu.memref_slice %arg2[%dma_wait3A_397, %dma_wait3A_398] : memref<100000x16xf32, #tpu.memory_space<hbm>> -> memref<100000x16xf32, #tpu.memory_space<hbm>>
      tpu.wait_indirect_dma semaphore(%arg10 : memref<!tpu.dma_semaphore, #tpu.memory_space<semaphore_mem>>) src(%dma_wait3A_399 : memref<100000x16xf32, #tpu.memory_space<hbm>>) dst(%dma_wait3A_394 : memref<40x16xf32, #tpu.memory_space<vmem>>)
      %dma_wait3A_400 = arith.constant 800 : i32
      %dma_wait3A_401 = arith.constant 0 : i32
      %dma_wait3A_402 = tpu.memref_slice %arg7[%dma_wait3A_400, %dma_wait3A_401] : memref<1000x16xf32, #tpu.memory_space<vmem>> -> memref<40x16xf32, #tpu.memory_space<vmem>>
      %dma_wait3A_403 = arith.constant 800 : i32
      %dma_wait3A_404 = tpu.memref_slice %arg5[%dma_wait3A_403] : memref<1000xi32, #tpu.memory_space<vmem>> -> memref<40xi32, #tpu.memory_space<vmem>>
      %dma_wait3A_405 = arith.constant 0 : i32
      %dma_wait3A_406 = arith.constant 0 : i32
      %dma_wait3A_407 = tpu.memref_slice %arg2[%dma_wait3A_405, %dma_wait3A_406] : memref<100000x16xf32, #tpu.memory_space<hbm>> -> memref<100000x16xf32, #tpu.memory_space<hbm>>
      tpu.wait_indirect_dma semaphore(%arg10 : memref<!tpu.dma_semaphore, #tpu.memory_space<semaphore_mem>>) src(%dma_wait3A_407 : memref<100000x16xf32, #tpu.memory_space<hbm>>) dst(%dma_wait3A_402 : memref<40x16xf32, #tpu.memory_space<vmem>>)
      %dma_wait3A_408 = arith.constant 840 : i32
      %dma_wait3A_409 = arith.constant 0 : i32
      %dma_wait3A_410 = tpu.memref_slice %arg7[%dma_wait3A_408, %dma_wait3A_409] : memref<1000x16xf32, #tpu.memory_space<vmem>> -> memref<40x16xf32, #tpu.memory_space<vmem>>
      %dma_wait3A_411 = arith.constant 840 : i32
      %dma_wait3A_412 = tpu.memref_slice %arg5[%dma_wait3A_411] : memref<1000xi32, #tpu.memory_space<vmem>> -> memref<40xi32, #tpu.memory_space<vmem>>
      %dma_wait3A_413 = arith.constant 0 : i32
      %dma_wait3A_414 = arith.constant 0 : i32
      %dma_wait3A_415 = tpu.memref_slice %arg2[%dma_wait3A_413, %dma_wait3A_414] : memref<100000x16xf32, #tpu.memory_space<hbm>> -> memref<100000x16xf32, #tpu.memory_space<hbm>>
      tpu.wait_indirect_dma semaphore(%arg10 : memref<!tpu.dma_semaphore, #tpu.memory_space<semaphore_mem>>) src(%dma_wait3A_415 : memref<100000x16xf32, #tpu.memory_space<hbm>>) dst(%dma_wait3A_410 : memref<40x16xf32, #tpu.memory_space<vmem>>)
      %dma_wait3A_416 = arith.constant 880 : i32
      %dma_wait3A_417 = arith.constant 0 : i32
      %dma_wait3A_418 = tpu.memref_slice %arg7[%dma_wait3A_416, %dma_wait3A_417] : memref<1000x16xf32, #tpu.memory_space<vmem>> -> memref<40x16xf32, #tpu.memory_space<vmem>>
      %dma_wait3A_419 = arith.constant 880 : i32
      %dma_wait3A_420 = tpu.memref_slice %arg5[%dma_wait3A_419] : memref<1000xi32, #tpu.memory_space<vmem>> -> memref<40xi32, #tpu.memory_space<vmem>>
      %dma_wait3A_421 = arith.constant 0 : i32
      %dma_wait3A_422 = arith.constant 0 : i32
      %dma_wait3A_423 = tpu.memref_slice %arg2[%dma_wait3A_421, %dma_wait3A_422] : memref<100000x16xf32, #tpu.memory_space<hbm>> -> memref<100000x16xf32, #tpu.memory_space<hbm>>
      tpu.wait_indirect_dma semaphore(%arg10 : memref<!tpu.dma_semaphore, #tpu.memory_space<semaphore_mem>>) src(%dma_wait3A_423 : memref<100000x16xf32, #tpu.memory_space<hbm>>) dst(%dma_wait3A_418 : memref<40x16xf32, #tpu.memory_space<vmem>>)
      %dma_wait3A_424 = arith.constant 920 : i32
      %dma_wait3A_425 = arith.constant 0 : i32
      %dma_wait3A_426 = tpu.memref_slice %arg7[%dma_wait3A_424, %dma_wait3A_425] : memref<1000x16xf32, #tpu.memory_space<vmem>> -> memref<40x16xf32, #tpu.memory_space<vmem>>
      %dma_wait3A_427 = arith.constant 920 : i32
      %dma_wait3A_428 = tpu.memref_slice %arg5[%dma_wait3A_427] : memref<1000xi32, #tpu.memory_space<vmem>> -> memref<40xi32, #tpu.memory_space<vmem>>
      %dma_wait3A_429 = arith.constant 0 : i32
      %dma_wait3A_430 = arith.constant 0 : i32
      %dma_wait3A_431 = tpu.memref_slice %arg2[%dma_wait3A_429, %dma_wait3A_430] : memref<100000x16xf32, #tpu.memory_space<hbm>> -> memref<100000x16xf32, #tpu.memory_space<hbm>>
      tpu.wait_indirect_dma semaphore(%arg10 : memref<!tpu.dma_semaphore, #tpu.memory_space<semaphore_mem>>) src(%dma_wait3A_431 : memref<100000x16xf32, #tpu.memory_space<hbm>>) dst(%dma_wait3A_426 : memref<40x16xf32, #tpu.memory_space<vmem>>)
      %dma_wait3A_432 = arith.constant 960 : i32
      %dma_wait3A_433 = arith.constant 0 : i32
      %dma_wait3A_434 = tpu.memref_slice %arg7[%dma_wait3A_432, %dma_wait3A_433] : memref<1000x16xf32, #tpu.memory_space<vmem>> -> memref<40x16xf32, #tpu.memory_space<vmem>>
      %dma_wait3A_435 = arith.constant 960 : i32
      %dma_wait3A_436 = tpu.memref_slice %arg5[%dma_wait3A_435] : memref<1000xi32, #tpu.memory_space<vmem>> -> memref<40xi32, #tpu.memory_space<vmem>>
      %dma_wait3A_437 = arith.constant 0 : i32
      %dma_wait3A_438 = arith.constant 0 : i32
      %dma_wait3A_439 = tpu.memref_slice %arg2[%dma_wait3A_437, %dma_wait3A_438] : memref<100000x16xf32, #tpu.memory_space<hbm>> -> memref<100000x16xf32, #tpu.memory_space<hbm>>
      tpu.wait_indirect_dma semaphore(%arg10 : memref<!tpu.dma_semaphore, #tpu.memory_space<semaphore_mem>>) src(%dma_wait3A_439 : memref<100000x16xf32, #tpu.memory_space<hbm>>) dst(%dma_wait3A_434 : memref<40x16xf32, #tpu.memory_space<vmem>>)
      %mul3A_440 = arith.constant 1000 : i32
      %mul3A_441 = arith.muli %add3A_27, %mul3A_440 : i32
      %dma_start3A_442 = arith.constant 0 : i32
      %dma_start3A_443 = tpu.memref_slice %arg4[%mul3A_441, %dma_start3A_442] : memref<1600000x16xf32, #tpu.memory_space<hbm>> -> memref<1000x16xf32, #tpu.memory_space<hbm>>
      %dma_start3A_444 = arith.constant 0 : i32
      %dma_start3A_445 = tpu.memref_slice %arg4[%mul3A_441, %dma_start3A_444] : memref<1600000x16xf32, #tpu.memory_space<hbm>> -> memref<1000x16xf32, #tpu.memory_space<hbm>>
      tpu.enqueue_dma source(%arg7 : memref<1000x16xf32, #tpu.memory_space<vmem>>) target(%dma_start3A_445 : memref<1000x16xf32, #tpu.memory_space<hbm>>) target_semaphore(%arg11 : memref<!tpu.dma_semaphore, #tpu.memory_space<semaphore_mem>>)
      %mul3A_446 = arith.constant 2 : i32
      %mul3A_447 = arith.muli %scan3A_22, %mul3A_446 : i32
      %add3A_448 = arith.constant 1 : i32
      %add3A_449 = arith.addi %mul3A_447, %add3A_448 : i32
      %add3A_450 = arith.addi %mul3A_2, %add3A_449 : i32
      %dma_wait3A_451 = arith.constant 0 : i32
      %dma_wait3A_452 = tpu.memref_slice %arg3[%dma_wait3A_451] : memref<1600000xi32, #tpu.memory_space<hbm>> -> memref<1000xi32, #tpu.memory_space<hbm>>
      %dma_wait3A_453 = arith.constant 0 : i32
      %dma_wait3A_454 = tpu.memref_slice %arg3[%dma_wait3A_453] : memref<1600000xi32, #tpu.memory_space<hbm>> -> memref<1000xi32, #tpu.memory_space<hbm>>
      tpu.wait_dma2 semaphore(%arg9 : memref<!tpu.dma_semaphore, #tpu.memory_space<semaphore_mem>>) src(%dma_wait3A_454 : memref<1000xi32, #tpu.memory_space<hbm>>) dst(%arg6 : memref<1000xi32, #tpu.memory_space<vmem>>)
      %add3A_455 = arith.constant 1 : i32
      %add3A_456 = arith.addi %add3A_449, %add3A_455 : i32
      %lt3A_457 = arith.constant 50 : i32
      %lt3A_458 = arith.cmpi slt, %add3A_456, %lt3A_457 : i32
      %convert_element_type3A_459 = arith.extui %lt3A_458 : i1 to i32
      %cond3A_460 = arith.constant 0 : i32
      %cond3A_461 = arith.cmpi ne, %convert_element_type3A_459, %cond3A_460 : i32
      scf.if %cond3A_461 {
        %add3A_873 = arith.constant 1 : i32
        %add3A_874 = arith.addi %add3A_450, %add3A_873 : i32
        %mul3A_875 = arith.constant 1000 : i32
        %mul3A_876 = arith.muli %add3A_874, %mul3A_875 : i32
        %dma_start3A_877 = tpu.memref_slice %arg3[%mul3A_876] : memref<1600000xi32, #tpu.memory_space<hbm>> -> memref<1000xi32, #tpu.memory_space<hbm>>
        %dma_start3A_878 = tpu.memref_slice %arg3[%mul3A_876] : memref<1600000xi32, #tpu.memory_space<hbm>> -> memref<1000xi32, #tpu.memory_space<hbm>>
        tpu.enqueue_dma source(%dma_start3A_878 : memref<1000xi32, #tpu.memory_space<hbm>>) target(%arg5 : memref<1000xi32, #tpu.memory_space<vmem>>) target_semaphore(%arg9 : memref<!tpu.dma_semaphore, #tpu.memory_space<semaphore_mem>>)
      } else {
      }
      %ge3A_462 = arith.constant 2 : i32
      %ge3A_463 = arith.cmpi sge, %add3A_449, %ge3A_462 : i32
      %convert_element_type3A_464 = arith.extui %ge3A_463 : i1 to i32
      %cond3A_465 = arith.constant 0 : i32
      %cond3A_466 = arith.cmpi ne, %convert_element_type3A_464, %cond3A_465 : i32
      scf.if %cond3A_466 {
        %dma_wait3A_873 = arith.constant 0 : i32
        %dma_wait3A_874 = arith.constant 0 : i32
        %dma_wait3A_875 = tpu.memref_slice %arg4[%dma_wait3A_873, %dma_wait3A_874] : memref<1600000x16xf32, #tpu.memory_space<hbm>> -> memref<1000x16xf32, #tpu.memory_space<hbm>>
        %dma_wait3A_876 = arith.constant 0 : i32
        %dma_wait3A_877 = arith.constant 0 : i32
        %dma_wait3A_878 = tpu.memref_slice %arg4[%dma_wait3A_876, %dma_wait3A_877] : memref<1600000x16xf32, #tpu.memory_space<hbm>> -> memref<1000x16xf32, #tpu.memory_space<hbm>>
        tpu.wait_dma2 semaphore(%arg11 : memref<!tpu.dma_semaphore, #tpu.memory_space<semaphore_mem>>) src(%dma_wait3A_878 : memref<1000x16xf32, #tpu.memory_space<hbm>>) dst(%arg8 : memref<1000x16xf32, #tpu.memory_space<vmem>>)
      } else {
      }
      %dma_start3A_467 = arith.constant 0 : i32
      %dma_start3A_468 = arith.constant 0 : i32
      %dma_start3A_469 = tpu.memref_slice %arg8[%dma_start3A_467, %dma_start3A_468] : memref<1000x16xf32, #tpu.memory_space<vmem>> -> memref<40x16xf32, #tpu.memory_space<vmem>>
      %dma_start3A_470 = arith.constant 0 : i32
      %dma_start3A_471 = tpu.memref_slice %arg6[%dma_start3A_470] : memref<1000xi32, #tpu.memory_space<vmem>> -> memref<40xi32, #tpu.memory_space<vmem>>
      %dma_start3A_472 = arith.constant 0 : i32
      %dma_start3A_473 = arith.constant 0 : i32
      %dma_start3A_474 = tpu.memref_slice %arg2[%dma_start3A_472, %dma_start3A_473] : memref<100000x16xf32, #tpu.memory_space<hbm>> -> memref<100000x16xf32, #tpu.memory_space<hbm>>
      tpu.enqueue_indirect_dma source(%dma_start3A_474 : memref<100000x16xf32, #tpu.memory_space<hbm>>) target(%dma_start3A_469 : memref<40x16xf32, #tpu.memory_space<vmem>>) offsets(%dma_start3A_471 : memref<40xi32, #tpu.memory_space<vmem>>) semaphore(%arg10 : memref<!tpu.dma_semaphore, #tpu.memory_space<semaphore_mem>>)
      %dma_start3A_475 = arith.constant 40 : i32
      %dma_start3A_476 = arith.constant 0 : i32
      %dma_start3A_477 = tpu.memref_slice %arg8[%dma_start3A_475, %dma_start3A_476] : memref<1000x16xf32, #tpu.memory_space<vmem>> -> memref<40x16xf32, #tpu.memory_space<vmem>>
      %dma_start3A_478 = arith.constant 40 : i32
      %dma_start3A_479 = tpu.memref_slice %arg6[%dma_start3A_478] : memref<1000xi32, #tpu.memory_space<vmem>> -> memref<40xi32, #tpu.memory_space<vmem>>
      %dma_start3A_480 = arith.constant 0 : i32
      %dma_start3A_481 = arith.constant 0 : i32
      %dma_start3A_482 = tpu.memref_slice %arg2[%dma_start3A_480, %dma_start3A_481] : memref<100000x16xf32, #tpu.memory_space<hbm>> -> memref<100000x16xf32, #tpu.memory_space<hbm>>
      tpu.enqueue_indirect_dma source(%dma_start3A_482 : memref<100000x16xf32, #tpu.memory_space<hbm>>) target(%dma_start3A_477 : memref<40x16xf32, #tpu.memory_space<vmem>>) offsets(%dma_start3A_479 : memref<40xi32, #tpu.memory_space<vmem>>) semaphore(%arg10 : memref<!tpu.dma_semaphore, #tpu.memory_space<semaphore_mem>>)
      %dma_start3A_483 = arith.constant 80 : i32
      %dma_start3A_484 = arith.constant 0 : i32
      %dma_start3A_485 = tpu.memref_slice %arg8[%dma_start3A_483, %dma_start3A_484] : memref<1000x16xf32, #tpu.memory_space<vmem>> -> memref<40x16xf32, #tpu.memory_space<vmem>>
      %dma_start3A_486 = arith.constant 80 : i32
      %dma_start3A_487 = tpu.memref_slice %arg6[%dma_start3A_486] : memref<1000xi32, #tpu.memory_space<vmem>> -> memref<40xi32, #tpu.memory_space<vmem>>
      %dma_start3A_488 = arith.constant 0 : i32
      %dma_start3A_489 = arith.constant 0 : i32
      %dma_start3A_490 = tpu.memref_slice %arg2[%dma_start3A_488, %dma_start3A_489] : memref<100000x16xf32, #tpu.memory_space<hbm>> -> memref<100000x16xf32, #tpu.memory_space<hbm>>
      tpu.enqueue_indirect_dma source(%dma_start3A_490 : memref<100000x16xf32, #tpu.memory_space<hbm>>) target(%dma_start3A_485 : memref<40x16xf32, #tpu.memory_space<vmem>>) offsets(%dma_start3A_487 : memref<40xi32, #tpu.memory_space<vmem>>) semaphore(%arg10 : memref<!tpu.dma_semaphore, #tpu.memory_space<semaphore_mem>>)
      %dma_start3A_491 = arith.constant 120 : i32
      %dma_start3A_492 = arith.constant 0 : i32
      %dma_start3A_493 = tpu.memref_slice %arg8[%dma_start3A_491, %dma_start3A_492] : memref<1000x16xf32, #tpu.memory_space<vmem>> -> memref<40x16xf32, #tpu.memory_space<vmem>>
      %dma_start3A_494 = arith.constant 120 : i32
      %dma_start3A_495 = tpu.memref_slice %arg6[%dma_start3A_494] : memref<1000xi32, #tpu.memory_space<vmem>> -> memref<40xi32, #tpu.memory_space<vmem>>
      %dma_start3A_496 = arith.constant 0 : i32
      %dma_start3A_497 = arith.constant 0 : i32
      %dma_start3A_498 = tpu.memref_slice %arg2[%dma_start3A_496, %dma_start3A_497] : memref<100000x16xf32, #tpu.memory_space<hbm>> -> memref<100000x16xf32, #tpu.memory_space<hbm>>
      tpu.enqueue_indirect_dma source(%dma_start3A_498 : memref<100000x16xf32, #tpu.memory_space<hbm>>) target(%dma_start3A_493 : memref<40x16xf32, #tpu.memory_space<vmem>>) offsets(%dma_start3A_495 : memref<40xi32, #tpu.memory_space<vmem>>) semaphore(%arg10 : memref<!tpu.dma_semaphore, #tpu.memory_space<semaphore_mem>>)
      %dma_start3A_499 = arith.constant 160 : i32
      %dma_start3A_500 = arith.constant 0 : i32
      %dma_start3A_501 = tpu.memref_slice %arg8[%dma_start3A_499, %dma_start3A_500] : memref<1000x16xf32, #tpu.memory_space<vmem>> -> memref<40x16xf32, #tpu.memory_space<vmem>>
      %dma_start3A_502 = arith.constant 160 : i32
      %dma_start3A_503 = tpu.memref_slice %arg6[%dma_start3A_502] : memref<1000xi32, #tpu.memory_space<vmem>> -> memref<40xi32, #tpu.memory_space<vmem>>
      %dma_start3A_504 = arith.constant 0 : i32
      %dma_start3A_505 = arith.constant 0 : i32
      %dma_start3A_506 = tpu.memref_slice %arg2[%dma_start3A_504, %dma_start3A_505] : memref<100000x16xf32, #tpu.memory_space<hbm>> -> memref<100000x16xf32, #tpu.memory_space<hbm>>
      tpu.enqueue_indirect_dma source(%dma_start3A_506 : memref<100000x16xf32, #tpu.memory_space<hbm>>) target(%dma_start3A_501 : memref<40x16xf32, #tpu.memory_space<vmem>>) offsets(%dma_start3A_503 : memref<40xi32, #tpu.memory_space<vmem>>) semaphore(%arg10 : memref<!tpu.dma_semaphore, #tpu.memory_space<semaphore_mem>>)
      %dma_start3A_507 = arith.constant 200 : i32
      %dma_start3A_508 = arith.constant 0 : i32
      %dma_start3A_509 = tpu.memref_slice %arg8[%dma_start3A_507, %dma_start3A_508] : memref<1000x16xf32, #tpu.memory_space<vmem>> -> memref<40x16xf32, #tpu.memory_space<vmem>>
      %dma_start3A_510 = arith.constant 200 : i32
      %dma_start3A_511 = tpu.memref_slice %arg6[%dma_start3A_510] : memref<1000xi32, #tpu.memory_space<vmem>> -> memref<40xi32, #tpu.memory_space<vmem>>
      %dma_start3A_512 = arith.constant 0 : i32
      %dma_start3A_513 = arith.constant 0 : i32
      %dma_start3A_514 = tpu.memref_slice %arg2[%dma_start3A_512, %dma_start3A_513] : memref<100000x16xf32, #tpu.memory_space<hbm>> -> memref<100000x16xf32, #tpu.memory_space<hbm>>
      tpu.enqueue_indirect_dma source(%dma_start3A_514 : memref<100000x16xf32, #tpu.memory_space<hbm>>) target(%dma_start3A_509 : memref<40x16xf32, #tpu.memory_space<vmem>>) offsets(%dma_start3A_511 : memref<40xi32, #tpu.memory_space<vmem>>) semaphore(%arg10 : memref<!tpu.dma_semaphore, #tpu.memory_space<semaphore_mem>>)
      %dma_start3A_515 = arith.constant 240 : i32
      %dma_start3A_516 = arith.constant 0 : i32
      %dma_start3A_517 = tpu.memref_slice %arg8[%dma_start3A_515, %dma_start3A_516] : memref<1000x16xf32, #tpu.memory_space<vmem>> -> memref<40x16xf32, #tpu.memory_space<vmem>>
      %dma_start3A_518 = arith.constant 240 : i32
      %dma_start3A_519 = tpu.memref_slice %arg6[%dma_start3A_518] : memref<1000xi32, #tpu.memory_space<vmem>> -> memref<40xi32, #tpu.memory_space<vmem>>
      %dma_start3A_520 = arith.constant 0 : i32
      %dma_start3A_521 = arith.constant 0 : i32
      %dma_start3A_522 = tpu.memref_slice %arg2[%dma_start3A_520, %dma_start3A_521] : memref<100000x16xf32, #tpu.memory_space<hbm>> -> memref<100000x16xf32, #tpu.memory_space<hbm>>
      tpu.enqueue_indirect_dma source(%dma_start3A_522 : memref<100000x16xf32, #tpu.memory_space<hbm>>) target(%dma_start3A_517 : memref<40x16xf32, #tpu.memory_space<vmem>>) offsets(%dma_start3A_519 : memref<40xi32, #tpu.memory_space<vmem>>) semaphore(%arg10 : memref<!tpu.dma_semaphore, #tpu.memory_space<semaphore_mem>>)
      %dma_start3A_523 = arith.constant 280 : i32
      %dma_start3A_524 = arith.constant 0 : i32
      %dma_start3A_525 = tpu.memref_slice %arg8[%dma_start3A_523, %dma_start3A_524] : memref<1000x16xf32, #tpu.memory_space<vmem>> -> memref<40x16xf32, #tpu.memory_space<vmem>>
      %dma_start3A_526 = arith.constant 280 : i32
      %dma_start3A_527 = tpu.memref_slice %arg6[%dma_start3A_526] : memref<1000xi32, #tpu.memory_space<vmem>> -> memref<40xi32, #tpu.memory_space<vmem>>
      %dma_start3A_528 = arith.constant 0 : i32
      %dma_start3A_529 = arith.constant 0 : i32
      %dma_start3A_530 = tpu.memref_slice %arg2[%dma_start3A_528, %dma_start3A_529] : memref<100000x16xf32, #tpu.memory_space<hbm>> -> memref<100000x16xf32, #tpu.memory_space<hbm>>
      tpu.enqueue_indirect_dma source(%dma_start3A_530 : memref<100000x16xf32, #tpu.memory_space<hbm>>) target(%dma_start3A_525 : memref<40x16xf32, #tpu.memory_space<vmem>>) offsets(%dma_start3A_527 : memref<40xi32, #tpu.memory_space<vmem>>) semaphore(%arg10 : memref<!tpu.dma_semaphore, #tpu.memory_space<semaphore_mem>>)
      %dma_start3A_531 = arith.constant 320 : i32
      %dma_start3A_532 = arith.constant 0 : i32
      %dma_start3A_533 = tpu.memref_slice %arg8[%dma_start3A_531, %dma_start3A_532] : memref<1000x16xf32, #tpu.memory_space<vmem>> -> memref<40x16xf32, #tpu.memory_space<vmem>>
      %dma_start3A_534 = arith.constant 320 : i32
      %dma_start3A_535 = tpu.memref_slice %arg6[%dma_start3A_534] : memref<1000xi32, #tpu.memory_space<vmem>> -> memref<40xi32, #tpu.memory_space<vmem>>
      %dma_start3A_536 = arith.constant 0 : i32
      %dma_start3A_537 = arith.constant 0 : i32
      %dma_start3A_538 = tpu.memref_slice %arg2[%dma_start3A_536, %dma_start3A_537] : memref<100000x16xf32, #tpu.memory_space<hbm>> -> memref<100000x16xf32, #tpu.memory_space<hbm>>
      tpu.enqueue_indirect_dma source(%dma_start3A_538 : memref<100000x16xf32, #tpu.memory_space<hbm>>) target(%dma_start3A_533 : memref<40x16xf32, #tpu.memory_space<vmem>>) offsets(%dma_start3A_535 : memref<40xi32, #tpu.memory_space<vmem>>) semaphore(%arg10 : memref<!tpu.dma_semaphore, #tpu.memory_space<semaphore_mem>>)
      %dma_start3A_539 = arith.constant 360 : i32
      %dma_start3A_540 = arith.constant 0 : i32
      %dma_start3A_541 = tpu.memref_slice %arg8[%dma_start3A_539, %dma_start3A_540] : memref<1000x16xf32, #tpu.memory_space<vmem>> -> memref<40x16xf32, #tpu.memory_space<vmem>>
      %dma_start3A_542 = arith.constant 360 : i32
      %dma_start3A_543 = tpu.memref_slice %arg6[%dma_start3A_542] : memref<1000xi32, #tpu.memory_space<vmem>> -> memref<40xi32, #tpu.memory_space<vmem>>
      %dma_start3A_544 = arith.constant 0 : i32
      %dma_start3A_545 = arith.constant 0 : i32
      %dma_start3A_546 = tpu.memref_slice %arg2[%dma_start3A_544, %dma_start3A_545] : memref<100000x16xf32, #tpu.memory_space<hbm>> -> memref<100000x16xf32, #tpu.memory_space<hbm>>
      tpu.enqueue_indirect_dma source(%dma_start3A_546 : memref<100000x16xf32, #tpu.memory_space<hbm>>) target(%dma_start3A_541 : memref<40x16xf32, #tpu.memory_space<vmem>>) offsets(%dma_start3A_543 : memref<40xi32, #tpu.memory_space<vmem>>) semaphore(%arg10 : memref<!tpu.dma_semaphore, #tpu.memory_space<semaphore_mem>>)
      %dma_start3A_547 = arith.constant 400 : i32
      %dma_start3A_548 = arith.constant 0 : i32
      %dma_start3A_549 = tpu.memref_slice %arg8[%dma_start3A_547, %dma_start3A_548] : memref<1000x16xf32, #tpu.memory_space<vmem>> -> memref<40x16xf32, #tpu.memory_space<vmem>>
      %dma_start3A_550 = arith.constant 400 : i32
      %dma_start3A_551 = tpu.memref_slice %arg6[%dma_start3A_550] : memref<1000xi32, #tpu.memory_space<vmem>> -> memref<40xi32, #tpu.memory_space<vmem>>
      %dma_start3A_552 = arith.constant 0 : i32
      %dma_start3A_553 = arith.constant 0 : i32
      %dma_start3A_554 = tpu.memref_slice %arg2[%dma_start3A_552, %dma_start3A_553] : memref<100000x16xf32, #tpu.memory_space<hbm>> -> memref<100000x16xf32, #tpu.memory_space<hbm>>
      tpu.enqueue_indirect_dma source(%dma_start3A_554 : memref<100000x16xf32, #tpu.memory_space<hbm>>) target(%dma_start3A_549 : memref<40x16xf32, #tpu.memory_space<vmem>>) offsets(%dma_start3A_551 : memref<40xi32, #tpu.memory_space<vmem>>) semaphore(%arg10 : memref<!tpu.dma_semaphore, #tpu.memory_space<semaphore_mem>>)
      %dma_start3A_555 = arith.constant 440 : i32
      %dma_start3A_556 = arith.constant 0 : i32
      %dma_start3A_557 = tpu.memref_slice %arg8[%dma_start3A_555, %dma_start3A_556] : memref<1000x16xf32, #tpu.memory_space<vmem>> -> memref<40x16xf32, #tpu.memory_space<vmem>>
      %dma_start3A_558 = arith.constant 440 : i32
      %dma_start3A_559 = tpu.memref_slice %arg6[%dma_start3A_558] : memref<1000xi32, #tpu.memory_space<vmem>> -> memref<40xi32, #tpu.memory_space<vmem>>
      %dma_start3A_560 = arith.constant 0 : i32
      %dma_start3A_561 = arith.constant 0 : i32
      %dma_start3A_562 = tpu.memref_slice %arg2[%dma_start3A_560, %dma_start3A_561] : memref<100000x16xf32, #tpu.memory_space<hbm>> -> memref<100000x16xf32, #tpu.memory_space<hbm>>
      tpu.enqueue_indirect_dma source(%dma_start3A_562 : memref<100000x16xf32, #tpu.memory_space<hbm>>) target(%dma_start3A_557 : memref<40x16xf32, #tpu.memory_space<vmem>>) offsets(%dma_start3A_559 : memref<40xi32, #tpu.memory_space<vmem>>) semaphore(%arg10 : memref<!tpu.dma_semaphore, #tpu.memory_space<semaphore_mem>>)
      %dma_start3A_563 = arith.constant 480 : i32
      %dma_start3A_564 = arith.constant 0 : i32
      %dma_start3A_565 = tpu.memref_slice %arg8[%dma_start3A_563, %dma_start3A_564] : memref<1000x16xf32, #tpu.memory_space<vmem>> -> memref<40x16xf32, #tpu.memory_space<vmem>>
      %dma_start3A_566 = arith.constant 480 : i32
      %dma_start3A_567 = tpu.memref_slice %arg6[%dma_start3A_566] : memref<1000xi32, #tpu.memory_space<vmem>> -> memref<40xi32, #tpu.memory_space<vmem>>
      %dma_start3A_568 = arith.constant 0 : i32
      %dma_start3A_569 = arith.constant 0 : i32
      %dma_start3A_570 = tpu.memref_slice %arg2[%dma_start3A_568, %dma_start3A_569] : memref<100000x16xf32, #tpu.memory_space<hbm>> -> memref<100000x16xf32, #tpu.memory_space<hbm>>
      tpu.enqueue_indirect_dma source(%dma_start3A_570 : memref<100000x16xf32, #tpu.memory_space<hbm>>) target(%dma_start3A_565 : memref<40x16xf32, #tpu.memory_space<vmem>>) offsets(%dma_start3A_567 : memref<40xi32, #tpu.memory_space<vmem>>) semaphore(%arg10 : memref<!tpu.dma_semaphore, #tpu.memory_space<semaphore_mem>>)
      %dma_start3A_571 = arith.constant 520 : i32
      %dma_start3A_572 = arith.constant 0 : i32
      %dma_start3A_573 = tpu.memref_slice %arg8[%dma_start3A_571, %dma_start3A_572] : memref<1000x16xf32, #tpu.memory_space<vmem>> -> memref<40x16xf32, #tpu.memory_space<vmem>>
      %dma_start3A_574 = arith.constant 520 : i32
      %dma_start3A_575 = tpu.memref_slice %arg6[%dma_start3A_574] : memref<1000xi32, #tpu.memory_space<vmem>> -> memref<40xi32, #tpu.memory_space<vmem>>
      %dma_start3A_576 = arith.constant 0 : i32
      %dma_start3A_577 = arith.constant 0 : i32
      %dma_start3A_578 = tpu.memref_slice %arg2[%dma_start3A_576, %dma_start3A_577] : memref<100000x16xf32, #tpu.memory_space<hbm>> -> memref<100000x16xf32, #tpu.memory_space<hbm>>
      tpu.enqueue_indirect_dma source(%dma_start3A_578 : memref<100000x16xf32, #tpu.memory_space<hbm>>) target(%dma_start3A_573 : memref<40x16xf32, #tpu.memory_space<vmem>>) offsets(%dma_start3A_575 : memref<40xi32, #tpu.memory_space<vmem>>) semaphore(%arg10 : memref<!tpu.dma_semaphore, #tpu.memory_space<semaphore_mem>>)
      %dma_start3A_579 = arith.constant 560 : i32
      %dma_start3A_580 = arith.constant 0 : i32
      %dma_start3A_581 = tpu.memref_slice %arg8[%dma_start3A_579, %dma_start3A_580] : memref<1000x16xf32, #tpu.memory_space<vmem>> -> memref<40x16xf32, #tpu.memory_space<vmem>>
      %dma_start3A_582 = arith.constant 560 : i32
      %dma_start3A_583 = tpu.memref_slice %arg6[%dma_start3A_582] : memref<1000xi32, #tpu.memory_space<vmem>> -> memref<40xi32, #tpu.memory_space<vmem>>
      %dma_start3A_584 = arith.constant 0 : i32
      %dma_start3A_585 = arith.constant 0 : i32
      %dma_start3A_586 = tpu.memref_slice %arg2[%dma_start3A_584, %dma_start3A_585] : memref<100000x16xf32, #tpu.memory_space<hbm>> -> memref<100000x16xf32, #tpu.memory_space<hbm>>
      tpu.enqueue_indirect_dma source(%dma_start3A_586 : memref<100000x16xf32, #tpu.memory_space<hbm>>) target(%dma_start3A_581 : memref<40x16xf32, #tpu.memory_space<vmem>>) offsets(%dma_start3A_583 : memref<40xi32, #tpu.memory_space<vmem>>) semaphore(%arg10 : memref<!tpu.dma_semaphore, #tpu.memory_space<semaphore_mem>>)
      %dma_start3A_587 = arith.constant 600 : i32
      %dma_start3A_588 = arith.constant 0 : i32
      %dma_start3A_589 = tpu.memref_slice %arg8[%dma_start3A_587, %dma_start3A_588] : memref<1000x16xf32, #tpu.memory_space<vmem>> -> memref<40x16xf32, #tpu.memory_space<vmem>>
      %dma_start3A_590 = arith.constant 600 : i32
      %dma_start3A_591 = tpu.memref_slice %arg6[%dma_start3A_590] : memref<1000xi32, #tpu.memory_space<vmem>> -> memref<40xi32, #tpu.memory_space<vmem>>
      %dma_start3A_592 = arith.constant 0 : i32
      %dma_start3A_593 = arith.constant 0 : i32
      %dma_start3A_594 = tpu.memref_slice %arg2[%dma_start3A_592, %dma_start3A_593] : memref<100000x16xf32, #tpu.memory_space<hbm>> -> memref<100000x16xf32, #tpu.memory_space<hbm>>
      tpu.enqueue_indirect_dma source(%dma_start3A_594 : memref<100000x16xf32, #tpu.memory_space<hbm>>) target(%dma_start3A_589 : memref<40x16xf32, #tpu.memory_space<vmem>>) offsets(%dma_start3A_591 : memref<40xi32, #tpu.memory_space<vmem>>) semaphore(%arg10 : memref<!tpu.dma_semaphore, #tpu.memory_space<semaphore_mem>>)
      %dma_start3A_595 = arith.constant 640 : i32
      %dma_start3A_596 = arith.constant 0 : i32
      %dma_start3A_597 = tpu.memref_slice %arg8[%dma_start3A_595, %dma_start3A_596] : memref<1000x16xf32, #tpu.memory_space<vmem>> -> memref<40x16xf32, #tpu.memory_space<vmem>>
      %dma_start3A_598 = arith.constant 640 : i32
      %dma_start3A_599 = tpu.memref_slice %arg6[%dma_start3A_598] : memref<1000xi32, #tpu.memory_space<vmem>> -> memref<40xi32, #tpu.memory_space<vmem>>
      %dma_start3A_600 = arith.constant 0 : i32
      %dma_start3A_601 = arith.constant 0 : i32
      %dma_start3A_602 = tpu.memref_slice %arg2[%dma_start3A_600, %dma_start3A_601] : memref<100000x16xf32, #tpu.memory_space<hbm>> -> memref<100000x16xf32, #tpu.memory_space<hbm>>
      tpu.enqueue_indirect_dma source(%dma_start3A_602 : memref<100000x16xf32, #tpu.memory_space<hbm>>) target(%dma_start3A_597 : memref<40x16xf32, #tpu.memory_space<vmem>>) offsets(%dma_start3A_599 : memref<40xi32, #tpu.memory_space<vmem>>) semaphore(%arg10 : memref<!tpu.dma_semaphore, #tpu.memory_space<semaphore_mem>>)
      %dma_start3A_603 = arith.constant 680 : i32
      %dma_start3A_604 = arith.constant 0 : i32
      %dma_start3A_605 = tpu.memref_slice %arg8[%dma_start3A_603, %dma_start3A_604] : memref<1000x16xf32, #tpu.memory_space<vmem>> -> memref<40x16xf32, #tpu.memory_space<vmem>>
      %dma_start3A_606 = arith.constant 680 : i32
      %dma_start3A_607 = tpu.memref_slice %arg6[%dma_start3A_606] : memref<1000xi32, #tpu.memory_space<vmem>> -> memref<40xi32, #tpu.memory_space<vmem>>
      %dma_start3A_608 = arith.constant 0 : i32
      %dma_start3A_609 = arith.constant 0 : i32
      %dma_start3A_610 = tpu.memref_slice %arg2[%dma_start3A_608, %dma_start3A_609] : memref<100000x16xf32, #tpu.memory_space<hbm>> -> memref<100000x16xf32, #tpu.memory_space<hbm>>
      tpu.enqueue_indirect_dma source(%dma_start3A_610 : memref<100000x16xf32, #tpu.memory_space<hbm>>) target(%dma_start3A_605 : memref<40x16xf32, #tpu.memory_space<vmem>>) offsets(%dma_start3A_607 : memref<40xi32, #tpu.memory_space<vmem>>) semaphore(%arg10 : memref<!tpu.dma_semaphore, #tpu.memory_space<semaphore_mem>>)
      %dma_start3A_611 = arith.constant 720 : i32
      %dma_start3A_612 = arith.constant 0 : i32
      %dma_start3A_613 = tpu.memref_slice %arg8[%dma_start3A_611, %dma_start3A_612] : memref<1000x16xf32, #tpu.memory_space<vmem>> -> memref<40x16xf32, #tpu.memory_space<vmem>>
      %dma_start3A_614 = arith.constant 720 : i32
      %dma_start3A_615 = tpu.memref_slice %arg6[%dma_start3A_614] : memref<1000xi32, #tpu.memory_space<vmem>> -> memref<40xi32, #tpu.memory_space<vmem>>
      %dma_start3A_616 = arith.constant 0 : i32
      %dma_start3A_617 = arith.constant 0 : i32
      %dma_start3A_618 = tpu.memref_slice %arg2[%dma_start3A_616, %dma_start3A_617] : memref<100000x16xf32, #tpu.memory_space<hbm>> -> memref<100000x16xf32, #tpu.memory_space<hbm>>
      tpu.enqueue_indirect_dma source(%dma_start3A_618 : memref<100000x16xf32, #tpu.memory_space<hbm>>) target(%dma_start3A_613 : memref<40x16xf32, #tpu.memory_space<vmem>>) offsets(%dma_start3A_615 : memref<40xi32, #tpu.memory_space<vmem>>) semaphore(%arg10 : memref<!tpu.dma_semaphore, #tpu.memory_space<semaphore_mem>>)
      %dma_start3A_619 = arith.constant 760 : i32
      %dma_start3A_620 = arith.constant 0 : i32
      %dma_start3A_621 = tpu.memref_slice %arg8[%dma_start3A_619, %dma_start3A_620] : memref<1000x16xf32, #tpu.memory_space<vmem>> -> memref<40x16xf32, #tpu.memory_space<vmem>>
      %dma_start3A_622 = arith.constant 760 : i32
      %dma_start3A_623 = tpu.memref_slice %arg6[%dma_start3A_622] : memref<1000xi32, #tpu.memory_space<vmem>> -> memref<40xi32, #tpu.memory_space<vmem>>
      %dma_start3A_624 = arith.constant 0 : i32
      %dma_start3A_625 = arith.constant 0 : i32
      %dma_start3A_626 = tpu.memref_slice %arg2[%dma_start3A_624, %dma_start3A_625] : memref<100000x16xf32, #tpu.memory_space<hbm>> -> memref<100000x16xf32, #tpu.memory_space<hbm>>
      tpu.enqueue_indirect_dma source(%dma_start3A_626 : memref<100000x16xf32, #tpu.memory_space<hbm>>) target(%dma_start3A_621 : memref<40x16xf32, #tpu.memory_space<vmem>>) offsets(%dma_start3A_623 : memref<40xi32, #tpu.memory_space<vmem>>) semaphore(%arg10 : memref<!tpu.dma_semaphore, #tpu.memory_space<semaphore_mem>>)
      %dma_start3A_627 = arith.constant 800 : i32
      %dma_start3A_628 = arith.constant 0 : i32
      %dma_start3A_629 = tpu.memref_slice %arg8[%dma_start3A_627, %dma_start3A_628] : memref<1000x16xf32, #tpu.memory_space<vmem>> -> memref<40x16xf32, #tpu.memory_space<vmem>>
      %dma_start3A_630 = arith.constant 800 : i32
      %dma_start3A_631 = tpu.memref_slice %arg6[%dma_start3A_630] : memref<1000xi32, #tpu.memory_space<vmem>> -> memref<40xi32, #tpu.memory_space<vmem>>
      %dma_start3A_632 = arith.constant 0 : i32
      %dma_start3A_633 = arith.constant 0 : i32
      %dma_start3A_634 = tpu.memref_slice %arg2[%dma_start3A_632, %dma_start3A_633] : memref<100000x16xf32, #tpu.memory_space<hbm>> -> memref<100000x16xf32, #tpu.memory_space<hbm>>
      tpu.enqueue_indirect_dma source(%dma_start3A_634 : memref<100000x16xf32, #tpu.memory_space<hbm>>) target(%dma_start3A_629 : memref<40x16xf32, #tpu.memory_space<vmem>>) offsets(%dma_start3A_631 : memref<40xi32, #tpu.memory_space<vmem>>) semaphore(%arg10 : memref<!tpu.dma_semaphore, #tpu.memory_space<semaphore_mem>>)
      %dma_start3A_635 = arith.constant 840 : i32
      %dma_start3A_636 = arith.constant 0 : i32
      %dma_start3A_637 = tpu.memref_slice %arg8[%dma_start3A_635, %dma_start3A_636] : memref<1000x16xf32, #tpu.memory_space<vmem>> -> memref<40x16xf32, #tpu.memory_space<vmem>>
      %dma_start3A_638 = arith.constant 840 : i32
      %dma_start3A_639 = tpu.memref_slice %arg6[%dma_start3A_638] : memref<1000xi32, #tpu.memory_space<vmem>> -> memref<40xi32, #tpu.memory_space<vmem>>
      %dma_start3A_640 = arith.constant 0 : i32
      %dma_start3A_641 = arith.constant 0 : i32
      %dma_start3A_642 = tpu.memref_slice %arg2[%dma_start3A_640, %dma_start3A_641] : memref<100000x16xf32, #tpu.memory_space<hbm>> -> memref<100000x16xf32, #tpu.memory_space<hbm>>
      tpu.enqueue_indirect_dma source(%dma_start3A_642 : memref<100000x16xf32, #tpu.memory_space<hbm>>) target(%dma_start3A_637 : memref<40x16xf32, #tpu.memory_space<vmem>>) offsets(%dma_start3A_639 : memref<40xi32, #tpu.memory_space<vmem>>) semaphore(%arg10 : memref<!tpu.dma_semaphore, #tpu.memory_space<semaphore_mem>>)
      %dma_start3A_643 = arith.constant 880 : i32
      %dma_start3A_644 = arith.constant 0 : i32
      %dma_start3A_645 = tpu.memref_slice %arg8[%dma_start3A_643, %dma_start3A_644] : memref<1000x16xf32, #tpu.memory_space<vmem>> -> memref<40x16xf32, #tpu.memory_space<vmem>>
      %dma_start3A_646 = arith.constant 880 : i32
      %dma_start3A_647 = tpu.memref_slice %arg6[%dma_start3A_646] : memref<1000xi32, #tpu.memory_space<vmem>> -> memref<40xi32, #tpu.memory_space<vmem>>
      %dma_start3A_648 = arith.constant 0 : i32
      %dma_start3A_649 = arith.constant 0 : i32
      %dma_start3A_650 = tpu.memref_slice %arg2[%dma_start3A_648, %dma_start3A_649] : memref<100000x16xf32, #tpu.memory_space<hbm>> -> memref<100000x16xf32, #tpu.memory_space<hbm>>
      tpu.enqueue_indirect_dma source(%dma_start3A_650 : memref<100000x16xf32, #tpu.memory_space<hbm>>) target(%dma_start3A_645 : memref<40x16xf32, #tpu.memory_space<vmem>>) offsets(%dma_start3A_647 : memref<40xi32, #tpu.memory_space<vmem>>) semaphore(%arg10 : memref<!tpu.dma_semaphore, #tpu.memory_space<semaphore_mem>>)
      %dma_start3A_651 = arith.constant 920 : i32
      %dma_start3A_652 = arith.constant 0 : i32
      %dma_start3A_653 = tpu.memref_slice %arg8[%dma_start3A_651, %dma_start3A_652] : memref<1000x16xf32, #tpu.memory_space<vmem>> -> memref<40x16xf32, #tpu.memory_space<vmem>>
      %dma_start3A_654 = arith.constant 920 : i32
      %dma_start3A_655 = tpu.memref_slice %arg6[%dma_start3A_654] : memref<1000xi32, #tpu.memory_space<vmem>> -> memref<40xi32, #tpu.memory_space<vmem>>
      %dma_start3A_656 = arith.constant 0 : i32
      %dma_start3A_657 = arith.constant 0 : i32
      %dma_start3A_658 = tpu.memref_slice %arg2[%dma_start3A_656, %dma_start3A_657] : memref<100000x16xf32, #tpu.memory_space<hbm>> -> memref<100000x16xf32, #tpu.memory_space<hbm>>
      tpu.enqueue_indirect_dma source(%dma_start3A_658 : memref<100000x16xf32, #tpu.memory_space<hbm>>) target(%dma_start3A_653 : memref<40x16xf32, #tpu.memory_space<vmem>>) offsets(%dma_start3A_655 : memref<40xi32, #tpu.memory_space<vmem>>) semaphore(%arg10 : memref<!tpu.dma_semaphore, #tpu.memory_space<semaphore_mem>>)
      %dma_start3A_659 = arith.constant 960 : i32
      %dma_start3A_660 = arith.constant 0 : i32
      %dma_start3A_661 = tpu.memref_slice %arg8[%dma_start3A_659, %dma_start3A_660] : memref<1000x16xf32, #tpu.memory_space<vmem>> -> memref<40x16xf32, #tpu.memory_space<vmem>>
      %dma_start3A_662 = arith.constant 960 : i32
      %dma_start3A_663 = tpu.memref_slice %arg6[%dma_start3A_662] : memref<1000xi32, #tpu.memory_space<vmem>> -> memref<40xi32, #tpu.memory_space<vmem>>
      %dma_start3A_664 = arith.constant 0 : i32
      %dma_start3A_665 = arith.constant 0 : i32
      %dma_start3A_666 = tpu.memref_slice %arg2[%dma_start3A_664, %dma_start3A_665] : memref<100000x16xf32, #tpu.memory_space<hbm>> -> memref<100000x16xf32, #tpu.memory_space<hbm>>
      tpu.enqueue_indirect_dma source(%dma_start3A_666 : memref<100000x16xf32, #tpu.memory_space<hbm>>) target(%dma_start3A_661 : memref<40x16xf32, #tpu.memory_space<vmem>>) offsets(%dma_start3A_663 : memref<40xi32, #tpu.memory_space<vmem>>) semaphore(%arg10 : memref<!tpu.dma_semaphore, #tpu.memory_space<semaphore_mem>>)
      %dma_wait3A_667 = arith.constant 0 : i32
      %dma_wait3A_668 = arith.constant 0 : i32
      %dma_wait3A_669 = tpu.memref_slice %arg8[%dma_wait3A_667, %dma_wait3A_668] : memref<1000x16xf32, #tpu.memory_space<vmem>> -> memref<40x16xf32, #tpu.memory_space<vmem>>
      %dma_wait3A_670 = arith.constant 0 : i32
      %dma_wait3A_671 = tpu.memref_slice %arg6[%dma_wait3A_670] : memref<1000xi32, #tpu.memory_space<vmem>> -> memref<40xi32, #tpu.memory_space<vmem>>
      %dma_wait3A_672 = arith.constant 0 : i32
      %dma_wait3A_673 = arith.constant 0 : i32
      %dma_wait3A_674 = tpu.memref_slice %arg2[%dma_wait3A_672, %dma_wait3A_673] : memref<100000x16xf32, #tpu.memory_space<hbm>> -> memref<100000x16xf32, #tpu.memory_space<hbm>>
      tpu.wait_indirect_dma semaphore(%arg10 : memref<!tpu.dma_semaphore, #tpu.memory_space<semaphore_mem>>) src(%dma_wait3A_674 : memref<100000x16xf32, #tpu.memory_space<hbm>>) dst(%dma_wait3A_669 : memref<40x16xf32, #tpu.memory_space<vmem>>)
      %dma_wait3A_675 = arith.constant 40 : i32
      %dma_wait3A_676 = arith.constant 0 : i32
      %dma_wait3A_677 = tpu.memref_slice %arg8[%dma_wait3A_675, %dma_wait3A_676] : memref<1000x16xf32, #tpu.memory_space<vmem>> -> memref<40x16xf32, #tpu.memory_space<vmem>>
      %dma_wait3A_678 = arith.constant 40 : i32
      %dma_wait3A_679 = tpu.memref_slice %arg6[%dma_wait3A_678] : memref<1000xi32, #tpu.memory_space<vmem>> -> memref<40xi32, #tpu.memory_space<vmem>>
      %dma_wait3A_680 = arith.constant 0 : i32
      %dma_wait3A_681 = arith.constant 0 : i32
      %dma_wait3A_682 = tpu.memref_slice %arg2[%dma_wait3A_680, %dma_wait3A_681] : memref<100000x16xf32, #tpu.memory_space<hbm>> -> memref<100000x16xf32, #tpu.memory_space<hbm>>
      tpu.wait_indirect_dma semaphore(%arg10 : memref<!tpu.dma_semaphore, #tpu.memory_space<semaphore_mem>>) src(%dma_wait3A_682 : memref<100000x16xf32, #tpu.memory_space<hbm>>) dst(%dma_wait3A_677 : memref<40x16xf32, #tpu.memory_space<vmem>>)
      %dma_wait3A_683 = arith.constant 80 : i32
      %dma_wait3A_684 = arith.constant 0 : i32
      %dma_wait3A_685 = tpu.memref_slice %arg8[%dma_wait3A_683, %dma_wait3A_684] : memref<1000x16xf32, #tpu.memory_space<vmem>> -> memref<40x16xf32, #tpu.memory_space<vmem>>
      %dma_wait3A_686 = arith.constant 80 : i32
      %dma_wait3A_687 = tpu.memref_slice %arg6[%dma_wait3A_686] : memref<1000xi32, #tpu.memory_space<vmem>> -> memref<40xi32, #tpu.memory_space<vmem>>
      %dma_wait3A_688 = arith.constant 0 : i32
      %dma_wait3A_689 = arith.constant 0 : i32
      %dma_wait3A_690 = tpu.memref_slice %arg2[%dma_wait3A_688, %dma_wait3A_689] : memref<100000x16xf32, #tpu.memory_space<hbm>> -> memref<100000x16xf32, #tpu.memory_space<hbm>>
      tpu.wait_indirect_dma semaphore(%arg10 : memref<!tpu.dma_semaphore, #tpu.memory_space<semaphore_mem>>) src(%dma_wait3A_690 : memref<100000x16xf32, #tpu.memory_space<hbm>>) dst(%dma_wait3A_685 : memref<40x16xf32, #tpu.memory_space<vmem>>)
      %dma_wait3A_691 = arith.constant 120 : i32
      %dma_wait3A_692 = arith.constant 0 : i32
      %dma_wait3A_693 = tpu.memref_slice %arg8[%dma_wait3A_691, %dma_wait3A_692] : memref<1000x16xf32, #tpu.memory_space<vmem>> -> memref<40x16xf32, #tpu.memory_space<vmem>>
      %dma_wait3A_694 = arith.constant 120 : i32
      %dma_wait3A_695 = tpu.memref_slice %arg6[%dma_wait3A_694] : memref<1000xi32, #tpu.memory_space<vmem>> -> memref<40xi32, #tpu.memory_space<vmem>>
      %dma_wait3A_696 = arith.constant 0 : i32
      %dma_wait3A_697 = arith.constant 0 : i32
      %dma_wait3A_698 = tpu.memref_slice %arg2[%dma_wait3A_696, %dma_wait3A_697] : memref<100000x16xf32, #tpu.memory_space<hbm>> -> memref<100000x16xf32, #tpu.memory_space<hbm>>
      tpu.wait_indirect_dma semaphore(%arg10 : memref<!tpu.dma_semaphore, #tpu.memory_space<semaphore_mem>>) src(%dma_wait3A_698 : memref<100000x16xf32, #tpu.memory_space<hbm>>) dst(%dma_wait3A_693 : memref<40x16xf32, #tpu.memory_space<vmem>>)
      %dma_wait3A_699 = arith.constant 160 : i32
      %dma_wait3A_700 = arith.constant 0 : i32
      %dma_wait3A_701 = tpu.memref_slice %arg8[%dma_wait3A_699, %dma_wait3A_700] : memref<1000x16xf32, #tpu.memory_space<vmem>> -> memref<40x16xf32, #tpu.memory_space<vmem>>
      %dma_wait3A_702 = arith.constant 160 : i32
      %dma_wait3A_703 = tpu.memref_slice %arg6[%dma_wait3A_702] : memref<1000xi32, #tpu.memory_space<vmem>> -> memref<40xi32, #tpu.memory_space<vmem>>
      %dma_wait3A_704 = arith.constant 0 : i32
      %dma_wait3A_705 = arith.constant 0 : i32
      %dma_wait3A_706 = tpu.memref_slice %arg2[%dma_wait3A_704, %dma_wait3A_705] : memref<100000x16xf32, #tpu.memory_space<hbm>> -> memref<100000x16xf32, #tpu.memory_space<hbm>>
      tpu.wait_indirect_dma semaphore(%arg10 : memref<!tpu.dma_semaphore, #tpu.memory_space<semaphore_mem>>) src(%dma_wait3A_706 : memref<100000x16xf32, #tpu.memory_space<hbm>>) dst(%dma_wait3A_701 : memref<40x16xf32, #tpu.memory_space<vmem>>)
      %dma_wait3A_707 = arith.constant 200 : i32
      %dma_wait3A_708 = arith.constant 0 : i32
      %dma_wait3A_709 = tpu.memref_slice %arg8[%dma_wait3A_707, %dma_wait3A_708] : memref<1000x16xf32, #tpu.memory_space<vmem>> -> memref<40x16xf32, #tpu.memory_space<vmem>>
      %dma_wait3A_710 = arith.constant 200 : i32
      %dma_wait3A_711 = tpu.memref_slice %arg6[%dma_wait3A_710] : memref<1000xi32, #tpu.memory_space<vmem>> -> memref<40xi32, #tpu.memory_space<vmem>>
      %dma_wait3A_712 = arith.constant 0 : i32
      %dma_wait3A_713 = arith.constant 0 : i32
      %dma_wait3A_714 = tpu.memref_slice %arg2[%dma_wait3A_712, %dma_wait3A_713] : memref<100000x16xf32, #tpu.memory_space<hbm>> -> memref<100000x16xf32, #tpu.memory_space<hbm>>
      tpu.wait_indirect_dma semaphore(%arg10 : memref<!tpu.dma_semaphore, #tpu.memory_space<semaphore_mem>>) src(%dma_wait3A_714 : memref<100000x16xf32, #tpu.memory_space<hbm>>) dst(%dma_wait3A_709 : memref<40x16xf32, #tpu.memory_space<vmem>>)
      %dma_wait3A_715 = arith.constant 240 : i32
      %dma_wait3A_716 = arith.constant 0 : i32
      %dma_wait3A_717 = tpu.memref_slice %arg8[%dma_wait3A_715, %dma_wait3A_716] : memref<1000x16xf32, #tpu.memory_space<vmem>> -> memref<40x16xf32, #tpu.memory_space<vmem>>
      %dma_wait3A_718 = arith.constant 240 : i32
      %dma_wait3A_719 = tpu.memref_slice %arg6[%dma_wait3A_718] : memref<1000xi32, #tpu.memory_space<vmem>> -> memref<40xi32, #tpu.memory_space<vmem>>
      %dma_wait3A_720 = arith.constant 0 : i32
      %dma_wait3A_721 = arith.constant 0 : i32
      %dma_wait3A_722 = tpu.memref_slice %arg2[%dma_wait3A_720, %dma_wait3A_721] : memref<100000x16xf32, #tpu.memory_space<hbm>> -> memref<100000x16xf32, #tpu.memory_space<hbm>>
      tpu.wait_indirect_dma semaphore(%arg10 : memref<!tpu.dma_semaphore, #tpu.memory_space<semaphore_mem>>) src(%dma_wait3A_722 : memref<100000x16xf32, #tpu.memory_space<hbm>>) dst(%dma_wait3A_717 : memref<40x16xf32, #tpu.memory_space<vmem>>)
      %dma_wait3A_723 = arith.constant 280 : i32
      %dma_wait3A_724 = arith.constant 0 : i32
      %dma_wait3A_725 = tpu.memref_slice %arg8[%dma_wait3A_723, %dma_wait3A_724] : memref<1000x16xf32, #tpu.memory_space<vmem>> -> memref<40x16xf32, #tpu.memory_space<vmem>>
      %dma_wait3A_726 = arith.constant 280 : i32
      %dma_wait3A_727 = tpu.memref_slice %arg6[%dma_wait3A_726] : memref<1000xi32, #tpu.memory_space<vmem>> -> memref<40xi32, #tpu.memory_space<vmem>>
      %dma_wait3A_728 = arith.constant 0 : i32
      %dma_wait3A_729 = arith.constant 0 : i32
      %dma_wait3A_730 = tpu.memref_slice %arg2[%dma_wait3A_728, %dma_wait3A_729] : memref<100000x16xf32, #tpu.memory_space<hbm>> -> memref<100000x16xf32, #tpu.memory_space<hbm>>
      tpu.wait_indirect_dma semaphore(%arg10 : memref<!tpu.dma_semaphore, #tpu.memory_space<semaphore_mem>>) src(%dma_wait3A_730 : memref<100000x16xf32, #tpu.memory_space<hbm>>) dst(%dma_wait3A_725 : memref<40x16xf32, #tpu.memory_space<vmem>>)
      %dma_wait3A_731 = arith.constant 320 : i32
      %dma_wait3A_732 = arith.constant 0 : i32
      %dma_wait3A_733 = tpu.memref_slice %arg8[%dma_wait3A_731, %dma_wait3A_732] : memref<1000x16xf32, #tpu.memory_space<vmem>> -> memref<40x16xf32, #tpu.memory_space<vmem>>
      %dma_wait3A_734 = arith.constant 320 : i32
      %dma_wait3A_735 = tpu.memref_slice %arg6[%dma_wait3A_734] : memref<1000xi32, #tpu.memory_space<vmem>> -> memref<40xi32, #tpu.memory_space<vmem>>
      %dma_wait3A_736 = arith.constant 0 : i32
      %dma_wait3A_737 = arith.constant 0 : i32
      %dma_wait3A_738 = tpu.memref_slice %arg2[%dma_wait3A_736, %dma_wait3A_737] : memref<100000x16xf32, #tpu.memory_space<hbm>> -> memref<100000x16xf32, #tpu.memory_space<hbm>>
      tpu.wait_indirect_dma semaphore(%arg10 : memref<!tpu.dma_semaphore, #tpu.memory_space<semaphore_mem>>) src(%dma_wait3A_738 : memref<100000x16xf32, #tpu.memory_space<hbm>>) dst(%dma_wait3A_733 : memref<40x16xf32, #tpu.memory_space<vmem>>)
      %dma_wait3A_739 = arith.constant 360 : i32
      %dma_wait3A_740 = arith.constant 0 : i32
      %dma_wait3A_741 = tpu.memref_slice %arg8[%dma_wait3A_739, %dma_wait3A_740] : memref<1000x16xf32, #tpu.memory_space<vmem>> -> memref<40x16xf32, #tpu.memory_space<vmem>>
      %dma_wait3A_742 = arith.constant 360 : i32
      %dma_wait3A_743 = tpu.memref_slice %arg6[%dma_wait3A_742] : memref<1000xi32, #tpu.memory_space<vmem>> -> memref<40xi32, #tpu.memory_space<vmem>>
      %dma_wait3A_744 = arith.constant 0 : i32
      %dma_wait3A_745 = arith.constant 0 : i32
      %dma_wait3A_746 = tpu.memref_slice %arg2[%dma_wait3A_744, %dma_wait3A_745] : memref<100000x16xf32, #tpu.memory_space<hbm>> -> memref<100000x16xf32, #tpu.memory_space<hbm>>
      tpu.wait_indirect_dma semaphore(%arg10 : memref<!tpu.dma_semaphore, #tpu.memory_space<semaphore_mem>>) src(%dma_wait3A_746 : memref<100000x16xf32, #tpu.memory_space<hbm>>) dst(%dma_wait3A_741 : memref<40x16xf32, #tpu.memory_space<vmem>>)
      %dma_wait3A_747 = arith.constant 400 : i32
      %dma_wait3A_748 = arith.constant 0 : i32
      %dma_wait3A_749 = tpu.memref_slice %arg8[%dma_wait3A_747, %dma_wait3A_748] : memref<1000x16xf32, #tpu.memory_space<vmem>> -> memref<40x16xf32, #tpu.memory_space<vmem>>
      %dma_wait3A_750 = arith.constant 400 : i32
      %dma_wait3A_751 = tpu.memref_slice %arg6[%dma_wait3A_750] : memref<1000xi32, #tpu.memory_space<vmem>> -> memref<40xi32, #tpu.memory_space<vmem>>
      %dma_wait3A_752 = arith.constant 0 : i32
      %dma_wait3A_753 = arith.constant 0 : i32
      %dma_wait3A_754 = tpu.memref_slice %arg2[%dma_wait3A_752, %dma_wait3A_753] : memref<100000x16xf32, #tpu.memory_space<hbm>> -> memref<100000x16xf32, #tpu.memory_space<hbm>>
      tpu.wait_indirect_dma semaphore(%arg10 : memref<!tpu.dma_semaphore, #tpu.memory_space<semaphore_mem>>) src(%dma_wait3A_754 : memref<100000x16xf32, #tpu.memory_space<hbm>>) dst(%dma_wait3A_749 : memref<40x16xf32, #tpu.memory_space<vmem>>)
      %dma_wait3A_755 = arith.constant 440 : i32
      %dma_wait3A_756 = arith.constant 0 : i32
      %dma_wait3A_757 = tpu.memref_slice %arg8[%dma_wait3A_755, %dma_wait3A_756] : memref<1000x16xf32, #tpu.memory_space<vmem>> -> memref<40x16xf32, #tpu.memory_space<vmem>>
      %dma_wait3A_758 = arith.constant 440 : i32
      %dma_wait3A_759 = tpu.memref_slice %arg6[%dma_wait3A_758] : memref<1000xi32, #tpu.memory_space<vmem>> -> memref<40xi32, #tpu.memory_space<vmem>>
      %dma_wait3A_760 = arith.constant 0 : i32
      %dma_wait3A_761 = arith.constant 0 : i32
      %dma_wait3A_762 = tpu.memref_slice %arg2[%dma_wait3A_760, %dma_wait3A_761] : memref<100000x16xf32, #tpu.memory_space<hbm>> -> memref<100000x16xf32, #tpu.memory_space<hbm>>
      tpu.wait_indirect_dma semaphore(%arg10 : memref<!tpu.dma_semaphore, #tpu.memory_space<semaphore_mem>>) src(%dma_wait3A_762 : memref<100000x16xf32, #tpu.memory_space<hbm>>) dst(%dma_wait3A_757 : memref<40x16xf32, #tpu.memory_space<vmem>>)
      %dma_wait3A_763 = arith.constant 480 : i32
      %dma_wait3A_764 = arith.constant 0 : i32
      %dma_wait3A_765 = tpu.memref_slice %arg8[%dma_wait3A_763, %dma_wait3A_764] : memref<1000x16xf32, #tpu.memory_space<vmem>> -> memref<40x16xf32, #tpu.memory_space<vmem>>
      %dma_wait3A_766 = arith.constant 480 : i32
      %dma_wait3A_767 = tpu.memref_slice %arg6[%dma_wait3A_766] : memref<1000xi32, #tpu.memory_space<vmem>> -> memref<40xi32, #tpu.memory_space<vmem>>
      %dma_wait3A_768 = arith.constant 0 : i32
      %dma_wait3A_769 = arith.constant 0 : i32
      %dma_wait3A_770 = tpu.memref_slice %arg2[%dma_wait3A_768, %dma_wait3A_769] : memref<100000x16xf32, #tpu.memory_space<hbm>> -> memref<100000x16xf32, #tpu.memory_space<hbm>>
      tpu.wait_indirect_dma semaphore(%arg10 : memref<!tpu.dma_semaphore, #tpu.memory_space<semaphore_mem>>) src(%dma_wait3A_770 : memref<100000x16xf32, #tpu.memory_space<hbm>>) dst(%dma_wait3A_765 : memref<40x16xf32, #tpu.memory_space<vmem>>)
      %dma_wait3A_771 = arith.constant 520 : i32
      %dma_wait3A_772 = arith.constant 0 : i32
      %dma_wait3A_773 = tpu.memref_slice %arg8[%dma_wait3A_771, %dma_wait3A_772] : memref<1000x16xf32, #tpu.memory_space<vmem>> -> memref<40x16xf32, #tpu.memory_space<vmem>>
      %dma_wait3A_774 = arith.constant 520 : i32
      %dma_wait3A_775 = tpu.memref_slice %arg6[%dma_wait3A_774] : memref<1000xi32, #tpu.memory_space<vmem>> -> memref<40xi32, #tpu.memory_space<vmem>>
      %dma_wait3A_776 = arith.constant 0 : i32
      %dma_wait3A_777 = arith.constant 0 : i32
      %dma_wait3A_778 = tpu.memref_slice %arg2[%dma_wait3A_776, %dma_wait3A_777] : memref<100000x16xf32, #tpu.memory_space<hbm>> -> memref<100000x16xf32, #tpu.memory_space<hbm>>
      tpu.wait_indirect_dma semaphore(%arg10 : memref<!tpu.dma_semaphore, #tpu.memory_space<semaphore_mem>>) src(%dma_wait3A_778 : memref<100000x16xf32, #tpu.memory_space<hbm>>) dst(%dma_wait3A_773 : memref<40x16xf32, #tpu.memory_space<vmem>>)
      %dma_wait3A_779 = arith.constant 560 : i32
      %dma_wait3A_780 = arith.constant 0 : i32
      %dma_wait3A_781 = tpu.memref_slice %arg8[%dma_wait3A_779, %dma_wait3A_780] : memref<1000x16xf32, #tpu.memory_space<vmem>> -> memref<40x16xf32, #tpu.memory_space<vmem>>
      %dma_wait3A_782 = arith.constant 560 : i32
      %dma_wait3A_783 = tpu.memref_slice %arg6[%dma_wait3A_782] : memref<1000xi32, #tpu.memory_space<vmem>> -> memref<40xi32, #tpu.memory_space<vmem>>
      %dma_wait3A_784 = arith.constant 0 : i32
      %dma_wait3A_785 = arith.constant 0 : i32
      %dma_wait3A_786 = tpu.memref_slice %arg2[%dma_wait3A_784, %dma_wait3A_785] : memref<100000x16xf32, #tpu.memory_space<hbm>> -> memref<100000x16xf32, #tpu.memory_space<hbm>>
      tpu.wait_indirect_dma semaphore(%arg10 : memref<!tpu.dma_semaphore, #tpu.memory_space<semaphore_mem>>) src(%dma_wait3A_786 : memref<100000x16xf32, #tpu.memory_space<hbm>>) dst(%dma_wait3A_781 : memref<40x16xf32, #tpu.memory_space<vmem>>)
      %dma_wait3A_787 = arith.constant 600 : i32
      %dma_wait3A_788 = arith.constant 0 : i32
      %dma_wait3A_789 = tpu.memref_slice %arg8[%dma_wait3A_787, %dma_wait3A_788] : memref<1000x16xf32, #tpu.memory_space<vmem>> -> memref<40x16xf32, #tpu.memory_space<vmem>>
      %dma_wait3A_790 = arith.constant 600 : i32
      %dma_wait3A_791 = tpu.memref_slice %arg6[%dma_wait3A_790] : memref<1000xi32, #tpu.memory_space<vmem>> -> memref<40xi32, #tpu.memory_space<vmem>>
      %dma_wait3A_792 = arith.constant 0 : i32
      %dma_wait3A_793 = arith.constant 0 : i32
      %dma_wait3A_794 = tpu.memref_slice %arg2[%dma_wait3A_792, %dma_wait3A_793] : memref<100000x16xf32, #tpu.memory_space<hbm>> -> memref<100000x16xf32, #tpu.memory_space<hbm>>
      tpu.wait_indirect_dma semaphore(%arg10 : memref<!tpu.dma_semaphore, #tpu.memory_space<semaphore_mem>>) src(%dma_wait3A_794 : memref<100000x16xf32, #tpu.memory_space<hbm>>) dst(%dma_wait3A_789 : memref<40x16xf32, #tpu.memory_space<vmem>>)
      %dma_wait3A_795 = arith.constant 640 : i32
      %dma_wait3A_796 = arith.constant 0 : i32
      %dma_wait3A_797 = tpu.memref_slice %arg8[%dma_wait3A_795, %dma_wait3A_796] : memref<1000x16xf32, #tpu.memory_space<vmem>> -> memref<40x16xf32, #tpu.memory_space<vmem>>
      %dma_wait3A_798 = arith.constant 640 : i32
      %dma_wait3A_799 = tpu.memref_slice %arg6[%dma_wait3A_798] : memref<1000xi32, #tpu.memory_space<vmem>> -> memref<40xi32, #tpu.memory_space<vmem>>
      %dma_wait3A_800 = arith.constant 0 : i32
      %dma_wait3A_801 = arith.constant 0 : i32
      %dma_wait3A_802 = tpu.memref_slice %arg2[%dma_wait3A_800, %dma_wait3A_801] : memref<100000x16xf32, #tpu.memory_space<hbm>> -> memref<100000x16xf32, #tpu.memory_space<hbm>>
      tpu.wait_indirect_dma semaphore(%arg10 : memref<!tpu.dma_semaphore, #tpu.memory_space<semaphore_mem>>) src(%dma_wait3A_802 : memref<100000x16xf32, #tpu.memory_space<hbm>>) dst(%dma_wait3A_797 : memref<40x16xf32, #tpu.memory_space<vmem>>)
      %dma_wait3A_803 = arith.constant 680 : i32
      %dma_wait3A_804 = arith.constant 0 : i32
      %dma_wait3A_805 = tpu.memref_slice %arg8[%dma_wait3A_803, %dma_wait3A_804] : memref<1000x16xf32, #tpu.memory_space<vmem>> -> memref<40x16xf32, #tpu.memory_space<vmem>>
      %dma_wait3A_806 = arith.constant 680 : i32
      %dma_wait3A_807 = tpu.memref_slice %arg6[%dma_wait3A_806] : memref<1000xi32, #tpu.memory_space<vmem>> -> memref<40xi32, #tpu.memory_space<vmem>>
      %dma_wait3A_808 = arith.constant 0 : i32
      %dma_wait3A_809 = arith.constant 0 : i32
      %dma_wait3A_810 = tpu.memref_slice %arg2[%dma_wait3A_808, %dma_wait3A_809] : memref<100000x16xf32, #tpu.memory_space<hbm>> -> memref<100000x16xf32, #tpu.memory_space<hbm>>
      tpu.wait_indirect_dma semaphore(%arg10 : memref<!tpu.dma_semaphore, #tpu.memory_space<semaphore_mem>>) src(%dma_wait3A_810 : memref<100000x16xf32, #tpu.memory_space<hbm>>) dst(%dma_wait3A_805 : memref<40x16xf32, #tpu.memory_space<vmem>>)
      %dma_wait3A_811 = arith.constant 720 : i32
      %dma_wait3A_812 = arith.constant 0 : i32
      %dma_wait3A_813 = tpu.memref_slice %arg8[%dma_wait3A_811, %dma_wait3A_812] : memref<1000x16xf32, #tpu.memory_space<vmem>> -> memref<40x16xf32, #tpu.memory_space<vmem>>
      %dma_wait3A_814 = arith.constant 720 : i32
      %dma_wait3A_815 = tpu.memref_slice %arg6[%dma_wait3A_814] : memref<1000xi32, #tpu.memory_space<vmem>> -> memref<40xi32, #tpu.memory_space<vmem>>
      %dma_wait3A_816 = arith.constant 0 : i32
      %dma_wait3A_817 = arith.constant 0 : i32
      %dma_wait3A_818 = tpu.memref_slice %arg2[%dma_wait3A_816, %dma_wait3A_817] : memref<100000x16xf32, #tpu.memory_space<hbm>> -> memref<100000x16xf32, #tpu.memory_space<hbm>>
      tpu.wait_indirect_dma semaphore(%arg10 : memref<!tpu.dma_semaphore, #tpu.memory_space<semaphore_mem>>) src(%dma_wait3A_818 : memref<100000x16xf32, #tpu.memory_space<hbm>>) dst(%dma_wait3A_813 : memref<40x16xf32, #tpu.memory_space<vmem>>)
      %dma_wait3A_819 = arith.constant 760 : i32
      %dma_wait3A_820 = arith.constant 0 : i32
      %dma_wait3A_821 = tpu.memref_slice %arg8[%dma_wait3A_819, %dma_wait3A_820] : memref<1000x16xf32, #tpu.memory_space<vmem>> -> memref<40x16xf32, #tpu.memory_space<vmem>>
      %dma_wait3A_822 = arith.constant 760 : i32
      %dma_wait3A_823 = tpu.memref_slice %arg6[%dma_wait3A_822] : memref<1000xi32, #tpu.memory_space<vmem>> -> memref<40xi32, #tpu.memory_space<vmem>>
      %dma_wait3A_824 = arith.constant 0 : i32
      %dma_wait3A_825 = arith.constant 0 : i32
      %dma_wait3A_826 = tpu.memref_slice %arg2[%dma_wait3A_824, %dma_wait3A_825] : memref<100000x16xf32, #tpu.memory_space<hbm>> -> memref<100000x16xf32, #tpu.memory_space<hbm>>
      tpu.wait_indirect_dma semaphore(%arg10 : memref<!tpu.dma_semaphore, #tpu.memory_space<semaphore_mem>>) src(%dma_wait3A_826 : memref<100000x16xf32, #tpu.memory_space<hbm>>) dst(%dma_wait3A_821 : memref<40x16xf32, #tpu.memory_space<vmem>>)
      %dma_wait3A_827 = arith.constant 800 : i32
      %dma_wait3A_828 = arith.constant 0 : i32
      %dma_wait3A_829 = tpu.memref_slice %arg8[%dma_wait3A_827, %dma_wait3A_828] : memref<1000x16xf32, #tpu.memory_space<vmem>> -> memref<40x16xf32, #tpu.memory_space<vmem>>
      %dma_wait3A_830 = arith.constant 800 : i32
      %dma_wait3A_831 = tpu.memref_slice %arg6[%dma_wait3A_830] : memref<1000xi32, #tpu.memory_space<vmem>> -> memref<40xi32, #tpu.memory_space<vmem>>
      %dma_wait3A_832 = arith.constant 0 : i32
      %dma_wait3A_833 = arith.constant 0 : i32
      %dma_wait3A_834 = tpu.memref_slice %arg2[%dma_wait3A_832, %dma_wait3A_833] : memref<100000x16xf32, #tpu.memory_space<hbm>> -> memref<100000x16xf32, #tpu.memory_space<hbm>>
      tpu.wait_indirect_dma semaphore(%arg10 : memref<!tpu.dma_semaphore, #tpu.memory_space<semaphore_mem>>) src(%dma_wait3A_834 : memref<100000x16xf32, #tpu.memory_space<hbm>>) dst(%dma_wait3A_829 : memref<40x16xf32, #tpu.memory_space<vmem>>)
      %dma_wait3A_835 = arith.constant 840 : i32
      %dma_wait3A_836 = arith.constant 0 : i32
      %dma_wait3A_837 = tpu.memref_slice %arg8[%dma_wait3A_835, %dma_wait3A_836] : memref<1000x16xf32, #tpu.memory_space<vmem>> -> memref<40x16xf32, #tpu.memory_space<vmem>>
      %dma_wait3A_838 = arith.constant 840 : i32
      %dma_wait3A_839 = tpu.memref_slice %arg6[%dma_wait3A_838] : memref<1000xi32, #tpu.memory_space<vmem>> -> memref<40xi32, #tpu.memory_space<vmem>>
      %dma_wait3A_840 = arith.constant 0 : i32
      %dma_wait3A_841 = arith.constant 0 : i32
      %dma_wait3A_842 = tpu.memref_slice %arg2[%dma_wait3A_840, %dma_wait3A_841] : memref<100000x16xf32, #tpu.memory_space<hbm>> -> memref<100000x16xf32, #tpu.memory_space<hbm>>
      tpu.wait_indirect_dma semaphore(%arg10 : memref<!tpu.dma_semaphore, #tpu.memory_space<semaphore_mem>>) src(%dma_wait3A_842 : memref<100000x16xf32, #tpu.memory_space<hbm>>) dst(%dma_wait3A_837 : memref<40x16xf32, #tpu.memory_space<vmem>>)
      %dma_wait3A_843 = arith.constant 880 : i32
      %dma_wait3A_844 = arith.constant 0 : i32
      %dma_wait3A_845 = tpu.memref_slice %arg8[%dma_wait3A_843, %dma_wait3A_844] : memref<1000x16xf32, #tpu.memory_space<vmem>> -> memref<40x16xf32, #tpu.memory_space<vmem>>
      %dma_wait3A_846 = arith.constant 880 : i32
      %dma_wait3A_847 = tpu.memref_slice %arg6[%dma_wait3A_846] : memref<1000xi32, #tpu.memory_space<vmem>> -> memref<40xi32, #tpu.memory_space<vmem>>
      %dma_wait3A_848 = arith.constant 0 : i32
      %dma_wait3A_849 = arith.constant 0 : i32
      %dma_wait3A_850 = tpu.memref_slice %arg2[%dma_wait3A_848, %dma_wait3A_849] : memref<100000x16xf32, #tpu.memory_space<hbm>> -> memref<100000x16xf32, #tpu.memory_space<hbm>>
      tpu.wait_indirect_dma semaphore(%arg10 : memref<!tpu.dma_semaphore, #tpu.memory_space<semaphore_mem>>) src(%dma_wait3A_850 : memref<100000x16xf32, #tpu.memory_space<hbm>>) dst(%dma_wait3A_845 : memref<40x16xf32, #tpu.memory_space<vmem>>)
      %dma_wait3A_851 = arith.constant 920 : i32
      %dma_wait3A_852 = arith.constant 0 : i32
      %dma_wait3A_853 = tpu.memref_slice %arg8[%dma_wait3A_851, %dma_wait3A_852] : memref<1000x16xf32, #tpu.memory_space<vmem>> -> memref<40x16xf32, #tpu.memory_space<vmem>>
      %dma_wait3A_854 = arith.constant 920 : i32
      %dma_wait3A_855 = tpu.memref_slice %arg6[%dma_wait3A_854] : memref<1000xi32, #tpu.memory_space<vmem>> -> memref<40xi32, #tpu.memory_space<vmem>>
      %dma_wait3A_856 = arith.constant 0 : i32
      %dma_wait3A_857 = arith.constant 0 : i32
      %dma_wait3A_858 = tpu.memref_slice %arg2[%dma_wait3A_856, %dma_wait3A_857] : memref<100000x16xf32, #tpu.memory_space<hbm>> -> memref<100000x16xf32, #tpu.memory_space<hbm>>
      tpu.wait_indirect_dma semaphore(%arg10 : memref<!tpu.dma_semaphore, #tpu.memory_space<semaphore_mem>>) src(%dma_wait3A_858 : memref<100000x16xf32, #tpu.memory_space<hbm>>) dst(%dma_wait3A_853 : memref<40x16xf32, #tpu.memory_space<vmem>>)
      %dma_wait3A_859 = arith.constant 960 : i32
      %dma_wait3A_860 = arith.constant 0 : i32
      %dma_wait3A_861 = tpu.memref_slice %arg8[%dma_wait3A_859, %dma_wait3A_860] : memref<1000x16xf32, #tpu.memory_space<vmem>> -> memref<40x16xf32, #tpu.memory_space<vmem>>
      %dma_wait3A_862 = arith.constant 960 : i32
      %dma_wait3A_863 = tpu.memref_slice %arg6[%dma_wait3A_862] : memref<1000xi32, #tpu.memory_space<vmem>> -> memref<40xi32, #tpu.memory_space<vmem>>
      %dma_wait3A_864 = arith.constant 0 : i32
      %dma_wait3A_865 = arith.constant 0 : i32
      %dma_wait3A_866 = tpu.memref_slice %arg2[%dma_wait3A_864, %dma_wait3A_865] : memref<100000x16xf32, #tpu.memory_space<hbm>> -> memref<100000x16xf32, #tpu.memory_space<hbm>>
      tpu.wait_indirect_dma semaphore(%arg10 : memref<!tpu.dma_semaphore, #tpu.memory_space<semaphore_mem>>) src(%dma_wait3A_866 : memref<100000x16xf32, #tpu.memory_space<hbm>>) dst(%dma_wait3A_861 : memref<40x16xf32, #tpu.memory_space<vmem>>)
      %mul3A_867 = arith.constant 1000 : i32
      %mul3A_868 = arith.muli %add3A_450, %mul3A_867 : i32
      %dma_start3A_869 = arith.constant 0 : i32
      %dma_start3A_870 = tpu.memref_slice %arg4[%mul3A_868, %dma_start3A_869] : memref<1600000x16xf32, #tpu.memory_space<hbm>> -> memref<1000x16xf32, #tpu.memory_space<hbm>>
      %dma_start3A_871 = arith.constant 0 : i32
      %dma_start3A_872 = tpu.memref_slice %arg4[%mul3A_868, %dma_start3A_871] : memref<1600000x16xf32, #tpu.memory_space<hbm>> -> memref<1000x16xf32, #tpu.memory_space<hbm>>
      tpu.enqueue_dma source(%arg8 : memref<1000x16xf32, #tpu.memory_space<vmem>>) target(%dma_start3A_872 : memref<1000x16xf32, #tpu.memory_space<hbm>>) target_semaphore(%arg11 : memref<!tpu.dma_semaphore, #tpu.memory_space<semaphore_mem>>)
    }
    %scan3A_10 = arith.constant 25 : i32
    %dma_wait3A = arith.constant 0 : i32
    %dma_wait3A_11 = arith.constant 0 : i32
    %dma_wait3A_12 = tpu.memref_slice %arg4[%dma_wait3A, %dma_wait3A_11] : memref<1600000x16xf32, #tpu.memory_space<hbm>> -> memref<1000x16xf32, #tpu.memory_space<hbm>>
    %dma_wait3A_13 = arith.constant 0 : i32
    %dma_wait3A_14 = arith.constant 0 : i32
    %dma_wait3A_15 = tpu.memref_slice %arg4[%dma_wait3A_13, %dma_wait3A_14] : memref<1600000x16xf32, #tpu.memory_space<hbm>> -> memref<1000x16xf32, #tpu.memory_space<hbm>>
    tpu.wait_dma2 semaphore(%arg11 : memref<!tpu.dma_semaphore, #tpu.memory_space<semaphore_mem>>) src(%dma_wait3A_15 : memref<1000x16xf32, #tpu.memory_space<hbm>>) dst(%arg7 : memref<1000x16xf32, #tpu.memory_space<vmem>>)
    %dma_wait3A_16 = arith.constant 0 : i32
    %dma_wait3A_17 = arith.constant 0 : i32
    %dma_wait3A_18 = tpu.memref_slice %arg4[%dma_wait3A_16, %dma_wait3A_17] : memref<1600000x16xf32, #tpu.memory_space<hbm>> -> memref<1000x16xf32, #tpu.memory_space<hbm>>
    %dma_wait3A_19 = arith.constant 0 : i32
    %dma_wait3A_20 = arith.constant 0 : i32
    %dma_wait3A_21 = tpu.memref_slice %arg4[%dma_wait3A_19, %dma_wait3A_20] : memref<1600000x16xf32, #tpu.memory_space<hbm>> -> memref<1000x16xf32, #tpu.memory_space<hbm>>
    tpu.wait_dma2 semaphore(%arg11 : memref<!tpu.dma_semaphore, #tpu.memory_space<semaphore_mem>>) src(%dma_wait3A_21 : memref<1000x16xf32, #tpu.memory_space<hbm>>) dst(%arg8 : memref<1000x16xf32, #tpu.memory_space<vmem>>)
    return
  }
}

#map = affine_map<(d0, d1) -> (0, 0)>
#map1 = affine_map<(d0, d1) -> (0)>
module attributes {stable_mosaic.version = 14 : i64} {
  func.func @gather_kernel(%arg0: i32, %arg1: i32, %arg2: memref<512x16xf32, #tpu.memory_space<hbm>>, %arg3: memref<128000xi32, #tpu.memory_space<hbm>>, %arg4: memref<128000x16xf32, #tpu.memory_space<hbm>>, %arg5: memref<1000xi32, #tpu.memory_space<vmem>>, %arg6: memref<1000xi32, #tpu.memory_space<vmem>>, %arg7: memref<1000x16xf32, #tpu.memory_space<vmem>>, %arg8: memref<1000x16xf32, #tpu.memory_space<vmem>>, %arg9: memref<!tpu.dma_semaphore, #tpu.memory_space<semaphore_mem>>, %arg10: memref<!tpu.dma_semaphore, #tpu.memory_space<semaphore_mem>>, %arg11: memref<!tpu.dma_semaphore, #tpu.memory_space<semaphore_mem>>) attributes {dimension_semantics = [#tpu.dimension_semantics<core_parallel>, #tpu.dimension_semantics<subcore_parallel>], iteration_bounds = array<i64: 2, 16>, scalar_prefetch = 0 : i64, scratch_operands = 7 : i64, tpu.core_type = #tpu.core_type<sc_vector_subcore>, window_params = [{transform_indices = #map}, {transform_indices = #map1}, {transform_indices = #map}]} {
    %mul3A = arith.constant 2 : i32
    %mul3A_0 = arith.muli %arg1, %mul3A : i32
    %add3A = arith.addi %mul3A_0, %arg0 : i32
    %mul3A_1 = arith.constant 4 : i32
    %mul3A_2 = arith.muli %add3A, %mul3A_1 : i32
    %mul3A_3 = arith.constant 1000 : i32
    %mul3A_4 = arith.muli %mul3A_2, %mul3A_3 : i32
    %dma_start3A = tpu.memref_slice %arg3[%mul3A_4] : memref<128000xi32, #tpu.memory_space<hbm>> -> memref<1000xi32, #tpu.memory_space<hbm>>
    %dma_start3A_5 = tpu.memref_slice %arg3[%mul3A_4] : memref<128000xi32, #tpu.memory_space<hbm>> -> memref<1000xi32, #tpu.memory_space<hbm>>
    tpu.enqueue_dma source(%dma_start3A_5 : memref<1000xi32, #tpu.memory_space<hbm>>) target(%arg5 : memref<1000xi32, #tpu.memory_space<vmem>>) target_semaphore(%arg9 : memref<!tpu.dma_semaphore, #tpu.memory_space<semaphore_mem>>)
    %scan3A = arith.constant 0 : i32
    %scan3A_6 = arith.constant 0 : i32
    %scan3A_7 = arith.constant 2 : i32
    %scan3A_8 = arith.addi %scan3A_6, %scan3A_7 : i32
    %scan3A_9 = arith.constant 1 : i32
    scf.for %scan3A_22 = %scan3A_6 to %scan3A_8 step %scan3A_9  : i32 {
      %mul3A_23 = arith.constant 2 : i32
      %mul3A_24 = arith.muli %scan3A_22, %mul3A_23 : i32
      %add3A_25 = arith.constant 0 : i32
      %add3A_26 = arith.addi %mul3A_24, %add3A_25 : i32
      %add3A_27 = arith.addi %mul3A_2, %add3A_26 : i32
      %dma_wait3A_28 = arith.constant 0 : i32
      %dma_wait3A_29 = tpu.memref_slice %arg3[%dma_wait3A_28] : memref<128000xi32, #tpu.memory_space<hbm>> -> memref<1000xi32, #tpu.memory_space<hbm>>
      %dma_wait3A_30 = arith.constant 0 : i32
      %dma_wait3A_31 = tpu.memref_slice %arg3[%dma_wait3A_30] : memref<128000xi32, #tpu.memory_space<hbm>> -> memref<1000xi32, #tpu.memory_space<hbm>>
      tpu.wait_dma2 semaphore(%arg9 : memref<!tpu.dma_semaphore, #tpu.memory_space<semaphore_mem>>) src(%dma_wait3A_31 : memref<1000xi32, #tpu.memory_space<hbm>>) dst(%arg5 : memref<1000xi32, #tpu.memory_space<vmem>>)
      %add3A_32 = arith.constant 1 : i32
      %add3A_33 = arith.addi %add3A_26, %add3A_32 : i32
      %lt3A = arith.constant 4 : i32
      %lt3A_34 = arith.cmpi slt, %add3A_33, %lt3A : i32
      %convert_element_type3A = arith.extui %lt3A_34 : i1 to i32
      %cond3A = arith.constant 0 : i32
      %cond3A_35 = arith.cmpi ne, %convert_element_type3A, %cond3A : i32
      scf.if %cond3A_35 {
        %add3A_873 = arith.constant 1 : i32
        %add3A_874 = arith.addi %add3A_27, %add3A_873 : i32
        %mul3A_875 = arith.constant 1000 : i32
        %mul3A_876 = arith.muli %add3A_874, %mul3A_875 : i32
        %dma_start3A_877 = tpu.memref_slice %arg3[%mul3A_876] : memref<128000xi32, #tpu.memory_space<hbm>> -> memref<1000xi32, #tpu.memory_space<hbm>>
        %dma_start3A_878 = tpu.memref_slice %arg3[%mul3A_876] : memref<128000xi32, #tpu.memory_space<hbm>> -> memref<1000xi32, #tpu.memory_space<hbm>>
        tpu.enqueue_dma source(%dma_start3A_878 : memref<1000xi32, #tpu.memory_space<hbm>>) target(%arg6 : memref<1000xi32, #tpu.memory_space<vmem>>) target_semaphore(%arg9 : memref<!tpu.dma_semaphore, #tpu.memory_space<semaphore_mem>>)
      } else {
      }
      %ge3A = arith.constant 2 : i32
      %ge3A_36 = arith.cmpi sge, %add3A_26, %ge3A : i32
      %convert_element_type3A_37 = arith.extui %ge3A_36 : i1 to i32
      %cond3A_38 = arith.constant 0 : i32
      %cond3A_39 = arith.cmpi ne, %convert_element_type3A_37, %cond3A_38 : i32
      scf.if %cond3A_39 {
        %dma_wait3A_873 = arith.constant 0 : i32
        %dma_wait3A_874 = arith.constant 0 : i32
        %dma_wait3A_875 = tpu.memref_slice %arg4[%dma_wait3A_873, %dma_wait3A_874] : memref<128000x16xf32, #tpu.memory_space<hbm>> -> memref<1000x16xf32, #tpu.memory_space<hbm>>
        %dma_wait3A_876 = arith.constant 0 : i32
        %dma_wait3A_877 = arith.constant 0 : i32
        %dma_wait3A_878 = tpu.memref_slice %arg4[%dma_wait3A_876, %dma_wait3A_877] : memref<128000x16xf32, #tpu.memory_space<hbm>> -> memref<1000x16xf32, #tpu.memory_space<hbm>>
        tpu.wait_dma2 semaphore(%arg11 : memref<!tpu.dma_semaphore, #tpu.memory_space<semaphore_mem>>) src(%dma_wait3A_878 : memref<1000x16xf32, #tpu.memory_space<hbm>>) dst(%arg7 : memref<1000x16xf32, #tpu.memory_space<vmem>>)
      } else {
      }
      %dma_start3A_40 = arith.constant 0 : i32
      %dma_start3A_41 = arith.constant 0 : i32
      %dma_start3A_42 = tpu.memref_slice %arg7[%dma_start3A_40, %dma_start3A_41] : memref<1000x16xf32, #tpu.memory_space<vmem>> -> memref<40x16xf32, #tpu.memory_space<vmem>>
      %dma_start3A_43 = arith.constant 0 : i32
      %dma_start3A_44 = tpu.memref_slice %arg5[%dma_start3A_43] : memref<1000xi32, #tpu.memory_space<vmem>> -> memref<40xi32, #tpu.memory_space<vmem>>
      %dma_start3A_45 = arith.constant 0 : i32
      %dma_start3A_46 = arith.constant 0 : i32
      %dma_start3A_47 = tpu.memref_slice %arg2[%dma_start3A_45, %dma_start3A_46] : memref<512x16xf32, #tpu.memory_space<hbm>> -> memref<512x16xf32, #tpu.memory_space<hbm>>
      tpu.enqueue_indirect_dma source(%dma_start3A_47 : memref<512x16xf32, #tpu.memory_space<hbm>>) target(%dma_start3A_42 : memref<40x16xf32, #tpu.memory_space<vmem>>) offsets(%dma_start3A_44 : memref<40xi32, #tpu.memory_space<vmem>>) semaphore(%arg10 : memref<!tpu.dma_semaphore, #tpu.memory_space<semaphore_mem>>)
      %dma_start3A_48 = arith.constant 40 : i32
      %dma_start3A_49 = arith.constant 0 : i32
      %dma_start3A_50 = tpu.memref_slice %arg7[%dma_start3A_48, %dma_start3A_49] : memref<1000x16xf32, #tpu.memory_space<vmem>> -> memref<40x16xf32, #tpu.memory_space<vmem>>
      %dma_start3A_51 = arith.constant 40 : i32
      %dma_start3A_52 = tpu.memref_slice %arg5[%dma_start3A_51] : memref<1000xi32, #tpu.memory_space<vmem>> -> memref<40xi32, #tpu.memory_space<vmem>>
      %dma_start3A_53 = arith.constant 0 : i32
      %dma_start3A_54 = arith.constant 0 : i32
      %dma_start3A_55 = tpu.memref_slice %arg2[%dma_start3A_53, %dma_start3A_54] : memref<512x16xf32, #tpu.memory_space<hbm>> -> memref<512x16xf32, #tpu.memory_space<hbm>>
      tpu.enqueue_indirect_dma source(%dma_start3A_55 : memref<512x16xf32, #tpu.memory_space<hbm>>) target(%dma_start3A_50 : memref<40x16xf32, #tpu.memory_space<vmem>>) offsets(%dma_start3A_52 : memref<40xi32, #tpu.memory_space<vmem>>) semaphore(%arg10 : memref<!tpu.dma_semaphore, #tpu.memory_space<semaphore_mem>>)
      %dma_start3A_56 = arith.constant 80 : i32
      %dma_start3A_57 = arith.constant 0 : i32
      %dma_start3A_58 = tpu.memref_slice %arg7[%dma_start3A_56, %dma_start3A_57] : memref<1000x16xf32, #tpu.memory_space<vmem>> -> memref<40x16xf32, #tpu.memory_space<vmem>>
      %dma_start3A_59 = arith.constant 80 : i32
      %dma_start3A_60 = tpu.memref_slice %arg5[%dma_start3A_59] : memref<1000xi32, #tpu.memory_space<vmem>> -> memref<40xi32, #tpu.memory_space<vmem>>
      %dma_start3A_61 = arith.constant 0 : i32
      %dma_start3A_62 = arith.constant 0 : i32
      %dma_start3A_63 = tpu.memref_slice %arg2[%dma_start3A_61, %dma_start3A_62] : memref<512x16xf32, #tpu.memory_space<hbm>> -> memref<512x16xf32, #tpu.memory_space<hbm>>
      tpu.enqueue_indirect_dma source(%dma_start3A_63 : memref<512x16xf32, #tpu.memory_space<hbm>>) target(%dma_start3A_58 : memref<40x16xf32, #tpu.memory_space<vmem>>) offsets(%dma_start3A_60 : memref<40xi32, #tpu.memory_space<vmem>>) semaphore(%arg10 : memref<!tpu.dma_semaphore, #tpu.memory_space<semaphore_mem>>)
      %dma_start3A_64 = arith.constant 120 : i32
      %dma_start3A_65 = arith.constant 0 : i32
      %dma_start3A_66 = tpu.memref_slice %arg7[%dma_start3A_64, %dma_start3A_65] : memref<1000x16xf32, #tpu.memory_space<vmem>> -> memref<40x16xf32, #tpu.memory_space<vmem>>
      %dma_start3A_67 = arith.constant 120 : i32
      %dma_start3A_68 = tpu.memref_slice %arg5[%dma_start3A_67] : memref<1000xi32, #tpu.memory_space<vmem>> -> memref<40xi32, #tpu.memory_space<vmem>>
      %dma_start3A_69 = arith.constant 0 : i32
      %dma_start3A_70 = arith.constant 0 : i32
      %dma_start3A_71 = tpu.memref_slice %arg2[%dma_start3A_69, %dma_start3A_70] : memref<512x16xf32, #tpu.memory_space<hbm>> -> memref<512x16xf32, #tpu.memory_space<hbm>>
      tpu.enqueue_indirect_dma source(%dma_start3A_71 : memref<512x16xf32, #tpu.memory_space<hbm>>) target(%dma_start3A_66 : memref<40x16xf32, #tpu.memory_space<vmem>>) offsets(%dma_start3A_68 : memref<40xi32, #tpu.memory_space<vmem>>) semaphore(%arg10 : memref<!tpu.dma_semaphore, #tpu.memory_space<semaphore_mem>>)
      %dma_start3A_72 = arith.constant 160 : i32
      %dma_start3A_73 = arith.constant 0 : i32
      %dma_start3A_74 = tpu.memref_slice %arg7[%dma_start3A_72, %dma_start3A_73] : memref<1000x16xf32, #tpu.memory_space<vmem>> -> memref<40x16xf32, #tpu.memory_space<vmem>>
      %dma_start3A_75 = arith.constant 160 : i32
      %dma_start3A_76 = tpu.memref_slice %arg5[%dma_start3A_75] : memref<1000xi32, #tpu.memory_space<vmem>> -> memref<40xi32, #tpu.memory_space<vmem>>
      %dma_start3A_77 = arith.constant 0 : i32
      %dma_start3A_78 = arith.constant 0 : i32
      %dma_start3A_79 = tpu.memref_slice %arg2[%dma_start3A_77, %dma_start3A_78] : memref<512x16xf32, #tpu.memory_space<hbm>> -> memref<512x16xf32, #tpu.memory_space<hbm>>
      tpu.enqueue_indirect_dma source(%dma_start3A_79 : memref<512x16xf32, #tpu.memory_space<hbm>>) target(%dma_start3A_74 : memref<40x16xf32, #tpu.memory_space<vmem>>) offsets(%dma_start3A_76 : memref<40xi32, #tpu.memory_space<vmem>>) semaphore(%arg10 : memref<!tpu.dma_semaphore, #tpu.memory_space<semaphore_mem>>)
      %dma_start3A_80 = arith.constant 200 : i32
      %dma_start3A_81 = arith.constant 0 : i32
      %dma_start3A_82 = tpu.memref_slice %arg7[%dma_start3A_80, %dma_start3A_81] : memref<1000x16xf32, #tpu.memory_space<vmem>> -> memref<40x16xf32, #tpu.memory_space<vmem>>
      %dma_start3A_83 = arith.constant 200 : i32
      %dma_start3A_84 = tpu.memref_slice %arg5[%dma_start3A_83] : memref<1000xi32, #tpu.memory_space<vmem>> -> memref<40xi32, #tpu.memory_space<vmem>>
      %dma_start3A_85 = arith.constant 0 : i32
      %dma_start3A_86 = arith.constant 0 : i32
      %dma_start3A_87 = tpu.memref_slice %arg2[%dma_start3A_85, %dma_start3A_86] : memref<512x16xf32, #tpu.memory_space<hbm>> -> memref<512x16xf32, #tpu.memory_space<hbm>>
      tpu.enqueue_indirect_dma source(%dma_start3A_87 : memref<512x16xf32, #tpu.memory_space<hbm>>) target(%dma_start3A_82 : memref<40x16xf32, #tpu.memory_space<vmem>>) offsets(%dma_start3A_84 : memref<40xi32, #tpu.memory_space<vmem>>) semaphore(%arg10 : memref<!tpu.dma_semaphore, #tpu.memory_space<semaphore_mem>>)
      %dma_start3A_88 = arith.constant 240 : i32
      %dma_start3A_89 = arith.constant 0 : i32
      %dma_start3A_90 = tpu.memref_slice %arg7[%dma_start3A_88, %dma_start3A_89] : memref<1000x16xf32, #tpu.memory_space<vmem>> -> memref<40x16xf32, #tpu.memory_space<vmem>>
      %dma_start3A_91 = arith.constant 240 : i32
      %dma_start3A_92 = tpu.memref_slice %arg5[%dma_start3A_91] : memref<1000xi32, #tpu.memory_space<vmem>> -> memref<40xi32, #tpu.memory_space<vmem>>
      %dma_start3A_93 = arith.constant 0 : i32
      %dma_start3A_94 = arith.constant 0 : i32
      %dma_start3A_95 = tpu.memref_slice %arg2[%dma_start3A_93, %dma_start3A_94] : memref<512x16xf32, #tpu.memory_space<hbm>> -> memref<512x16xf32, #tpu.memory_space<hbm>>
      tpu.enqueue_indirect_dma source(%dma_start3A_95 : memref<512x16xf32, #tpu.memory_space<hbm>>) target(%dma_start3A_90 : memref<40x16xf32, #tpu.memory_space<vmem>>) offsets(%dma_start3A_92 : memref<40xi32, #tpu.memory_space<vmem>>) semaphore(%arg10 : memref<!tpu.dma_semaphore, #tpu.memory_space<semaphore_mem>>)
      %dma_start3A_96 = arith.constant 280 : i32
      %dma_start3A_97 = arith.constant 0 : i32
      %dma_start3A_98 = tpu.memref_slice %arg7[%dma_start3A_96, %dma_start3A_97] : memref<1000x16xf32, #tpu.memory_space<vmem>> -> memref<40x16xf32, #tpu.memory_space<vmem>>
      %dma_start3A_99 = arith.constant 280 : i32
      %dma_start3A_100 = tpu.memref_slice %arg5[%dma_start3A_99] : memref<1000xi32, #tpu.memory_space<vmem>> -> memref<40xi32, #tpu.memory_space<vmem>>
      %dma_start3A_101 = arith.constant 0 : i32
      %dma_start3A_102 = arith.constant 0 : i32
      %dma_start3A_103 = tpu.memref_slice %arg2[%dma_start3A_101, %dma_start3A_102] : memref<512x16xf32, #tpu.memory_space<hbm>> -> memref<512x16xf32, #tpu.memory_space<hbm>>
      tpu.enqueue_indirect_dma source(%dma_start3A_103 : memref<512x16xf32, #tpu.memory_space<hbm>>) target(%dma_start3A_98 : memref<40x16xf32, #tpu.memory_space<vmem>>) offsets(%dma_start3A_100 : memref<40xi32, #tpu.memory_space<vmem>>) semaphore(%arg10 : memref<!tpu.dma_semaphore, #tpu.memory_space<semaphore_mem>>)
      %dma_start3A_104 = arith.constant 320 : i32
      %dma_start3A_105 = arith.constant 0 : i32
      %dma_start3A_106 = tpu.memref_slice %arg7[%dma_start3A_104, %dma_start3A_105] : memref<1000x16xf32, #tpu.memory_space<vmem>> -> memref<40x16xf32, #tpu.memory_space<vmem>>
      %dma_start3A_107 = arith.constant 320 : i32
      %dma_start3A_108 = tpu.memref_slice %arg5[%dma_start3A_107] : memref<1000xi32, #tpu.memory_space<vmem>> -> memref<40xi32, #tpu.memory_space<vmem>>
      %dma_start3A_109 = arith.constant 0 : i32
      %dma_start3A_110 = arith.constant 0 : i32
      %dma_start3A_111 = tpu.memref_slice %arg2[%dma_start3A_109, %dma_start3A_110] : memref<512x16xf32, #tpu.memory_space<hbm>> -> memref<512x16xf32, #tpu.memory_space<hbm>>
      tpu.enqueue_indirect_dma source(%dma_start3A_111 : memref<512x16xf32, #tpu.memory_space<hbm>>) target(%dma_start3A_106 : memref<40x16xf32, #tpu.memory_space<vmem>>) offsets(%dma_start3A_108 : memref<40xi32, #tpu.memory_space<vmem>>) semaphore(%arg10 : memref<!tpu.dma_semaphore, #tpu.memory_space<semaphore_mem>>)
      %dma_start3A_112 = arith.constant 360 : i32
      %dma_start3A_113 = arith.constant 0 : i32
      %dma_start3A_114 = tpu.memref_slice %arg7[%dma_start3A_112, %dma_start3A_113] : memref<1000x16xf32, #tpu.memory_space<vmem>> -> memref<40x16xf32, #tpu.memory_space<vmem>>
      %dma_start3A_115 = arith.constant 360 : i32
      %dma_start3A_116 = tpu.memref_slice %arg5[%dma_start3A_115] : memref<1000xi32, #tpu.memory_space<vmem>> -> memref<40xi32, #tpu.memory_space<vmem>>
      %dma_start3A_117 = arith.constant 0 : i32
      %dma_start3A_118 = arith.constant 0 : i32
      %dma_start3A_119 = tpu.memref_slice %arg2[%dma_start3A_117, %dma_start3A_118] : memref<512x16xf32, #tpu.memory_space<hbm>> -> memref<512x16xf32, #tpu.memory_space<hbm>>
      tpu.enqueue_indirect_dma source(%dma_start3A_119 : memref<512x16xf32, #tpu.memory_space<hbm>>) target(%dma_start3A_114 : memref<40x16xf32, #tpu.memory_space<vmem>>) offsets(%dma_start3A_116 : memref<40xi32, #tpu.memory_space<vmem>>) semaphore(%arg10 : memref<!tpu.dma_semaphore, #tpu.memory_space<semaphore_mem>>)
      %dma_start3A_120 = arith.constant 400 : i32
      %dma_start3A_121 = arith.constant 0 : i32
      %dma_start3A_122 = tpu.memref_slice %arg7[%dma_start3A_120, %dma_start3A_121] : memref<1000x16xf32, #tpu.memory_space<vmem>> -> memref<40x16xf32, #tpu.memory_space<vmem>>
      %dma_start3A_123 = arith.constant 400 : i32
      %dma_start3A_124 = tpu.memref_slice %arg5[%dma_start3A_123] : memref<1000xi32, #tpu.memory_space<vmem>> -> memref<40xi32, #tpu.memory_space<vmem>>
      %dma_start3A_125 = arith.constant 0 : i32
      %dma_start3A_126 = arith.constant 0 : i32
      %dma_start3A_127 = tpu.memref_slice %arg2[%dma_start3A_125, %dma_start3A_126] : memref<512x16xf32, #tpu.memory_space<hbm>> -> memref<512x16xf32, #tpu.memory_space<hbm>>
      tpu.enqueue_indirect_dma source(%dma_start3A_127 : memref<512x16xf32, #tpu.memory_space<hbm>>) target(%dma_start3A_122 : memref<40x16xf32, #tpu.memory_space<vmem>>) offsets(%dma_start3A_124 : memref<40xi32, #tpu.memory_space<vmem>>) semaphore(%arg10 : memref<!tpu.dma_semaphore, #tpu.memory_space<semaphore_mem>>)
      %dma_start3A_128 = arith.constant 440 : i32
      %dma_start3A_129 = arith.constant 0 : i32
      %dma_start3A_130 = tpu.memref_slice %arg7[%dma_start3A_128, %dma_start3A_129] : memref<1000x16xf32, #tpu.memory_space<vmem>> -> memref<40x16xf32, #tpu.memory_space<vmem>>
      %dma_start3A_131 = arith.constant 440 : i32
      %dma_start3A_132 = tpu.memref_slice %arg5[%dma_start3A_131] : memref<1000xi32, #tpu.memory_space<vmem>> -> memref<40xi32, #tpu.memory_space<vmem>>
      %dma_start3A_133 = arith.constant 0 : i32
      %dma_start3A_134 = arith.constant 0 : i32
      %dma_start3A_135 = tpu.memref_slice %arg2[%dma_start3A_133, %dma_start3A_134] : memref<512x16xf32, #tpu.memory_space<hbm>> -> memref<512x16xf32, #tpu.memory_space<hbm>>
      tpu.enqueue_indirect_dma source(%dma_start3A_135 : memref<512x16xf32, #tpu.memory_space<hbm>>) target(%dma_start3A_130 : memref<40x16xf32, #tpu.memory_space<vmem>>) offsets(%dma_start3A_132 : memref<40xi32, #tpu.memory_space<vmem>>) semaphore(%arg10 : memref<!tpu.dma_semaphore, #tpu.memory_space<semaphore_mem>>)
      %dma_start3A_136 = arith.constant 480 : i32
      %dma_start3A_137 = arith.constant 0 : i32
      %dma_start3A_138 = tpu.memref_slice %arg7[%dma_start3A_136, %dma_start3A_137] : memref<1000x16xf32, #tpu.memory_space<vmem>> -> memref<40x16xf32, #tpu.memory_space<vmem>>
      %dma_start3A_139 = arith.constant 480 : i32
      %dma_start3A_140 = tpu.memref_slice %arg5[%dma_start3A_139] : memref<1000xi32, #tpu.memory_space<vmem>> -> memref<40xi32, #tpu.memory_space<vmem>>
      %dma_start3A_141 = arith.constant 0 : i32
      %dma_start3A_142 = arith.constant 0 : i32
      %dma_start3A_143 = tpu.memref_slice %arg2[%dma_start3A_141, %dma_start3A_142] : memref<512x16xf32, #tpu.memory_space<hbm>> -> memref<512x16xf32, #tpu.memory_space<hbm>>
      tpu.enqueue_indirect_dma source(%dma_start3A_143 : memref<512x16xf32, #tpu.memory_space<hbm>>) target(%dma_start3A_138 : memref<40x16xf32, #tpu.memory_space<vmem>>) offsets(%dma_start3A_140 : memref<40xi32, #tpu.memory_space<vmem>>) semaphore(%arg10 : memref<!tpu.dma_semaphore, #tpu.memory_space<semaphore_mem>>)
      %dma_start3A_144 = arith.constant 520 : i32
      %dma_start3A_145 = arith.constant 0 : i32
      %dma_start3A_146 = tpu.memref_slice %arg7[%dma_start3A_144, %dma_start3A_145] : memref<1000x16xf32, #tpu.memory_space<vmem>> -> memref<40x16xf32, #tpu.memory_space<vmem>>
      %dma_start3A_147 = arith.constant 520 : i32
      %dma_start3A_148 = tpu.memref_slice %arg5[%dma_start3A_147] : memref<1000xi32, #tpu.memory_space<vmem>> -> memref<40xi32, #tpu.memory_space<vmem>>
      %dma_start3A_149 = arith.constant 0 : i32
      %dma_start3A_150 = arith.constant 0 : i32
      %dma_start3A_151 = tpu.memref_slice %arg2[%dma_start3A_149, %dma_start3A_150] : memref<512x16xf32, #tpu.memory_space<hbm>> -> memref<512x16xf32, #tpu.memory_space<hbm>>
      tpu.enqueue_indirect_dma source(%dma_start3A_151 : memref<512x16xf32, #tpu.memory_space<hbm>>) target(%dma_start3A_146 : memref<40x16xf32, #tpu.memory_space<vmem>>) offsets(%dma_start3A_148 : memref<40xi32, #tpu.memory_space<vmem>>) semaphore(%arg10 : memref<!tpu.dma_semaphore, #tpu.memory_space<semaphore_mem>>)
      %dma_start3A_152 = arith.constant 560 : i32
      %dma_start3A_153 = arith.constant 0 : i32
      %dma_start3A_154 = tpu.memref_slice %arg7[%dma_start3A_152, %dma_start3A_153] : memref<1000x16xf32, #tpu.memory_space<vmem>> -> memref<40x16xf32, #tpu.memory_space<vmem>>
      %dma_start3A_155 = arith.constant 560 : i32
      %dma_start3A_156 = tpu.memref_slice %arg5[%dma_start3A_155] : memref<1000xi32, #tpu.memory_space<vmem>> -> memref<40xi32, #tpu.memory_space<vmem>>
      %dma_start3A_157 = arith.constant 0 : i32
      %dma_start3A_158 = arith.constant 0 : i32
      %dma_start3A_159 = tpu.memref_slice %arg2[%dma_start3A_157, %dma_start3A_158] : memref<512x16xf32, #tpu.memory_space<hbm>> -> memref<512x16xf32, #tpu.memory_space<hbm>>
      tpu.enqueue_indirect_dma source(%dma_start3A_159 : memref<512x16xf32, #tpu.memory_space<hbm>>) target(%dma_start3A_154 : memref<40x16xf32, #tpu.memory_space<vmem>>) offsets(%dma_start3A_156 : memref<40xi32, #tpu.memory_space<vmem>>) semaphore(%arg10 : memref<!tpu.dma_semaphore, #tpu.memory_space<semaphore_mem>>)
      %dma_start3A_160 = arith.constant 600 : i32
      %dma_start3A_161 = arith.constant 0 : i32
      %dma_start3A_162 = tpu.memref_slice %arg7[%dma_start3A_160, %dma_start3A_161] : memref<1000x16xf32, #tpu.memory_space<vmem>> -> memref<40x16xf32, #tpu.memory_space<vmem>>
      %dma_start3A_163 = arith.constant 600 : i32
      %dma_start3A_164 = tpu.memref_slice %arg5[%dma_start3A_163] : memref<1000xi32, #tpu.memory_space<vmem>> -> memref<40xi32, #tpu.memory_space<vmem>>
      %dma_start3A_165 = arith.constant 0 : i32
      %dma_start3A_166 = arith.constant 0 : i32
      %dma_start3A_167 = tpu.memref_slice %arg2[%dma_start3A_165, %dma_start3A_166] : memref<512x16xf32, #tpu.memory_space<hbm>> -> memref<512x16xf32, #tpu.memory_space<hbm>>
      tpu.enqueue_indirect_dma source(%dma_start3A_167 : memref<512x16xf32, #tpu.memory_space<hbm>>) target(%dma_start3A_162 : memref<40x16xf32, #tpu.memory_space<vmem>>) offsets(%dma_start3A_164 : memref<40xi32, #tpu.memory_space<vmem>>) semaphore(%arg10 : memref<!tpu.dma_semaphore, #tpu.memory_space<semaphore_mem>>)
      %dma_start3A_168 = arith.constant 640 : i32
      %dma_start3A_169 = arith.constant 0 : i32
      %dma_start3A_170 = tpu.memref_slice %arg7[%dma_start3A_168, %dma_start3A_169] : memref<1000x16xf32, #tpu.memory_space<vmem>> -> memref<40x16xf32, #tpu.memory_space<vmem>>
      %dma_start3A_171 = arith.constant 640 : i32
      %dma_start3A_172 = tpu.memref_slice %arg5[%dma_start3A_171] : memref<1000xi32, #tpu.memory_space<vmem>> -> memref<40xi32, #tpu.memory_space<vmem>>
      %dma_start3A_173 = arith.constant 0 : i32
      %dma_start3A_174 = arith.constant 0 : i32
      %dma_start3A_175 = tpu.memref_slice %arg2[%dma_start3A_173, %dma_start3A_174] : memref<512x16xf32, #tpu.memory_space<hbm>> -> memref<512x16xf32, #tpu.memory_space<hbm>>
      tpu.enqueue_indirect_dma source(%dma_start3A_175 : memref<512x16xf32, #tpu.memory_space<hbm>>) target(%dma_start3A_170 : memref<40x16xf32, #tpu.memory_space<vmem>>) offsets(%dma_start3A_172 : memref<40xi32, #tpu.memory_space<vmem>>) semaphore(%arg10 : memref<!tpu.dma_semaphore, #tpu.memory_space<semaphore_mem>>)
      %dma_start3A_176 = arith.constant 680 : i32
      %dma_start3A_177 = arith.constant 0 : i32
      %dma_start3A_178 = tpu.memref_slice %arg7[%dma_start3A_176, %dma_start3A_177] : memref<1000x16xf32, #tpu.memory_space<vmem>> -> memref<40x16xf32, #tpu.memory_space<vmem>>
      %dma_start3A_179 = arith.constant 680 : i32
      %dma_start3A_180 = tpu.memref_slice %arg5[%dma_start3A_179] : memref<1000xi32, #tpu.memory_space<vmem>> -> memref<40xi32, #tpu.memory_space<vmem>>
      %dma_start3A_181 = arith.constant 0 : i32
      %dma_start3A_182 = arith.constant 0 : i32
      %dma_start3A_183 = tpu.memref_slice %arg2[%dma_start3A_181, %dma_start3A_182] : memref<512x16xf32, #tpu.memory_space<hbm>> -> memref<512x16xf32, #tpu.memory_space<hbm>>
      tpu.enqueue_indirect_dma source(%dma_start3A_183 : memref<512x16xf32, #tpu.memory_space<hbm>>) target(%dma_start3A_178 : memref<40x16xf32, #tpu.memory_space<vmem>>) offsets(%dma_start3A_180 : memref<40xi32, #tpu.memory_space<vmem>>) semaphore(%arg10 : memref<!tpu.dma_semaphore, #tpu.memory_space<semaphore_mem>>)
      %dma_start3A_184 = arith.constant 720 : i32
      %dma_start3A_185 = arith.constant 0 : i32
      %dma_start3A_186 = tpu.memref_slice %arg7[%dma_start3A_184, %dma_start3A_185] : memref<1000x16xf32, #tpu.memory_space<vmem>> -> memref<40x16xf32, #tpu.memory_space<vmem>>
      %dma_start3A_187 = arith.constant 720 : i32
      %dma_start3A_188 = tpu.memref_slice %arg5[%dma_start3A_187] : memref<1000xi32, #tpu.memory_space<vmem>> -> memref<40xi32, #tpu.memory_space<vmem>>
      %dma_start3A_189 = arith.constant 0 : i32
      %dma_start3A_190 = arith.constant 0 : i32
      %dma_start3A_191 = tpu.memref_slice %arg2[%dma_start3A_189, %dma_start3A_190] : memref<512x16xf32, #tpu.memory_space<hbm>> -> memref<512x16xf32, #tpu.memory_space<hbm>>
      tpu.enqueue_indirect_dma source(%dma_start3A_191 : memref<512x16xf32, #tpu.memory_space<hbm>>) target(%dma_start3A_186 : memref<40x16xf32, #tpu.memory_space<vmem>>) offsets(%dma_start3A_188 : memref<40xi32, #tpu.memory_space<vmem>>) semaphore(%arg10 : memref<!tpu.dma_semaphore, #tpu.memory_space<semaphore_mem>>)
      %dma_start3A_192 = arith.constant 760 : i32
      %dma_start3A_193 = arith.constant 0 : i32
      %dma_start3A_194 = tpu.memref_slice %arg7[%dma_start3A_192, %dma_start3A_193] : memref<1000x16xf32, #tpu.memory_space<vmem>> -> memref<40x16xf32, #tpu.memory_space<vmem>>
      %dma_start3A_195 = arith.constant 760 : i32
      %dma_start3A_196 = tpu.memref_slice %arg5[%dma_start3A_195] : memref<1000xi32, #tpu.memory_space<vmem>> -> memref<40xi32, #tpu.memory_space<vmem>>
      %dma_start3A_197 = arith.constant 0 : i32
      %dma_start3A_198 = arith.constant 0 : i32
      %dma_start3A_199 = tpu.memref_slice %arg2[%dma_start3A_197, %dma_start3A_198] : memref<512x16xf32, #tpu.memory_space<hbm>> -> memref<512x16xf32, #tpu.memory_space<hbm>>
      tpu.enqueue_indirect_dma source(%dma_start3A_199 : memref<512x16xf32, #tpu.memory_space<hbm>>) target(%dma_start3A_194 : memref<40x16xf32, #tpu.memory_space<vmem>>) offsets(%dma_start3A_196 : memref<40xi32, #tpu.memory_space<vmem>>) semaphore(%arg10 : memref<!tpu.dma_semaphore, #tpu.memory_space<semaphore_mem>>)
      %dma_start3A_200 = arith.constant 800 : i32
      %dma_start3A_201 = arith.constant 0 : i32
      %dma_start3A_202 = tpu.memref_slice %arg7[%dma_start3A_200, %dma_start3A_201] : memref<1000x16xf32, #tpu.memory_space<vmem>> -> memref<40x16xf32, #tpu.memory_space<vmem>>
      %dma_start3A_203 = arith.constant 800 : i32
      %dma_start3A_204 = tpu.memref_slice %arg5[%dma_start3A_203] : memref<1000xi32, #tpu.memory_space<vmem>> -> memref<40xi32, #tpu.memory_space<vmem>>
      %dma_start3A_205 = arith.constant 0 : i32
      %dma_start3A_206 = arith.constant 0 : i32
      %dma_start3A_207 = tpu.memref_slice %arg2[%dma_start3A_205, %dma_start3A_206] : memref<512x16xf32, #tpu.memory_space<hbm>> -> memref<512x16xf32, #tpu.memory_space<hbm>>
      tpu.enqueue_indirect_dma source(%dma_start3A_207 : memref<512x16xf32, #tpu.memory_space<hbm>>) target(%dma_start3A_202 : memref<40x16xf32, #tpu.memory_space<vmem>>) offsets(%dma_start3A_204 : memref<40xi32, #tpu.memory_space<vmem>>) semaphore(%arg10 : memref<!tpu.dma_semaphore, #tpu.memory_space<semaphore_mem>>)
      %dma_start3A_208 = arith.constant 840 : i32
      %dma_start3A_209 = arith.constant 0 : i32
      %dma_start3A_210 = tpu.memref_slice %arg7[%dma_start3A_208, %dma_start3A_209] : memref<1000x16xf32, #tpu.memory_space<vmem>> -> memref<40x16xf32, #tpu.memory_space<vmem>>
      %dma_start3A_211 = arith.constant 840 : i32
      %dma_start3A_212 = tpu.memref_slice %arg5[%dma_start3A_211] : memref<1000xi32, #tpu.memory_space<vmem>> -> memref<40xi32, #tpu.memory_space<vmem>>
      %dma_start3A_213 = arith.constant 0 : i32
      %dma_start3A_214 = arith.constant 0 : i32
      %dma_start3A_215 = tpu.memref_slice %arg2[%dma_start3A_213, %dma_start3A_214] : memref<512x16xf32, #tpu.memory_space<hbm>> -> memref<512x16xf32, #tpu.memory_space<hbm>>
      tpu.enqueue_indirect_dma source(%dma_start3A_215 : memref<512x16xf32, #tpu.memory_space<hbm>>) target(%dma_start3A_210 : memref<40x16xf32, #tpu.memory_space<vmem>>) offsets(%dma_start3A_212 : memref<40xi32, #tpu.memory_space<vmem>>) semaphore(%arg10 : memref<!tpu.dma_semaphore, #tpu.memory_space<semaphore_mem>>)
      %dma_start3A_216 = arith.constant 880 : i32
      %dma_start3A_217 = arith.constant 0 : i32
      %dma_start3A_218 = tpu.memref_slice %arg7[%dma_start3A_216, %dma_start3A_217] : memref<1000x16xf32, #tpu.memory_space<vmem>> -> memref<40x16xf32, #tpu.memory_space<vmem>>
      %dma_start3A_219 = arith.constant 880 : i32
      %dma_start3A_220 = tpu.memref_slice %arg5[%dma_start3A_219] : memref<1000xi32, #tpu.memory_space<vmem>> -> memref<40xi32, #tpu.memory_space<vmem>>
      %dma_start3A_221 = arith.constant 0 : i32
      %dma_start3A_222 = arith.constant 0 : i32
      %dma_start3A_223 = tpu.memref_slice %arg2[%dma_start3A_221, %dma_start3A_222] : memref<512x16xf32, #tpu.memory_space<hbm>> -> memref<512x16xf32, #tpu.memory_space<hbm>>
      tpu.enqueue_indirect_dma source(%dma_start3A_223 : memref<512x16xf32, #tpu.memory_space<hbm>>) target(%dma_start3A_218 : memref<40x16xf32, #tpu.memory_space<vmem>>) offsets(%dma_start3A_220 : memref<40xi32, #tpu.memory_space<vmem>>) semaphore(%arg10 : memref<!tpu.dma_semaphore, #tpu.memory_space<semaphore_mem>>)
      %dma_start3A_224 = arith.constant 920 : i32
      %dma_start3A_225 = arith.constant 0 : i32
      %dma_start3A_226 = tpu.memref_slice %arg7[%dma_start3A_224, %dma_start3A_225] : memref<1000x16xf32, #tpu.memory_space<vmem>> -> memref<40x16xf32, #tpu.memory_space<vmem>>
      %dma_start3A_227 = arith.constant 920 : i32
      %dma_start3A_228 = tpu.memref_slice %arg5[%dma_start3A_227] : memref<1000xi32, #tpu.memory_space<vmem>> -> memref<40xi32, #tpu.memory_space<vmem>>
      %dma_start3A_229 = arith.constant 0 : i32
      %dma_start3A_230 = arith.constant 0 : i32
      %dma_start3A_231 = tpu.memref_slice %arg2[%dma_start3A_229, %dma_start3A_230] : memref<512x16xf32, #tpu.memory_space<hbm>> -> memref<512x16xf32, #tpu.memory_space<hbm>>
      tpu.enqueue_indirect_dma source(%dma_start3A_231 : memref<512x16xf32, #tpu.memory_space<hbm>>) target(%dma_start3A_226 : memref<40x16xf32, #tpu.memory_space<vmem>>) offsets(%dma_start3A_228 : memref<40xi32, #tpu.memory_space<vmem>>) semaphore(%arg10 : memref<!tpu.dma_semaphore, #tpu.memory_space<semaphore_mem>>)
      %dma_start3A_232 = arith.constant 960 : i32
      %dma_start3A_233 = arith.constant 0 : i32
      %dma_start3A_234 = tpu.memref_slice %arg7[%dma_start3A_232, %dma_start3A_233] : memref<1000x16xf32, #tpu.memory_space<vmem>> -> memref<40x16xf32, #tpu.memory_space<vmem>>
      %dma_start3A_235 = arith.constant 960 : i32
      %dma_start3A_236 = tpu.memref_slice %arg5[%dma_start3A_235] : memref<1000xi32, #tpu.memory_space<vmem>> -> memref<40xi32, #tpu.memory_space<vmem>>
      %dma_start3A_237 = arith.constant 0 : i32
      %dma_start3A_238 = arith.constant 0 : i32
      %dma_start3A_239 = tpu.memref_slice %arg2[%dma_start3A_237, %dma_start3A_238] : memref<512x16xf32, #tpu.memory_space<hbm>> -> memref<512x16xf32, #tpu.memory_space<hbm>>
      tpu.enqueue_indirect_dma source(%dma_start3A_239 : memref<512x16xf32, #tpu.memory_space<hbm>>) target(%dma_start3A_234 : memref<40x16xf32, #tpu.memory_space<vmem>>) offsets(%dma_start3A_236 : memref<40xi32, #tpu.memory_space<vmem>>) semaphore(%arg10 : memref<!tpu.dma_semaphore, #tpu.memory_space<semaphore_mem>>)
      %dma_wait3A_240 = arith.constant 0 : i32
      %dma_wait3A_241 = arith.constant 0 : i32
      %dma_wait3A_242 = tpu.memref_slice %arg7[%dma_wait3A_240, %dma_wait3A_241] : memref<1000x16xf32, #tpu.memory_space<vmem>> -> memref<40x16xf32, #tpu.memory_space<vmem>>
      %dma_wait3A_243 = arith.constant 0 : i32
      %dma_wait3A_244 = tpu.memref_slice %arg5[%dma_wait3A_243] : memref<1000xi32, #tpu.memory_space<vmem>> -> memref<40xi32, #tpu.memory_space<vmem>>
      %dma_wait3A_245 = arith.constant 0 : i32
      %dma_wait3A_246 = arith.constant 0 : i32
      %dma_wait3A_247 = tpu.memref_slice %arg2[%dma_wait3A_245, %dma_wait3A_246] : memref<512x16xf32, #tpu.memory_space<hbm>> -> memref<512x16xf32, #tpu.memory_space<hbm>>
      tpu.wait_indirect_dma semaphore(%arg10 : memref<!tpu.dma_semaphore, #tpu.memory_space<semaphore_mem>>) src(%dma_wait3A_247 : memref<512x16xf32, #tpu.memory_space<hbm>>) dst(%dma_wait3A_242 : memref<40x16xf32, #tpu.memory_space<vmem>>)
      %dma_wait3A_248 = arith.constant 40 : i32
      %dma_wait3A_249 = arith.constant 0 : i32
      %dma_wait3A_250 = tpu.memref_slice %arg7[%dma_wait3A_248, %dma_wait3A_249] : memref<1000x16xf32, #tpu.memory_space<vmem>> -> memref<40x16xf32, #tpu.memory_space<vmem>>
      %dma_wait3A_251 = arith.constant 40 : i32
      %dma_wait3A_252 = tpu.memref_slice %arg5[%dma_wait3A_251] : memref<1000xi32, #tpu.memory_space<vmem>> -> memref<40xi32, #tpu.memory_space<vmem>>
      %dma_wait3A_253 = arith.constant 0 : i32
      %dma_wait3A_254 = arith.constant 0 : i32
      %dma_wait3A_255 = tpu.memref_slice %arg2[%dma_wait3A_253, %dma_wait3A_254] : memref<512x16xf32, #tpu.memory_space<hbm>> -> memref<512x16xf32, #tpu.memory_space<hbm>>
      tpu.wait_indirect_dma semaphore(%arg10 : memref<!tpu.dma_semaphore, #tpu.memory_space<semaphore_mem>>) src(%dma_wait3A_255 : memref<512x16xf32, #tpu.memory_space<hbm>>) dst(%dma_wait3A_250 : memref<40x16xf32, #tpu.memory_space<vmem>>)
      %dma_wait3A_256 = arith.constant 80 : i32
      %dma_wait3A_257 = arith.constant 0 : i32
      %dma_wait3A_258 = tpu.memref_slice %arg7[%dma_wait3A_256, %dma_wait3A_257] : memref<1000x16xf32, #tpu.memory_space<vmem>> -> memref<40x16xf32, #tpu.memory_space<vmem>>
      %dma_wait3A_259 = arith.constant 80 : i32
      %dma_wait3A_260 = tpu.memref_slice %arg5[%dma_wait3A_259] : memref<1000xi32, #tpu.memory_space<vmem>> -> memref<40xi32, #tpu.memory_space<vmem>>
      %dma_wait3A_261 = arith.constant 0 : i32
      %dma_wait3A_262 = arith.constant 0 : i32
      %dma_wait3A_263 = tpu.memref_slice %arg2[%dma_wait3A_261, %dma_wait3A_262] : memref<512x16xf32, #tpu.memory_space<hbm>> -> memref<512x16xf32, #tpu.memory_space<hbm>>
      tpu.wait_indirect_dma semaphore(%arg10 : memref<!tpu.dma_semaphore, #tpu.memory_space<semaphore_mem>>) src(%dma_wait3A_263 : memref<512x16xf32, #tpu.memory_space<hbm>>) dst(%dma_wait3A_258 : memref<40x16xf32, #tpu.memory_space<vmem>>)
      %dma_wait3A_264 = arith.constant 120 : i32
      %dma_wait3A_265 = arith.constant 0 : i32
      %dma_wait3A_266 = tpu.memref_slice %arg7[%dma_wait3A_264, %dma_wait3A_265] : memref<1000x16xf32, #tpu.memory_space<vmem>> -> memref<40x16xf32, #tpu.memory_space<vmem>>
      %dma_wait3A_267 = arith.constant 120 : i32
      %dma_wait3A_268 = tpu.memref_slice %arg5[%dma_wait3A_267] : memref<1000xi32, #tpu.memory_space<vmem>> -> memref<40xi32, #tpu.memory_space<vmem>>
      %dma_wait3A_269 = arith.constant 0 : i32
      %dma_wait3A_270 = arith.constant 0 : i32
      %dma_wait3A_271 = tpu.memref_slice %arg2[%dma_wait3A_269, %dma_wait3A_270] : memref<512x16xf32, #tpu.memory_space<hbm>> -> memref<512x16xf32, #tpu.memory_space<hbm>>
      tpu.wait_indirect_dma semaphore(%arg10 : memref<!tpu.dma_semaphore, #tpu.memory_space<semaphore_mem>>) src(%dma_wait3A_271 : memref<512x16xf32, #tpu.memory_space<hbm>>) dst(%dma_wait3A_266 : memref<40x16xf32, #tpu.memory_space<vmem>>)
      %dma_wait3A_272 = arith.constant 160 : i32
      %dma_wait3A_273 = arith.constant 0 : i32
      %dma_wait3A_274 = tpu.memref_slice %arg7[%dma_wait3A_272, %dma_wait3A_273] : memref<1000x16xf32, #tpu.memory_space<vmem>> -> memref<40x16xf32, #tpu.memory_space<vmem>>
      %dma_wait3A_275 = arith.constant 160 : i32
      %dma_wait3A_276 = tpu.memref_slice %arg5[%dma_wait3A_275] : memref<1000xi32, #tpu.memory_space<vmem>> -> memref<40xi32, #tpu.memory_space<vmem>>
      %dma_wait3A_277 = arith.constant 0 : i32
      %dma_wait3A_278 = arith.constant 0 : i32
      %dma_wait3A_279 = tpu.memref_slice %arg2[%dma_wait3A_277, %dma_wait3A_278] : memref<512x16xf32, #tpu.memory_space<hbm>> -> memref<512x16xf32, #tpu.memory_space<hbm>>
      tpu.wait_indirect_dma semaphore(%arg10 : memref<!tpu.dma_semaphore, #tpu.memory_space<semaphore_mem>>) src(%dma_wait3A_279 : memref<512x16xf32, #tpu.memory_space<hbm>>) dst(%dma_wait3A_274 : memref<40x16xf32, #tpu.memory_space<vmem>>)
      %dma_wait3A_280 = arith.constant 200 : i32
      %dma_wait3A_281 = arith.constant 0 : i32
      %dma_wait3A_282 = tpu.memref_slice %arg7[%dma_wait3A_280, %dma_wait3A_281] : memref<1000x16xf32, #tpu.memory_space<vmem>> -> memref<40x16xf32, #tpu.memory_space<vmem>>
      %dma_wait3A_283 = arith.constant 200 : i32
      %dma_wait3A_284 = tpu.memref_slice %arg5[%dma_wait3A_283] : memref<1000xi32, #tpu.memory_space<vmem>> -> memref<40xi32, #tpu.memory_space<vmem>>
      %dma_wait3A_285 = arith.constant 0 : i32
      %dma_wait3A_286 = arith.constant 0 : i32
      %dma_wait3A_287 = tpu.memref_slice %arg2[%dma_wait3A_285, %dma_wait3A_286] : memref<512x16xf32, #tpu.memory_space<hbm>> -> memref<512x16xf32, #tpu.memory_space<hbm>>
      tpu.wait_indirect_dma semaphore(%arg10 : memref<!tpu.dma_semaphore, #tpu.memory_space<semaphore_mem>>) src(%dma_wait3A_287 : memref<512x16xf32, #tpu.memory_space<hbm>>) dst(%dma_wait3A_282 : memref<40x16xf32, #tpu.memory_space<vmem>>)
      %dma_wait3A_288 = arith.constant 240 : i32
      %dma_wait3A_289 = arith.constant 0 : i32
      %dma_wait3A_290 = tpu.memref_slice %arg7[%dma_wait3A_288, %dma_wait3A_289] : memref<1000x16xf32, #tpu.memory_space<vmem>> -> memref<40x16xf32, #tpu.memory_space<vmem>>
      %dma_wait3A_291 = arith.constant 240 : i32
      %dma_wait3A_292 = tpu.memref_slice %arg5[%dma_wait3A_291] : memref<1000xi32, #tpu.memory_space<vmem>> -> memref<40xi32, #tpu.memory_space<vmem>>
      %dma_wait3A_293 = arith.constant 0 : i32
      %dma_wait3A_294 = arith.constant 0 : i32
      %dma_wait3A_295 = tpu.memref_slice %arg2[%dma_wait3A_293, %dma_wait3A_294] : memref<512x16xf32, #tpu.memory_space<hbm>> -> memref<512x16xf32, #tpu.memory_space<hbm>>
      tpu.wait_indirect_dma semaphore(%arg10 : memref<!tpu.dma_semaphore, #tpu.memory_space<semaphore_mem>>) src(%dma_wait3A_295 : memref<512x16xf32, #tpu.memory_space<hbm>>) dst(%dma_wait3A_290 : memref<40x16xf32, #tpu.memory_space<vmem>>)
      %dma_wait3A_296 = arith.constant 280 : i32
      %dma_wait3A_297 = arith.constant 0 : i32
      %dma_wait3A_298 = tpu.memref_slice %arg7[%dma_wait3A_296, %dma_wait3A_297] : memref<1000x16xf32, #tpu.memory_space<vmem>> -> memref<40x16xf32, #tpu.memory_space<vmem>>
      %dma_wait3A_299 = arith.constant 280 : i32
      %dma_wait3A_300 = tpu.memref_slice %arg5[%dma_wait3A_299] : memref<1000xi32, #tpu.memory_space<vmem>> -> memref<40xi32, #tpu.memory_space<vmem>>
      %dma_wait3A_301 = arith.constant 0 : i32
      %dma_wait3A_302 = arith.constant 0 : i32
      %dma_wait3A_303 = tpu.memref_slice %arg2[%dma_wait3A_301, %dma_wait3A_302] : memref<512x16xf32, #tpu.memory_space<hbm>> -> memref<512x16xf32, #tpu.memory_space<hbm>>
      tpu.wait_indirect_dma semaphore(%arg10 : memref<!tpu.dma_semaphore, #tpu.memory_space<semaphore_mem>>) src(%dma_wait3A_303 : memref<512x16xf32, #tpu.memory_space<hbm>>) dst(%dma_wait3A_298 : memref<40x16xf32, #tpu.memory_space<vmem>>)
      %dma_wait3A_304 = arith.constant 320 : i32
      %dma_wait3A_305 = arith.constant 0 : i32
      %dma_wait3A_306 = tpu.memref_slice %arg7[%dma_wait3A_304, %dma_wait3A_305] : memref<1000x16xf32, #tpu.memory_space<vmem>> -> memref<40x16xf32, #tpu.memory_space<vmem>>
      %dma_wait3A_307 = arith.constant 320 : i32
      %dma_wait3A_308 = tpu.memref_slice %arg5[%dma_wait3A_307] : memref<1000xi32, #tpu.memory_space<vmem>> -> memref<40xi32, #tpu.memory_space<vmem>>
      %dma_wait3A_309 = arith.constant 0 : i32
      %dma_wait3A_310 = arith.constant 0 : i32
      %dma_wait3A_311 = tpu.memref_slice %arg2[%dma_wait3A_309, %dma_wait3A_310] : memref<512x16xf32, #tpu.memory_space<hbm>> -> memref<512x16xf32, #tpu.memory_space<hbm>>
      tpu.wait_indirect_dma semaphore(%arg10 : memref<!tpu.dma_semaphore, #tpu.memory_space<semaphore_mem>>) src(%dma_wait3A_311 : memref<512x16xf32, #tpu.memory_space<hbm>>) dst(%dma_wait3A_306 : memref<40x16xf32, #tpu.memory_space<vmem>>)
      %dma_wait3A_312 = arith.constant 360 : i32
      %dma_wait3A_313 = arith.constant 0 : i32
      %dma_wait3A_314 = tpu.memref_slice %arg7[%dma_wait3A_312, %dma_wait3A_313] : memref<1000x16xf32, #tpu.memory_space<vmem>> -> memref<40x16xf32, #tpu.memory_space<vmem>>
      %dma_wait3A_315 = arith.constant 360 : i32
      %dma_wait3A_316 = tpu.memref_slice %arg5[%dma_wait3A_315] : memref<1000xi32, #tpu.memory_space<vmem>> -> memref<40xi32, #tpu.memory_space<vmem>>
      %dma_wait3A_317 = arith.constant 0 : i32
      %dma_wait3A_318 = arith.constant 0 : i32
      %dma_wait3A_319 = tpu.memref_slice %arg2[%dma_wait3A_317, %dma_wait3A_318] : memref<512x16xf32, #tpu.memory_space<hbm>> -> memref<512x16xf32, #tpu.memory_space<hbm>>
      tpu.wait_indirect_dma semaphore(%arg10 : memref<!tpu.dma_semaphore, #tpu.memory_space<semaphore_mem>>) src(%dma_wait3A_319 : memref<512x16xf32, #tpu.memory_space<hbm>>) dst(%dma_wait3A_314 : memref<40x16xf32, #tpu.memory_space<vmem>>)
      %dma_wait3A_320 = arith.constant 400 : i32
      %dma_wait3A_321 = arith.constant 0 : i32
      %dma_wait3A_322 = tpu.memref_slice %arg7[%dma_wait3A_320, %dma_wait3A_321] : memref<1000x16xf32, #tpu.memory_space<vmem>> -> memref<40x16xf32, #tpu.memory_space<vmem>>
      %dma_wait3A_323 = arith.constant 400 : i32
      %dma_wait3A_324 = tpu.memref_slice %arg5[%dma_wait3A_323] : memref<1000xi32, #tpu.memory_space<vmem>> -> memref<40xi32, #tpu.memory_space<vmem>>
      %dma_wait3A_325 = arith.constant 0 : i32
      %dma_wait3A_326 = arith.constant 0 : i32
      %dma_wait3A_327 = tpu.memref_slice %arg2[%dma_wait3A_325, %dma_wait3A_326] : memref<512x16xf32, #tpu.memory_space<hbm>> -> memref<512x16xf32, #tpu.memory_space<hbm>>
      tpu.wait_indirect_dma semaphore(%arg10 : memref<!tpu.dma_semaphore, #tpu.memory_space<semaphore_mem>>) src(%dma_wait3A_327 : memref<512x16xf32, #tpu.memory_space<hbm>>) dst(%dma_wait3A_322 : memref<40x16xf32, #tpu.memory_space<vmem>>)
      %dma_wait3A_328 = arith.constant 440 : i32
      %dma_wait3A_329 = arith.constant 0 : i32
      %dma_wait3A_330 = tpu.memref_slice %arg7[%dma_wait3A_328, %dma_wait3A_329] : memref<1000x16xf32, #tpu.memory_space<vmem>> -> memref<40x16xf32, #tpu.memory_space<vmem>>
      %dma_wait3A_331 = arith.constant 440 : i32
      %dma_wait3A_332 = tpu.memref_slice %arg5[%dma_wait3A_331] : memref<1000xi32, #tpu.memory_space<vmem>> -> memref<40xi32, #tpu.memory_space<vmem>>
      %dma_wait3A_333 = arith.constant 0 : i32
      %dma_wait3A_334 = arith.constant 0 : i32
      %dma_wait3A_335 = tpu.memref_slice %arg2[%dma_wait3A_333, %dma_wait3A_334] : memref<512x16xf32, #tpu.memory_space<hbm>> -> memref<512x16xf32, #tpu.memory_space<hbm>>
      tpu.wait_indirect_dma semaphore(%arg10 : memref<!tpu.dma_semaphore, #tpu.memory_space<semaphore_mem>>) src(%dma_wait3A_335 : memref<512x16xf32, #tpu.memory_space<hbm>>) dst(%dma_wait3A_330 : memref<40x16xf32, #tpu.memory_space<vmem>>)
      %dma_wait3A_336 = arith.constant 480 : i32
      %dma_wait3A_337 = arith.constant 0 : i32
      %dma_wait3A_338 = tpu.memref_slice %arg7[%dma_wait3A_336, %dma_wait3A_337] : memref<1000x16xf32, #tpu.memory_space<vmem>> -> memref<40x16xf32, #tpu.memory_space<vmem>>
      %dma_wait3A_339 = arith.constant 480 : i32
      %dma_wait3A_340 = tpu.memref_slice %arg5[%dma_wait3A_339] : memref<1000xi32, #tpu.memory_space<vmem>> -> memref<40xi32, #tpu.memory_space<vmem>>
      %dma_wait3A_341 = arith.constant 0 : i32
      %dma_wait3A_342 = arith.constant 0 : i32
      %dma_wait3A_343 = tpu.memref_slice %arg2[%dma_wait3A_341, %dma_wait3A_342] : memref<512x16xf32, #tpu.memory_space<hbm>> -> memref<512x16xf32, #tpu.memory_space<hbm>>
      tpu.wait_indirect_dma semaphore(%arg10 : memref<!tpu.dma_semaphore, #tpu.memory_space<semaphore_mem>>) src(%dma_wait3A_343 : memref<512x16xf32, #tpu.memory_space<hbm>>) dst(%dma_wait3A_338 : memref<40x16xf32, #tpu.memory_space<vmem>>)
      %dma_wait3A_344 = arith.constant 520 : i32
      %dma_wait3A_345 = arith.constant 0 : i32
      %dma_wait3A_346 = tpu.memref_slice %arg7[%dma_wait3A_344, %dma_wait3A_345] : memref<1000x16xf32, #tpu.memory_space<vmem>> -> memref<40x16xf32, #tpu.memory_space<vmem>>
      %dma_wait3A_347 = arith.constant 520 : i32
      %dma_wait3A_348 = tpu.memref_slice %arg5[%dma_wait3A_347] : memref<1000xi32, #tpu.memory_space<vmem>> -> memref<40xi32, #tpu.memory_space<vmem>>
      %dma_wait3A_349 = arith.constant 0 : i32
      %dma_wait3A_350 = arith.constant 0 : i32
      %dma_wait3A_351 = tpu.memref_slice %arg2[%dma_wait3A_349, %dma_wait3A_350] : memref<512x16xf32, #tpu.memory_space<hbm>> -> memref<512x16xf32, #tpu.memory_space<hbm>>
      tpu.wait_indirect_dma semaphore(%arg10 : memref<!tpu.dma_semaphore, #tpu.memory_space<semaphore_mem>>) src(%dma_wait3A_351 : memref<512x16xf32, #tpu.memory_space<hbm>>) dst(%dma_wait3A_346 : memref<40x16xf32, #tpu.memory_space<vmem>>)
      %dma_wait3A_352 = arith.constant 560 : i32
      %dma_wait3A_353 = arith.constant 0 : i32
      %dma_wait3A_354 = tpu.memref_slice %arg7[%dma_wait3A_352, %dma_wait3A_353] : memref<1000x16xf32, #tpu.memory_space<vmem>> -> memref<40x16xf32, #tpu.memory_space<vmem>>
      %dma_wait3A_355 = arith.constant 560 : i32
      %dma_wait3A_356 = tpu.memref_slice %arg5[%dma_wait3A_355] : memref<1000xi32, #tpu.memory_space<vmem>> -> memref<40xi32, #tpu.memory_space<vmem>>
      %dma_wait3A_357 = arith.constant 0 : i32
      %dma_wait3A_358 = arith.constant 0 : i32
      %dma_wait3A_359 = tpu.memref_slice %arg2[%dma_wait3A_357, %dma_wait3A_358] : memref<512x16xf32, #tpu.memory_space<hbm>> -> memref<512x16xf32, #tpu.memory_space<hbm>>
      tpu.wait_indirect_dma semaphore(%arg10 : memref<!tpu.dma_semaphore, #tpu.memory_space<semaphore_mem>>) src(%dma_wait3A_359 : memref<512x16xf32, #tpu.memory_space<hbm>>) dst(%dma_wait3A_354 : memref<40x16xf32, #tpu.memory_space<vmem>>)
      %dma_wait3A_360 = arith.constant 600 : i32
      %dma_wait3A_361 = arith.constant 0 : i32
      %dma_wait3A_362 = tpu.memref_slice %arg7[%dma_wait3A_360, %dma_wait3A_361] : memref<1000x16xf32, #tpu.memory_space<vmem>> -> memref<40x16xf32, #tpu.memory_space<vmem>>
      %dma_wait3A_363 = arith.constant 600 : i32
      %dma_wait3A_364 = tpu.memref_slice %arg5[%dma_wait3A_363] : memref<1000xi32, #tpu.memory_space<vmem>> -> memref<40xi32, #tpu.memory_space<vmem>>
      %dma_wait3A_365 = arith.constant 0 : i32
      %dma_wait3A_366 = arith.constant 0 : i32
      %dma_wait3A_367 = tpu.memref_slice %arg2[%dma_wait3A_365, %dma_wait3A_366] : memref<512x16xf32, #tpu.memory_space<hbm>> -> memref<512x16xf32, #tpu.memory_space<hbm>>
      tpu.wait_indirect_dma semaphore(%arg10 : memref<!tpu.dma_semaphore, #tpu.memory_space<semaphore_mem>>) src(%dma_wait3A_367 : memref<512x16xf32, #tpu.memory_space<hbm>>) dst(%dma_wait3A_362 : memref<40x16xf32, #tpu.memory_space<vmem>>)
      %dma_wait3A_368 = arith.constant 640 : i32
      %dma_wait3A_369 = arith.constant 0 : i32
      %dma_wait3A_370 = tpu.memref_slice %arg7[%dma_wait3A_368, %dma_wait3A_369] : memref<1000x16xf32, #tpu.memory_space<vmem>> -> memref<40x16xf32, #tpu.memory_space<vmem>>
      %dma_wait3A_371 = arith.constant 640 : i32
      %dma_wait3A_372 = tpu.memref_slice %arg5[%dma_wait3A_371] : memref<1000xi32, #tpu.memory_space<vmem>> -> memref<40xi32, #tpu.memory_space<vmem>>
      %dma_wait3A_373 = arith.constant 0 : i32
      %dma_wait3A_374 = arith.constant 0 : i32
      %dma_wait3A_375 = tpu.memref_slice %arg2[%dma_wait3A_373, %dma_wait3A_374] : memref<512x16xf32, #tpu.memory_space<hbm>> -> memref<512x16xf32, #tpu.memory_space<hbm>>
      tpu.wait_indirect_dma semaphore(%arg10 : memref<!tpu.dma_semaphore, #tpu.memory_space<semaphore_mem>>) src(%dma_wait3A_375 : memref<512x16xf32, #tpu.memory_space<hbm>>) dst(%dma_wait3A_370 : memref<40x16xf32, #tpu.memory_space<vmem>>)
      %dma_wait3A_376 = arith.constant 680 : i32
      %dma_wait3A_377 = arith.constant 0 : i32
      %dma_wait3A_378 = tpu.memref_slice %arg7[%dma_wait3A_376, %dma_wait3A_377] : memref<1000x16xf32, #tpu.memory_space<vmem>> -> memref<40x16xf32, #tpu.memory_space<vmem>>
      %dma_wait3A_379 = arith.constant 680 : i32
      %dma_wait3A_380 = tpu.memref_slice %arg5[%dma_wait3A_379] : memref<1000xi32, #tpu.memory_space<vmem>> -> memref<40xi32, #tpu.memory_space<vmem>>
      %dma_wait3A_381 = arith.constant 0 : i32
      %dma_wait3A_382 = arith.constant 0 : i32
      %dma_wait3A_383 = tpu.memref_slice %arg2[%dma_wait3A_381, %dma_wait3A_382] : memref<512x16xf32, #tpu.memory_space<hbm>> -> memref<512x16xf32, #tpu.memory_space<hbm>>
      tpu.wait_indirect_dma semaphore(%arg10 : memref<!tpu.dma_semaphore, #tpu.memory_space<semaphore_mem>>) src(%dma_wait3A_383 : memref<512x16xf32, #tpu.memory_space<hbm>>) dst(%dma_wait3A_378 : memref<40x16xf32, #tpu.memory_space<vmem>>)
      %dma_wait3A_384 = arith.constant 720 : i32
      %dma_wait3A_385 = arith.constant 0 : i32
      %dma_wait3A_386 = tpu.memref_slice %arg7[%dma_wait3A_384, %dma_wait3A_385] : memref<1000x16xf32, #tpu.memory_space<vmem>> -> memref<40x16xf32, #tpu.memory_space<vmem>>
      %dma_wait3A_387 = arith.constant 720 : i32
      %dma_wait3A_388 = tpu.memref_slice %arg5[%dma_wait3A_387] : memref<1000xi32, #tpu.memory_space<vmem>> -> memref<40xi32, #tpu.memory_space<vmem>>
      %dma_wait3A_389 = arith.constant 0 : i32
      %dma_wait3A_390 = arith.constant 0 : i32
      %dma_wait3A_391 = tpu.memref_slice %arg2[%dma_wait3A_389, %dma_wait3A_390] : memref<512x16xf32, #tpu.memory_space<hbm>> -> memref<512x16xf32, #tpu.memory_space<hbm>>
      tpu.wait_indirect_dma semaphore(%arg10 : memref<!tpu.dma_semaphore, #tpu.memory_space<semaphore_mem>>) src(%dma_wait3A_391 : memref<512x16xf32, #tpu.memory_space<hbm>>) dst(%dma_wait3A_386 : memref<40x16xf32, #tpu.memory_space<vmem>>)
      %dma_wait3A_392 = arith.constant 760 : i32
      %dma_wait3A_393 = arith.constant 0 : i32
      %dma_wait3A_394 = tpu.memref_slice %arg7[%dma_wait3A_392, %dma_wait3A_393] : memref<1000x16xf32, #tpu.memory_space<vmem>> -> memref<40x16xf32, #tpu.memory_space<vmem>>
      %dma_wait3A_395 = arith.constant 760 : i32
      %dma_wait3A_396 = tpu.memref_slice %arg5[%dma_wait3A_395] : memref<1000xi32, #tpu.memory_space<vmem>> -> memref<40xi32, #tpu.memory_space<vmem>>
      %dma_wait3A_397 = arith.constant 0 : i32
      %dma_wait3A_398 = arith.constant 0 : i32
      %dma_wait3A_399 = tpu.memref_slice %arg2[%dma_wait3A_397, %dma_wait3A_398] : memref<512x16xf32, #tpu.memory_space<hbm>> -> memref<512x16xf32, #tpu.memory_space<hbm>>
      tpu.wait_indirect_dma semaphore(%arg10 : memref<!tpu.dma_semaphore, #tpu.memory_space<semaphore_mem>>) src(%dma_wait3A_399 : memref<512x16xf32, #tpu.memory_space<hbm>>) dst(%dma_wait3A_394 : memref<40x16xf32, #tpu.memory_space<vmem>>)
      %dma_wait3A_400 = arith.constant 800 : i32
      %dma_wait3A_401 = arith.constant 0 : i32
      %dma_wait3A_402 = tpu.memref_slice %arg7[%dma_wait3A_400, %dma_wait3A_401] : memref<1000x16xf32, #tpu.memory_space<vmem>> -> memref<40x16xf32, #tpu.memory_space<vmem>>
      %dma_wait3A_403 = arith.constant 800 : i32
      %dma_wait3A_404 = tpu.memref_slice %arg5[%dma_wait3A_403] : memref<1000xi32, #tpu.memory_space<vmem>> -> memref<40xi32, #tpu.memory_space<vmem>>
      %dma_wait3A_405 = arith.constant 0 : i32
      %dma_wait3A_406 = arith.constant 0 : i32
      %dma_wait3A_407 = tpu.memref_slice %arg2[%dma_wait3A_405, %dma_wait3A_406] : memref<512x16xf32, #tpu.memory_space<hbm>> -> memref<512x16xf32, #tpu.memory_space<hbm>>
      tpu.wait_indirect_dma semaphore(%arg10 : memref<!tpu.dma_semaphore, #tpu.memory_space<semaphore_mem>>) src(%dma_wait3A_407 : memref<512x16xf32, #tpu.memory_space<hbm>>) dst(%dma_wait3A_402 : memref<40x16xf32, #tpu.memory_space<vmem>>)
      %dma_wait3A_408 = arith.constant 840 : i32
      %dma_wait3A_409 = arith.constant 0 : i32
      %dma_wait3A_410 = tpu.memref_slice %arg7[%dma_wait3A_408, %dma_wait3A_409] : memref<1000x16xf32, #tpu.memory_space<vmem>> -> memref<40x16xf32, #tpu.memory_space<vmem>>
      %dma_wait3A_411 = arith.constant 840 : i32
      %dma_wait3A_412 = tpu.memref_slice %arg5[%dma_wait3A_411] : memref<1000xi32, #tpu.memory_space<vmem>> -> memref<40xi32, #tpu.memory_space<vmem>>
      %dma_wait3A_413 = arith.constant 0 : i32
      %dma_wait3A_414 = arith.constant 0 : i32
      %dma_wait3A_415 = tpu.memref_slice %arg2[%dma_wait3A_413, %dma_wait3A_414] : memref<512x16xf32, #tpu.memory_space<hbm>> -> memref<512x16xf32, #tpu.memory_space<hbm>>
      tpu.wait_indirect_dma semaphore(%arg10 : memref<!tpu.dma_semaphore, #tpu.memory_space<semaphore_mem>>) src(%dma_wait3A_415 : memref<512x16xf32, #tpu.memory_space<hbm>>) dst(%dma_wait3A_410 : memref<40x16xf32, #tpu.memory_space<vmem>>)
      %dma_wait3A_416 = arith.constant 880 : i32
      %dma_wait3A_417 = arith.constant 0 : i32
      %dma_wait3A_418 = tpu.memref_slice %arg7[%dma_wait3A_416, %dma_wait3A_417] : memref<1000x16xf32, #tpu.memory_space<vmem>> -> memref<40x16xf32, #tpu.memory_space<vmem>>
      %dma_wait3A_419 = arith.constant 880 : i32
      %dma_wait3A_420 = tpu.memref_slice %arg5[%dma_wait3A_419] : memref<1000xi32, #tpu.memory_space<vmem>> -> memref<40xi32, #tpu.memory_space<vmem>>
      %dma_wait3A_421 = arith.constant 0 : i32
      %dma_wait3A_422 = arith.constant 0 : i32
      %dma_wait3A_423 = tpu.memref_slice %arg2[%dma_wait3A_421, %dma_wait3A_422] : memref<512x16xf32, #tpu.memory_space<hbm>> -> memref<512x16xf32, #tpu.memory_space<hbm>>
      tpu.wait_indirect_dma semaphore(%arg10 : memref<!tpu.dma_semaphore, #tpu.memory_space<semaphore_mem>>) src(%dma_wait3A_423 : memref<512x16xf32, #tpu.memory_space<hbm>>) dst(%dma_wait3A_418 : memref<40x16xf32, #tpu.memory_space<vmem>>)
      %dma_wait3A_424 = arith.constant 920 : i32
      %dma_wait3A_425 = arith.constant 0 : i32
      %dma_wait3A_426 = tpu.memref_slice %arg7[%dma_wait3A_424, %dma_wait3A_425] : memref<1000x16xf32, #tpu.memory_space<vmem>> -> memref<40x16xf32, #tpu.memory_space<vmem>>
      %dma_wait3A_427 = arith.constant 920 : i32
      %dma_wait3A_428 = tpu.memref_slice %arg5[%dma_wait3A_427] : memref<1000xi32, #tpu.memory_space<vmem>> -> memref<40xi32, #tpu.memory_space<vmem>>
      %dma_wait3A_429 = arith.constant 0 : i32
      %dma_wait3A_430 = arith.constant 0 : i32
      %dma_wait3A_431 = tpu.memref_slice %arg2[%dma_wait3A_429, %dma_wait3A_430] : memref<512x16xf32, #tpu.memory_space<hbm>> -> memref<512x16xf32, #tpu.memory_space<hbm>>
      tpu.wait_indirect_dma semaphore(%arg10 : memref<!tpu.dma_semaphore, #tpu.memory_space<semaphore_mem>>) src(%dma_wait3A_431 : memref<512x16xf32, #tpu.memory_space<hbm>>) dst(%dma_wait3A_426 : memref<40x16xf32, #tpu.memory_space<vmem>>)
      %dma_wait3A_432 = arith.constant 960 : i32
      %dma_wait3A_433 = arith.constant 0 : i32
      %dma_wait3A_434 = tpu.memref_slice %arg7[%dma_wait3A_432, %dma_wait3A_433] : memref<1000x16xf32, #tpu.memory_space<vmem>> -> memref<40x16xf32, #tpu.memory_space<vmem>>
      %dma_wait3A_435 = arith.constant 960 : i32
      %dma_wait3A_436 = tpu.memref_slice %arg5[%dma_wait3A_435] : memref<1000xi32, #tpu.memory_space<vmem>> -> memref<40xi32, #tpu.memory_space<vmem>>
      %dma_wait3A_437 = arith.constant 0 : i32
      %dma_wait3A_438 = arith.constant 0 : i32
      %dma_wait3A_439 = tpu.memref_slice %arg2[%dma_wait3A_437, %dma_wait3A_438] : memref<512x16xf32, #tpu.memory_space<hbm>> -> memref<512x16xf32, #tpu.memory_space<hbm>>
      tpu.wait_indirect_dma semaphore(%arg10 : memref<!tpu.dma_semaphore, #tpu.memory_space<semaphore_mem>>) src(%dma_wait3A_439 : memref<512x16xf32, #tpu.memory_space<hbm>>) dst(%dma_wait3A_434 : memref<40x16xf32, #tpu.memory_space<vmem>>)
      %mul3A_440 = arith.constant 1000 : i32
      %mul3A_441 = arith.muli %add3A_27, %mul3A_440 : i32
      %dma_start3A_442 = arith.constant 0 : i32
      %dma_start3A_443 = tpu.memref_slice %arg4[%mul3A_441, %dma_start3A_442] : memref<128000x16xf32, #tpu.memory_space<hbm>> -> memref<1000x16xf32, #tpu.memory_space<hbm>>
      %dma_start3A_444 = arith.constant 0 : i32
      %dma_start3A_445 = tpu.memref_slice %arg4[%mul3A_441, %dma_start3A_444] : memref<128000x16xf32, #tpu.memory_space<hbm>> -> memref<1000x16xf32, #tpu.memory_space<hbm>>
      tpu.enqueue_dma source(%arg7 : memref<1000x16xf32, #tpu.memory_space<vmem>>) target(%dma_start3A_445 : memref<1000x16xf32, #tpu.memory_space<hbm>>) target_semaphore(%arg11 : memref<!tpu.dma_semaphore, #tpu.memory_space<semaphore_mem>>)
      %mul3A_446 = arith.constant 2 : i32
      %mul3A_447 = arith.muli %scan3A_22, %mul3A_446 : i32
      %add3A_448 = arith.constant 1 : i32
      %add3A_449 = arith.addi %mul3A_447, %add3A_448 : i32
      %add3A_450 = arith.addi %mul3A_2, %add3A_449 : i32
      %dma_wait3A_451 = arith.constant 0 : i32
      %dma_wait3A_452 = tpu.memref_slice %arg3[%dma_wait3A_451] : memref<128000xi32, #tpu.memory_space<hbm>> -> memref<1000xi32, #tpu.memory_space<hbm>>
      %dma_wait3A_453 = arith.constant 0 : i32
      %dma_wait3A_454 = tpu.memref_slice %arg3[%dma_wait3A_453] : memref<128000xi32, #tpu.memory_space<hbm>> -> memref<1000xi32, #tpu.memory_space<hbm>>
      tpu.wait_dma2 semaphore(%arg9 : memref<!tpu.dma_semaphore, #tpu.memory_space<semaphore_mem>>) src(%dma_wait3A_454 : memref<1000xi32, #tpu.memory_space<hbm>>) dst(%arg6 : memref<1000xi32, #tpu.memory_space<vmem>>)
      %add3A_455 = arith.constant 1 : i32
      %add3A_456 = arith.addi %add3A_449, %add3A_455 : i32
      %lt3A_457 = arith.constant 4 : i32
      %lt3A_458 = arith.cmpi slt, %add3A_456, %lt3A_457 : i32
      %convert_element_type3A_459 = arith.extui %lt3A_458 : i1 to i32
      %cond3A_460 = arith.constant 0 : i32
      %cond3A_461 = arith.cmpi ne, %convert_element_type3A_459, %cond3A_460 : i32
      scf.if %cond3A_461 {
        %add3A_873 = arith.constant 1 : i32
        %add3A_874 = arith.addi %add3A_450, %add3A_873 : i32
        %mul3A_875 = arith.constant 1000 : i32
        %mul3A_876 = arith.muli %add3A_874, %mul3A_875 : i32
        %dma_start3A_877 = tpu.memref_slice %arg3[%mul3A_876] : memref<128000xi32, #tpu.memory_space<hbm>> -> memref<1000xi32, #tpu.memory_space<hbm>>
        %dma_start3A_878 = tpu.memref_slice %arg3[%mul3A_876] : memref<128000xi32, #tpu.memory_space<hbm>> -> memref<1000xi32, #tpu.memory_space<hbm>>
        tpu.enqueue_dma source(%dma_start3A_878 : memref<1000xi32, #tpu.memory_space<hbm>>) target(%arg5 : memref<1000xi32, #tpu.memory_space<vmem>>) target_semaphore(%arg9 : memref<!tpu.dma_semaphore, #tpu.memory_space<semaphore_mem>>)
      } else {
      }
      %ge3A_462 = arith.constant 2 : i32
      %ge3A_463 = arith.cmpi sge, %add3A_449, %ge3A_462 : i32
      %convert_element_type3A_464 = arith.extui %ge3A_463 : i1 to i32
      %cond3A_465 = arith.constant 0 : i32
      %cond3A_466 = arith.cmpi ne, %convert_element_type3A_464, %cond3A_465 : i32
      scf.if %cond3A_466 {
        %dma_wait3A_873 = arith.constant 0 : i32
        %dma_wait3A_874 = arith.constant 0 : i32
        %dma_wait3A_875 = tpu.memref_slice %arg4[%dma_wait3A_873, %dma_wait3A_874] : memref<128000x16xf32, #tpu.memory_space<hbm>> -> memref<1000x16xf32, #tpu.memory_space<hbm>>
        %dma_wait3A_876 = arith.constant 0 : i32
        %dma_wait3A_877 = arith.constant 0 : i32
        %dma_wait3A_878 = tpu.memref_slice %arg4[%dma_wait3A_876, %dma_wait3A_877] : memref<128000x16xf32, #tpu.memory_space<hbm>> -> memref<1000x16xf32, #tpu.memory_space<hbm>>
        tpu.wait_dma2 semaphore(%arg11 : memref<!tpu.dma_semaphore, #tpu.memory_space<semaphore_mem>>) src(%dma_wait3A_878 : memref<1000x16xf32, #tpu.memory_space<hbm>>) dst(%arg8 : memref<1000x16xf32, #tpu.memory_space<vmem>>)
      } else {
      }
      %dma_start3A_467 = arith.constant 0 : i32
      %dma_start3A_468 = arith.constant 0 : i32
      %dma_start3A_469 = tpu.memref_slice %arg8[%dma_start3A_467, %dma_start3A_468] : memref<1000x16xf32, #tpu.memory_space<vmem>> -> memref<40x16xf32, #tpu.memory_space<vmem>>
      %dma_start3A_470 = arith.constant 0 : i32
      %dma_start3A_471 = tpu.memref_slice %arg6[%dma_start3A_470] : memref<1000xi32, #tpu.memory_space<vmem>> -> memref<40xi32, #tpu.memory_space<vmem>>
      %dma_start3A_472 = arith.constant 0 : i32
      %dma_start3A_473 = arith.constant 0 : i32
      %dma_start3A_474 = tpu.memref_slice %arg2[%dma_start3A_472, %dma_start3A_473] : memref<512x16xf32, #tpu.memory_space<hbm>> -> memref<512x16xf32, #tpu.memory_space<hbm>>
      tpu.enqueue_indirect_dma source(%dma_start3A_474 : memref<512x16xf32, #tpu.memory_space<hbm>>) target(%dma_start3A_469 : memref<40x16xf32, #tpu.memory_space<vmem>>) offsets(%dma_start3A_471 : memref<40xi32, #tpu.memory_space<vmem>>) semaphore(%arg10 : memref<!tpu.dma_semaphore, #tpu.memory_space<semaphore_mem>>)
      %dma_start3A_475 = arith.constant 40 : i32
      %dma_start3A_476 = arith.constant 0 : i32
      %dma_start3A_477 = tpu.memref_slice %arg8[%dma_start3A_475, %dma_start3A_476] : memref<1000x16xf32, #tpu.memory_space<vmem>> -> memref<40x16xf32, #tpu.memory_space<vmem>>
      %dma_start3A_478 = arith.constant 40 : i32
      %dma_start3A_479 = tpu.memref_slice %arg6[%dma_start3A_478] : memref<1000xi32, #tpu.memory_space<vmem>> -> memref<40xi32, #tpu.memory_space<vmem>>
      %dma_start3A_480 = arith.constant 0 : i32
      %dma_start3A_481 = arith.constant 0 : i32
      %dma_start3A_482 = tpu.memref_slice %arg2[%dma_start3A_480, %dma_start3A_481] : memref<512x16xf32, #tpu.memory_space<hbm>> -> memref<512x16xf32, #tpu.memory_space<hbm>>
      tpu.enqueue_indirect_dma source(%dma_start3A_482 : memref<512x16xf32, #tpu.memory_space<hbm>>) target(%dma_start3A_477 : memref<40x16xf32, #tpu.memory_space<vmem>>) offsets(%dma_start3A_479 : memref<40xi32, #tpu.memory_space<vmem>>) semaphore(%arg10 : memref<!tpu.dma_semaphore, #tpu.memory_space<semaphore_mem>>)
      %dma_start3A_483 = arith.constant 80 : i32
      %dma_start3A_484 = arith.constant 0 : i32
      %dma_start3A_485 = tpu.memref_slice %arg8[%dma_start3A_483, %dma_start3A_484] : memref<1000x16xf32, #tpu.memory_space<vmem>> -> memref<40x16xf32, #tpu.memory_space<vmem>>
      %dma_start3A_486 = arith.constant 80 : i32
      %dma_start3A_487 = tpu.memref_slice %arg6[%dma_start3A_486] : memref<1000xi32, #tpu.memory_space<vmem>> -> memref<40xi32, #tpu.memory_space<vmem>>
      %dma_start3A_488 = arith.constant 0 : i32
      %dma_start3A_489 = arith.constant 0 : i32
      %dma_start3A_490 = tpu.memref_slice %arg2[%dma_start3A_488, %dma_start3A_489] : memref<512x16xf32, #tpu.memory_space<hbm>> -> memref<512x16xf32, #tpu.memory_space<hbm>>
      tpu.enqueue_indirect_dma source(%dma_start3A_490 : memref<512x16xf32, #tpu.memory_space<hbm>>) target(%dma_start3A_485 : memref<40x16xf32, #tpu.memory_space<vmem>>) offsets(%dma_start3A_487 : memref<40xi32, #tpu.memory_space<vmem>>) semaphore(%arg10 : memref<!tpu.dma_semaphore, #tpu.memory_space<semaphore_mem>>)
      %dma_start3A_491 = arith.constant 120 : i32
      %dma_start3A_492 = arith.constant 0 : i32
      %dma_start3A_493 = tpu.memref_slice %arg8[%dma_start3A_491, %dma_start3A_492] : memref<1000x16xf32, #tpu.memory_space<vmem>> -> memref<40x16xf32, #tpu.memory_space<vmem>>
      %dma_start3A_494 = arith.constant 120 : i32
      %dma_start3A_495 = tpu.memref_slice %arg6[%dma_start3A_494] : memref<1000xi32, #tpu.memory_space<vmem>> -> memref<40xi32, #tpu.memory_space<vmem>>
      %dma_start3A_496 = arith.constant 0 : i32
      %dma_start3A_497 = arith.constant 0 : i32
      %dma_start3A_498 = tpu.memref_slice %arg2[%dma_start3A_496, %dma_start3A_497] : memref<512x16xf32, #tpu.memory_space<hbm>> -> memref<512x16xf32, #tpu.memory_space<hbm>>
      tpu.enqueue_indirect_dma source(%dma_start3A_498 : memref<512x16xf32, #tpu.memory_space<hbm>>) target(%dma_start3A_493 : memref<40x16xf32, #tpu.memory_space<vmem>>) offsets(%dma_start3A_495 : memref<40xi32, #tpu.memory_space<vmem>>) semaphore(%arg10 : memref<!tpu.dma_semaphore, #tpu.memory_space<semaphore_mem>>)
      %dma_start3A_499 = arith.constant 160 : i32
      %dma_start3A_500 = arith.constant 0 : i32
      %dma_start3A_501 = tpu.memref_slice %arg8[%dma_start3A_499, %dma_start3A_500] : memref<1000x16xf32, #tpu.memory_space<vmem>> -> memref<40x16xf32, #tpu.memory_space<vmem>>
      %dma_start3A_502 = arith.constant 160 : i32
      %dma_start3A_503 = tpu.memref_slice %arg6[%dma_start3A_502] : memref<1000xi32, #tpu.memory_space<vmem>> -> memref<40xi32, #tpu.memory_space<vmem>>
      %dma_start3A_504 = arith.constant 0 : i32
      %dma_start3A_505 = arith.constant 0 : i32
      %dma_start3A_506 = tpu.memref_slice %arg2[%dma_start3A_504, %dma_start3A_505] : memref<512x16xf32, #tpu.memory_space<hbm>> -> memref<512x16xf32, #tpu.memory_space<hbm>>
      tpu.enqueue_indirect_dma source(%dma_start3A_506 : memref<512x16xf32, #tpu.memory_space<hbm>>) target(%dma_start3A_501 : memref<40x16xf32, #tpu.memory_space<vmem>>) offsets(%dma_start3A_503 : memref<40xi32, #tpu.memory_space<vmem>>) semaphore(%arg10 : memref<!tpu.dma_semaphore, #tpu.memory_space<semaphore_mem>>)
      %dma_start3A_507 = arith.constant 200 : i32
      %dma_start3A_508 = arith.constant 0 : i32
      %dma_start3A_509 = tpu.memref_slice %arg8[%dma_start3A_507, %dma_start3A_508] : memref<1000x16xf32, #tpu.memory_space<vmem>> -> memref<40x16xf32, #tpu.memory_space<vmem>>
      %dma_start3A_510 = arith.constant 200 : i32
      %dma_start3A_511 = tpu.memref_slice %arg6[%dma_start3A_510] : memref<1000xi32, #tpu.memory_space<vmem>> -> memref<40xi32, #tpu.memory_space<vmem>>
      %dma_start3A_512 = arith.constant 0 : i32
      %dma_start3A_513 = arith.constant 0 : i32
      %dma_start3A_514 = tpu.memref_slice %arg2[%dma_start3A_512, %dma_start3A_513] : memref<512x16xf32, #tpu.memory_space<hbm>> -> memref<512x16xf32, #tpu.memory_space<hbm>>
      tpu.enqueue_indirect_dma source(%dma_start3A_514 : memref<512x16xf32, #tpu.memory_space<hbm>>) target(%dma_start3A_509 : memref<40x16xf32, #tpu.memory_space<vmem>>) offsets(%dma_start3A_511 : memref<40xi32, #tpu.memory_space<vmem>>) semaphore(%arg10 : memref<!tpu.dma_semaphore, #tpu.memory_space<semaphore_mem>>)
      %dma_start3A_515 = arith.constant 240 : i32
      %dma_start3A_516 = arith.constant 0 : i32
      %dma_start3A_517 = tpu.memref_slice %arg8[%dma_start3A_515, %dma_start3A_516] : memref<1000x16xf32, #tpu.memory_space<vmem>> -> memref<40x16xf32, #tpu.memory_space<vmem>>
      %dma_start3A_518 = arith.constant 240 : i32
      %dma_start3A_519 = tpu.memref_slice %arg6[%dma_start3A_518] : memref<1000xi32, #tpu.memory_space<vmem>> -> memref<40xi32, #tpu.memory_space<vmem>>
      %dma_start3A_520 = arith.constant 0 : i32
      %dma_start3A_521 = arith.constant 0 : i32
      %dma_start3A_522 = tpu.memref_slice %arg2[%dma_start3A_520, %dma_start3A_521] : memref<512x16xf32, #tpu.memory_space<hbm>> -> memref<512x16xf32, #tpu.memory_space<hbm>>
      tpu.enqueue_indirect_dma source(%dma_start3A_522 : memref<512x16xf32, #tpu.memory_space<hbm>>) target(%dma_start3A_517 : memref<40x16xf32, #tpu.memory_space<vmem>>) offsets(%dma_start3A_519 : memref<40xi32, #tpu.memory_space<vmem>>) semaphore(%arg10 : memref<!tpu.dma_semaphore, #tpu.memory_space<semaphore_mem>>)
      %dma_start3A_523 = arith.constant 280 : i32
      %dma_start3A_524 = arith.constant 0 : i32
      %dma_start3A_525 = tpu.memref_slice %arg8[%dma_start3A_523, %dma_start3A_524] : memref<1000x16xf32, #tpu.memory_space<vmem>> -> memref<40x16xf32, #tpu.memory_space<vmem>>
      %dma_start3A_526 = arith.constant 280 : i32
      %dma_start3A_527 = tpu.memref_slice %arg6[%dma_start3A_526] : memref<1000xi32, #tpu.memory_space<vmem>> -> memref<40xi32, #tpu.memory_space<vmem>>
      %dma_start3A_528 = arith.constant 0 : i32
      %dma_start3A_529 = arith.constant 0 : i32
      %dma_start3A_530 = tpu.memref_slice %arg2[%dma_start3A_528, %dma_start3A_529] : memref<512x16xf32, #tpu.memory_space<hbm>> -> memref<512x16xf32, #tpu.memory_space<hbm>>
      tpu.enqueue_indirect_dma source(%dma_start3A_530 : memref<512x16xf32, #tpu.memory_space<hbm>>) target(%dma_start3A_525 : memref<40x16xf32, #tpu.memory_space<vmem>>) offsets(%dma_start3A_527 : memref<40xi32, #tpu.memory_space<vmem>>) semaphore(%arg10 : memref<!tpu.dma_semaphore, #tpu.memory_space<semaphore_mem>>)
      %dma_start3A_531 = arith.constant 320 : i32
      %dma_start3A_532 = arith.constant 0 : i32
      %dma_start3A_533 = tpu.memref_slice %arg8[%dma_start3A_531, %dma_start3A_532] : memref<1000x16xf32, #tpu.memory_space<vmem>> -> memref<40x16xf32, #tpu.memory_space<vmem>>
      %dma_start3A_534 = arith.constant 320 : i32
      %dma_start3A_535 = tpu.memref_slice %arg6[%dma_start3A_534] : memref<1000xi32, #tpu.memory_space<vmem>> -> memref<40xi32, #tpu.memory_space<vmem>>
      %dma_start3A_536 = arith.constant 0 : i32
      %dma_start3A_537 = arith.constant 0 : i32
      %dma_start3A_538 = tpu.memref_slice %arg2[%dma_start3A_536, %dma_start3A_537] : memref<512x16xf32, #tpu.memory_space<hbm>> -> memref<512x16xf32, #tpu.memory_space<hbm>>
      tpu.enqueue_indirect_dma source(%dma_start3A_538 : memref<512x16xf32, #tpu.memory_space<hbm>>) target(%dma_start3A_533 : memref<40x16xf32, #tpu.memory_space<vmem>>) offsets(%dma_start3A_535 : memref<40xi32, #tpu.memory_space<vmem>>) semaphore(%arg10 : memref<!tpu.dma_semaphore, #tpu.memory_space<semaphore_mem>>)
      %dma_start3A_539 = arith.constant 360 : i32
      %dma_start3A_540 = arith.constant 0 : i32
      %dma_start3A_541 = tpu.memref_slice %arg8[%dma_start3A_539, %dma_start3A_540] : memref<1000x16xf32, #tpu.memory_space<vmem>> -> memref<40x16xf32, #tpu.memory_space<vmem>>
      %dma_start3A_542 = arith.constant 360 : i32
      %dma_start3A_543 = tpu.memref_slice %arg6[%dma_start3A_542] : memref<1000xi32, #tpu.memory_space<vmem>> -> memref<40xi32, #tpu.memory_space<vmem>>
      %dma_start3A_544 = arith.constant 0 : i32
      %dma_start3A_545 = arith.constant 0 : i32
      %dma_start3A_546 = tpu.memref_slice %arg2[%dma_start3A_544, %dma_start3A_545] : memref<512x16xf32, #tpu.memory_space<hbm>> -> memref<512x16xf32, #tpu.memory_space<hbm>>
      tpu.enqueue_indirect_dma source(%dma_start3A_546 : memref<512x16xf32, #tpu.memory_space<hbm>>) target(%dma_start3A_541 : memref<40x16xf32, #tpu.memory_space<vmem>>) offsets(%dma_start3A_543 : memref<40xi32, #tpu.memory_space<vmem>>) semaphore(%arg10 : memref<!tpu.dma_semaphore, #tpu.memory_space<semaphore_mem>>)
      %dma_start3A_547 = arith.constant 400 : i32
      %dma_start3A_548 = arith.constant 0 : i32
      %dma_start3A_549 = tpu.memref_slice %arg8[%dma_start3A_547, %dma_start3A_548] : memref<1000x16xf32, #tpu.memory_space<vmem>> -> memref<40x16xf32, #tpu.memory_space<vmem>>
      %dma_start3A_550 = arith.constant 400 : i32
      %dma_start3A_551 = tpu.memref_slice %arg6[%dma_start3A_550] : memref<1000xi32, #tpu.memory_space<vmem>> -> memref<40xi32, #tpu.memory_space<vmem>>
      %dma_start3A_552 = arith.constant 0 : i32
      %dma_start3A_553 = arith.constant 0 : i32
      %dma_start3A_554 = tpu.memref_slice %arg2[%dma_start3A_552, %dma_start3A_553] : memref<512x16xf32, #tpu.memory_space<hbm>> -> memref<512x16xf32, #tpu.memory_space<hbm>>
      tpu.enqueue_indirect_dma source(%dma_start3A_554 : memref<512x16xf32, #tpu.memory_space<hbm>>) target(%dma_start3A_549 : memref<40x16xf32, #tpu.memory_space<vmem>>) offsets(%dma_start3A_551 : memref<40xi32, #tpu.memory_space<vmem>>) semaphore(%arg10 : memref<!tpu.dma_semaphore, #tpu.memory_space<semaphore_mem>>)
      %dma_start3A_555 = arith.constant 440 : i32
      %dma_start3A_556 = arith.constant 0 : i32
      %dma_start3A_557 = tpu.memref_slice %arg8[%dma_start3A_555, %dma_start3A_556] : memref<1000x16xf32, #tpu.memory_space<vmem>> -> memref<40x16xf32, #tpu.memory_space<vmem>>
      %dma_start3A_558 = arith.constant 440 : i32
      %dma_start3A_559 = tpu.memref_slice %arg6[%dma_start3A_558] : memref<1000xi32, #tpu.memory_space<vmem>> -> memref<40xi32, #tpu.memory_space<vmem>>
      %dma_start3A_560 = arith.constant 0 : i32
      %dma_start3A_561 = arith.constant 0 : i32
      %dma_start3A_562 = tpu.memref_slice %arg2[%dma_start3A_560, %dma_start3A_561] : memref<512x16xf32, #tpu.memory_space<hbm>> -> memref<512x16xf32, #tpu.memory_space<hbm>>
      tpu.enqueue_indirect_dma source(%dma_start3A_562 : memref<512x16xf32, #tpu.memory_space<hbm>>) target(%dma_start3A_557 : memref<40x16xf32, #tpu.memory_space<vmem>>) offsets(%dma_start3A_559 : memref<40xi32, #tpu.memory_space<vmem>>) semaphore(%arg10 : memref<!tpu.dma_semaphore, #tpu.memory_space<semaphore_mem>>)
      %dma_start3A_563 = arith.constant 480 : i32
      %dma_start3A_564 = arith.constant 0 : i32
      %dma_start3A_565 = tpu.memref_slice %arg8[%dma_start3A_563, %dma_start3A_564] : memref<1000x16xf32, #tpu.memory_space<vmem>> -> memref<40x16xf32, #tpu.memory_space<vmem>>
      %dma_start3A_566 = arith.constant 480 : i32
      %dma_start3A_567 = tpu.memref_slice %arg6[%dma_start3A_566] : memref<1000xi32, #tpu.memory_space<vmem>> -> memref<40xi32, #tpu.memory_space<vmem>>
      %dma_start3A_568 = arith.constant 0 : i32
      %dma_start3A_569 = arith.constant 0 : i32
      %dma_start3A_570 = tpu.memref_slice %arg2[%dma_start3A_568, %dma_start3A_569] : memref<512x16xf32, #tpu.memory_space<hbm>> -> memref<512x16xf32, #tpu.memory_space<hbm>>
      tpu.enqueue_indirect_dma source(%dma_start3A_570 : memref<512x16xf32, #tpu.memory_space<hbm>>) target(%dma_start3A_565 : memref<40x16xf32, #tpu.memory_space<vmem>>) offsets(%dma_start3A_567 : memref<40xi32, #tpu.memory_space<vmem>>) semaphore(%arg10 : memref<!tpu.dma_semaphore, #tpu.memory_space<semaphore_mem>>)
      %dma_start3A_571 = arith.constant 520 : i32
      %dma_start3A_572 = arith.constant 0 : i32
      %dma_start3A_573 = tpu.memref_slice %arg8[%dma_start3A_571, %dma_start3A_572] : memref<1000x16xf32, #tpu.memory_space<vmem>> -> memref<40x16xf32, #tpu.memory_space<vmem>>
      %dma_start3A_574 = arith.constant 520 : i32
      %dma_start3A_575 = tpu.memref_slice %arg6[%dma_start3A_574] : memref<1000xi32, #tpu.memory_space<vmem>> -> memref<40xi32, #tpu.memory_space<vmem>>
      %dma_start3A_576 = arith.constant 0 : i32
      %dma_start3A_577 = arith.constant 0 : i32
      %dma_start3A_578 = tpu.memref_slice %arg2[%dma_start3A_576, %dma_start3A_577] : memref<512x16xf32, #tpu.memory_space<hbm>> -> memref<512x16xf32, #tpu.memory_space<hbm>>
      tpu.enqueue_indirect_dma source(%dma_start3A_578 : memref<512x16xf32, #tpu.memory_space<hbm>>) target(%dma_start3A_573 : memref<40x16xf32, #tpu.memory_space<vmem>>) offsets(%dma_start3A_575 : memref<40xi32, #tpu.memory_space<vmem>>) semaphore(%arg10 : memref<!tpu.dma_semaphore, #tpu.memory_space<semaphore_mem>>)
      %dma_start3A_579 = arith.constant 560 : i32
      %dma_start3A_580 = arith.constant 0 : i32
      %dma_start3A_581 = tpu.memref_slice %arg8[%dma_start3A_579, %dma_start3A_580] : memref<1000x16xf32, #tpu.memory_space<vmem>> -> memref<40x16xf32, #tpu.memory_space<vmem>>
      %dma_start3A_582 = arith.constant 560 : i32
      %dma_start3A_583 = tpu.memref_slice %arg6[%dma_start3A_582] : memref<1000xi32, #tpu.memory_space<vmem>> -> memref<40xi32, #tpu.memory_space<vmem>>
      %dma_start3A_584 = arith.constant 0 : i32
      %dma_start3A_585 = arith.constant 0 : i32
      %dma_start3A_586 = tpu.memref_slice %arg2[%dma_start3A_584, %dma_start3A_585] : memref<512x16xf32, #tpu.memory_space<hbm>> -> memref<512x16xf32, #tpu.memory_space<hbm>>
      tpu.enqueue_indirect_dma source(%dma_start3A_586 : memref<512x16xf32, #tpu.memory_space<hbm>>) target(%dma_start3A_581 : memref<40x16xf32, #tpu.memory_space<vmem>>) offsets(%dma_start3A_583 : memref<40xi32, #tpu.memory_space<vmem>>) semaphore(%arg10 : memref<!tpu.dma_semaphore, #tpu.memory_space<semaphore_mem>>)
      %dma_start3A_587 = arith.constant 600 : i32
      %dma_start3A_588 = arith.constant 0 : i32
      %dma_start3A_589 = tpu.memref_slice %arg8[%dma_start3A_587, %dma_start3A_588] : memref<1000x16xf32, #tpu.memory_space<vmem>> -> memref<40x16xf32, #tpu.memory_space<vmem>>
      %dma_start3A_590 = arith.constant 600 : i32
      %dma_start3A_591 = tpu.memref_slice %arg6[%dma_start3A_590] : memref<1000xi32, #tpu.memory_space<vmem>> -> memref<40xi32, #tpu.memory_space<vmem>>
      %dma_start3A_592 = arith.constant 0 : i32
      %dma_start3A_593 = arith.constant 0 : i32
      %dma_start3A_594 = tpu.memref_slice %arg2[%dma_start3A_592, %dma_start3A_593] : memref<512x16xf32, #tpu.memory_space<hbm>> -> memref<512x16xf32, #tpu.memory_space<hbm>>
      tpu.enqueue_indirect_dma source(%dma_start3A_594 : memref<512x16xf32, #tpu.memory_space<hbm>>) target(%dma_start3A_589 : memref<40x16xf32, #tpu.memory_space<vmem>>) offsets(%dma_start3A_591 : memref<40xi32, #tpu.memory_space<vmem>>) semaphore(%arg10 : memref<!tpu.dma_semaphore, #tpu.memory_space<semaphore_mem>>)
      %dma_start3A_595 = arith.constant 640 : i32
      %dma_start3A_596 = arith.constant 0 : i32
      %dma_start3A_597 = tpu.memref_slice %arg8[%dma_start3A_595, %dma_start3A_596] : memref<1000x16xf32, #tpu.memory_space<vmem>> -> memref<40x16xf32, #tpu.memory_space<vmem>>
      %dma_start3A_598 = arith.constant 640 : i32
      %dma_start3A_599 = tpu.memref_slice %arg6[%dma_start3A_598] : memref<1000xi32, #tpu.memory_space<vmem>> -> memref<40xi32, #tpu.memory_space<vmem>>
      %dma_start3A_600 = arith.constant 0 : i32
      %dma_start3A_601 = arith.constant 0 : i32
      %dma_start3A_602 = tpu.memref_slice %arg2[%dma_start3A_600, %dma_start3A_601] : memref<512x16xf32, #tpu.memory_space<hbm>> -> memref<512x16xf32, #tpu.memory_space<hbm>>
      tpu.enqueue_indirect_dma source(%dma_start3A_602 : memref<512x16xf32, #tpu.memory_space<hbm>>) target(%dma_start3A_597 : memref<40x16xf32, #tpu.memory_space<vmem>>) offsets(%dma_start3A_599 : memref<40xi32, #tpu.memory_space<vmem>>) semaphore(%arg10 : memref<!tpu.dma_semaphore, #tpu.memory_space<semaphore_mem>>)
      %dma_start3A_603 = arith.constant 680 : i32
      %dma_start3A_604 = arith.constant 0 : i32
      %dma_start3A_605 = tpu.memref_slice %arg8[%dma_start3A_603, %dma_start3A_604] : memref<1000x16xf32, #tpu.memory_space<vmem>> -> memref<40x16xf32, #tpu.memory_space<vmem>>
      %dma_start3A_606 = arith.constant 680 : i32
      %dma_start3A_607 = tpu.memref_slice %arg6[%dma_start3A_606] : memref<1000xi32, #tpu.memory_space<vmem>> -> memref<40xi32, #tpu.memory_space<vmem>>
      %dma_start3A_608 = arith.constant 0 : i32
      %dma_start3A_609 = arith.constant 0 : i32
      %dma_start3A_610 = tpu.memref_slice %arg2[%dma_start3A_608, %dma_start3A_609] : memref<512x16xf32, #tpu.memory_space<hbm>> -> memref<512x16xf32, #tpu.memory_space<hbm>>
      tpu.enqueue_indirect_dma source(%dma_start3A_610 : memref<512x16xf32, #tpu.memory_space<hbm>>) target(%dma_start3A_605 : memref<40x16xf32, #tpu.memory_space<vmem>>) offsets(%dma_start3A_607 : memref<40xi32, #tpu.memory_space<vmem>>) semaphore(%arg10 : memref<!tpu.dma_semaphore, #tpu.memory_space<semaphore_mem>>)
      %dma_start3A_611 = arith.constant 720 : i32
      %dma_start3A_612 = arith.constant 0 : i32
      %dma_start3A_613 = tpu.memref_slice %arg8[%dma_start3A_611, %dma_start3A_612] : memref<1000x16xf32, #tpu.memory_space<vmem>> -> memref<40x16xf32, #tpu.memory_space<vmem>>
      %dma_start3A_614 = arith.constant 720 : i32
      %dma_start3A_615 = tpu.memref_slice %arg6[%dma_start3A_614] : memref<1000xi32, #tpu.memory_space<vmem>> -> memref<40xi32, #tpu.memory_space<vmem>>
      %dma_start3A_616 = arith.constant 0 : i32
      %dma_start3A_617 = arith.constant 0 : i32
      %dma_start3A_618 = tpu.memref_slice %arg2[%dma_start3A_616, %dma_start3A_617] : memref<512x16xf32, #tpu.memory_space<hbm>> -> memref<512x16xf32, #tpu.memory_space<hbm>>
      tpu.enqueue_indirect_dma source(%dma_start3A_618 : memref<512x16xf32, #tpu.memory_space<hbm>>) target(%dma_start3A_613 : memref<40x16xf32, #tpu.memory_space<vmem>>) offsets(%dma_start3A_615 : memref<40xi32, #tpu.memory_space<vmem>>) semaphore(%arg10 : memref<!tpu.dma_semaphore, #tpu.memory_space<semaphore_mem>>)
      %dma_start3A_619 = arith.constant 760 : i32
      %dma_start3A_620 = arith.constant 0 : i32
      %dma_start3A_621 = tpu.memref_slice %arg8[%dma_start3A_619, %dma_start3A_620] : memref<1000x16xf32, #tpu.memory_space<vmem>> -> memref<40x16xf32, #tpu.memory_space<vmem>>
      %dma_start3A_622 = arith.constant 760 : i32
      %dma_start3A_623 = tpu.memref_slice %arg6[%dma_start3A_622] : memref<1000xi32, #tpu.memory_space<vmem>> -> memref<40xi32, #tpu.memory_space<vmem>>
      %dma_start3A_624 = arith.constant 0 : i32
      %dma_start3A_625 = arith.constant 0 : i32
      %dma_start3A_626 = tpu.memref_slice %arg2[%dma_start3A_624, %dma_start3A_625] : memref<512x16xf32, #tpu.memory_space<hbm>> -> memref<512x16xf32, #tpu.memory_space<hbm>>
      tpu.enqueue_indirect_dma source(%dma_start3A_626 : memref<512x16xf32, #tpu.memory_space<hbm>>) target(%dma_start3A_621 : memref<40x16xf32, #tpu.memory_space<vmem>>) offsets(%dma_start3A_623 : memref<40xi32, #tpu.memory_space<vmem>>) semaphore(%arg10 : memref<!tpu.dma_semaphore, #tpu.memory_space<semaphore_mem>>)
      %dma_start3A_627 = arith.constant 800 : i32
      %dma_start3A_628 = arith.constant 0 : i32
      %dma_start3A_629 = tpu.memref_slice %arg8[%dma_start3A_627, %dma_start3A_628] : memref<1000x16xf32, #tpu.memory_space<vmem>> -> memref<40x16xf32, #tpu.memory_space<vmem>>
      %dma_start3A_630 = arith.constant 800 : i32
      %dma_start3A_631 = tpu.memref_slice %arg6[%dma_start3A_630] : memref<1000xi32, #tpu.memory_space<vmem>> -> memref<40xi32, #tpu.memory_space<vmem>>
      %dma_start3A_632 = arith.constant 0 : i32
      %dma_start3A_633 = arith.constant 0 : i32
      %dma_start3A_634 = tpu.memref_slice %arg2[%dma_start3A_632, %dma_start3A_633] : memref<512x16xf32, #tpu.memory_space<hbm>> -> memref<512x16xf32, #tpu.memory_space<hbm>>
      tpu.enqueue_indirect_dma source(%dma_start3A_634 : memref<512x16xf32, #tpu.memory_space<hbm>>) target(%dma_start3A_629 : memref<40x16xf32, #tpu.memory_space<vmem>>) offsets(%dma_start3A_631 : memref<40xi32, #tpu.memory_space<vmem>>) semaphore(%arg10 : memref<!tpu.dma_semaphore, #tpu.memory_space<semaphore_mem>>)
      %dma_start3A_635 = arith.constant 840 : i32
      %dma_start3A_636 = arith.constant 0 : i32
      %dma_start3A_637 = tpu.memref_slice %arg8[%dma_start3A_635, %dma_start3A_636] : memref<1000x16xf32, #tpu.memory_space<vmem>> -> memref<40x16xf32, #tpu.memory_space<vmem>>
      %dma_start3A_638 = arith.constant 840 : i32
      %dma_start3A_639 = tpu.memref_slice %arg6[%dma_start3A_638] : memref<1000xi32, #tpu.memory_space<vmem>> -> memref<40xi32, #tpu.memory_space<vmem>>
      %dma_start3A_640 = arith.constant 0 : i32
      %dma_start3A_641 = arith.constant 0 : i32
      %dma_start3A_642 = tpu.memref_slice %arg2[%dma_start3A_640, %dma_start3A_641] : memref<512x16xf32, #tpu.memory_space<hbm>> -> memref<512x16xf32, #tpu.memory_space<hbm>>
      tpu.enqueue_indirect_dma source(%dma_start3A_642 : memref<512x16xf32, #tpu.memory_space<hbm>>) target(%dma_start3A_637 : memref<40x16xf32, #tpu.memory_space<vmem>>) offsets(%dma_start3A_639 : memref<40xi32, #tpu.memory_space<vmem>>) semaphore(%arg10 : memref<!tpu.dma_semaphore, #tpu.memory_space<semaphore_mem>>)
      %dma_start3A_643 = arith.constant 880 : i32
      %dma_start3A_644 = arith.constant 0 : i32
      %dma_start3A_645 = tpu.memref_slice %arg8[%dma_start3A_643, %dma_start3A_644] : memref<1000x16xf32, #tpu.memory_space<vmem>> -> memref<40x16xf32, #tpu.memory_space<vmem>>
      %dma_start3A_646 = arith.constant 880 : i32
      %dma_start3A_647 = tpu.memref_slice %arg6[%dma_start3A_646] : memref<1000xi32, #tpu.memory_space<vmem>> -> memref<40xi32, #tpu.memory_space<vmem>>
      %dma_start3A_648 = arith.constant 0 : i32
      %dma_start3A_649 = arith.constant 0 : i32
      %dma_start3A_650 = tpu.memref_slice %arg2[%dma_start3A_648, %dma_start3A_649] : memref<512x16xf32, #tpu.memory_space<hbm>> -> memref<512x16xf32, #tpu.memory_space<hbm>>
      tpu.enqueue_indirect_dma source(%dma_start3A_650 : memref<512x16xf32, #tpu.memory_space<hbm>>) target(%dma_start3A_645 : memref<40x16xf32, #tpu.memory_space<vmem>>) offsets(%dma_start3A_647 : memref<40xi32, #tpu.memory_space<vmem>>) semaphore(%arg10 : memref<!tpu.dma_semaphore, #tpu.memory_space<semaphore_mem>>)
      %dma_start3A_651 = arith.constant 920 : i32
      %dma_start3A_652 = arith.constant 0 : i32
      %dma_start3A_653 = tpu.memref_slice %arg8[%dma_start3A_651, %dma_start3A_652] : memref<1000x16xf32, #tpu.memory_space<vmem>> -> memref<40x16xf32, #tpu.memory_space<vmem>>
      %dma_start3A_654 = arith.constant 920 : i32
      %dma_start3A_655 = tpu.memref_slice %arg6[%dma_start3A_654] : memref<1000xi32, #tpu.memory_space<vmem>> -> memref<40xi32, #tpu.memory_space<vmem>>
      %dma_start3A_656 = arith.constant 0 : i32
      %dma_start3A_657 = arith.constant 0 : i32
      %dma_start3A_658 = tpu.memref_slice %arg2[%dma_start3A_656, %dma_start3A_657] : memref<512x16xf32, #tpu.memory_space<hbm>> -> memref<512x16xf32, #tpu.memory_space<hbm>>
      tpu.enqueue_indirect_dma source(%dma_start3A_658 : memref<512x16xf32, #tpu.memory_space<hbm>>) target(%dma_start3A_653 : memref<40x16xf32, #tpu.memory_space<vmem>>) offsets(%dma_start3A_655 : memref<40xi32, #tpu.memory_space<vmem>>) semaphore(%arg10 : memref<!tpu.dma_semaphore, #tpu.memory_space<semaphore_mem>>)
      %dma_start3A_659 = arith.constant 960 : i32
      %dma_start3A_660 = arith.constant 0 : i32
      %dma_start3A_661 = tpu.memref_slice %arg8[%dma_start3A_659, %dma_start3A_660] : memref<1000x16xf32, #tpu.memory_space<vmem>> -> memref<40x16xf32, #tpu.memory_space<vmem>>
      %dma_start3A_662 = arith.constant 960 : i32
      %dma_start3A_663 = tpu.memref_slice %arg6[%dma_start3A_662] : memref<1000xi32, #tpu.memory_space<vmem>> -> memref<40xi32, #tpu.memory_space<vmem>>
      %dma_start3A_664 = arith.constant 0 : i32
      %dma_start3A_665 = arith.constant 0 : i32
      %dma_start3A_666 = tpu.memref_slice %arg2[%dma_start3A_664, %dma_start3A_665] : memref<512x16xf32, #tpu.memory_space<hbm>> -> memref<512x16xf32, #tpu.memory_space<hbm>>
      tpu.enqueue_indirect_dma source(%dma_start3A_666 : memref<512x16xf32, #tpu.memory_space<hbm>>) target(%dma_start3A_661 : memref<40x16xf32, #tpu.memory_space<vmem>>) offsets(%dma_start3A_663 : memref<40xi32, #tpu.memory_space<vmem>>) semaphore(%arg10 : memref<!tpu.dma_semaphore, #tpu.memory_space<semaphore_mem>>)
      %dma_wait3A_667 = arith.constant 0 : i32
      %dma_wait3A_668 = arith.constant 0 : i32
      %dma_wait3A_669 = tpu.memref_slice %arg8[%dma_wait3A_667, %dma_wait3A_668] : memref<1000x16xf32, #tpu.memory_space<vmem>> -> memref<40x16xf32, #tpu.memory_space<vmem>>
      %dma_wait3A_670 = arith.constant 0 : i32
      %dma_wait3A_671 = tpu.memref_slice %arg6[%dma_wait3A_670] : memref<1000xi32, #tpu.memory_space<vmem>> -> memref<40xi32, #tpu.memory_space<vmem>>
      %dma_wait3A_672 = arith.constant 0 : i32
      %dma_wait3A_673 = arith.constant 0 : i32
      %dma_wait3A_674 = tpu.memref_slice %arg2[%dma_wait3A_672, %dma_wait3A_673] : memref<512x16xf32, #tpu.memory_space<hbm>> -> memref<512x16xf32, #tpu.memory_space<hbm>>
      tpu.wait_indirect_dma semaphore(%arg10 : memref<!tpu.dma_semaphore, #tpu.memory_space<semaphore_mem>>) src(%dma_wait3A_674 : memref<512x16xf32, #tpu.memory_space<hbm>>) dst(%dma_wait3A_669 : memref<40x16xf32, #tpu.memory_space<vmem>>)
      %dma_wait3A_675 = arith.constant 40 : i32
      %dma_wait3A_676 = arith.constant 0 : i32
      %dma_wait3A_677 = tpu.memref_slice %arg8[%dma_wait3A_675, %dma_wait3A_676] : memref<1000x16xf32, #tpu.memory_space<vmem>> -> memref<40x16xf32, #tpu.memory_space<vmem>>
      %dma_wait3A_678 = arith.constant 40 : i32
      %dma_wait3A_679 = tpu.memref_slice %arg6[%dma_wait3A_678] : memref<1000xi32, #tpu.memory_space<vmem>> -> memref<40xi32, #tpu.memory_space<vmem>>
      %dma_wait3A_680 = arith.constant 0 : i32
      %dma_wait3A_681 = arith.constant 0 : i32
      %dma_wait3A_682 = tpu.memref_slice %arg2[%dma_wait3A_680, %dma_wait3A_681] : memref<512x16xf32, #tpu.memory_space<hbm>> -> memref<512x16xf32, #tpu.memory_space<hbm>>
      tpu.wait_indirect_dma semaphore(%arg10 : memref<!tpu.dma_semaphore, #tpu.memory_space<semaphore_mem>>) src(%dma_wait3A_682 : memref<512x16xf32, #tpu.memory_space<hbm>>) dst(%dma_wait3A_677 : memref<40x16xf32, #tpu.memory_space<vmem>>)
      %dma_wait3A_683 = arith.constant 80 : i32
      %dma_wait3A_684 = arith.constant 0 : i32
      %dma_wait3A_685 = tpu.memref_slice %arg8[%dma_wait3A_683, %dma_wait3A_684] : memref<1000x16xf32, #tpu.memory_space<vmem>> -> memref<40x16xf32, #tpu.memory_space<vmem>>
      %dma_wait3A_686 = arith.constant 80 : i32
      %dma_wait3A_687 = tpu.memref_slice %arg6[%dma_wait3A_686] : memref<1000xi32, #tpu.memory_space<vmem>> -> memref<40xi32, #tpu.memory_space<vmem>>
      %dma_wait3A_688 = arith.constant 0 : i32
      %dma_wait3A_689 = arith.constant 0 : i32
      %dma_wait3A_690 = tpu.memref_slice %arg2[%dma_wait3A_688, %dma_wait3A_689] : memref<512x16xf32, #tpu.memory_space<hbm>> -> memref<512x16xf32, #tpu.memory_space<hbm>>
      tpu.wait_indirect_dma semaphore(%arg10 : memref<!tpu.dma_semaphore, #tpu.memory_space<semaphore_mem>>) src(%dma_wait3A_690 : memref<512x16xf32, #tpu.memory_space<hbm>>) dst(%dma_wait3A_685 : memref<40x16xf32, #tpu.memory_space<vmem>>)
      %dma_wait3A_691 = arith.constant 120 : i32
      %dma_wait3A_692 = arith.constant 0 : i32
      %dma_wait3A_693 = tpu.memref_slice %arg8[%dma_wait3A_691, %dma_wait3A_692] : memref<1000x16xf32, #tpu.memory_space<vmem>> -> memref<40x16xf32, #tpu.memory_space<vmem>>
      %dma_wait3A_694 = arith.constant 120 : i32
      %dma_wait3A_695 = tpu.memref_slice %arg6[%dma_wait3A_694] : memref<1000xi32, #tpu.memory_space<vmem>> -> memref<40xi32, #tpu.memory_space<vmem>>
      %dma_wait3A_696 = arith.constant 0 : i32
      %dma_wait3A_697 = arith.constant 0 : i32
      %dma_wait3A_698 = tpu.memref_slice %arg2[%dma_wait3A_696, %dma_wait3A_697] : memref<512x16xf32, #tpu.memory_space<hbm>> -> memref<512x16xf32, #tpu.memory_space<hbm>>
      tpu.wait_indirect_dma semaphore(%arg10 : memref<!tpu.dma_semaphore, #tpu.memory_space<semaphore_mem>>) src(%dma_wait3A_698 : memref<512x16xf32, #tpu.memory_space<hbm>>) dst(%dma_wait3A_693 : memref<40x16xf32, #tpu.memory_space<vmem>>)
      %dma_wait3A_699 = arith.constant 160 : i32
      %dma_wait3A_700 = arith.constant 0 : i32
      %dma_wait3A_701 = tpu.memref_slice %arg8[%dma_wait3A_699, %dma_wait3A_700] : memref<1000x16xf32, #tpu.memory_space<vmem>> -> memref<40x16xf32, #tpu.memory_space<vmem>>
      %dma_wait3A_702 = arith.constant 160 : i32
      %dma_wait3A_703 = tpu.memref_slice %arg6[%dma_wait3A_702] : memref<1000xi32, #tpu.memory_space<vmem>> -> memref<40xi32, #tpu.memory_space<vmem>>
      %dma_wait3A_704 = arith.constant 0 : i32
      %dma_wait3A_705 = arith.constant 0 : i32
      %dma_wait3A_706 = tpu.memref_slice %arg2[%dma_wait3A_704, %dma_wait3A_705] : memref<512x16xf32, #tpu.memory_space<hbm>> -> memref<512x16xf32, #tpu.memory_space<hbm>>
      tpu.wait_indirect_dma semaphore(%arg10 : memref<!tpu.dma_semaphore, #tpu.memory_space<semaphore_mem>>) src(%dma_wait3A_706 : memref<512x16xf32, #tpu.memory_space<hbm>>) dst(%dma_wait3A_701 : memref<40x16xf32, #tpu.memory_space<vmem>>)
      %dma_wait3A_707 = arith.constant 200 : i32
      %dma_wait3A_708 = arith.constant 0 : i32
      %dma_wait3A_709 = tpu.memref_slice %arg8[%dma_wait3A_707, %dma_wait3A_708] : memref<1000x16xf32, #tpu.memory_space<vmem>> -> memref<40x16xf32, #tpu.memory_space<vmem>>
      %dma_wait3A_710 = arith.constant 200 : i32
      %dma_wait3A_711 = tpu.memref_slice %arg6[%dma_wait3A_710] : memref<1000xi32, #tpu.memory_space<vmem>> -> memref<40xi32, #tpu.memory_space<vmem>>
      %dma_wait3A_712 = arith.constant 0 : i32
      %dma_wait3A_713 = arith.constant 0 : i32
      %dma_wait3A_714 = tpu.memref_slice %arg2[%dma_wait3A_712, %dma_wait3A_713] : memref<512x16xf32, #tpu.memory_space<hbm>> -> memref<512x16xf32, #tpu.memory_space<hbm>>
      tpu.wait_indirect_dma semaphore(%arg10 : memref<!tpu.dma_semaphore, #tpu.memory_space<semaphore_mem>>) src(%dma_wait3A_714 : memref<512x16xf32, #tpu.memory_space<hbm>>) dst(%dma_wait3A_709 : memref<40x16xf32, #tpu.memory_space<vmem>>)
      %dma_wait3A_715 = arith.constant 240 : i32
      %dma_wait3A_716 = arith.constant 0 : i32
      %dma_wait3A_717 = tpu.memref_slice %arg8[%dma_wait3A_715, %dma_wait3A_716] : memref<1000x16xf32, #tpu.memory_space<vmem>> -> memref<40x16xf32, #tpu.memory_space<vmem>>
      %dma_wait3A_718 = arith.constant 240 : i32
      %dma_wait3A_719 = tpu.memref_slice %arg6[%dma_wait3A_718] : memref<1000xi32, #tpu.memory_space<vmem>> -> memref<40xi32, #tpu.memory_space<vmem>>
      %dma_wait3A_720 = arith.constant 0 : i32
      %dma_wait3A_721 = arith.constant 0 : i32
      %dma_wait3A_722 = tpu.memref_slice %arg2[%dma_wait3A_720, %dma_wait3A_721] : memref<512x16xf32, #tpu.memory_space<hbm>> -> memref<512x16xf32, #tpu.memory_space<hbm>>
      tpu.wait_indirect_dma semaphore(%arg10 : memref<!tpu.dma_semaphore, #tpu.memory_space<semaphore_mem>>) src(%dma_wait3A_722 : memref<512x16xf32, #tpu.memory_space<hbm>>) dst(%dma_wait3A_717 : memref<40x16xf32, #tpu.memory_space<vmem>>)
      %dma_wait3A_723 = arith.constant 280 : i32
      %dma_wait3A_724 = arith.constant 0 : i32
      %dma_wait3A_725 = tpu.memref_slice %arg8[%dma_wait3A_723, %dma_wait3A_724] : memref<1000x16xf32, #tpu.memory_space<vmem>> -> memref<40x16xf32, #tpu.memory_space<vmem>>
      %dma_wait3A_726 = arith.constant 280 : i32
      %dma_wait3A_727 = tpu.memref_slice %arg6[%dma_wait3A_726] : memref<1000xi32, #tpu.memory_space<vmem>> -> memref<40xi32, #tpu.memory_space<vmem>>
      %dma_wait3A_728 = arith.constant 0 : i32
      %dma_wait3A_729 = arith.constant 0 : i32
      %dma_wait3A_730 = tpu.memref_slice %arg2[%dma_wait3A_728, %dma_wait3A_729] : memref<512x16xf32, #tpu.memory_space<hbm>> -> memref<512x16xf32, #tpu.memory_space<hbm>>
      tpu.wait_indirect_dma semaphore(%arg10 : memref<!tpu.dma_semaphore, #tpu.memory_space<semaphore_mem>>) src(%dma_wait3A_730 : memref<512x16xf32, #tpu.memory_space<hbm>>) dst(%dma_wait3A_725 : memref<40x16xf32, #tpu.memory_space<vmem>>)
      %dma_wait3A_731 = arith.constant 320 : i32
      %dma_wait3A_732 = arith.constant 0 : i32
      %dma_wait3A_733 = tpu.memref_slice %arg8[%dma_wait3A_731, %dma_wait3A_732] : memref<1000x16xf32, #tpu.memory_space<vmem>> -> memref<40x16xf32, #tpu.memory_space<vmem>>
      %dma_wait3A_734 = arith.constant 320 : i32
      %dma_wait3A_735 = tpu.memref_slice %arg6[%dma_wait3A_734] : memref<1000xi32, #tpu.memory_space<vmem>> -> memref<40xi32, #tpu.memory_space<vmem>>
      %dma_wait3A_736 = arith.constant 0 : i32
      %dma_wait3A_737 = arith.constant 0 : i32
      %dma_wait3A_738 = tpu.memref_slice %arg2[%dma_wait3A_736, %dma_wait3A_737] : memref<512x16xf32, #tpu.memory_space<hbm>> -> memref<512x16xf32, #tpu.memory_space<hbm>>
      tpu.wait_indirect_dma semaphore(%arg10 : memref<!tpu.dma_semaphore, #tpu.memory_space<semaphore_mem>>) src(%dma_wait3A_738 : memref<512x16xf32, #tpu.memory_space<hbm>>) dst(%dma_wait3A_733 : memref<40x16xf32, #tpu.memory_space<vmem>>)
      %dma_wait3A_739 = arith.constant 360 : i32
      %dma_wait3A_740 = arith.constant 0 : i32
      %dma_wait3A_741 = tpu.memref_slice %arg8[%dma_wait3A_739, %dma_wait3A_740] : memref<1000x16xf32, #tpu.memory_space<vmem>> -> memref<40x16xf32, #tpu.memory_space<vmem>>
      %dma_wait3A_742 = arith.constant 360 : i32
      %dma_wait3A_743 = tpu.memref_slice %arg6[%dma_wait3A_742] : memref<1000xi32, #tpu.memory_space<vmem>> -> memref<40xi32, #tpu.memory_space<vmem>>
      %dma_wait3A_744 = arith.constant 0 : i32
      %dma_wait3A_745 = arith.constant 0 : i32
      %dma_wait3A_746 = tpu.memref_slice %arg2[%dma_wait3A_744, %dma_wait3A_745] : memref<512x16xf32, #tpu.memory_space<hbm>> -> memref<512x16xf32, #tpu.memory_space<hbm>>
      tpu.wait_indirect_dma semaphore(%arg10 : memref<!tpu.dma_semaphore, #tpu.memory_space<semaphore_mem>>) src(%dma_wait3A_746 : memref<512x16xf32, #tpu.memory_space<hbm>>) dst(%dma_wait3A_741 : memref<40x16xf32, #tpu.memory_space<vmem>>)
      %dma_wait3A_747 = arith.constant 400 : i32
      %dma_wait3A_748 = arith.constant 0 : i32
      %dma_wait3A_749 = tpu.memref_slice %arg8[%dma_wait3A_747, %dma_wait3A_748] : memref<1000x16xf32, #tpu.memory_space<vmem>> -> memref<40x16xf32, #tpu.memory_space<vmem>>
      %dma_wait3A_750 = arith.constant 400 : i32
      %dma_wait3A_751 = tpu.memref_slice %arg6[%dma_wait3A_750] : memref<1000xi32, #tpu.memory_space<vmem>> -> memref<40xi32, #tpu.memory_space<vmem>>
      %dma_wait3A_752 = arith.constant 0 : i32
      %dma_wait3A_753 = arith.constant 0 : i32
      %dma_wait3A_754 = tpu.memref_slice %arg2[%dma_wait3A_752, %dma_wait3A_753] : memref<512x16xf32, #tpu.memory_space<hbm>> -> memref<512x16xf32, #tpu.memory_space<hbm>>
      tpu.wait_indirect_dma semaphore(%arg10 : memref<!tpu.dma_semaphore, #tpu.memory_space<semaphore_mem>>) src(%dma_wait3A_754 : memref<512x16xf32, #tpu.memory_space<hbm>>) dst(%dma_wait3A_749 : memref<40x16xf32, #tpu.memory_space<vmem>>)
      %dma_wait3A_755 = arith.constant 440 : i32
      %dma_wait3A_756 = arith.constant 0 : i32
      %dma_wait3A_757 = tpu.memref_slice %arg8[%dma_wait3A_755, %dma_wait3A_756] : memref<1000x16xf32, #tpu.memory_space<vmem>> -> memref<40x16xf32, #tpu.memory_space<vmem>>
      %dma_wait3A_758 = arith.constant 440 : i32
      %dma_wait3A_759 = tpu.memref_slice %arg6[%dma_wait3A_758] : memref<1000xi32, #tpu.memory_space<vmem>> -> memref<40xi32, #tpu.memory_space<vmem>>
      %dma_wait3A_760 = arith.constant 0 : i32
      %dma_wait3A_761 = arith.constant 0 : i32
      %dma_wait3A_762 = tpu.memref_slice %arg2[%dma_wait3A_760, %dma_wait3A_761] : memref<512x16xf32, #tpu.memory_space<hbm>> -> memref<512x16xf32, #tpu.memory_space<hbm>>
      tpu.wait_indirect_dma semaphore(%arg10 : memref<!tpu.dma_semaphore, #tpu.memory_space<semaphore_mem>>) src(%dma_wait3A_762 : memref<512x16xf32, #tpu.memory_space<hbm>>) dst(%dma_wait3A_757 : memref<40x16xf32, #tpu.memory_space<vmem>>)
      %dma_wait3A_763 = arith.constant 480 : i32
      %dma_wait3A_764 = arith.constant 0 : i32
      %dma_wait3A_765 = tpu.memref_slice %arg8[%dma_wait3A_763, %dma_wait3A_764] : memref<1000x16xf32, #tpu.memory_space<vmem>> -> memref<40x16xf32, #tpu.memory_space<vmem>>
      %dma_wait3A_766 = arith.constant 480 : i32
      %dma_wait3A_767 = tpu.memref_slice %arg6[%dma_wait3A_766] : memref<1000xi32, #tpu.memory_space<vmem>> -> memref<40xi32, #tpu.memory_space<vmem>>
      %dma_wait3A_768 = arith.constant 0 : i32
      %dma_wait3A_769 = arith.constant 0 : i32
      %dma_wait3A_770 = tpu.memref_slice %arg2[%dma_wait3A_768, %dma_wait3A_769] : memref<512x16xf32, #tpu.memory_space<hbm>> -> memref<512x16xf32, #tpu.memory_space<hbm>>
      tpu.wait_indirect_dma semaphore(%arg10 : memref<!tpu.dma_semaphore, #tpu.memory_space<semaphore_mem>>) src(%dma_wait3A_770 : memref<512x16xf32, #tpu.memory_space<hbm>>) dst(%dma_wait3A_765 : memref<40x16xf32, #tpu.memory_space<vmem>>)
      %dma_wait3A_771 = arith.constant 520 : i32
      %dma_wait3A_772 = arith.constant 0 : i32
      %dma_wait3A_773 = tpu.memref_slice %arg8[%dma_wait3A_771, %dma_wait3A_772] : memref<1000x16xf32, #tpu.memory_space<vmem>> -> memref<40x16xf32, #tpu.memory_space<vmem>>
      %dma_wait3A_774 = arith.constant 520 : i32
      %dma_wait3A_775 = tpu.memref_slice %arg6[%dma_wait3A_774] : memref<1000xi32, #tpu.memory_space<vmem>> -> memref<40xi32, #tpu.memory_space<vmem>>
      %dma_wait3A_776 = arith.constant 0 : i32
      %dma_wait3A_777 = arith.constant 0 : i32
      %dma_wait3A_778 = tpu.memref_slice %arg2[%dma_wait3A_776, %dma_wait3A_777] : memref<512x16xf32, #tpu.memory_space<hbm>> -> memref<512x16xf32, #tpu.memory_space<hbm>>
      tpu.wait_indirect_dma semaphore(%arg10 : memref<!tpu.dma_semaphore, #tpu.memory_space<semaphore_mem>>) src(%dma_wait3A_778 : memref<512x16xf32, #tpu.memory_space<hbm>>) dst(%dma_wait3A_773 : memref<40x16xf32, #tpu.memory_space<vmem>>)
      %dma_wait3A_779 = arith.constant 560 : i32
      %dma_wait3A_780 = arith.constant 0 : i32
      %dma_wait3A_781 = tpu.memref_slice %arg8[%dma_wait3A_779, %dma_wait3A_780] : memref<1000x16xf32, #tpu.memory_space<vmem>> -> memref<40x16xf32, #tpu.memory_space<vmem>>
      %dma_wait3A_782 = arith.constant 560 : i32
      %dma_wait3A_783 = tpu.memref_slice %arg6[%dma_wait3A_782] : memref<1000xi32, #tpu.memory_space<vmem>> -> memref<40xi32, #tpu.memory_space<vmem>>
      %dma_wait3A_784 = arith.constant 0 : i32
      %dma_wait3A_785 = arith.constant 0 : i32
      %dma_wait3A_786 = tpu.memref_slice %arg2[%dma_wait3A_784, %dma_wait3A_785] : memref<512x16xf32, #tpu.memory_space<hbm>> -> memref<512x16xf32, #tpu.memory_space<hbm>>
      tpu.wait_indirect_dma semaphore(%arg10 : memref<!tpu.dma_semaphore, #tpu.memory_space<semaphore_mem>>) src(%dma_wait3A_786 : memref<512x16xf32, #tpu.memory_space<hbm>>) dst(%dma_wait3A_781 : memref<40x16xf32, #tpu.memory_space<vmem>>)
      %dma_wait3A_787 = arith.constant 600 : i32
      %dma_wait3A_788 = arith.constant 0 : i32
      %dma_wait3A_789 = tpu.memref_slice %arg8[%dma_wait3A_787, %dma_wait3A_788] : memref<1000x16xf32, #tpu.memory_space<vmem>> -> memref<40x16xf32, #tpu.memory_space<vmem>>
      %dma_wait3A_790 = arith.constant 600 : i32
      %dma_wait3A_791 = tpu.memref_slice %arg6[%dma_wait3A_790] : memref<1000xi32, #tpu.memory_space<vmem>> -> memref<40xi32, #tpu.memory_space<vmem>>
      %dma_wait3A_792 = arith.constant 0 : i32
      %dma_wait3A_793 = arith.constant 0 : i32
      %dma_wait3A_794 = tpu.memref_slice %arg2[%dma_wait3A_792, %dma_wait3A_793] : memref<512x16xf32, #tpu.memory_space<hbm>> -> memref<512x16xf32, #tpu.memory_space<hbm>>
      tpu.wait_indirect_dma semaphore(%arg10 : memref<!tpu.dma_semaphore, #tpu.memory_space<semaphore_mem>>) src(%dma_wait3A_794 : memref<512x16xf32, #tpu.memory_space<hbm>>) dst(%dma_wait3A_789 : memref<40x16xf32, #tpu.memory_space<vmem>>)
      %dma_wait3A_795 = arith.constant 640 : i32
      %dma_wait3A_796 = arith.constant 0 : i32
      %dma_wait3A_797 = tpu.memref_slice %arg8[%dma_wait3A_795, %dma_wait3A_796] : memref<1000x16xf32, #tpu.memory_space<vmem>> -> memref<40x16xf32, #tpu.memory_space<vmem>>
      %dma_wait3A_798 = arith.constant 640 : i32
      %dma_wait3A_799 = tpu.memref_slice %arg6[%dma_wait3A_798] : memref<1000xi32, #tpu.memory_space<vmem>> -> memref<40xi32, #tpu.memory_space<vmem>>
      %dma_wait3A_800 = arith.constant 0 : i32
      %dma_wait3A_801 = arith.constant 0 : i32
      %dma_wait3A_802 = tpu.memref_slice %arg2[%dma_wait3A_800, %dma_wait3A_801] : memref<512x16xf32, #tpu.memory_space<hbm>> -> memref<512x16xf32, #tpu.memory_space<hbm>>
      tpu.wait_indirect_dma semaphore(%arg10 : memref<!tpu.dma_semaphore, #tpu.memory_space<semaphore_mem>>) src(%dma_wait3A_802 : memref<512x16xf32, #tpu.memory_space<hbm>>) dst(%dma_wait3A_797 : memref<40x16xf32, #tpu.memory_space<vmem>>)
      %dma_wait3A_803 = arith.constant 680 : i32
      %dma_wait3A_804 = arith.constant 0 : i32
      %dma_wait3A_805 = tpu.memref_slice %arg8[%dma_wait3A_803, %dma_wait3A_804] : memref<1000x16xf32, #tpu.memory_space<vmem>> -> memref<40x16xf32, #tpu.memory_space<vmem>>
      %dma_wait3A_806 = arith.constant 680 : i32
      %dma_wait3A_807 = tpu.memref_slice %arg6[%dma_wait3A_806] : memref<1000xi32, #tpu.memory_space<vmem>> -> memref<40xi32, #tpu.memory_space<vmem>>
      %dma_wait3A_808 = arith.constant 0 : i32
      %dma_wait3A_809 = arith.constant 0 : i32
      %dma_wait3A_810 = tpu.memref_slice %arg2[%dma_wait3A_808, %dma_wait3A_809] : memref<512x16xf32, #tpu.memory_space<hbm>> -> memref<512x16xf32, #tpu.memory_space<hbm>>
      tpu.wait_indirect_dma semaphore(%arg10 : memref<!tpu.dma_semaphore, #tpu.memory_space<semaphore_mem>>) src(%dma_wait3A_810 : memref<512x16xf32, #tpu.memory_space<hbm>>) dst(%dma_wait3A_805 : memref<40x16xf32, #tpu.memory_space<vmem>>)
      %dma_wait3A_811 = arith.constant 720 : i32
      %dma_wait3A_812 = arith.constant 0 : i32
      %dma_wait3A_813 = tpu.memref_slice %arg8[%dma_wait3A_811, %dma_wait3A_812] : memref<1000x16xf32, #tpu.memory_space<vmem>> -> memref<40x16xf32, #tpu.memory_space<vmem>>
      %dma_wait3A_814 = arith.constant 720 : i32
      %dma_wait3A_815 = tpu.memref_slice %arg6[%dma_wait3A_814] : memref<1000xi32, #tpu.memory_space<vmem>> -> memref<40xi32, #tpu.memory_space<vmem>>
      %dma_wait3A_816 = arith.constant 0 : i32
      %dma_wait3A_817 = arith.constant 0 : i32
      %dma_wait3A_818 = tpu.memref_slice %arg2[%dma_wait3A_816, %dma_wait3A_817] : memref<512x16xf32, #tpu.memory_space<hbm>> -> memref<512x16xf32, #tpu.memory_space<hbm>>
      tpu.wait_indirect_dma semaphore(%arg10 : memref<!tpu.dma_semaphore, #tpu.memory_space<semaphore_mem>>) src(%dma_wait3A_818 : memref<512x16xf32, #tpu.memory_space<hbm>>) dst(%dma_wait3A_813 : memref<40x16xf32, #tpu.memory_space<vmem>>)
      %dma_wait3A_819 = arith.constant 760 : i32
      %dma_wait3A_820 = arith.constant 0 : i32
      %dma_wait3A_821 = tpu.memref_slice %arg8[%dma_wait3A_819, %dma_wait3A_820] : memref<1000x16xf32, #tpu.memory_space<vmem>> -> memref<40x16xf32, #tpu.memory_space<vmem>>
      %dma_wait3A_822 = arith.constant 760 : i32
      %dma_wait3A_823 = tpu.memref_slice %arg6[%dma_wait3A_822] : memref<1000xi32, #tpu.memory_space<vmem>> -> memref<40xi32, #tpu.memory_space<vmem>>
      %dma_wait3A_824 = arith.constant 0 : i32
      %dma_wait3A_825 = arith.constant 0 : i32
      %dma_wait3A_826 = tpu.memref_slice %arg2[%dma_wait3A_824, %dma_wait3A_825] : memref<512x16xf32, #tpu.memory_space<hbm>> -> memref<512x16xf32, #tpu.memory_space<hbm>>
      tpu.wait_indirect_dma semaphore(%arg10 : memref<!tpu.dma_semaphore, #tpu.memory_space<semaphore_mem>>) src(%dma_wait3A_826 : memref<512x16xf32, #tpu.memory_space<hbm>>) dst(%dma_wait3A_821 : memref<40x16xf32, #tpu.memory_space<vmem>>)
      %dma_wait3A_827 = arith.constant 800 : i32
      %dma_wait3A_828 = arith.constant 0 : i32
      %dma_wait3A_829 = tpu.memref_slice %arg8[%dma_wait3A_827, %dma_wait3A_828] : memref<1000x16xf32, #tpu.memory_space<vmem>> -> memref<40x16xf32, #tpu.memory_space<vmem>>
      %dma_wait3A_830 = arith.constant 800 : i32
      %dma_wait3A_831 = tpu.memref_slice %arg6[%dma_wait3A_830] : memref<1000xi32, #tpu.memory_space<vmem>> -> memref<40xi32, #tpu.memory_space<vmem>>
      %dma_wait3A_832 = arith.constant 0 : i32
      %dma_wait3A_833 = arith.constant 0 : i32
      %dma_wait3A_834 = tpu.memref_slice %arg2[%dma_wait3A_832, %dma_wait3A_833] : memref<512x16xf32, #tpu.memory_space<hbm>> -> memref<512x16xf32, #tpu.memory_space<hbm>>
      tpu.wait_indirect_dma semaphore(%arg10 : memref<!tpu.dma_semaphore, #tpu.memory_space<semaphore_mem>>) src(%dma_wait3A_834 : memref<512x16xf32, #tpu.memory_space<hbm>>) dst(%dma_wait3A_829 : memref<40x16xf32, #tpu.memory_space<vmem>>)
      %dma_wait3A_835 = arith.constant 840 : i32
      %dma_wait3A_836 = arith.constant 0 : i32
      %dma_wait3A_837 = tpu.memref_slice %arg8[%dma_wait3A_835, %dma_wait3A_836] : memref<1000x16xf32, #tpu.memory_space<vmem>> -> memref<40x16xf32, #tpu.memory_space<vmem>>
      %dma_wait3A_838 = arith.constant 840 : i32
      %dma_wait3A_839 = tpu.memref_slice %arg6[%dma_wait3A_838] : memref<1000xi32, #tpu.memory_space<vmem>> -> memref<40xi32, #tpu.memory_space<vmem>>
      %dma_wait3A_840 = arith.constant 0 : i32
      %dma_wait3A_841 = arith.constant 0 : i32
      %dma_wait3A_842 = tpu.memref_slice %arg2[%dma_wait3A_840, %dma_wait3A_841] : memref<512x16xf32, #tpu.memory_space<hbm>> -> memref<512x16xf32, #tpu.memory_space<hbm>>
      tpu.wait_indirect_dma semaphore(%arg10 : memref<!tpu.dma_semaphore, #tpu.memory_space<semaphore_mem>>) src(%dma_wait3A_842 : memref<512x16xf32, #tpu.memory_space<hbm>>) dst(%dma_wait3A_837 : memref<40x16xf32, #tpu.memory_space<vmem>>)
      %dma_wait3A_843 = arith.constant 880 : i32
      %dma_wait3A_844 = arith.constant 0 : i32
      %dma_wait3A_845 = tpu.memref_slice %arg8[%dma_wait3A_843, %dma_wait3A_844] : memref<1000x16xf32, #tpu.memory_space<vmem>> -> memref<40x16xf32, #tpu.memory_space<vmem>>
      %dma_wait3A_846 = arith.constant 880 : i32
      %dma_wait3A_847 = tpu.memref_slice %arg6[%dma_wait3A_846] : memref<1000xi32, #tpu.memory_space<vmem>> -> memref<40xi32, #tpu.memory_space<vmem>>
      %dma_wait3A_848 = arith.constant 0 : i32
      %dma_wait3A_849 = arith.constant 0 : i32
      %dma_wait3A_850 = tpu.memref_slice %arg2[%dma_wait3A_848, %dma_wait3A_849] : memref<512x16xf32, #tpu.memory_space<hbm>> -> memref<512x16xf32, #tpu.memory_space<hbm>>
      tpu.wait_indirect_dma semaphore(%arg10 : memref<!tpu.dma_semaphore, #tpu.memory_space<semaphore_mem>>) src(%dma_wait3A_850 : memref<512x16xf32, #tpu.memory_space<hbm>>) dst(%dma_wait3A_845 : memref<40x16xf32, #tpu.memory_space<vmem>>)
      %dma_wait3A_851 = arith.constant 920 : i32
      %dma_wait3A_852 = arith.constant 0 : i32
      %dma_wait3A_853 = tpu.memref_slice %arg8[%dma_wait3A_851, %dma_wait3A_852] : memref<1000x16xf32, #tpu.memory_space<vmem>> -> memref<40x16xf32, #tpu.memory_space<vmem>>
      %dma_wait3A_854 = arith.constant 920 : i32
      %dma_wait3A_855 = tpu.memref_slice %arg6[%dma_wait3A_854] : memref<1000xi32, #tpu.memory_space<vmem>> -> memref<40xi32, #tpu.memory_space<vmem>>
      %dma_wait3A_856 = arith.constant 0 : i32
      %dma_wait3A_857 = arith.constant 0 : i32
      %dma_wait3A_858 = tpu.memref_slice %arg2[%dma_wait3A_856, %dma_wait3A_857] : memref<512x16xf32, #tpu.memory_space<hbm>> -> memref<512x16xf32, #tpu.memory_space<hbm>>
      tpu.wait_indirect_dma semaphore(%arg10 : memref<!tpu.dma_semaphore, #tpu.memory_space<semaphore_mem>>) src(%dma_wait3A_858 : memref<512x16xf32, #tpu.memory_space<hbm>>) dst(%dma_wait3A_853 : memref<40x16xf32, #tpu.memory_space<vmem>>)
      %dma_wait3A_859 = arith.constant 960 : i32
      %dma_wait3A_860 = arith.constant 0 : i32
      %dma_wait3A_861 = tpu.memref_slice %arg8[%dma_wait3A_859, %dma_wait3A_860] : memref<1000x16xf32, #tpu.memory_space<vmem>> -> memref<40x16xf32, #tpu.memory_space<vmem>>
      %dma_wait3A_862 = arith.constant 960 : i32
      %dma_wait3A_863 = tpu.memref_slice %arg6[%dma_wait3A_862] : memref<1000xi32, #tpu.memory_space<vmem>> -> memref<40xi32, #tpu.memory_space<vmem>>
      %dma_wait3A_864 = arith.constant 0 : i32
      %dma_wait3A_865 = arith.constant 0 : i32
      %dma_wait3A_866 = tpu.memref_slice %arg2[%dma_wait3A_864, %dma_wait3A_865] : memref<512x16xf32, #tpu.memory_space<hbm>> -> memref<512x16xf32, #tpu.memory_space<hbm>>
      tpu.wait_indirect_dma semaphore(%arg10 : memref<!tpu.dma_semaphore, #tpu.memory_space<semaphore_mem>>) src(%dma_wait3A_866 : memref<512x16xf32, #tpu.memory_space<hbm>>) dst(%dma_wait3A_861 : memref<40x16xf32, #tpu.memory_space<vmem>>)
      %mul3A_867 = arith.constant 1000 : i32
      %mul3A_868 = arith.muli %add3A_450, %mul3A_867 : i32
      %dma_start3A_869 = arith.constant 0 : i32
      %dma_start3A_870 = tpu.memref_slice %arg4[%mul3A_868, %dma_start3A_869] : memref<128000x16xf32, #tpu.memory_space<hbm>> -> memref<1000x16xf32, #tpu.memory_space<hbm>>
      %dma_start3A_871 = arith.constant 0 : i32
      %dma_start3A_872 = tpu.memref_slice %arg4[%mul3A_868, %dma_start3A_871] : memref<128000x16xf32, #tpu.memory_space<hbm>> -> memref<1000x16xf32, #tpu.memory_space<hbm>>
      tpu.enqueue_dma source(%arg8 : memref<1000x16xf32, #tpu.memory_space<vmem>>) target(%dma_start3A_872 : memref<1000x16xf32, #tpu.memory_space<hbm>>) target_semaphore(%arg11 : memref<!tpu.dma_semaphore, #tpu.memory_space<semaphore_mem>>)
    }
    %scan3A_10 = arith.constant 2 : i32
    %dma_wait3A = arith.constant 0 : i32
    %dma_wait3A_11 = arith.constant 0 : i32
    %dma_wait3A_12 = tpu.memref_slice %arg4[%dma_wait3A, %dma_wait3A_11] : memref<128000x16xf32, #tpu.memory_space<hbm>> -> memref<1000x16xf32, #tpu.memory_space<hbm>>
    %dma_wait3A_13 = arith.constant 0 : i32
    %dma_wait3A_14 = arith.constant 0 : i32
    %dma_wait3A_15 = tpu.memref_slice %arg4[%dma_wait3A_13, %dma_wait3A_14] : memref<128000x16xf32, #tpu.memory_space<hbm>> -> memref<1000x16xf32, #tpu.memory_space<hbm>>
    tpu.wait_dma2 semaphore(%arg11 : memref<!tpu.dma_semaphore, #tpu.memory_space<semaphore_mem>>) src(%dma_wait3A_15 : memref<1000x16xf32, #tpu.memory_space<hbm>>) dst(%arg7 : memref<1000x16xf32, #tpu.memory_space<vmem>>)
    %dma_wait3A_16 = arith.constant 0 : i32
    %dma_wait3A_17 = arith.constant 0 : i32
    %dma_wait3A_18 = tpu.memref_slice %arg4[%dma_wait3A_16, %dma_wait3A_17] : memref<128000x16xf32, #tpu.memory_space<hbm>> -> memref<1000x16xf32, #tpu.memory_space<hbm>>
    %dma_wait3A_19 = arith.constant 0 : i32
    %dma_wait3A_20 = arith.constant 0 : i32
    %dma_wait3A_21 = tpu.memref_slice %arg4[%dma_wait3A_19, %dma_wait3A_20] : memref<128000x16xf32, #tpu.memory_space<hbm>> -> memref<1000x16xf32, #tpu.memory_space<hbm>>
    tpu.wait_dma2 semaphore(%arg11 : memref<!tpu.dma_semaphore, #tpu.memory_space<semaphore_mem>>) src(%dma_wait3A_21 : memref<1000x16xf32, #tpu.memory_space<hbm>>) dst(%arg8 : memref<1000x16xf32, #tpu.memory_space<vmem>>)
    return
  }
}

module attributes {stable_mosaic.version = 14 : i64} {
  func.func @_atom_body(%arg0: i32, %arg1: memref<2000x16xf32, #tpu.memory_space<vmem>>, %arg2: memref<2000x256xf32, #tpu.memory_space<vmem>>, %arg3: memref<2000x64xf32, #tpu.memory_space<vmem>>, %arg4: memref<2000x16xf32, #tpu.memory_space<vmem>>, %arg5: memref<16x32xf32, #tpu.memory_space<vmem>>, %arg6: memref<4x32xf32, #tpu.memory_space<vmem>>, %arg7: memref<1x32xf32, #tpu.memory_space<vmem>>, %arg8: memref<256x512xf32, #tpu.memory_space<vmem>>, %arg9: memref<64x512xf32, #tpu.memory_space<vmem>>, %arg10: memref<32x512xf32, #tpu.memory_space<vmem>>, %arg11: memref<256x16xf32, #tpu.memory_space<vmem>>, %arg12: memref<64x4xf32, #tpu.memory_space<vmem>>, %arg13: memref<64x16xf32, #tpu.memory_space<vmem>>, %arg14: memref<16x64xf32, #tpu.memory_space<vmem>>, %arg15: memref<2000x16xf32, #tpu.memory_space<vmem>>, %arg16: memref<2000x24xf32, #tpu.memory_space<vmem>>) attributes {dimension_semantics = [#tpu.dimension_semantics<arbitrary>], iteration_bounds = array<i64: 50>, scalar_prefetch = 0 : i64, scratch_operands = 0 : i64, tpu.core_type = #tpu.core_type<tc>, window_params = [{transform_indices = @transform_0, window_bounds = array<i64: 2000, 16>}, {transform_indices = @transform_1, window_bounds = array<i64: 2000, 256>}, {transform_indices = @transform_2, window_bounds = array<i64: 2000, 64>}, {transform_indices = @transform_3, window_bounds = array<i64: 2000, 16>}, {pipeline_mode = #tpu.pipeline_mode<synchronous>, transform_indices = @transform_4, window_bounds = array<i64: 16, 32>}, {pipeline_mode = #tpu.pipeline_mode<synchronous>, transform_indices = @transform_5, window_bounds = array<i64: 4, 32>}, {pipeline_mode = #tpu.pipeline_mode<synchronous>, transform_indices = @transform_6, window_bounds = array<i64: 1, 32>}, {pipeline_mode = #tpu.pipeline_mode<synchronous>, transform_indices = @transform_7, window_bounds = array<i64: 256, 512>}, {pipeline_mode = #tpu.pipeline_mode<synchronous>, transform_indices = @transform_8, window_bounds = array<i64: 64, 512>}, {pipeline_mode = #tpu.pipeline_mode<synchronous>, transform_indices = @transform_9, window_bounds = array<i64: 32, 512>}, {pipeline_mode = #tpu.pipeline_mode<synchronous>, transform_indices = @transform_10, window_bounds = array<i64: 256, 16>}, {pipeline_mode = #tpu.pipeline_mode<synchronous>, transform_indices = @transform_11, window_bounds = array<i64: 64, 4>}, {pipeline_mode = #tpu.pipeline_mode<synchronous>, transform_indices = @transform_12, window_bounds = array<i64: 64, 16>}, {pipeline_mode = #tpu.pipeline_mode<synchronous>, transform_indices = @transform_13, window_bounds = array<i64: 16, 64>}, {transform_indices = @transform_14, window_bounds = array<i64: 2000, 16>}, {transform_indices = @transform_15, window_bounds = array<i64: 2000, 24>}]} {
    %get3A = arith.constant 0 : index
    %get3A_0 = arith.constant 0 : index
    %get3A_1 = vector.load %arg1[%get3A, %get3A_0] : memref<2000x16xf32, #tpu.memory_space<vmem>>, vector<2000x16xf32>
    %get3A_2 = arith.constant 0 : index
    %get3A_3 = arith.constant 0 : index
    %get3A_4 = vector.load %arg2[%get3A_2, %get3A_3] : memref<2000x256xf32, #tpu.memory_space<vmem>>, vector<2000x256xf32>
    %get3A_5 = arith.constant 0 : index
    %get3A_6 = arith.constant 0 : index
    %get3A_7 = vector.load %arg3[%get3A_5, %get3A_6] : memref<2000x64xf32, #tpu.memory_space<vmem>>, vector<2000x64xf32>
    %get3A_8 = arith.constant 0 : index
    %get3A_9 = arith.constant 0 : index
    %get3A_10 = vector.load %arg4[%get3A_8, %get3A_9] : memref<2000x16xf32, #tpu.memory_space<vmem>>, vector<2000x16xf32>
    %slice3A = vector.extract_strided_slice %get3A_10 {offsets = [0, 0], sizes = [2000, 4], strides = [1, 1]} : vector<2000x16xf32> to vector<2000x4xf32>
    %get3A_11 = arith.constant 0 : index
    %get3A_12 = arith.constant 0 : index
    %get3A_13 = vector.load %arg5[%get3A_11, %get3A_12] : memref<16x32xf32, #tpu.memory_space<vmem>>, vector<16x32xf32>
    %dot_general3A = arith.constant dense<0.000000e+00> : vector<2000x32xf32>
    %dot_general3A_14 = tpu.matmul %get3A_1, %get3A_13, %dot_general3A {dimension_numbers = #tpu.dot_dimension_numbers<[1], [0], [0], [1], [0, 0, 1, 1], [], []>, transpose_lhs_hint = false} : vector<2000x16xf32>, vector<16x32xf32>, vector<2000x32xf32> -> vector<2000x32xf32>
    %get3A_15 = arith.constant 0 : index
    %get3A_16 = arith.constant 0 : index
    %get3A_17 = vector.load %arg6[%get3A_15, %get3A_16] : memref<4x32xf32, #tpu.memory_space<vmem>>, vector<4x32xf32>
    %dot_general3A_18 = arith.constant dense<0.000000e+00> : vector<2000x32xf32>
    %dot_general3A_19 = tpu.matmul %slice3A, %get3A_17, %dot_general3A_18 {dimension_numbers = #tpu.dot_dimension_numbers<[1], [0], [0], [1], [0, 0, 1, 1], [], []>, transpose_lhs_hint = false} : vector<2000x4xf32>, vector<4x32xf32>, vector<2000x32xf32> -> vector<2000x32xf32>
    %add3A = arith.addf %dot_general3A_14, %dot_general3A_19 : vector<2000x32xf32>
    %get3A_20 = arith.constant 0 : index
    %get3A_21 = arith.constant 0 : index
    %get3A_22 = vector.load %arg7[%get3A_20, %get3A_21] : memref<1x32xf32, #tpu.memory_space<vmem>>, vector<1x32xf32>
    %add3A_23 = vector.broadcast %get3A_22 : vector<1x32xf32> to vector<2000x32xf32>
    %add3A_24 = arith.addf %add3A, %add3A_23 : vector<2000x32xf32>
    %get3A_25 = arith.constant 0 : index
    %get3A_26 = arith.constant 0 : index
    %get3A_27 = vector.load %arg8[%get3A_25, %get3A_26] : memref<256x512xf32, #tpu.memory_space<vmem>>, vector<256x512xf32>
    %dot_general3A_28 = arith.constant dense<0.000000e+00> : vector<2000x512xf32>
    %dot_general3A_29 = tpu.matmul %get3A_4, %get3A_27, %dot_general3A_28 {dimension_numbers = #tpu.dot_dimension_numbers<[1], [0], [0], [1], [0, 0, 1, 1], [], []>, transpose_lhs_hint = false} : vector<2000x256xf32>, vector<256x512xf32>, vector<2000x512xf32> -> vector<2000x512xf32>
    %get3A_30 = arith.constant 0 : index
    %get3A_31 = arith.constant 0 : index
    %get3A_32 = vector.load %arg9[%get3A_30, %get3A_31] : memref<64x512xf32, #tpu.memory_space<vmem>>, vector<64x512xf32>
    %dot_general3A_33 = arith.constant dense<0.000000e+00> : vector<2000x512xf32>
    %dot_general3A_34 = tpu.matmul %get3A_7, %get3A_32, %dot_general3A_33 {dimension_numbers = #tpu.dot_dimension_numbers<[1], [0], [0], [1], [0, 0, 1, 1], [], []>, transpose_lhs_hint = false} : vector<2000x64xf32>, vector<64x512xf32>, vector<2000x512xf32> -> vector<2000x512xf32>
    %add3A_35 = arith.addf %dot_general3A_29, %dot_general3A_34 : vector<2000x512xf32>
    %get3A_36 = arith.constant 0 : index
    %get3A_37 = arith.constant 0 : index
    %get3A_38 = vector.load %arg10[%get3A_36, %get3A_37] : memref<32x512xf32, #tpu.memory_space<vmem>>, vector<32x512xf32>
    %dot_general3A_39 = arith.constant dense<0.000000e+00> : vector<2000x512xf32>
    %dot_general3A_40 = tpu.matmul %add3A_24, %get3A_38, %dot_general3A_39 {dimension_numbers = #tpu.dot_dimension_numbers<[1], [0], [0], [1], [0, 0, 1, 1], [], []>, transpose_lhs_hint = false} : vector<2000x32xf32>, vector<32x512xf32>, vector<2000x512xf32> -> vector<2000x512xf32>
    %add3A_41 = arith.addf %add3A_35, %dot_general3A_40 : vector<2000x512xf32>
    %slice3A_42 = vector.extract_strided_slice %add3A_41 {offsets = [0, 0], sizes = [2000, 256], strides = [1, 1]} : vector<2000x512xf32> to vector<2000x256xf32>
    %slice3A_43 = vector.extract_strided_slice %add3A_41 {offsets = [0, 256], sizes = [2000, 256], strides = [1, 1]} : vector<2000x512xf32> to vector<2000x256xf32>
    %neg3A = arith.constant 0.000000e+00 : f32
    %neg3A_44 = vector.broadcast %neg3A : f32 to vector<2000x256xf32>
    %neg3A_45 = arith.subf %neg3A_44, %slice3A_42 : vector<2000x256xf32>
    %exp3A = math.exp %neg3A_45 : vector<2000x256xf32>
    %add3A_46 = arith.constant 1.000000e+00 : f32
    %add3A_47 = vector.broadcast %add3A_46 : f32 to vector<2000x256xf32>
    %add3A_48 = arith.addf %add3A_47, %exp3A : vector<2000x256xf32>
    %div3A = arith.constant 1.000000e+00 : f32
    %div3A_49 = vector.broadcast %div3A : f32 to vector<2000x256xf32>
    %div3A_50 = arith.divf %div3A_49, %add3A_48 : vector<2000x256xf32>
    %custom_jvp_call3A = arith.constant 0.000000e+00 : f32
    %max3A = vector.broadcast %custom_jvp_call3A : f32 to vector<2000x256xf32>
    %max3A_51 = arith.maximumf %slice3A_43, %max3A : vector<2000x256xf32>
    %sub3A = vector.broadcast %custom_jvp_call3A : f32 to vector<2000x256xf32>
    %sub3A_52 = arith.subf %slice3A_43, %sub3A : vector<2000x256xf32>
    %ne3A = arith.cmpf one, %sub3A_52, %sub3A_52 : vector<2000x256xf32>
    %add3A_53 = vector.broadcast %custom_jvp_call3A : f32 to vector<2000x256xf32>
    %add3A_54 = arith.addf %slice3A_43, %add3A_53 : vector<2000x256xf32>
    %abs3A = math.absf %sub3A_52 : vector<2000x256xf32>
    %neg3A_55 = arith.constant 0.000000e+00 : f32
    %neg3A_56 = vector.broadcast %neg3A_55 : f32 to vector<2000x256xf32>
    %neg3A_57 = arith.subf %neg3A_56, %abs3A : vector<2000x256xf32>
    %exp3A_58 = math.exp %neg3A_57 : vector<2000x256xf32>
    %log1p3A = math.log1p %exp3A_58 : vector<2000x256xf32>
    %add3A_59 = arith.addf %max3A_51, %log1p3A : vector<2000x256xf32>
    %select_n3A = arith.select %ne3A, %add3A_54, %add3A_59 : vector<2000x256xi1>, vector<2000x256xf32>
    %mul3A = arith.mulf %div3A_50, %select_n3A : vector<2000x256xf32>
    %get3A_60 = arith.constant 0 : index
    %get3A_61 = arith.constant 0 : index
    %get3A_62 = vector.load %arg11[%get3A_60, %get3A_61] : memref<256x16xf32, #tpu.memory_space<vmem>>, vector<256x16xf32>
    %dot_general3A_63 = arith.constant dense<0.000000e+00> : vector<2000x16xf32>
    %dot_general3A_64 = tpu.matmul %mul3A, %get3A_62, %dot_general3A_63 {dimension_numbers = #tpu.dot_dimension_numbers<[1], [0], [0], [1], [0, 0, 1, 1], [], []>, transpose_lhs_hint = false} : vector<2000x256xf32>, vector<256x16xf32>, vector<2000x16xf32> -> vector<2000x16xf32>
    %add3A_65 = arith.addf %get3A_1, %dot_general3A_64 : vector<2000x16xf32>
    %custom_jvp_call3A_66 = arith.constant 0.000000e+00 : f32
    %max3A_67 = vector.broadcast %custom_jvp_call3A_66 : f32 to vector<2000x16xf32>
    %max3A_68 = arith.maximumf %add3A_65, %max3A_67 : vector<2000x16xf32>
    %sub3A_69 = vector.broadcast %custom_jvp_call3A_66 : f32 to vector<2000x16xf32>
    %sub3A_70 = arith.subf %add3A_65, %sub3A_69 : vector<2000x16xf32>
    %ne3A_71 = arith.cmpf one, %sub3A_70, %sub3A_70 : vector<2000x16xf32>
    %add3A_72 = vector.broadcast %custom_jvp_call3A_66 : f32 to vector<2000x16xf32>
    %add3A_73 = arith.addf %add3A_65, %add3A_72 : vector<2000x16xf32>
    %abs3A_74 = math.absf %sub3A_70 : vector<2000x16xf32>
    %neg3A_75 = arith.constant 0.000000e+00 : f32
    %neg3A_76 = vector.broadcast %neg3A_75 : f32 to vector<2000x16xf32>
    %neg3A_77 = arith.subf %neg3A_76, %abs3A_74 : vector<2000x16xf32>
    %exp3A_78 = math.exp %neg3A_77 : vector<2000x16xf32>
    %log1p3A_79 = math.log1p %exp3A_78 : vector<2000x16xf32>
    %add3A_80 = arith.addf %max3A_68, %log1p3A_79 : vector<2000x16xf32>
    %select_n3A_81 = arith.select %ne3A_71, %add3A_73, %add3A_80 : vector<2000x16xi1>, vector<2000x16xf32>
    %swap3A = arith.constant 0 : index
    %swap3A_82 = arith.constant 0 : index
    %swap3A_83 = vector.load %arg15[%swap3A, %swap3A_82] : memref<2000x16xf32, #tpu.memory_space<vmem>>, vector<2000x16xf32>
    tpu.vector_store %arg15[%swap3A, %swap3A_82], %select_n3A_81 {strides = array<i32>} : memref<2000x16xf32, #tpu.memory_space<vmem>>, vector<2000x16xf32>,
    %get3A_84 = arith.constant 0 : index
    %get3A_85 = arith.constant 0 : index
    %get3A_86 = vector.load %arg13[%get3A_84, %get3A_85] : memref<64x16xf32, #tpu.memory_space<vmem>>, vector<64x16xf32>
    %dot_general3A_87 = arith.constant dense<0.000000e+00> : vector<2000x16xf32>
    %dot_general3A_88 = tpu.matmul %get3A_7, %get3A_86, %dot_general3A_87 {dimension_numbers = #tpu.dot_dimension_numbers<[1], [0], [0], [1], [0, 0, 1, 1], [], []>, transpose_lhs_hint = false} : vector<2000x64xf32>, vector<64x16xf32>, vector<2000x16xf32> -> vector<2000x16xf32>
    %get3A_89 = arith.constant 0 : index
    %get3A_90 = arith.constant 0 : index
    %get3A_91 = vector.load %arg12[%get3A_89, %get3A_90] : memref<64x4xf32, #tpu.memory_space<vmem>>, vector<64x4xf32>
    %dot_general3A_92 = arith.constant dense<0.000000e+00> : vector<2000x4xf32>
    %dot_general3A_93 = tpu.matmul %get3A_7, %get3A_91, %dot_general3A_92 {dimension_numbers = #tpu.dot_dimension_numbers<[1], [0], [0], [1], [0, 0, 1, 1], [], []>, transpose_lhs_hint = false} : vector<2000x64xf32>, vector<64x4xf32>, vector<2000x4xf32> -> vector<2000x4xf32>
    %get3A_94 = arith.constant 0 : index
    %get3A_95 = arith.constant 0 : index
    %get3A_96 = vector.load %arg14[%get3A_94, %get3A_95] : memref<16x64xf32, #tpu.memory_space<vmem>>, vector<16x64xf32>
    %dot_general3A_97 = arith.constant dense<0.000000e+00> : vector<2000x64xf32>
    %dot_general3A_98 = tpu.matmul %dot_general3A_88, %get3A_96, %dot_general3A_97 {dimension_numbers = #tpu.dot_dimension_numbers<[1], [0], [0], [1], [0, 0, 1, 1], [], []>, transpose_lhs_hint = false} : vector<2000x16xf32>, vector<16x64xf32>, vector<2000x64xf32> -> vector<2000x64xf32>
    %mul3A_99 = arith.mulf %dot_general3A_98, %get3A_7 : vector<2000x64xf32>
    %get3A_100 = arith.constant 0 : index
    %get3A_101 = arith.constant 0 : index
    %get3A_102 = vector.load %arg12[%get3A_100, %get3A_101] : memref<64x4xf32, #tpu.memory_space<vmem>>, vector<64x4xf32>
    %dot_general3A_103 = arith.constant dense<0.000000e+00> : vector<2000x4xf32>
    %dot_general3A_104 = tpu.matmul %mul3A_99, %get3A_102, %dot_general3A_103 {dimension_numbers = #tpu.dot_dimension_numbers<[1], [0], [0], [1], [0, 0, 1, 1], [], []>, transpose_lhs_hint = false} : vector<2000x64xf32>, vector<64x4xf32>, vector<2000x4xf32> -> vector<2000x4xf32>
    %concatenate3A = tpu.concatenate %dot_general3A_93, %dot_general3A_104, %dot_general3A_88 in 1 : vector<2000x4xf32>, vector<2000x4xf32>, vector<2000x16xf32> -> vector<2000x24xf32>
    %swap3A_105 = arith.constant 0 : index
    %swap3A_106 = arith.constant 0 : index
    %swap3A_107 = vector.load %arg16[%swap3A_105, %swap3A_106] : memref<2000x24xf32, #tpu.memory_space<vmem>>, vector<2000x24xf32>
    tpu.vector_store %arg16[%swap3A_105, %swap3A_106], %concatenate3A {strides = array<i32>} : memref<2000x24xf32, #tpu.memory_space<vmem>>, vector<2000x24xf32>,
    return
  }
  func.func @transform_0(%arg0: i32) -> (i32, i32) {
    %c0_i32 = arith.constant 0 : i32
    %c0_i32_0 = arith.constant 0 : i32
    return %arg0, %c0_i32 : i32, i32
  }
  func.func @transform_1(%arg0: i32) -> (i32, i32) {
    %c0_i32 = arith.constant 0 : i32
    %c0_i32_0 = arith.constant 0 : i32
    return %arg0, %c0_i32 : i32, i32
  }
  func.func @transform_2(%arg0: i32) -> (i32, i32) {
    %c0_i32 = arith.constant 0 : i32
    %c0_i32_0 = arith.constant 0 : i32
    return %arg0, %c0_i32 : i32, i32
  }
  func.func @transform_3(%arg0: i32) -> (i32, i32) {
    %c0_i32 = arith.constant 0 : i32
    %c0_i32_0 = arith.constant 0 : i32
    return %arg0, %c0_i32 : i32, i32
  }
  func.func @transform_4(%arg0: i32) -> (i32, i32) {
    %c0_i32 = arith.constant 0 : i32
    %c0_i32_0 = arith.constant 0 : i32
    %c0_i32_1 = arith.constant 0 : i32
    return %c0_i32, %c0_i32_0 : i32, i32
  }
  func.func @transform_5(%arg0: i32) -> (i32, i32) {
    %c0_i32 = arith.constant 0 : i32
    %c0_i32_0 = arith.constant 0 : i32
    %c0_i32_1 = arith.constant 0 : i32
    return %c0_i32, %c0_i32_0 : i32, i32
  }
  func.func @transform_6(%arg0: i32) -> (i32, i32) {
    %c0_i32 = arith.constant 0 : i32
    %c0_i32_0 = arith.constant 0 : i32
    %c0_i32_1 = arith.constant 0 : i32
    return %c0_i32, %c0_i32_0 : i32, i32
  }
  func.func @transform_7(%arg0: i32) -> (i32, i32) {
    %c0_i32 = arith.constant 0 : i32
    %c0_i32_0 = arith.constant 0 : i32
    %c0_i32_1 = arith.constant 0 : i32
    return %c0_i32, %c0_i32_0 : i32, i32
  }
  func.func @transform_8(%arg0: i32) -> (i32, i32) {
    %c0_i32 = arith.constant 0 : i32
    %c0_i32_0 = arith.constant 0 : i32
    %c0_i32_1 = arith.constant 0 : i32
    return %c0_i32, %c0_i32_0 : i32, i32
  }
  func.func @transform_9(%arg0: i32) -> (i32, i32) {
    %c0_i32 = arith.constant 0 : i32
    %c0_i32_0 = arith.constant 0 : i32
    %c0_i32_1 = arith.constant 0 : i32
    return %c0_i32, %c0_i32_0 : i32, i32
  }
  func.func @transform_10(%arg0: i32) -> (i32, i32) {
    %c0_i32 = arith.constant 0 : i32
    %c0_i32_0 = arith.constant 0 : i32
    %c0_i32_1 = arith.constant 0 : i32
    return %c0_i32, %c0_i32_0 : i32, i32
  }
  func.func @transform_11(%arg0: i32) -> (i32, i32) {
    %c0_i32 = arith.constant 0 : i32
    %c0_i32_0 = arith.constant 0 : i32
    %c0_i32_1 = arith.constant 0 : i32
    return %c0_i32, %c0_i32_0 : i32, i32
  }
  func.func @transform_12(%arg0: i32) -> (i32, i32) {
    %c0_i32 = arith.constant 0 : i32
    %c0_i32_0 = arith.constant 0 : i32
    %c0_i32_1 = arith.constant 0 : i32
    return %c0_i32, %c0_i32_0 : i32, i32
  }
  func.func @transform_13(%arg0: i32) -> (i32, i32) {
    %c0_i32 = arith.constant 0 : i32
    %c0_i32_0 = arith.constant 0 : i32
    %c0_i32_1 = arith.constant 0 : i32
    return %c0_i32, %c0_i32_0 : i32, i32
  }
  func.func @transform_14(%arg0: i32) -> (i32, i32) {
    %c0_i32 = arith.constant 0 : i32
    %c0_i32_0 = arith.constant 0 : i32
    return %arg0, %c0_i32 : i32, i32
  }
  func.func @transform_15(%arg0: i32) -> (i32, i32) {
    %c0_i32 = arith.constant 0 : i32
    %c0_i32_0 = arith.constant 0 : i32
    return %arg0, %c0_i32 : i32, i32
  }
}

module attributes {stable_mosaic.version = 14 : i64} {
  func.func @_sym_body(%arg0: i32, %arg1: memref<2000x256xf32, #tpu.memory_space<vmem>>, %arg2: memref<2000x24xf32, #tpu.memory_space<vmem>>, %arg3: memref<256x16xf32, #tpu.memory_space<vmem>>, %arg4: memref<16x256xf32, #tpu.memory_space<vmem>>, %arg5: memref<2000x16xf32, #tpu.memory_space<vmem>>) attributes {dimension_semantics = [#tpu.dimension_semantics<arbitrary>], iteration_bounds = array<i64: 50>, scalar_prefetch = 0 : i64, scratch_operands = 0 : i64, tpu.core_type = #tpu.core_type<tc>, window_params = [{transform_indices = @transform_0, window_bounds = array<i64: 2000, 256>}, {transform_indices = @transform_1, window_bounds = array<i64: 2000, 24>}, {pipeline_mode = #tpu.pipeline_mode<synchronous>, transform_indices = @transform_2, window_bounds = array<i64: 256, 16>}, {pipeline_mode = #tpu.pipeline_mode<synchronous>, transform_indices = @transform_3, window_bounds = array<i64: 16, 256>}, {transform_indices = @transform_4, window_bounds = array<i64: 2000, 16>}]} {
    %get3A = arith.constant 0 : index
    %get3A_0 = arith.constant 0 : index
    %get3A_1 = vector.load %arg1[%get3A, %get3A_0] : memref<2000x256xf32, #tpu.memory_space<vmem>>, vector<2000x256xf32>
    %get3A_2 = arith.constant 0 : index
    %get3A_3 = arith.constant 0 : index
    %get3A_4 = vector.load %arg2[%get3A_2, %get3A_3] : memref<2000x24xf32, #tpu.memory_space<vmem>>, vector<2000x24xf32>
    %slice3A = vector.extract_strided_slice %get3A_4 {offsets = [0, 0], sizes = [2000, 4], strides = [1, 1]} : vector<2000x24xf32> to vector<2000x4xf32>
    %slice3A_5 = vector.extract_strided_slice %get3A_4 {offsets = [0, 4], sizes = [2000, 4], strides = [1, 1]} : vector<2000x24xf32> to vector<2000x4xf32>
    %slice3A_6 = vector.extract_strided_slice %get3A_4 {offsets = [0, 8], sizes = [2000, 16], strides = [1, 1]} : vector<2000x24xf32> to vector<2000x16xf32>
    %get3A_7 = arith.constant 0 : index
    %get3A_8 = arith.constant 0 : index
    %get3A_9 = vector.load %arg3[%get3A_7, %get3A_8] : memref<256x16xf32, #tpu.memory_space<vmem>>, vector<256x16xf32>
    %dot_general3A = arith.constant dense<0.000000e+00> : vector<2000x16xf32>
    %dot_general3A_10 = tpu.matmul %get3A_1, %get3A_9, %dot_general3A {dimension_numbers = #tpu.dot_dimension_numbers<[1], [0], [0], [1], [0, 0, 1, 1], [], []>, transpose_lhs_hint = false} : vector<2000x256xf32>, vector<256x16xf32>, vector<2000x16xf32> -> vector<2000x16xf32>
    %get3A_11 = arith.constant 0 : index
    %get3A_12 = arith.constant 0 : index
    %get3A_13 = vector.load %arg4[%get3A_11, %get3A_12] : memref<16x256xf32, #tpu.memory_space<vmem>>, vector<16x256xf32>
    %dot_general3A_14 = arith.constant dense<0.000000e+00> : vector<2000x256xf32>
    %dot_general3A_15 = tpu.matmul %slice3A_6, %get3A_13, %dot_general3A_14 {dimension_numbers = #tpu.dot_dimension_numbers<[1], [0], [0], [1], [0, 0, 1, 1], [], []>, transpose_lhs_hint = false} : vector<2000x16xf32>, vector<16x256xf32>, vector<2000x256xf32> -> vector<2000x256xf32>
    %mul3A = arith.mulf %dot_general3A_15, %get3A_1 : vector<2000x256xf32>
    %get3A_16 = arith.constant 0 : index
    %get3A_17 = arith.constant 0 : index
    %get3A_18 = vector.load %arg3[%get3A_16, %get3A_17] : memref<256x16xf32, #tpu.memory_space<vmem>>, vector<256x16xf32>
    %dot_general3A_19 = arith.constant dense<0.000000e+00> : vector<2000x16xf32>
    %dot_general3A_20 = tpu.matmul %mul3A, %get3A_18, %dot_general3A_19 {dimension_numbers = #tpu.dot_dimension_numbers<[1], [0], [0], [1], [0, 0, 1, 1], [], []>, transpose_lhs_hint = false} : vector<2000x256xf32>, vector<256x16xf32>, vector<2000x16xf32> -> vector<2000x16xf32>
    %mul3A_21 = arith.mulf %slice3A_5, %slice3A_5 : vector<2000x4xf32>
    %reduce_sum3A = arith.constant dense<0.000000e+00> : vector<2000xf32>
    %reduce_sum3A_22 = vector.multi_reduction <add>, %mul3A_21, %reduce_sum3A [1] : vector<2000x4xf32> to vector<2000xf32>
    %broadcast_in_dim3A = vector.shape_cast %reduce_sum3A_22 : vector<2000xf32> to vector<2000x1xf32>
    %mul3A_23 = arith.mulf %dot_general3A_20, %dot_general3A_20 : vector<2000x16xf32>
    %reduce_sum3A_24 = arith.constant dense<0.000000e+00> : vector<2000xf32>
    %reduce_sum3A_25 = vector.multi_reduction <add>, %mul3A_23, %reduce_sum3A_24 [1] : vector<2000x16xf32> to vector<2000xf32>
    %broadcast_in_dim3A_26 = vector.shape_cast %reduce_sum3A_25 : vector<2000xf32> to vector<2000x1xf32>
    %add3A = arith.addf %broadcast_in_dim3A, %broadcast_in_dim3A_26 : vector<2000x1xf32>
    %mul3A_27 = arith.mulf %slice3A_5, %slice3A : vector<2000x4xf32>
    %reduce_sum3A_28 = arith.constant dense<0.000000e+00> : vector<2000xf32>
    %reduce_sum3A_29 = vector.multi_reduction <add>, %mul3A_27, %reduce_sum3A_28 [1] : vector<2000x4xf32> to vector<2000xf32>
    %broadcast_in_dim3A_30 = vector.shape_cast %reduce_sum3A_29 : vector<2000xf32> to vector<2000x1xf32>
    %mul3A_31 = arith.mulf %dot_general3A_20, %dot_general3A_10 : vector<2000x16xf32>
    %reduce_sum3A_32 = arith.constant dense<0.000000e+00> : vector<2000xf32>
    %reduce_sum3A_33 = vector.multi_reduction <add>, %mul3A_31, %reduce_sum3A_32 [1] : vector<2000x16xf32> to vector<2000xf32>
    %broadcast_in_dim3A_34 = vector.shape_cast %reduce_sum3A_33 : vector<2000xf32> to vector<2000x1xf32>
    %add3A_35 = arith.addf %broadcast_in_dim3A_30, %broadcast_in_dim3A_34 : vector<2000x1xf32>
    %mul3A_36 = arith.mulf %slice3A, %slice3A : vector<2000x4xf32>
    %reduce_sum3A_37 = arith.constant dense<0.000000e+00> : vector<2000xf32>
    %reduce_sum3A_38 = vector.multi_reduction <add>, %mul3A_36, %reduce_sum3A_37 [1] : vector<2000x4xf32> to vector<2000xf32>
    %broadcast_in_dim3A_39 = vector.shape_cast %reduce_sum3A_38 : vector<2000xf32> to vector<2000x1xf32>
    %mul3A_40 = arith.mulf %dot_general3A_10, %dot_general3A_10 : vector<2000x16xf32>
    %reduce_sum3A_41 = arith.constant dense<0.000000e+00> : vector<2000xf32>
    %reduce_sum3A_42 = vector.multi_reduction <add>, %mul3A_40, %reduce_sum3A_41 [1] : vector<2000x16xf32> to vector<2000xf32>
    %broadcast_in_dim3A_43 = vector.shape_cast %reduce_sum3A_42 : vector<2000xf32> to vector<2000x1xf32>
    %add3A_44 = arith.addf %broadcast_in_dim3A_39, %broadcast_in_dim3A_43 : vector<2000x1xf32>
    %reduce_sum3A_45 = arith.constant dense<0.000000e+00> : vector<2000xf32>
    %reduce_sum3A_46 = vector.multi_reduction <add>, %slice3A_6, %reduce_sum3A_45 [1] : vector<2000x16xf32> to vector<2000xf32>
    %broadcast_in_dim3A_47 = vector.shape_cast %reduce_sum3A_46 : vector<2000xf32> to vector<2000x1xf32>
    %broadcast_in_dim3A_48 = arith.constant 1.000000e+00 : f32
    %broadcast_in_dim3A_49 = vector.broadcast %broadcast_in_dim3A_48 : f32 to vector<2000x1xf32>
    %broadcast_in_dim3A_50 = arith.constant 0.000000e+00 : f32
    %broadcast_in_dim3A_51 = vector.broadcast %broadcast_in_dim3A_50 : f32 to vector<2000x10xf32>
    %mul3A_52 = arith.mulf %broadcast_in_dim3A_47, %broadcast_in_dim3A_47 : vector<2000x1xf32>
    %concatenate3A = tpu.concatenate %add3A, %add3A_35, %add3A_44, %broadcast_in_dim3A_47, %mul3A_52, %broadcast_in_dim3A_49, %broadcast_in_dim3A_51 in 1 : vector<2000x1xf32>, vector<2000x1xf32>, vector<2000x1xf32>, vector<2000x1xf32>, vector<2000x1xf32>, vector<2000x1xf32>, vector<2000x10xf32> -> vector<2000x16xf32>
    %swap3A = arith.constant 0 : index
    %swap3A_53 = arith.constant 0 : index
    %swap3A_54 = vector.load %arg5[%swap3A, %swap3A_53] : memref<2000x16xf32, #tpu.memory_space<vmem>>, vector<2000x16xf32>
    tpu.vector_store %arg5[%swap3A, %swap3A_53], %concatenate3A {strides = array<i32>} : memref<2000x16xf32, #tpu.memory_space<vmem>>, vector<2000x16xf32>,
    return
  }
  func.func @transform_0(%arg0: i32) -> (i32, i32) {
    %c0_i32 = arith.constant 0 : i32
    %c0_i32_0 = arith.constant 0 : i32
    return %arg0, %c0_i32 : i32, i32
  }
  func.func @transform_1(%arg0: i32) -> (i32, i32) {
    %c0_i32 = arith.constant 0 : i32
    %c0_i32_0 = arith.constant 0 : i32
    return %arg0, %c0_i32 : i32, i32
  }
  func.func @transform_2(%arg0: i32) -> (i32, i32) {
    %c0_i32 = arith.constant 0 : i32
    %c0_i32_0 = arith.constant 0 : i32
    %c0_i32_1 = arith.constant 0 : i32
    return %c0_i32, %c0_i32_0 : i32, i32
  }
  func.func @transform_3(%arg0: i32) -> (i32, i32) {
    %c0_i32 = arith.constant 0 : i32
    %c0_i32_0 = arith.constant 0 : i32
    %c0_i32_1 = arith.constant 0 : i32
    return %c0_i32, %c0_i32_0 : i32, i32
  }
  func.func @transform_4(%arg0: i32) -> (i32, i32) {
    %c0_i32 = arith.constant 0 : i32
    %c0_i32_0 = arith.constant 0 : i32
    return %arg0, %c0_i32 : i32, i32
  }
}

module attributes {stable_mosaic.version = 14 : i64} {
  func.func @_final_body(%arg0: memref<1024x16xf32, #tpu.memory_space<vmem>>, %arg1: memref<512x4xf32, #tpu.memory_space<vmem>>, %arg2: memref<8x8xf32, #tpu.memory_space<vmem>>, %arg3: memref<1x8xf32, #tpu.memory_space<vmem>>, %arg4: memref<512x4xf32, #tpu.memory_space<vmem>>) attributes {dimension_semantics = [], scalar_prefetch = 0 : i64, scratch_operands = 0 : i64, tpu.core_type = #tpu.core_type<tc>} {
    %get3A = arith.constant 0 : index
    %get3A_0 = arith.constant 0 : index
    %get3A_1 = vector.load %arg0[%get3A, %get3A_0] : memref<1024x16xf32, #tpu.memory_space<vmem>>, vector<1024x16xf32>
    %slice3A = vector.extract_strided_slice %get3A_1 {offsets = [0, 0], sizes = [512, 16], strides = [1, 1]} : vector<1024x16xf32> to vector<512x16xf32>
    %slice3A_2 = vector.extract_strided_slice %get3A_1 {offsets = [512, 0], sizes = [512, 16], strides = [1, 1]} : vector<1024x16xf32> to vector<512x16xf32>
    %add3A = arith.addf %slice3A, %slice3A_2 : vector<512x16xf32>
    %slice3A_3 = vector.extract_strided_slice %add3A {offsets = [0, 5], sizes = [512, 1], strides = [1, 1]} : vector<512x16xf32> to vector<512x1xf32>
    %max3A = arith.constant 1.000000e+00 : f32
    %max3A_4 = vector.broadcast %max3A : f32 to vector<512x1xf32>
    %max3A_5 = arith.maximumf %slice3A_3, %max3A_4 : vector<512x1xf32>
    %slice3A_6 = vector.extract_strided_slice %add3A {offsets = [0, 0], sizes = [512, 1], strides = [1, 1]} : vector<512x16xf32> to vector<512x1xf32>
    %div3A = arith.divf %slice3A_6, %max3A_5 : vector<512x1xf32>
    %slice3A_7 = vector.extract_strided_slice %add3A {offsets = [0, 1], sizes = [512, 1], strides = [1, 1]} : vector<512x16xf32> to vector<512x1xf32>
    %div3A_8 = arith.divf %slice3A_7, %max3A_5 : vector<512x1xf32>
    %slice3A_9 = vector.extract_strided_slice %add3A {offsets = [0, 2], sizes = [512, 1], strides = [1, 1]} : vector<512x16xf32> to vector<512x1xf32>
    %div3A_10 = arith.divf %slice3A_9, %max3A_5 : vector<512x1xf32>
    %slice3A_11 = vector.extract_strided_slice %add3A {offsets = [0, 3], sizes = [512, 1], strides = [1, 1]} : vector<512x16xf32> to vector<512x1xf32>
    %div3A_12 = arith.divf %slice3A_11, %max3A_5 : vector<512x1xf32>
    %slice3A_13 = vector.extract_strided_slice %add3A {offsets = [0, 4], sizes = [512, 1], strides = [1, 1]} : vector<512x16xf32> to vector<512x1xf32>
    %div3A_14 = arith.divf %slice3A_13, %max3A_5 : vector<512x1xf32>
    %get3A_15 = arith.constant 0 : index
    %get3A_16 = arith.constant 0 : index
    %get3A_17 = vector.load %arg1[%get3A_15, %get3A_16] : memref<512x4xf32, #tpu.memory_space<vmem>>, vector<512x4xf32>
    %mul3A = arith.mulf %get3A_17, %get3A_17 : vector<512x4xf32>
    %reduce_sum3A = arith.constant dense<0.000000e+00> : vector<512xf32>
    %reduce_sum3A_18 = vector.multi_reduction <add>, %mul3A, %reduce_sum3A [1] : vector<512x4xf32> to vector<512xf32>
    %broadcast_in_dim3A = vector.shape_cast %reduce_sum3A_18 : vector<512xf32> to vector<512x1xf32>
    %mul3A_19 = arith.mulf %broadcast_in_dim3A, %div3A_14 : vector<512x1xf32>
    %add3A_20 = arith.addf %div3A, %mul3A_19 : vector<512x1xf32>
    %mul3A_21 = arith.constant 1.600000e+01 : f32
    %mul3A_22 = vector.broadcast %mul3A_21 : f32 to vector<512x1xf32>
    %mul3A_23 = arith.mulf %mul3A_22, %broadcast_in_dim3A : vector<512x1xf32>
    %mul3A_24 = arith.mulf %mul3A_23, %div3A_12 : vector<512x1xf32>
    %add3A_25 = arith.addf %div3A_8, %mul3A_24 : vector<512x1xf32>
    %mul3A_26 = arith.constant 2.560000e+02 : f32
    %mul3A_27 = vector.broadcast %mul3A_26 : f32 to vector<512x1xf32>
    %mul3A_28 = arith.mulf %mul3A_27, %broadcast_in_dim3A : vector<512x1xf32>
    %add3A_29 = arith.addf %div3A_10, %mul3A_28 : vector<512x1xf32>
    %broadcast_in_dim3A_30 = arith.constant 0.000000e+00 : f32
    %broadcast_in_dim3A_31 = vector.broadcast %broadcast_in_dim3A_30 : f32 to vector<512x1xf32>
    %concatenate3A = tpu.concatenate %add3A_20, %add3A_25, %add3A_29, %broadcast_in_dim3A_31, %broadcast_in_dim3A_31, %broadcast_in_dim3A_31, %broadcast_in_dim3A_31, %broadcast_in_dim3A_31 in 1 : vector<512x1xf32>, vector<512x1xf32>, vector<512x1xf32>, vector<512x1xf32>, vector<512x1xf32>, vector<512x1xf32>, vector<512x1xf32>, vector<512x1xf32> -> vector<512x8xf32>
    %get3A_32 = arith.constant 0 : index
    %get3A_33 = arith.constant 0 : index
    %get3A_34 = vector.load %arg2[%get3A_32, %get3A_33] : memref<8x8xf32, #tpu.memory_space<vmem>>, vector<8x8xf32>
    %dot_general3A = arith.constant dense<0.000000e+00> : vector<512x8xf32>
    %dot_general3A_35 = tpu.matmul %concatenate3A, %get3A_34, %dot_general3A {dimension_numbers = #tpu.dot_dimension_numbers<[1], [0], [0], [1], [0, 0, 1, 1], [], []>, transpose_lhs_hint = false} : vector<512x8xf32>, vector<8x8xf32>, vector<512x8xf32> -> vector<512x8xf32>
    %get3A_36 = arith.constant 0 : index
    %get3A_37 = arith.constant 0 : index
    %get3A_38 = vector.load %arg3[%get3A_36, %get3A_37] : memref<1x8xf32, #tpu.memory_space<vmem>>, vector<1x8xf32>
    %add3A_39 = vector.broadcast %get3A_38 : vector<1x8xf32> to vector<512x8xf32>
    %add3A_40 = arith.addf %dot_general3A_35, %add3A_39 : vector<512x8xf32>
    %slice3A_41 = vector.extract_strided_slice %add3A_40 {offsets = [0, 0], sizes = [512, 4], strides = [1, 1]} : vector<512x8xf32> to vector<512x4xf32>
    %slice3A_42 = vector.extract_strided_slice %add3A_40 {offsets = [0, 4], sizes = [512, 4], strides = [1, 1]} : vector<512x8xf32> to vector<512x4xf32>
    %neg3A = arith.constant 0.000000e+00 : f32
    %neg3A_43 = vector.broadcast %neg3A : f32 to vector<512x4xf32>
    %neg3A_44 = arith.subf %neg3A_43, %slice3A_41 : vector<512x4xf32>
    %exp3A = math.exp %neg3A_44 : vector<512x4xf32>
    %add3A_45 = arith.constant 1.000000e+00 : f32
    %add3A_46 = vector.broadcast %add3A_45 : f32 to vector<512x4xf32>
    %add3A_47 = arith.addf %add3A_46, %exp3A : vector<512x4xf32>
    %div3A_48 = arith.constant 1.000000e+00 : f32
    %div3A_49 = vector.broadcast %div3A_48 : f32 to vector<512x4xf32>
    %div3A_50 = arith.divf %div3A_49, %add3A_47 : vector<512x4xf32>
    %mul3A_51 = arith.mulf %div3A_50, %slice3A_42 : vector<512x4xf32>
    %custom_jvp_call3A = arith.constant 0.000000e+00 : f32
    %max3A_52 = vector.broadcast %custom_jvp_call3A : f32 to vector<512x4xf32>
    %max3A_53 = arith.maximumf %mul3A_51, %max3A_52 : vector<512x4xf32>
    %sub3A = vector.broadcast %custom_jvp_call3A : f32 to vector<512x4xf32>
    %sub3A_54 = arith.subf %mul3A_51, %sub3A : vector<512x4xf32>
    %ne3A = arith.cmpf one, %sub3A_54, %sub3A_54 : vector<512x4xf32>
    %add3A_55 = vector.broadcast %custom_jvp_call3A : f32 to vector<512x4xf32>
    %add3A_56 = arith.addf %mul3A_51, %add3A_55 : vector<512x4xf32>
    %abs3A = math.absf %sub3A_54 : vector<512x4xf32>
    %neg3A_57 = arith.constant 0.000000e+00 : f32
    %neg3A_58 = vector.broadcast %neg3A_57 : f32 to vector<512x4xf32>
    %neg3A_59 = arith.subf %neg3A_58, %abs3A : vector<512x4xf32>
    %exp3A_60 = math.exp %neg3A_59 : vector<512x4xf32>
    %log1p3A = math.log1p %exp3A_60 : vector<512x4xf32>
    %add3A_61 = arith.addf %max3A_53, %log1p3A : vector<512x4xf32>
    %select_n3A = arith.select %ne3A, %add3A_56, %add3A_61 : vector<512x4xi1>, vector<512x4xf32>
    %swap3A = arith.constant 0 : index
    %swap3A_62 = arith.constant 0 : index
    %swap3A_63 = vector.load %arg4[%swap3A, %swap3A_62] : memref<512x4xf32, #tpu.memory_space<vmem>>, vector<512x4xf32>
    tpu.vector_store %arg4[%swap3A, %swap3A_62], %select_n3A {strides = array<i32>} : memref<512x4xf32, #tpu.memory_space<vmem>>, vector<512x4xf32>,
    return
  }
}

</mosaic_0001>

<sc_bundles>
// kernel: kernel.12.cloned.1.call-start
scs
__scs_entry_jumppad:
0x0: {  	(pc) =	sbr.rel $0x88, $3  }
0x1: {  	(tag) =	ssettag $0x0;
	lr =	simm.s32 $0x1  }
0x2: {  	[smem:$0x3F96] =	sst lr;
	_ =	strace $0xD0000000  }
0x3: {  	_ = 	snop  }
0x4: {  	_ = 	snop  }
0x5: {  	_ = 	snop  }
0x6: {  	_ = 	snop  }
0x7: {  	_ = 	snop  }
__scs_overlays_trampoline_lowered:
0x8: {  	[smem:$0x3FA5] =	sst s0  }
0x9: {  	[smem:$0x3FA6] =	sst s1  }
0xa: {  	[smem:$0x3FA7] =	sst s2  }
0xb: {  	[smem:$0x3FA8] =	sst s3  }
0xc: {  	[smem:$0x3FA9] =	sst s4  }
0xd: {  	[smem:$0x3FAA] =	sst s5  }
0xe: {  	[smem:$0x3FAB] =	sst s6  }
0xf: {  	[smem:$0x3FAC] =	sst s7  }
0x10: {  	[smem:$0x3FAD] =	sst s8  }
0x11: {  	[smem:$0x3FAE] =	sst s9;
	s0 =	simm.s32 @!p0 $0x0  }
0x12: {  	s1 =	sld [smem:$0x3F94];
	s0 =	simm.s32 @p0 $0x1  }
0x13: {  	[smem:$0x3FAF] =	sst s0;
	s0 =	simm.s32 @!p1 $0x0  }
0x14: {  	s2 =	sld [smem:$0x3F93];
	s0 =	simm.s32 @p1 $0x1  }
0x15: {  	[smem:$0x3FB0] =	sst s0;
	s0 =	simm.s32 @!p2 $0x0  }
0x16: {  	s3 =	sld [smem:$0x3FDB];
	s0 =	simm.s32 @p2 $0x1  }
0x17: {  	s4 =	simm.s32 $0x1BF5;
	[smem:$0x3FB2] =	sst s0  }
0x18: {  	s0 =	sld [smem:$0x3F95];
	_ =	swait.ge [sflag:s4], $0x0  }
0x19: {  	s7 =	sld [smem:$0x3F96]  }
0x1a: {  	s8 =	sadd.s32 $0xFFFFE003, lr  }
0x1b: {  	s9 =	sadd.s32 $0xFFFFFEF7, lr;
	s5 =	simm.s32 $0xFFFFFFFF;
	p2 =	slt.u32 s8, $0xFFFFF086  }
0x1c: {  	p1 =	slt.u32 s9, $0xF7A;
	s5 =	simm.s32 @!p2 $0x0  }
0x1d: {  	s5 =	simm.s32 @p1 $0x1;
	p0 =	seq.s32 s7, s2  }
0x1e: {  	s7 =	smul.u32 @!p0 $0xF7A, s2;
	p2 =	seq.s32 @!p0 s5, $0x0  }
0x1f: {  	s9 =	smul.u32 $0xF7A, s1;
	s8 =	simm.s32 @!p0 $0x1BF5;
	p2 =	por !p2, p0  }
0x20: {  	[sflag:s8] =	ssyncset.s32 @!p0 $0xFFFFF086;
	s6 =	sadd.s32 @!p0 s3, s7;
	s7 =	simm.s32 @!p0 $0x108  }
0x21: {  	s3 =	sadd.s32 s3, s9;
	s6 =	sadd.s32 @!p0 $0x88, s6;
	s7 =	simm.s32 @p2 $0x1082  }
0x22: {  	[simem:s7], [sflag:s8] =	dma.local @!p0 [hbm:s6], $0xF7A  }
0x23: {  	s9 =	sor.u32 $0xD0000000, s2;
	s6 =	simm.s32 $0x108;
	_ =	swait.ge @!p0 [sflag:s8], $0x0  }
0x24: {  	s3 =	sadd.s32 $0x88, s3;
	s6 =	simm.s32 @!p1 $0x1082;
	[sflag:s4] =	ssyncset.s32 $0xFFFFF086  }
0x25: {  	[simem:s6], [sflag:s4] =	dma.local [hbm:s3], $0xF7A  }
0x26: {  	[smem:$0x3F96] =	sst s1;
	(tag) =	ssettag s2;
	_ =	strace s9  }
0x27: {  	s1 =	sld [smem:$0x3FA6]  }
0x28: {  	s2 =	sld [smem:$0x3FA7]  }
0x29: {  	s4 =	sld [smem:$0x3FA9]  }
0x2a: {  	p0 =	seq.s32 s5, $0x0;
	s5 =	sld [smem:$0x3FAA]  }
0x2b: {  	s6 =	sld [smem:$0x3FAB]  }
0x2c: {  	s7 =	sld [smem:$0x3FAC]  }
0x2d: {  	s3 =	simm.s32 $0x108;
	s8 =	sld [smem:$0x3FAD]  }
0x2e: {  	s3 =	simm.s32 @!p0 $0x1082;
	s9 =	sld [smem:$0x3FAE]  }
0x2f: {  	lr =	sadd.s32 s0, s3;
	s0 =	sld [smem:$0x3FA5]  }
0x30: {  	s3 =	sld [smem:$0x3FA8]  }
0x31: {  	[smem:$0x3FB1] =	sst s10  }
0x32: {  	s10 =	sld [smem:$0x3FAF];
	_ =	sdelay $0x3  }
0x33: {  	p0 =	seq.s32 s10, $0x1;
	s10 =	sld [smem:$0x3FB1];
	_ =	sdelay $0x3  }
0x34: {  	[smem:$0x3FB1] =	sst s10  }
0x35: {  	s10 =	sld [smem:$0x3FB0];
	_ =	sdelay $0x3  }
0x36: {  	p1 =	seq.s32 s10, $0x1;
	s10 =	sld [smem:$0x3FB1];
	_ =	sdelay $0x3  }
0x37: {  	[smem:$0x3FB1] =	sst s10  }
0x38: {  	s10 =	sld [smem:$0x3FB2]  }
0x39: {  	_ = 	snop;
	(pc) =	sbr.ind lr, $3  }
0x3a: {  	_ = 	snop  }
0x3b: {  	_ = 	snop  }
0x3c: {  	p2 =	seq.s32 s10, $0x1;
	s10 =	sld [smem:$0x3FB1]  }
0x3d: {  	_ =	shalt  }
0x3e: {  	_ =	shalt  }
0x3f: {  	_ =	shalt  }
0x40: {  	_ =	shalt  }
0x41: {  	_ =	shalt  }
0x42: {  	_ =	shalt  }
0x43: {  	_ =	shalt  }
0x44: {  	_ =	shalt  }
0x45: {  	_ =	shalt  }
0x46: {  	_ =	shalt  }
0x47: {  	_ =	shalt  }
0x48: {  	_ =	shalt  }
0x49: {  	_ =	shalt  }
0x4a: {  	_ =	shalt  }
0x4b: {  	_ =	shalt  }
0x4c: {  	_ =	shalt  }
0x4d: {  	_ =	shalt  }
0x4e: {  	_ =	shalt  }
0x4f: {  	_ =	shalt  }
0x50: {  	_ =	shalt  }
0x51: {  	_ =	shalt  }
0x52: {  	_ =	shalt  }
0x53: {  	_ =	shalt  }
0x54: {  	_ =	shalt  }
0x55: {  	_ =	shalt  }
0x56: {  	_ =	shalt  }
0x57: {  	_ =	shalt  }
0x58: {  	_ =	shalt  }
0x59: {  	_ =	shalt  }
0x5a: {  	_ =	shalt  }
0x5b: {  	_ =	shalt  }
0x5c: {  	_ =	shalt  }
0x5d: {  	_ =	shalt  }
0x5e: {  	_ =	shalt  }
0x5f: {  	_ =	shalt  }
0x60: {  	_ =	shalt  }
0x61: {  	_ =	shalt  }
0x62: {  	_ =	shalt  }
0x63: {  	_ =	shalt  }
0x64: {  	_ =	shalt  }
0x65: {  	_ =	shalt  }
0x66: {  	_ =	shalt  }
0x67: {  	_ =	shalt  }
0x68: {  	_ =	shalt  }
0x69: {  	_ =	shalt  }
0x6a: {  	_ =	shalt  }
0x6b: {  	_ =	shalt  }
0x6c: {  	_ =	shalt  }
0x6d: {  	_ =	shalt  }
0x6e: {  	_ =	shalt  }
0x6f: {  	_ =	shalt  }
0x70: {  	_ =	shalt  }
0x71: {  	_ =	shalt  }
0x72: {  	_ =	shalt  }
0x73: {  	_ =	shalt  }
0x74: {  	_ =	shalt  }
0x75: {  	_ =	shalt  }
0x76: {  	_ =	shalt  }
0x77: {  	_ =	shalt  }
0x78: {  	_ =	shalt  }
0x79: {  	_ =	shalt  }
0x7a: {  	_ =	shalt  }
0x7b: {  	_ =	shalt  }
0x7c: {  	_ =	shalt  }
0x7d: {  	_ =	shalt  }
0x7e: {  	_ =	shalt  }
0x7f: {  	_ =	shalt  }
0x80: {  	_ =	shalt  }
0x81: {  	_ =	shalt  }
0x82: {  	_ =	shalt  }
0x83: {  	_ =	shalt  }
0x84: {  	_ =	shalt  }
0x85: {  	_ =	shalt  }
0x86: {  	_ =	shalt  }
0x87: {  	_ =	shalt  }
.Lfunc_end0:
.L_simem_size_0:
called_computation.1_lowered:
.L_overlay_start_0:
0x88: {  	s2 =	sld [smem:$0x3FD9]  }
0x89: {  	s3 =	sld [smem:$0x3FFE];
	_ =	sdelay $0x1  }
0x8a: {  	s1 =	srdreg.scid  }
0x8b: {  	s0 =	sand.u32 $0x1, s1  }
0x8c: {  	s17 =	sshll.u32 s0, $0xA;
	s2 =	sadd.s32 s3, s2  }
0x8d: {  	s2 =	sadd.s32 s2, s17  }
0x8e: {  	[smem:$0x3FBD] =	sst s2  }
0x8f: {  	_ = 	snop  }
0x90: {  	(tm) =	ssettm $0x1  }
0x91: {  	s18 =	sld [smem:$0x3FFB];
	_ =	sdelay $0x3  }
0x92: {  	_ =	strace s18  }
0x93: {  	s2 =	sld [smem:$0x3FFC];
	_ =	sdelay $0x3  }
0x94: {  	_ =	strace s2  }
0x95: {  	s2 =	sld [smem:$0x3FFD];
	_ =	sdelay $0x3  }
0x96: {  	_ =	strace s2  }
0x97: {  	_ =	strace $0x8FFFFFFF  }
0x98: {  	s19 =	sld [smem:$0x3FDB];
	_ =	sdelay $0x1  }
0x99: {  	s20 =	simm.s32 $_scs_section_size  }
0x9a: {  	s4 =	simm.s32 $_size__tile_overlayer_lowered;
	s5 =	simm.s32 $_tile_overlayer_lowered  }
0x9b: {  	s6 =	simm.s32 $0x1BFF;
	s21 =	sshll.u32 s5, $0x1;
	s3 =	sadd.s32 s20, s19  }
0x9c: {  	s22 =	simm.s32 $0x0;
	s4 =	sshll.u32 s4, $0x1;
	s5 =	sadd.s32 s21, s3  }
0x9d: {  	[timem:s22], [sflag:s6] =	dma.local [hbm:s5], s4  }
0x9e: {  	_ =	swait.ge [sflag:s6], s4  }
0x9f: {  	s4 =	ssub.s32 $0x0, s4;
	[sflag:s6] =	ssyncset.done $0x0  }
0xa0: {  	[sflag:s6] =	ssyncadd.s32 s4;
	_ =	sdelay $0x1  }
0xa1: {  	s23 =	simm.s32 $0x1B8B  }
0xa2: {  	_ =	swait.ge [sflag:s23], $0x1  }
0xa3: {  	[sflag:s23] =	ssyncset.done $0x0  }
0xa4: {  	[sflag:s23] =	ssyncadd.s32 $0xFFFFFFFF  }
0xa5: {  	s4 =	sld [smem:$0x0]  }
0xa6: {  	s5 =	sand.u32 $0xFFFFFFFE, s1  }
0xa7: {  	p0 =	sne.s32 s1, s5  }
0xa8: {  	s5 =	sshll.u32 @p0 s5, $0xE  }
0xa9: {  	s5 =	sadd.s32 @p0 $0x11B8D, s5;
	s6 =	sshll.u32 @p0 s4, $0x11  }
0xaa: {  	s5 =	sor.u32 @p0 s6, s5  }
0xab: {  	[sflag:s5] =	ssyncadd.remote.s32 @p0 $0x1;
	_ =	sdelay $0x1  }
0xac: {  	s5 =	simm.s32 @p0 $0x1B8D  }
0xad: {  	_ =	swait.eq @p0 [sflag:s5], $0x1  }
0xae: {  	[sflag:s5] =	ssyncadd.s32 @p0 $0xFFFFFFFF  }
0xaf: {  	s6 =	sshll.u32 @!p0 s1, $0xE  }
0xb0: {  	s6 =	sor.u32 @!p0 $0x4000, s6;
	s5 =	simm.s32 @!p0 $0x1B8D  }
0xb1: {  	s4 =	sshll.u32 @!p0 s4, $0x11;
	s6 =	sadd.s32 @!p0 $0x11B8D, s6;
	_ =	swait.eq @!p0 [sflag:s5], $0x1  }
0xb2: {  	s4 =	sor.u32 @!p0 s4, s6;
	[sflag:s5] =	ssyncadd.s32 @!p0 $0xFFFFFFFF  }
0xb3: {  	s25 =	simm.s32 $0x1B8E;
	s24 =	sld [smem:$0x3FFE];
	[sflag:s4] =	ssyncadd.remote.s32 @!p0 $0x1  }
0xb4: {  	s26 =	simm.s32 $execute0_lowered;
	[smem:$0x3FD2] =	sst s25  }
0xb5: {  	s5 =	sshll.u32 s26, $0x1;
	_ =	strace $0x80000049;
	[dreg:$0x1] =	wrdreg $0xFFFFFFFF  }
0xb6: {  	s28 =	simm.s32 $_size_execute0_lowered;
	s3 =	sadd.s32 s3, s5;
	[dreg:$0x0] =	wrdreg $0x0  }
0xb7: {  	s5 =	sshll.u32 s28, $0x1;
	[dreg:$0x2] =	wrdreg s3  }
0xb8: {  	[dreg:$0x3] =	wrdreg s5  }
0xb9: {  	[dreg:$0x4] =	wrdreg $0xC0  }
0xba: {  	_ =	task [dreg:s22], $0x5FFFF  }
0xbb: {  	[dreg:$0x1] =	wrdreg $0xFFFFFFFF  }
0xbc: {  	[dreg:$0x0] =	wrdreg $0x60  }
0xbd: {  	[dreg:$0x2] =	wrdreg s24  }
0xbe: {  	[dreg:$0x3] =	wrdreg $0xA  }
0xbf: {  	_ =	task.clear_ibuf [dreg:s22], $0x4FFFF;
	_ =	strace $0x90000049  }
0xc0: {  	s29 =	simm.s32 $0xA;
	_ =	strace $0x8000004B  }
0xc1: {  	_ =	swait.ge [sflag:s29], $0x1  }
0xc2: {  	[sflag:s29] =	ssyncadd.s32 $0xFFFFFFFF  }
0xc3: {  	_ =	strace $0x9000004B  }
0xc4: {  	_ =	sfence  }
0xc5: {  	s30 =	sld [smem:$0x0];
	_ =	sdelay $0x2  }
0xc6: {  	s31 =	sshll.u32 s1, $0xD;
	s1 =	sshrl.u32 s1, $0x2  }
0xc7: {  	s4 =	sand.u32 $0x4000, s31;
	s1 =	sadd.s32 s1, s30  }
0xc8: {  	s0 =	sor.u32 s4, s0;
	s1 =	sshll.u32 s1, $0x11  }
0xc9: {  	s0 =	sor.u32 s1, s0  }
0xca: {  	s0 =	sadd.s32 $0x8F2B, s0  }
0xcb: {  	[sflag:s0] =	ssyncadd.remote.s32 $0x1  }
0xcc: {  	_ =	sfence.sel $0xFFFF  }
0xcd: {  	[dreg:$0x0] =	wrdreg $0xFFFFFFFF;
	(pc) =	sbr.abs _section_cstart, $3  }
0xce: {  	[dreg:$0x1] =	wrdreg $0xFFFFFFFF  }
0xcf: {  	_ =	task.clear_ibuf [dreg:s22], $0x2FFFF;
	_ =	strace $0x9FFFFFFF  }
0xd0: {  	(tm) =	ssettm $0x7FFFFFFF  }
0xd1: {  	_ =	shalt  }
tec
execute0_lowered:
.L_overlay_start_1:
0x0: {  	(tag) =	ssettag $0x1  }
0x1: {  	s0 =	rddreg [dreg:$0x0]  }
0x2: {  	s2 =	simm.s32 $0x0;
	s1 =	srdreg.scid;
	s3 =	stileid.u32  }
0x3: {  	s9 =	simm.s32 $0x1;
	s10 =	simm.s32 $0x3E8;
	s11 =	simm.s32 $0x28  }
0x4: {  	s12 =	simm.s32 $0x7D0;
	s29 =	simm.s32 $0xA50;
	s16 =	simm.s32 $0x2  }
0x5: {  	s17 =	simm.s32 $0x4650;
	s19 =	simm.s32 $0x690;
	s20 =	simm.s32 $0x70D0  }
0x6: {  	s21 =	simm.s32 $0x6B8;
	s22 =	simm.s32 $0x7350;
	s23 =	simm.s32 $0x6E0  }
0x7: {  	s24 =	simm.s32 $0x75D0;
	s25 =	simm.s32 $0x708;
	s30 =	simm.s32 $0x7850  }
0x8: {  	s31 =	simm.s32 $0x730;
	s13 =	simm.s32 $0x7FD0;
	s14 =	simm.s32 $0x7A8  }
0x9: {  	s15 =	simm.s32 $0x8250;
	s1 =	sand.u32 $0x1, s1;
	s4 =	sshll.u32 s3, $0x1  }
0xa: {  	[smem:$0x7FF] =	sst s2;
	s6 =	ssub.s32 $0x2, s1;
	s1 =	sor.u32 s1, s4  }
0xb: {  	s3 =	sadd.s32 $0x4CDC00, s0;
	s5 =	sadd.s32 $0x4D2000, s0;
	s8 =	smul.u32 $0x1F4, s1  }
0xc: {  	_ =	strace $0x8000004A;
	s4 =	sadd.s32 $0x4CE000, s0;
	s7 =	sshrl.u32 s6, $0x1  }
0xd: {  	s26 =	ssub.s32 s6, s7;
	s6 =	sshll.u32 s1, $0x2;
	s28 =	sadd.s32 s4, s8  }
0xe: {  	s1 =	simm.s32 $0x0;
	s0 =	smax.u32 s26, $0x1;
	[dreg:$0x2] =	wrdreg s28  }
0xf: {  	s7 =	simm.s32 $0x7D50;
	s8 =	simm.s32 $0x780;
	[dreg:$0x3] =	wrdreg s0  }
.LBB2_1:
0x10: {  	[dreg:$0x4] =	wrdreg s1  }
0x11: {  	s26 =	rddreg [dreg:$0x2];
	p1 =	por $0x1, $0x1  }
0x12: {  	s28 =	simm.s32 $0x0;
	s0 =	simm.s32 $0x7AD0;
	s1 =	simm.s32 $0x758  }
0x13: {  	[tilespmem:s2], [sflag:$0x1] =	stream.linear.gather [hbm4b:s26+s2], $0x3E8, $0x38;
	[tilespmem:$0x84D0] =	vst v63  }
.LBB2_2:
0x14: {  	s26 =	sor.u32 s6, s28  }
0x15: {  	s28 =	smul.u32 $0x3E8, s26;
	_ =	sdelay $0x1  }
0x16: {  	_ =	swait.ge [sflag:s9], $0x3E8;
	s28 =	sadd.s32 $0x3E8, s28  }
0x17: {  	[sflag:s9] =	ssyncset.done $0x0;
	s28 =	sshrl.u32 s28, $0x3  }
0x18: {  	[sflag:s9] =	ssyncadd.s32 $0xFFFFFC18;
	s28 =	sadd.s32 s4, s28  }
0x19: {  	[tilespmem:s10], [sflag:$0x1] =	stream.linear.gather [hbm4b:s28+s2], $0x3E8, $0x38;
	[tilespmem:$0x84D0] =	vst v63  }
0x1a: {  	s28 =	simm.s32 @!p1 $0x3  }
0x1b: {  	_ =	swait.ge @!p1 [sflag:s28], $0x3E80  }
0x1c: {  	[sflag:s28] =	ssyncset.done @!p1 $0x0  }
0x1d: {  	[sflag:s28] =	ssyncadd.s32 @!p1 $0xFFFFC180  }
0x1e: {  	[tilespmem:s12], [sflag:$0x2] =	stream.indirect.gather [hbm4b:s3+s11], $0x10, s2, s11, $0xb8;
	[tilespmem:$0x84D0] =	vst v63  }
0x1f: {  	_ = 	snop  }
0x20: {  	[tilespmem:s29], [sflag:$0x2] =	stream.indirect.gather [hbm4b:s3+s11], $0x10, s11, s11, $0xb8;
	[tilespmem:$0x84D0] =	vst v63  }
0x21: {  	s18 =	simm.s32 $0xCD0;
	s29 =	simm.s32 $0x50  }
0x22: {  	[tilespmem:s18], [sflag:$0x2] =	stream.indirect.gather [hbm4b:s3+s11], $0x10, s29, s11, $0xb8;
	[tilespmem:$0x84D0] =	vst v63  }
0x23: {  	s18 =	simm.s32 $0x78;
	s29 =	simm.s32 $0xF50  }
0x24: {  	[tilespmem:s29], [sflag:$0x2] =	stream.indirect.gather [hbm4b:s3+s11], $0x10, s18, s11, $0xb8;
	[tilespmem:$0x84D0] =	vst v63  }
0x25: {  	s18 =	simm.s32 $0xA0;
	s29 =	simm.s32 $0x11D0  }
0x26: {  	[tilespmem:s29], [sflag:$0x2] =	stream.indirect.gather [hbm4b:s3+s11], $0x10, s18, s11, $0xb8;
	[tilespmem:$0x84D0] =	vst v63  }
0x27: {  	s18 =	simm.s32 $0xC8;
	s29 =	simm.s32 $0x1450  }
0x28: {  	[tilespmem:s29], [sflag:$0x2] =	stream.indirect.gather [hbm4b:s3+s11], $0x10, s18, s11, $0xb8;
	[tilespmem:$0x84D0] =	vst v63  }
0x29: {  	s18 =	simm.s32 $0xF0;
	s29 =	simm.s32 $0x16D0  }
0x2a: {  	[tilespmem:s29], [sflag:$0x2] =	stream.indirect.gather [hbm4b:s3+s11], $0x10, s18, s11, $0xb8;
	[tilespmem:$0x84D0] =	vst v63  }
0x2b: {  	s18 =	simm.s32 $0x118;
	s29 =	simm.s32 $0x1950  }
0x2c: {  	[tilespmem:s29], [sflag:$0x2] =	stream.indirect.gather [hbm4b:s3+s11], $0x10, s18, s11, $0xb8;
	[tilespmem:$0x84D0] =	vst v63  }
0x2d: {  	s18 =	simm.s32 $0x140;
	s29 =	simm.s32 $0x1BD0  }
0x2e: {  	[tilespmem:s29], [sflag:$0x2] =	stream.indirect.gather [hbm4b:s3+s11], $0x10, s18, s11, $0xb8;
	[tilespmem:$0x84D0] =	vst v63  }
0x2f: {  	s18 =	simm.s32 $0x168;
	s29 =	simm.s32 $0x1E50  }
0x30: {  	[tilespmem:s29], [sflag:$0x2] =	stream.indirect.gather [hbm4b:s3+s11], $0x10, s18, s11, $0xb8;
	[tilespmem:$0x84D0] =	vst v63  }
0x31: {  	s18 =	simm.s32 $0x190;
	s29 =	simm.s32 $0x20D0  }
0x32: {  	[tilespmem:s29], [sflag:$0x2] =	stream.indirect.gather [hbm4b:s3+s11], $0x10, s18, s11, $0xb8;
	[tilespmem:$0x84D0] =	vst v63  }
0x33: {  	s18 =	simm.s32 $0x1B8;
	s29 =	simm.s32 $0x2350  }
0x34: {  	[tilespmem:s29], [sflag:$0x2] =	stream.indirect.gather [hbm4b:s3+s11], $0x10, s18, s11, $0xb8;
	[tilespmem:$0x84D0] =	vst v63  }
0x35: {  	s18 =	simm.s32 $0x1E0;
	s29 =	simm.s32 $0x25D0  }
0x36: {  	[tilespmem:s29], [sflag:$0x2] =	stream.indirect.gather [hbm4b:s3+s11], $0x10, s18, s11, $0xb8;
	[tilespmem:$0x84D0] =	vst v63  }
0x37: {  	s18 =	simm.s32 $0x208;
	s29 =	simm.s32 $0x2850  }
0x38: {  	[tilespmem:s29], [sflag:$0x2] =	stream.indirect.gather [hbm4b:s3+s11], $0x10, s18, s11, $0xb8;
	[tilespmem:$0x84D0] =	vst v63  }
0x39: {  	s18 =	simm.s32 $0x230;
	s29 =	simm.s32 $0x2AD0  }
0x3a: {  	[tilespmem:s29], [sflag:$0x2] =	stream.indirect.gather [hbm4b:s3+s11], $0x10, s18, s11, $0xb8;
	[tilespmem:$0x84D0] =	vst v63  }
0x3b: {  	s18 =	simm.s32 $0x258;
	s29 =	simm.s32 $0x2D50  }
0x3c: {  	[tilespmem:s29], [sflag:$0x2] =	stream.indirect.gather [hbm4b:s3+s11], $0x10, s18, s11, $0xb8;
	[tilespmem:$0x84D0] =	vst v63  }
0x3d: {  	s18 =	simm.s32 $0x280;
	s29 =	simm.s32 $0x2FD0  }
0x3e: {  	[tilespmem:s29], [sflag:$0x2] =	stream.indirect.gather [hbm4b:s3+s11], $0x10, s18, s11, $0xb8;
	[tilespmem:$0x84D0] =	vst v63  }
0x3f: {  	s18 =	simm.s32 $0x2A8;
	s29 =	simm.s32 $0x3250  }
0x40: {  	[tilespmem:s29], [sflag:$0x2] =	stream.indirect.gather [hbm4b:s3+s11], $0x10, s18, s11, $0xb8;
	[tilespmem:$0x84D0] =	vst v63  }
0x41: {  	s18 =	simm.s32 $0x2D0;
	s29 =	simm.s32 $0x34D0  }
0x42: {  	[tilespmem:s29], [sflag:$0x2] =	stream.indirect.gather [hbm4b:s3+s11], $0x10, s18, s11, $0xb8;
	[tilespmem:$0x84D0] =	vst v63  }
0x43: {  	s18 =	simm.s32 $0x2F8;
	s29 =	simm.s32 $0x3750  }
0x44: {  	[tilespmem:s29], [sflag:$0x2] =	stream.indirect.gather [hbm4b:s3+s11], $0x10, s18, s11, $0xb8;
	[tilespmem:$0x84D0] =	vst v63  }
0x45: {  	s18 =	simm.s32 $0x320;
	s29 =	simm.s32 $0x39D0  }
0x46: {  	[tilespmem:s29], [sflag:$0x2] =	stream.indirect.gather [hbm4b:s3+s11], $0x10, s18, s11, $0xb8;
	[tilespmem:$0x84D0] =	vst v63  }
0x47: {  	s18 =	simm.s32 $0x348;
	s29 =	simm.s32 $0x3C50  }
0x48: {  	[tilespmem:s29], [sflag:$0x2] =	stream.indirect.gather [hbm4b:s3+s11], $0x10, s18, s11, $0xb8;
	[tilespmem:$0x84D0] =	vst v63  }
0x49: {  	s18 =	simm.s32 $0x370;
	s29 =	simm.s32 $0x3ED0  }
0x4a: {  	[tilespmem:s29], [sflag:$0x2] =	stream.indirect.gather [hbm4b:s3+s11], $0x10, s18, s11, $0xb8;
	[tilespmem:$0x84D0] =	vst v63  }
0x4b: {  	s18 =	simm.s32 $0x398;
	s29 =	simm.s32 $0x4150  }
0x4c: {  	[tilespmem:s29], [sflag:$0x2] =	stream.indirect.gather [hbm4b:s3+s11], $0x10, s18, s11, $0xb8;
	[tilespmem:$0x84D0] =	vst v63  }
0x4d: {  	s18 =	simm.s32 $0x3C0;
	s29 =	simm.s32 $0x43D0  }
0x4e: {  	[tilespmem:s29], [sflag:$0x2] =	stream.indirect.gather [hbm4b:s3+s11], $0x10, s18, s11, $0xb8;
	[tilespmem:$0x84D0] =	vst v63  }
0x4f: {  	_ =	swait.ge [sflag:s16], $0x280  }
0x50: {  	[sflag:s16] =	ssyncset.done $0x0  }
0x51: {  	[sflag:s16] =	ssyncadd.s32 $0xFFFFFD80  }
0x52: {  	_ =	swait.ge [sflag:s16], $0x280  }
0x53: {  	[sflag:s16] =	ssyncset.done $0x0  }
0x54: {  	[sflag:s16] =	ssyncadd.s32 $0xFFFFFD80  }
0x55: {  	_ =	swait.ge [sflag:s16], $0x280  }
0x56: {  	[sflag:s16] =	ssyncset.done $0x0  }
0x57: {  	[sflag:s16] =	ssyncadd.s32 $0xFFFFFD80  }
0x58: {  	_ =	swait.ge [sflag:s16], $0x280  }
0x59: {  	[sflag:s16] =	ssyncset.done $0x0  }
0x5a: {  	[sflag:s16] =	ssyncadd.s32 $0xFFFFFD80  }
0x5b: {  	_ =	swait.ge [sflag:s16], $0x280  }
0x5c: {  	[sflag:s16] =	ssyncset.done $0x0  }
0x5d: {  	[sflag:s16] =	ssyncadd.s32 $0xFFFFFD80  }
0x5e: {  	_ =	swait.ge [sflag:s16], $0x280  }
0x5f: {  	[sflag:s16] =	ssyncset.done $0x0  }
0x60: {  	[sflag:s16] =	ssyncadd.s32 $0xFFFFFD80  }
0x61: {  	_ =	swait.ge [sflag:s16], $0x280  }
0x62: {  	[sflag:s16] =	ssyncset.done $0x0  }
0x63: {  	[sflag:s16] =	ssyncadd.s32 $0xFFFFFD80  }
0x64: {  	_ =	swait.ge [sflag:s16], $0x280  }
0x65: {  	[sflag:s16] =	ssyncset.done $0x0  }
0x66: {  	[sflag:s16] =	ssyncadd.s32 $0xFFFFFD80  }
0x67: {  	_ =	swait.ge [sflag:s16], $0x280  }
0x68: {  	[sflag:s16] =	ssyncset.done $0x0  }
0x69: {  	[sflag:s16] =	ssyncadd.s32 $0xFFFFFD80  }
0x6a: {  	_ =	swait.ge [sflag:s16], $0x280  }
0x6b: {  	[sflag:s16] =	ssyncset.done $0x0  }
0x6c: {  	[sflag:s16] =	ssyncadd.s32 $0xFFFFFD80  }
0x6d: {  	_ =	swait.ge [sflag:s16], $0x280  }
0x6e: {  	[sflag:s16] =	ssyncset.done $0x0  }
0x6f: {  	[sflag:s16] =	ssyncadd.s32 $0xFFFFFD80  }
0x70: {  	_ =	swait.ge [sflag:s16], $0x280  }
0x71: {  	[sflag:s16] =	ssyncset.done $0x0  }
0x72: {  	[sflag:s16] =	ssyncadd.s32 $0xFFFFFD80  }
0x73: {  	_ =	swait.ge [sflag:s16], $0x280  }
0x74: {  	[sflag:s16] =	ssyncset.done $0x0  }
0x75: {  	[sflag:s16] =	ssyncadd.s32 $0xFFFFFD80  }
0x76: {  	_ =	swait.ge [sflag:s16], $0x280  }
0x77: {  	[sflag:s16] =	ssyncset.done $0x0  }
0x78: {  	[sflag:s16] =	ssyncadd.s32 $0xFFFFFD80  }
0x79: {  	_ =	swait.ge [sflag:s16], $0x280  }
0x7a: {  	[sflag:s16] =	ssyncset.done $0x0  }
0x7b: {  	[sflag:s16] =	ssyncadd.s32 $0xFFFFFD80  }
0x7c: {  	_ =	swait.ge [sflag:s16], $0x280  }
0x7d: {  	[sflag:s16] =	ssyncset.done $0x0  }
0x7e: {  	[sflag:s16] =	ssyncadd.s32 $0xFFFFFD80  }
0x7f: {  	_ =	swait.ge [sflag:s16], $0x280  }
0x80: {  	[sflag:s16] =	ssyncset.done $0x0  }
0x81: {  	[sflag:s16] =	ssyncadd.s32 $0xFFFFFD80  }
0x82: {  	_ =	swait.ge [sflag:s16], $0x280  }
0x83: {  	[sflag:s16] =	ssyncset.done $0x0  }
0x84: {  	[sflag:s16] =	ssyncadd.s32 $0xFFFFFD80  }
0x85: {  	_ =	swait.ge [sflag:s16], $0x280  }
0x86: {  	[sflag:s16] =	ssyncset.done $0x0  }
0x87: {  	[sflag:s16] =	ssyncadd.s32 $0xFFFFFD80  }
0x88: {  	_ =	swait.ge [sflag:s16], $0x280  }
0x89: {  	[sflag:s16] =	ssyncset.done $0x0  }
0x8a: {  	[sflag:s16] =	ssyncadd.s32 $0xFFFFFD80  }
0x8b: {  	_ =	swait.ge [sflag:s16], $0x280  }
0x8c: {  	[sflag:s16] =	ssyncset.done $0x0  }
0x8d: {  	[sflag:s16] =	ssyncadd.s32 $0xFFFFFD80  }
0x8e: {  	_ =	swait.ge [sflag:s16], $0x280  }
0x8f: {  	[sflag:s16] =	ssyncset.done $0x0  }
0x90: {  	[sflag:s16] =	ssyncadd.s32 $0xFFFFFD80  }
0x91: {  	_ =	swait.ge [sflag:s16], $0x280  }
0x92: {  	[sflag:s16] =	ssyncset.done $0x0  }
0x93: {  	[sflag:s16] =	ssyncadd.s32 $0xFFFFFD80  }
0x94: {  	_ =	swait.ge [sflag:s16], $0x280  }
0x95: {  	[sflag:s16] =	ssyncset.done $0x0  }
0x96: {  	[sflag:s16] =	ssyncadd.s32 $0xFFFFFD80  }
0x97: {  	s29 =	smul.u32 $0x7D0, s26;
	_ =	swait.ge [sflag:s16], $0x280  }
0x98: {  	[sflag:s16] =	ssyncset.done $0x0  }
0x99: {  	s29 =	sadd.s32 s5, s29;
	[sflag:s16] =	ssyncadd.s32 $0xFFFFFD80  }
0x9a: {  	[hbm4b:s29+s2] =	stream.linear.scatter [tilespmem:s12], [sflag:$0x3], $0x3E80, $0x38;
	[tilespmem:$0x84D0] =	vst v63  }
0x9b: {  	s26 =	sor.u32 $0x1, s26;
	_ =	swait.ge [sflag:s9], $0x3E8  }
0x9c: {  	s29 =	smul.u32 @p1 $0x3E8, s26;
	[sflag:s9] =	ssyncset.done $0x0  }
0x9d: {  	[sflag:s9] =	ssyncadd.s32 $0xFFFFFC18  }
0x9e: {  	s29 =	sadd.s32 @p1 $0x3E8, s29;
	_ =	swait.ge @!p1 [sflag:s28], $0x3E80  }
0x9f: {  	s29 =	sshrl.u32 @p1 s29, $0x3;
	[sflag:s28] =	ssyncset.done @!p1 $0x0  }
0xa0: {  	[sflag:s28] =	ssyncadd.s32 @!p1 $0xFFFFC180;
	s28 =	sadd.s32 @p1 s4, s29;
	s29 =	simm.s32 @p1 $0x0  }
0xa1: {  	[tilespmem:s29], [sflag:$0x1] =	stream.linear.gather @p1 [hbm4b:s28+s29], $0x3E8, $0x38;
	[tilespmem:$0x84D0] =	vst v63  }
0xa2: {  	_ = 	snop  }
0xa3: {  	[tilespmem:s17], [sflag:$0x2] =	stream.indirect.gather [hbm4b:s3+s11], $0x10, s10, s11, $0xb8;
	[tilespmem:$0x84D0] =	vst v63  }
0xa4: {  	s18 =	simm.s32 $0x410;
	s28 =	simm.s32 $0x48D0  }
0xa5: {  	[tilespmem:s28], [sflag:$0x2] =	stream.indirect.gather [hbm4b:s3+s11], $0x10, s18, s11, $0xb8;
	[tilespmem:$0x84D0] =	vst v63  }
0xa6: {  	s18 =	simm.s32 $0x438;
	s28 =	simm.s32 $0x4B50  }
0xa7: {  	[tilespmem:s28], [sflag:$0x2] =	stream.indirect.gather [hbm4b:s3+s11], $0x10, s18, s11, $0xb8;
	[tilespmem:$0x84D0] =	vst v63  }
0xa8: {  	s18 =	simm.s32 $0x460;
	s28 =	simm.s32 $0x4DD0  }
0xa9: {  	[tilespmem:s28], [sflag:$0x2] =	stream.indirect.gather [hbm4b:s3+s11], $0x10, s18, s11, $0xb8;
	[tilespmem:$0x84D0] =	vst v63  }
0xaa: {  	s18 =	simm.s32 $0x488;
	s28 =	simm.s32 $0x5050  }
0xab: {  	[tilespmem:s28], [sflag:$0x2] =	stream.indirect.gather [hbm4b:s3+s11], $0x10, s18, s11, $0xb8;
	[tilespmem:$0x84D0] =	vst v63  }
0xac: {  	s18 =	simm.s32 $0x4B0;
	s28 =	simm.s32 $0x52D0  }
0xad: {  	[tilespmem:s28], [sflag:$0x2] =	stream.indirect.gather [hbm4b:s3+s11], $0x10, s18, s11, $0xb8;
	[tilespmem:$0x84D0] =	vst v63  }
0xae: {  	s18 =	simm.s32 $0x4D8;
	s28 =	simm.s32 $0x5550  }
0xaf: {  	[tilespmem:s28], [sflag:$0x2] =	stream.indirect.gather [hbm4b:s3+s11], $0x10, s18, s11, $0xb8;
	[tilespmem:$0x84D0] =	vst v63  }
0xb0: {  	s18 =	simm.s32 $0x500;
	s28 =	simm.s32 $0x57D0  }
0xb1: {  	[tilespmem:s28], [sflag:$0x2] =	stream.indirect.gather [hbm4b:s3+s11], $0x10, s18, s11, $0xb8;
	[tilespmem:$0x84D0] =	vst v63  }
0xb2: {  	s18 =	simm.s32 $0x528;
	s28 =	simm.s32 $0x5A50  }
0xb3: {  	[tilespmem:s28], [sflag:$0x2] =	stream.indirect.gather [hbm4b:s3+s11], $0x10, s18, s11, $0xb8;
	[tilespmem:$0x84D0] =	vst v63  }
0xb4: {  	s18 =	simm.s32 $0x550;
	s28 =	simm.s32 $0x5CD0  }
0xb5: {  	[tilespmem:s28], [sflag:$0x2] =	stream.indirect.gather [hbm4b:s3+s11], $0x10, s18, s11, $0xb8;
	[tilespmem:$0x84D0] =	vst v63  }
0xb6: {  	s18 =	simm.s32 $0x578;
	s28 =	simm.s32 $0x5F50  }
0xb7: {  	[tilespmem:s28], [sflag:$0x2] =	stream.indirect.gather [hbm4b:s3+s11], $0x10, s18, s11, $0xb8;
	[tilespmem:$0x84D0] =	vst v63  }
0xb8: {  	s18 =	simm.s32 $0x5A0;
	s28 =	simm.s32 $0x61D0  }
0xb9: {  	[tilespmem:s28], [sflag:$0x2] =	stream.indirect.gather [hbm4b:s3+s11], $0x10, s18, s11, $0xb8;
	[tilespmem:$0x84D0] =	vst v63  }
0xba: {  	s18 =	simm.s32 $0x5C8;
	s28 =	simm.s32 $0x6450  }
0xbb: {  	[tilespmem:s28], [sflag:$0x2] =	stream.indirect.gather [hbm4b:s3+s11], $0x10, s18, s11, $0xb8;
	[tilespmem:$0x84D0] =	vst v63  }
0xbc: {  	s18 =	simm.s32 $0x5F0;
	s28 =	simm.s32 $0x66D0  }
0xbd: {  	[tilespmem:s28], [sflag:$0x2] =	stream.indirect.gather [hbm4b:s3+s11], $0x10, s18, s11, $0xb8;
	[tilespmem:$0x84D0] =	vst v63  }
0xbe: {  	s18 =	simm.s32 $0x618;
	s28 =	simm.s32 $0x6950  }
0xbf: {  	[tilespmem:s28], [sflag:$0x2] =	stream.indirect.gather [hbm4b:s3+s11], $0x10, s18, s11, $0xb8;
	[tilespmem:$0x84D0] =	vst v63  }
0xc0: {  	s18 =	simm.s32 $0x640;
	s28 =	simm.s32 $0x6BD0  }
0xc1: {  	[tilespmem:s28], [sflag:$0x2] =	stream.indirect.gather [hbm4b:s3+s11], $0x10, s18, s11, $0xb8;
	[tilespmem:$0x84D0] =	vst v63  }
0xc2: {  	s18 =	simm.s32 $0x668;
	s28 =	simm.s32 $0x6E50  }
0xc3: {  	[tilespmem:s28], [sflag:$0x2] =	stream.indirect.gather [hbm4b:s3+s11], $0x10, s18, s11, $0xb8;
	[tilespmem:$0x84D0] =	vst v63  }
0xc4: {  	_ = 	snop  }
0xc5: {  	[tilespmem:s20], [sflag:$0x2] =	stream.indirect.gather [hbm4b:s3+s11], $0x10, s19, s11, $0xb8;
	[tilespmem:$0x84D0] =	vst v63  }
0xc6: {  	_ = 	snop  }
0xc7: {  	[tilespmem:s22], [sflag:$0x2] =	stream.indirect.gather [hbm4b:s3+s11], $0x10, s21, s11, $0xb8;
	[tilespmem:$0x84D0] =	vst v63  }
0xc8: {  	_ = 	snop  }
0xc9: {  	[tilespmem:s24], [sflag:$0x2] =	stream.indirect.gather [hbm4b:s3+s11], $0x10, s23, s11, $0xb8;
	[tilespmem:$0x84D0] =	vst v63  }
0xca: {  	_ = 	snop  }
0xcb: {  	[tilespmem:s30], [sflag:$0x2] =	stream.indirect.gather [hbm4b:s3+s11], $0x10, s25, s11, $0xb8;
	[tilespmem:$0x84D0] =	vst v63  }
0xcc: {  	_ = 	snop  }
0xcd: {  	[tilespmem:s0], [sflag:$0x2] =	stream.indirect.gather [hbm4b:s3+s11], $0x10, s31, s11, $0xb8;
	[tilespmem:$0x84D0] =	vst v63  }
0xce: {  	_ = 	snop  }
0xcf: {  	[tilespmem:s7], [sflag:$0x2] =	stream.indirect.gather [hbm4b:s3+s11], $0x10, s1, s11, $0xb8;
	[tilespmem:$0x84D0] =	vst v63  }
0xd0: {  	_ = 	snop  }
0xd1: {  	[tilespmem:s13], [sflag:$0x2] =	stream.indirect.gather [hbm4b:s3+s11], $0x10, s8, s11, $0xb8;
	[tilespmem:$0x84D0] =	vst v63  }
0xd2: {  	s28 =	simm.s32 $0x2  }
0xd3: {  	[tilespmem:s15], [sflag:$0x2] =	stream.indirect.gather [hbm4b:s3+s11], $0x10, s14, s11, $0xb8;
	[tilespmem:$0x84D0] =	vst v63  }
0xd4: {  	_ =	swait.ge [sflag:s28], $0x280  }
0xd5: {  	[sflag:s28] =	ssyncset.done $0x0  }
0xd6: {  	[sflag:s28] =	ssyncadd.s32 $0xFFFFFD80  }
0xd7: {  	_ =	swait.ge [sflag:s28], $0x280  }
0xd8: {  	[sflag:s28] =	ssyncset.done $0x0  }
0xd9: {  	[sflag:s28] =	ssyncadd.s32 $0xFFFFFD80  }
0xda: {  	_ =	swait.ge [sflag:s28], $0x280  }
0xdb: {  	[sflag:s28] =	ssyncset.done $0x0  }
0xdc: {  	[sflag:s28] =	ssyncadd.s32 $0xFFFFFD80  }
0xdd: {  	_ =	swait.ge [sflag:s28], $0x280  }
0xde: {  	[sflag:s28] =	ssyncset.done $0x0  }
0xdf: {  	[sflag:s28] =	ssyncadd.s32 $0xFFFFFD80  }
0xe0: {  	_ =	swait.ge [sflag:s28], $0x280  }
0xe1: {  	[sflag:s28] =	ssyncset.done $0x0  }
0xe2: {  	[sflag:s28] =	ssyncadd.s32 $0xFFFFFD80  }
0xe3: {  	_ =	swait.ge [sflag:s28], $0x280  }
0xe4: {  	[sflag:s28] =	ssyncset.done $0x0  }
0xe5: {  	[sflag:s28] =	ssyncadd.s32 $0xFFFFFD80  }
0xe6: {  	_ =	swait.ge [sflag:s28], $0x280  }
0xe7: {  	[sflag:s28] =	ssyncset.done $0x0  }
0xe8: {  	[sflag:s28] =	ssyncadd.s32 $0xFFFFFD80  }
0xe9: {  	_ =	swait.ge [sflag:s28], $0x280  }
0xea: {  	[sflag:s28] =	ssyncset.done $0x0  }
0xeb: {  	[sflag:s28] =	ssyncadd.s32 $0xFFFFFD80  }
0xec: {  	_ =	swait.ge [sflag:s28], $0x280  }
0xed: {  	[sflag:s28] =	ssyncset.done $0x0  }
0xee: {  	[sflag:s28] =	ssyncadd.s32 $0xFFFFFD80  }
0xef: {  	_ =	swait.ge [sflag:s28], $0x280  }
0xf0: {  	[sflag:s28] =	ssyncset.done $0x0  }
0xf1: {  	[sflag:s28] =	ssyncadd.s32 $0xFFFFFD80  }
0xf2: {  	_ =	swait.ge [sflag:s28], $0x280  }
0xf3: {  	[sflag:s28] =	ssyncset.done $0x0  }
0xf4: {  	[sflag:s28] =	ssyncadd.s32 $0xFFFFFD80  }
0xf5: {  	_ =	swait.ge [sflag:s28], $0x280  }
0xf6: {  	[sflag:s28] =	ssyncset.done $0x0  }
0xf7: {  	[sflag:s28] =	ssyncadd.s32 $0xFFFFFD80  }
0xf8: {  	_ =	swait.ge [sflag:s28], $0x280  }
0xf9: {  	[sflag:s28] =	ssyncset.done $0x0  }
0xfa: {  	[sflag:s28] =	ssyncadd.s32 $0xFFFFFD80  }
0xfb: {  	_ =	swait.ge [sflag:s28], $0x280  }
0xfc: {  	[sflag:s28] =	ssyncset.done $0x0  }
0xfd: {  	[sflag:s28] =	ssyncadd.s32 $0xFFFFFD80  }
0xfe: {  	_ =	swait.ge [sflag:s28], $0x280  }
0xff: {  	[sflag:s28] =	ssyncset.done $0x0  }
0x100: {  	[sflag:s28] =	ssyncadd.s32 $0xFFFFFD80  }
0x101: {  	_ =	swait.ge [sflag:s28], $0x280  }
0x102: {  	[sflag:s28] =	ssyncset.done $0x0  }
0x103: {  	[sflag:s28] =	ssyncadd.s32 $0xFFFFFD80  }
0x104: {  	_ =	swait.ge [sflag:s28], $0x280  }
0x105: {  	[sflag:s28] =	ssyncset.done $0x0  }
0x106: {  	[sflag:s28] =	ssyncadd.s32 $0xFFFFFD80  }
0x107: {  	_ =	swait.ge [sflag:s28], $0x280  }
0x108: {  	[sflag:s28] =	ssyncset.done $0x0  }
0x109: {  	[sflag:s28] =	ssyncadd.s32 $0xFFFFFD80  }
0x10a: {  	_ =	swait.ge [sflag:s28], $0x280  }
0x10b: {  	[sflag:s28] =	ssyncset.done $0x0  }
0x10c: {  	[sflag:s28] =	ssyncadd.s32 $0xFFFFFD80  }
0x10d: {  	_ =	swait.ge [sflag:s28], $0x280  }
0x10e: {  	[sflag:s28] =	ssyncset.done $0x0  }
0x10f: {  	[sflag:s28] =	ssyncadd.s32 $0xFFFFFD80  }
0x110: {  	_ =	swait.ge [sflag:s28], $0x280  }
0x111: {  	[sflag:s28] =	ssyncset.done $0x0  }
0x112: {  	[sflag:s28] =	ssyncadd.s32 $0xFFFFFD80  }
0x113: {  	_ =	swait.ge [sflag:s28], $0x280  }
0x114: {  	[sflag:s28] =	ssyncset.done $0x0  }
0x115: {  	[sflag:s28] =	ssyncadd.s32 $0xFFFFFD80  }
0x116: {  	_ =	swait.ge [sflag:s28], $0x280  }
0x117: {  	[sflag:s28] =	ssyncset.done $0x0  }
0x118: {  	[sflag:s28] =	ssyncadd.s32 $0xFFFFFD80  }
0x119: {  	_ =	swait.ge [sflag:s28], $0x280  }
0x11a: {  	p0 =	por p1, p1;
	s26 =	smul.u32 $0x7D0, s26;
	[sflag:s28] =	ssyncset.done $0x0  }
.Ltmp0:
0x11b: {  	[sflag:s28] =	ssyncadd.s32 $0xFFFFFD80;
	(pc) =	sbr.rel @p0 .LBB2_2-.Ltmp0, $4  }
0x11c: {  	_ =	swait.ge [sflag:s28], $0x280  }
0x11d: {  	s26 =	sadd.s32 s5, s26;
	[sflag:s28] =	ssyncset.done $0x0  }
0x11e: {  	s29 =	simm.s32 $0xA50;
	p1 =	por $0x0, $0x0;
	[sflag:s28] =	ssyncadd.s32 $0xFFFFFD80  }
0x11f: {  	[hbm4b:s26+s2] =	stream.linear.scatter [tilespmem:s17], [sflag:$0x3], $0x3E80, $0x38;
	[tilespmem:$0x84D0] =	vst v63  }
0x120: {  	s0 =	simm.s32 $0x3  }
0x121: {  	_ =	swait.ge [sflag:s0], $0x3E80  }
0x122: {  	[sflag:s0] =	ssyncset.done $0x0  }
0x123: {  	[sflag:s0] =	ssyncadd.s32 $0xFFFFC180  }
0x124: {  	_ =	swait.ge [sflag:s0], $0x3E80  }
0x125: {  	s1 =	rddreg [dreg:$0x4]  }
0x126: {  	s26 =	rddreg [dreg:$0x3];
	s1 =	sadd.s32 $0x1, s1  }
0x127: {  	p0 =	sne.s32 s1, s26  }
.Ltmp1:
0x128: {  	_ = 	snop;
	(pc) =	sbr.rel @p0 .LBB2_1-.Ltmp1, $3  }
0x129: {  	_ =	sdelay $0x1  }
0x12a: {  	[sflag:s0] =	ssyncset.done $0x0  }
0x12b: {  	[sflag:s0] =	ssyncadd.s32 $0xFFFFC180  }
0x12c: {  	_ =	sfence.sel $0x180000  }
0x12d: {  	[bflag:$0x0] =	sbarrier.arrive $0xFFFF  }
0x12e: {  	_ =	strace $0x9000004A  }
0x12f: {  	s0 =	stileid.u32;
	[bflag:$0x2] =	sbarrier.arrive $0xFFFF  }
0x130: {  	p0 =	sne.s32 s0, $0x0;
	s0 =	rddreg [dreg:$0x1]  }
0x131: {  	s0 =	sadd.s32 @!p0 $0x100000, s0  }
0x132: {  	[sflag:s0] =	ssyncadd.tile.s32 @!p0 $0x1;
	_ =	shalt  }
.Lfunc_end2:
_tile_overlayer_lowered:
.L_overlay_start_2:
0x133: {  	(tag) =	ssettag $0x2  }
0x134: {  	s0 =	rddreg [dreg:$0x0];
	s2 =	stileid.u32  }
0x135: {  	s1 =	rddreg [dreg:$0x1];
	p0 =	sne.s32 s2, $0x0  }
0x136: {  	s3 =	rddreg [dreg:$0x2];
	[bflag:$0x3] =	sbarrier.arrive $0xFFFF;
	s2 =	simm.s32 @!p0 $0x1C04  }
0x137: {  	[timem:s3], [sflag:s2] =	dma.local @!p0 [hbm:s0], s1  }
0x138: {  	s0 =	simm.s32 @!p0 $0x4  }
0x139: {  	_ =	swait.ge @!p0 [sflag:s0], s1  }
0x13a: {  	s1 =	ssub.s32 @!p0 $0x0, s1;
	[sflag:s0] =	ssyncset.done @!p0 $0x0  }
0x13b: {  	[sflag:s0] =	ssyncadd.s32 @!p0 s1  }
0x13c: {  	[bflag:$0x3] =	sbarrier.arrive $0xFFFF  }
0x13d: {  	_ =	shalt  }

// kernel: kernel.15.cloned.1.call-start
scs
__scs_entry_jumppad:
0x0: {  	(pc) =	sbr.rel $0x88, $3  }
0x1: {  	(tag) =	ssettag $0x0;
	lr =	simm.s32 $0x1  }
0x2: {  	[smem:$0x3F96] =	sst lr;
	_ =	strace $0xD0000000  }
0x3: {  	_ = 	snop  }
0x4: {  	_ = 	snop  }
0x5: {  	_ = 	snop  }
0x6: {  	_ = 	snop  }
0x7: {  	_ = 	snop  }
__scs_overlays_trampoline_lowered:
0x8: {  	[smem:$0x3FA5] =	sst s0  }
0x9: {  	[smem:$0x3FA6] =	sst s1  }
0xa: {  	[smem:$0x3FA7] =	sst s2  }
0xb: {  	[smem:$0x3FA8] =	sst s3  }
0xc: {  	[smem:$0x3FA9] =	sst s4  }
0xd: {  	[smem:$0x3FAA] =	sst s5  }
0xe: {  	[smem:$0x3FAB] =	sst s6  }
0xf: {  	[smem:$0x3FAC] =	sst s7  }
0x10: {  	[smem:$0x3FAD] =	sst s8  }
0x11: {  	[smem:$0x3FAE] =	sst s9;
	s0 =	simm.s32 @!p0 $0x0  }
0x12: {  	s1 =	sld [smem:$0x3F94];
	s0 =	simm.s32 @p0 $0x1  }
0x13: {  	[smem:$0x3FAF] =	sst s0;
	s0 =	simm.s32 @!p1 $0x0  }
0x14: {  	s2 =	sld [smem:$0x3F93];
	s0 =	simm.s32 @p1 $0x1  }
0x15: {  	[smem:$0x3FB0] =	sst s0;
	s0 =	simm.s32 @!p2 $0x0  }
0x16: {  	s3 =	sld [smem:$0x3FDB];
	s0 =	simm.s32 @p2 $0x1  }
0x17: {  	s4 =	simm.s32 $0x1BF5;
	[smem:$0x3FB2] =	sst s0  }
0x18: {  	s0 =	sld [smem:$0x3F95];
	_ =	swait.ge [sflag:s4], $0x0  }
0x19: {  	s7 =	sld [smem:$0x3F96]  }
0x1a: {  	s8 =	sadd.s32 $0xFFFFE003, lr  }
0x1b: {  	s9 =	sadd.s32 $0xFFFFFEF7, lr;
	s5 =	simm.s32 $0xFFFFFFFF;
	p2 =	slt.u32 s8, $0xFFFFF086  }
0x1c: {  	p1 =	slt.u32 s9, $0xF7A;
	s5 =	simm.s32 @!p2 $0x0  }
0x1d: {  	s5 =	simm.s32 @p1 $0x1;
	p0 =	seq.s32 s7, s2  }
0x1e: {  	s7 =	smul.u32 @!p0 $0xF7A, s2;
	p2 =	seq.s32 @!p0 s5, $0x0  }
0x1f: {  	s9 =	smul.u32 $0xF7A, s1;
	s8 =	simm.s32 @!p0 $0x1BF5;
	p2 =	por !p2, p0  }
0x20: {  	[sflag:s8] =	ssyncset.s32 @!p0 $0xFFFFF086;
	s6 =	sadd.s32 @!p0 s3, s7;
	s7 =	simm.s32 @!p0 $0x108  }
0x21: {  	s3 =	sadd.s32 s3, s9;
	s6 =	sadd.s32 @!p0 $0x88, s6;
	s7 =	simm.s32 @p2 $0x1082  }
0x22: {  	[simem:s7], [sflag:s8] =	dma.local @!p0 [hbm:s6], $0xF7A  }
0x23: {  	s9 =	sor.u32 $0xD0000000, s2;
	s6 =	simm.s32 $0x108;
	_ =	swait.ge @!p0 [sflag:s8], $0x0  }
0x24: {  	s3 =	sadd.s32 $0x88, s3;
	s6 =	simm.s32 @!p1 $0x1082;
	[sflag:s4] =	ssyncset.s32 $0xFFFFF086  }
0x25: {  	[simem:s6], [sflag:s4] =	dma.local [hbm:s3], $0xF7A  }
0x26: {  	[smem:$0x3F96] =	sst s1;
	(tag) =	ssettag s2;
	_ =	strace s9  }
0x27: {  	s1 =	sld [smem:$0x3FA6]  }
0x28: {  	s2 =	sld [smem:$0x3FA7]  }
0x29: {  	s4 =	sld [smem:$0x3FA9]  }
0x2a: {  	p0 =	seq.s32 s5, $0x0;
	s5 =	sld [smem:$0x3FAA]  }
0x2b: {  	s6 =	sld [smem:$0x3FAB]  }
0x2c: {  	s7 =	sld [smem:$0x3FAC]  }
0x2d: {  	s3 =	simm.s32 $0x108;
	s8 =	sld [smem:$0x3FAD]  }
0x2e: {  	s3 =	simm.s32 @!p0 $0x1082;
	s9 =	sld [smem:$0x3FAE]  }
0x2f: {  	lr =	sadd.s32 s0, s3;
	s0 =	sld [smem:$0x3FA5]  }
0x30: {  	s3 =	sld [smem:$0x3FA8]  }
0x31: {  	[smem:$0x3FB1] =	sst s10  }
0x32: {  	s10 =	sld [smem:$0x3FAF];
	_ =	sdelay $0x3  }
0x33: {  	p0 =	seq.s32 s10, $0x1;
	s10 =	sld [smem:$0x3FB1];
	_ =	sdelay $0x3  }
0x34: {  	[smem:$0x3FB1] =	sst s10  }
0x35: {  	s10 =	sld [smem:$0x3FB0];
	_ =	sdelay $0x3  }
0x36: {  	p1 =	seq.s32 s10, $0x1;
	s10 =	sld [smem:$0x3FB1];
	_ =	sdelay $0x3  }
0x37: {  	[smem:$0x3FB1] =	sst s10  }
0x38: {  	s10 =	sld [smem:$0x3FB2]  }
0x39: {  	_ = 	snop;
	(pc) =	sbr.ind lr, $3  }
0x3a: {  	_ = 	snop  }
0x3b: {  	_ = 	snop  }
0x3c: {  	p2 =	seq.s32 s10, $0x1;
	s10 =	sld [smem:$0x3FB1]  }
0x3d: {  	_ =	shalt  }
0x3e: {  	_ =	shalt  }
0x3f: {  	_ =	shalt  }
0x40: {  	_ =	shalt  }
0x41: {  	_ =	shalt  }
0x42: {  	_ =	shalt  }
0x43: {  	_ =	shalt  }
0x44: {  	_ =	shalt  }
0x45: {  	_ =	shalt  }
0x46: {  	_ =	shalt  }
0x47: {  	_ =	shalt  }
0x48: {  	_ =	shalt  }
0x49: {  	_ =	shalt  }
0x4a: {  	_ =	shalt  }
0x4b: {  	_ =	shalt  }
0x4c: {  	_ =	shalt  }
0x4d: {  	_ =	shalt  }
0x4e: {  	_ =	shalt  }
0x4f: {  	_ =	shalt  }
0x50: {  	_ =	shalt  }
0x51: {  	_ =	shalt  }
0x52: {  	_ =	shalt  }
0x53: {  	_ =	shalt  }
0x54: {  	_ =	shalt  }
0x55: {  	_ =	shalt  }
0x56: {  	_ =	shalt  }
0x57: {  	_ =	shalt  }
0x58: {  	_ =	shalt  }
0x59: {  	_ =	shalt  }
0x5a: {  	_ =	shalt  }
0x5b: {  	_ =	shalt  }
0x5c: {  	_ =	shalt  }
0x5d: {  	_ =	shalt  }
0x5e: {  	_ =	shalt  }
0x5f: {  	_ =	shalt  }
0x60: {  	_ =	shalt  }
0x61: {  	_ =	shalt  }
0x62: {  	_ =	shalt  }
0x63: {  	_ =	shalt  }
0x64: {  	_ =	shalt  }
0x65: {  	_ =	shalt  }
0x66: {  	_ =	shalt  }
0x67: {  	_ =	shalt  }
0x68: {  	_ =	shalt  }
0x69: {  	_ =	shalt  }
0x6a: {  	_ =	shalt  }
0x6b: {  	_ =	shalt  }
0x6c: {  	_ =	shalt  }
0x6d: {  	_ =	shalt  }
0x6e: {  	_ =	shalt  }
0x6f: {  	_ =	shalt  }
0x70: {  	_ =	shalt  }
0x71: {  	_ =	shalt  }
0x72: {  	_ =	shalt  }
0x73: {  	_ =	shalt  }
0x74: {  	_ =	shalt  }
0x75: {  	_ =	shalt  }
0x76: {  	_ =	shalt  }
0x77: {  	_ =	shalt  }
0x78: {  	_ =	shalt  }
0x79: {  	_ =	shalt  }
0x7a: {  	_ =	shalt  }
0x7b: {  	_ =	shalt  }
0x7c: {  	_ =	shalt  }
0x7d: {  	_ =	shalt  }
0x7e: {  	_ =	shalt  }
0x7f: {  	_ =	shalt  }
0x80: {  	_ =	shalt  }
0x81: {  	_ =	shalt  }
0x82: {  	_ =	shalt  }
0x83: {  	_ =	shalt  }
0x84: {  	_ =	shalt  }
0x85: {  	_ =	shalt  }
0x86: {  	_ =	shalt  }
0x87: {  	_ =	shalt  }
.Lfunc_end0:
.L_simem_size_0:
called_computation.2_lowered:
.L_overlay_start_0:
0x88: {  	s2 =	sld [smem:$0x3FD9]  }
0x89: {  	s3 =	sld [smem:$0x3FFE];
	_ =	sdelay $0x1  }
0x8a: {  	s1 =	srdreg.scid  }
0x8b: {  	s0 =	sand.u32 $0x1, s1  }
0x8c: {  	s14 =	sshll.u32 s0, $0xA;
	s2 =	sadd.s32 s3, s2  }
0x8d: {  	s2 =	sadd.s32 s2, s14  }
0x8e: {  	[smem:$0x3FBD] =	sst s2  }
0x8f: {  	_ = 	snop  }
0x90: {  	s2 =	sld [smem:$0x3FD0];
	_ =	sdelay $0x2  }
0x91: {  	s15 =	simm.s32 $0xB;
	s4 =	simm.s32 $0x10  }
0x92: {  	[smem:s4], [sflag:s15] =	dma.local [hbm:s2], $0x1  }
0x93: {  	_ =	swait.eq [sflag:s15], $0x1  }
0x94: {  	[sflag:s15] =	ssyncset.done $0x0  }
0x95: {  	[sflag:s15] =	ssyncadd.s32 $0xFFFFFFFF  }
0x96: {  	s16 =	sld [smem:$0x10];
	(tm) =	ssettm $0x1  }
0x97: {  	s17 =	sld [smem:$0x3FFB];
	_ =	sdelay $0x3  }
0x98: {  	_ =	strace s17  }
0x99: {  	s3 =	sld [smem:$0x3FFC];
	_ =	sdelay $0x3  }
0x9a: {  	_ =	strace s3  }
0x9b: {  	s3 =	sld [smem:$0x3FFD];
	_ =	sdelay $0x3  }
0x9c: {  	_ =	strace s3  }
0x9d: {  	_ =	strace $0x8FFFFFFF  }
0x9e: {  	s18 =	sld [smem:$0x3FDB];
	_ =	sdelay $0x1  }
0x9f: {  	s19 =	simm.s32 $_scs_section_size  }
0xa0: {  	s5 =	simm.s32 $_size__tile_overlayer_lowered;
	s6 =	simm.s32 $_tile_overlayer_lowered  }
0xa1: {  	s22 =	simm.s32 $0x1BFF;
	s21 =	sshll.u32 s6, $0x1;
	s3 =	sadd.s32 s19, s18  }
0xa2: {  	s7 =	simm.s32 $0x0;
	s20 =	sshll.u32 s5, $0x1;
	s5 =	sadd.s32 s21, s3  }
0xa3: {  	[timem:s7], [sflag:s22] =	dma.local [hbm:s5], s20  }
0xa4: {  	_ =	swait.ge [sflag:s22], s20  }
0xa5: {  	s4 =	ssub.s32 $0x0, s20;
	[sflag:s22] =	ssyncset.done $0x0  }
0xa6: {  	[sflag:s22] =	ssyncadd.s32 s4;
	_ =	sdelay $0x1  }
0xa7: {  	s23 =	simm.s32 $0x1B8B  }
0xa8: {  	_ =	swait.ge [sflag:s23], $0x1  }
0xa9: {  	[sflag:s23] =	ssyncset.done $0x0  }
0xaa: {  	s25 =	simm.s32 $0x1B8E;
	s24 =	sld [smem:$0x3FFE];
	[sflag:s23] =	ssyncadd.s32 $0xFFFFFFFF  }
0xab: {  	s26 =	simm.s32 $execute0_lowered;
	[smem:$0x3FD2] =	sst s25  }
0xac: {  	s5 =	sshll.u32 s26, $0x1;
	_ =	strace $0x8000004C;
	[dreg:$0x1] =	wrdreg $0xFFFFFFFF  }
0xad: {  	s28 =	simm.s32 $_size_execute0_lowered;
	s3 =	sadd.s32 s3, s5;
	[dreg:$0x0] =	wrdreg $0x0  }
0xae: {  	s5 =	sshll.u32 s28, $0x1;
	[dreg:$0x2] =	wrdreg s3  }
0xaf: {  	[dreg:$0x3] =	wrdreg s5  }
0xb0: {  	[dreg:$0x4] =	wrdreg $0xC0  }
0xb1: {  	_ =	task [dreg:s7], $0x5FFFF  }
0xb2: {  	[dreg:$0x1] =	wrdreg $0xFFFFFFFF  }
0xb3: {  	[dreg:$0x0] =	wrdreg $0x60  }
0xb4: {  	[dreg:$0x2] =	wrdreg s16  }
0xb5: {  	[dreg:$0x3] =	wrdreg s24  }
0xb6: {  	[dreg:$0x4] =	wrdreg $0x9  }
0xb7: {  	_ =	task.clear_ibuf [dreg:s7], $0x5FFFF;
	_ =	strace $0x9000004C  }
0xb8: {  	s29 =	simm.s32 $0x9;
	_ =	strace $0x8000004E  }
0xb9: {  	_ =	swait.ge [sflag:s29], $0x1  }
0xba: {  	[sflag:s29] =	ssyncadd.s32 $0xFFFFFFFF  }
0xbb: {  	_ =	strace $0x9000004E  }
0xbc: {  	_ =	sfence  }
0xbd: {  	s30 =	sld [smem:$0x0];
	_ =	sdelay $0x2  }
0xbe: {  	s31 =	sshll.u32 s1, $0xD;
	s1 =	sshrl.u32 s1, $0x2  }
0xbf: {  	s3 =	sand.u32 $0x4000, s31;
	s1 =	sadd.s32 s1, s30  }
0xc0: {  	s0 =	sor.u32 s3, s0;
	s1 =	sshll.u32 s1, $0x11  }
0xc1: {  	s0 =	sor.u32 s1, s0  }
0xc2: {  	s0 =	sadd.s32 $0x8F2B, s0  }
0xc3: {  	[sflag:s0] =	ssyncadd.remote.s32 $0x1  }
0xc4: {  	_ =	sfence.sel $0xFFFF  }
0xc5: {  	[dreg:$0x0] =	wrdreg $0xFFFFFFFF;
	(pc) =	sbr.abs _section_cstart, $3  }
0xc6: {  	[dreg:$0x1] =	wrdreg $0xFFFFFFFF  }
0xc7: {  	_ =	task.clear_ibuf [dreg:s7], $0x2FFFF;
	_ =	strace $0x9FFFFFFF  }
0xc8: {  	(tm) =	ssettm $0x7FFFFFFF  }
0xc9: {  	_ =	shalt  }
tec
execute0_lowered:
.L_overlay_start_1:
0x0: {  	(tag) =	ssettag $0x1  }
0x1: {  	s4 =	stileid.u32;
	s2 =	rddreg [dreg:$0x0]  }
0x2: {  	s0 =	srdreg.scid;
	s5 =	rddreg [dreg:$0x1]  }
0x3: {  	s3 =	simm.s32 $0x0;
	s11 =	simm.s32 $0x3E8;
	s12 =	simm.s32 $0x28  }
0x4: {  	s13 =	simm.s32 $0x7D0;
	s15 =	simm.s32 $0x2;
	s16 =	simm.s32 $0x4650  }
0x5: {  	s31 =	simm.s32 $0x6B8;
	s14 =	simm.s32 $0x7AD0;
	s17 =	simm.s32 $0x758  }
0x6: {  	s18 =	simm.s32 $0x7D50;
	s19 =	simm.s32 $0x780;
	s20 =	simm.s32 $0x7FD0  }
0x7: {  	s21 =	simm.s32 $0x7A8;
	s22 =	simm.s32 $0x8250;
	s6 =	smul.u32 $0x30D40, s4  }
0x8: {  	s0 =	sand.u32 $0x1, s0;
	s1 =	sshll.u32 s4, $0x1;
	s7 =	smul.u32 $0x186A0, s4  }
0x9: {  	[smem:$0x7FF] =	sst s3;
	s4 =	sadd.s32 $0x18DA00, s5;
	s9 =	smul.u32 $0xC350, s0  }
0xa: {  	s1 =	sor.u32 s0, s1;
	s8 =	ssub.s32 $0x2, s0;
	s0 =	smul.u32 $0x186A0, s0  }
0xb: {  	s23 =	simm.s32 $0x3;
	_ =	strace $0x8000004D;
	s1 =	smul.u32 $0x186A, s1  }
0xc: {  	s10 =	sshrl.u32 s8, $0x1;
	s5 =	sadd.s32 s6, s5;
	s6 =	simm.s32 $0x708  }
0xd: {  	s24 =	ssub.s32 s8, s10;
	s25 =	sadd.s32 s9, s7;
	s0 =	sadd.s32 s0, s5  }
0xe: {  	s10 =	simm.s32 $0x1;
	s5 =	simm.s32 $0x75D0;
	s8 =	simm.s32 $0x7850  }
0xf: {  	s9 =	simm.s32 $0x730;
	s1 =	sadd.s32 s4, s1;
	s26 =	sadd.s32 $0x3E8, s25  }
0x10: {  	s28 =	smax.u32 s24, $0x1;
	s7 =	sadd.s32 $0x4CDC00, s0;
	[dreg:$0x3] =	wrdreg s1  }
0x11: {  	s30 =	sadd.s32 $0x7D0, s25;
	[dreg:$0x4] =	wrdreg s28;
	s29 =	sshrl.u32 s26, $0x3  }
0x12: {  	s25 =	simm.s32 $0x0;
	[dreg:$0x5] =	wrdreg s30;
	s0 =	sadd.s32 s29, s4  }
0x13: {  	s1 =	simm.s32 $0x7350;
	[dreg:$0x6] =	wrdreg s0;
	s0 =	simm.s32 $0x6E0  }
.LBB2_1:
0x14: {  	[dreg:$0x7] =	wrdreg s25  }
0x15: {  	s24 =	rddreg [dreg:$0x3]  }
0x16: {  	s25 =	rddreg [dreg:$0x5]  }
0x17: {  	[tilespmem:s3], [sflag:$0x1] =	stream.linear.gather [hbm4b:s24+s3], $0x3E8, $0x38;
	[tilespmem:$0x84D0] =	vst v63  }
0x18: {  	s26 =	simm.s32 $0x0;
	s24 =	rddreg [dreg:$0x6]  }
.LBB2_2:
0x19: {  	_ =	swait.ge [sflag:s10], $0x3E8  }
0x1a: {  	p0 =	seq.s32 s26, $0x0;
	[sflag:s10] =	ssyncset.done $0x0  }
0x1b: {  	s28 =	simm.s32 @!p0 $0x3;
	[sflag:s10] =	ssyncadd.s32 $0xFFFFFC18  }
0x1c: {  	[tilespmem:s11], [sflag:$0x1] =	stream.linear.gather [hbm4b:s24+s3], $0x3E8, $0x38;
	[tilespmem:$0x84D0] =	vst v63  }
0x1d: {  	_ =	swait.ge @!p0 [sflag:s28], $0x3E80  }
0x1e: {  	[sflag:s28] =	ssyncset.done @!p0 $0x0  }
0x1f: {  	[sflag:s28] =	ssyncadd.s32 @!p0 $0xFFFFC180  }
0x20: {  	[tilespmem:s13], [sflag:$0x2] =	stream.indirect.gather [hbm4b:s2+s12], $0x10, s3, s12, $0xb8;
	[tilespmem:$0x84D0] =	vst v63  }
0x21: {  	s29 =	simm.s32 $0xA50  }
0x22: {  	[tilespmem:s29], [sflag:$0x2] =	stream.indirect.gather [hbm4b:s2+s12], $0x10, s12, s12, $0xb8;
	[tilespmem:$0x84D0] =	vst v63  }
0x23: {  	s30 =	simm.s32 $0x50;
	s29 =	simm.s32 $0xCD0  }
0x24: {  	[tilespmem:s29], [sflag:$0x2] =	stream.indirect.gather [hbm4b:s2+s12], $0x10, s30, s12, $0xb8;
	[tilespmem:$0x84D0] =	vst v63  }
0x25: {  	s28 =	simm.s32 $0x78;
	s30 =	simm.s32 $0xF50  }
0x26: {  	[tilespmem:s30], [sflag:$0x2] =	stream.indirect.gather [hbm4b:s2+s12], $0x10, s28, s12, $0xb8;
	[tilespmem:$0x84D0] =	vst v63  }
0x27: {  	s28 =	simm.s32 $0xA0;
	s30 =	simm.s32 $0x11D0  }
0x28: {  	[tilespmem:s30], [sflag:$0x2] =	stream.indirect.gather [hbm4b:s2+s12], $0x10, s28, s12, $0xb8;
	[tilespmem:$0x84D0] =	vst v63  }
0x29: {  	s28 =	simm.s32 $0xC8;
	s30 =	simm.s32 $0x1450  }
0x2a: {  	[tilespmem:s30], [sflag:$0x2] =	stream.indirect.gather [hbm4b:s2+s12], $0x10, s28, s12, $0xb8;
	[tilespmem:$0x84D0] =	vst v63  }
0x2b: {  	s28 =	simm.s32 $0xF0;
	s30 =	simm.s32 $0x16D0  }
0x2c: {  	[tilespmem:s30], [sflag:$0x2] =	stream.indirect.gather [hbm4b:s2+s12], $0x10, s28, s12, $0xb8;
	[tilespmem:$0x84D0] =	vst v63  }
0x2d: {  	s28 =	simm.s32 $0x118;
	s30 =	simm.s32 $0x1950  }
0x2e: {  	[tilespmem:s30], [sflag:$0x2] =	stream.indirect.gather [hbm4b:s2+s12], $0x10, s28, s12, $0xb8;
	[tilespmem:$0x84D0] =	vst v63  }
0x2f: {  	s28 =	simm.s32 $0x140;
	s30 =	simm.s32 $0x1BD0  }
0x30: {  	[tilespmem:s30], [sflag:$0x2] =	stream.indirect.gather [hbm4b:s2+s12], $0x10, s28, s12, $0xb8;
	[tilespmem:$0x84D0] =	vst v63  }
0x31: {  	s28 =	simm.s32 $0x168;
	s30 =	simm.s32 $0x1E50  }
0x32: {  	[tilespmem:s30], [sflag:$0x2] =	stream.indirect.gather [hbm4b:s2+s12], $0x10, s28, s12, $0xb8;
	[tilespmem:$0x84D0] =	vst v63  }
0x33: {  	s28 =	simm.s32 $0x190;
	s30 =	simm.s32 $0x20D0  }
0x34: {  	[tilespmem:s30], [sflag:$0x2] =	stream.indirect.gather [hbm4b:s2+s12], $0x10, s28, s12, $0xb8;
	[tilespmem:$0x84D0] =	vst v63  }
0x35: {  	s28 =	simm.s32 $0x1B8;
	s30 =	simm.s32 $0x2350  }
0x36: {  	[tilespmem:s30], [sflag:$0x2] =	stream.indirect.gather [hbm4b:s2+s12], $0x10, s28, s12, $0xb8;
	[tilespmem:$0x84D0] =	vst v63  }
0x37: {  	s28 =	simm.s32 $0x1E0;
	s30 =	simm.s32 $0x25D0  }
0x38: {  	[tilespmem:s30], [sflag:$0x2] =	stream.indirect.gather [hbm4b:s2+s12], $0x10, s28, s12, $0xb8;
	[tilespmem:$0x84D0] =	vst v63  }
0x39: {  	s28 =	simm.s32 $0x208;
	s30 =	simm.s32 $0x2850  }
0x3a: {  	[tilespmem:s30], [sflag:$0x2] =	stream.indirect.gather [hbm4b:s2+s12], $0x10, s28, s12, $0xb8;
	[tilespmem:$0x84D0] =	vst v63  }
0x3b: {  	s28 =	simm.s32 $0x230;
	s30 =	simm.s32 $0x2AD0  }
0x3c: {  	[tilespmem:s30], [sflag:$0x2] =	stream.indirect.gather [hbm4b:s2+s12], $0x10, s28, s12, $0xb8;
	[tilespmem:$0x84D0] =	vst v63  }
0x3d: {  	s28 =	simm.s32 $0x258;
	s30 =	simm.s32 $0x2D50  }
0x3e: {  	[tilespmem:s30], [sflag:$0x2] =	stream.indirect.gather [hbm4b:s2+s12], $0x10, s28, s12, $0xb8;
	[tilespmem:$0x84D0] =	vst v63  }
0x3f: {  	s28 =	simm.s32 $0x280;
	s30 =	simm.s32 $0x2FD0  }
0x40: {  	[tilespmem:s30], [sflag:$0x2] =	stream.indirect.gather [hbm4b:s2+s12], $0x10, s28, s12, $0xb8;
	[tilespmem:$0x84D0] =	vst v63  }
0x41: {  	s28 =	simm.s32 $0x2A8;
	s30 =	simm.s32 $0x3250  }
0x42: {  	[tilespmem:s30], [sflag:$0x2] =	stream.indirect.gather [hbm4b:s2+s12], $0x10, s28, s12, $0xb8;
	[tilespmem:$0x84D0] =	vst v63  }
0x43: {  	s28 =	simm.s32 $0x2D0;
	s30 =	simm.s32 $0x34D0  }
0x44: {  	[tilespmem:s30], [sflag:$0x2] =	stream.indirect.gather [hbm4b:s2+s12], $0x10, s28, s12, $0xb8;
	[tilespmem:$0x84D0] =	vst v63  }
0x45: {  	s28 =	simm.s32 $0x2F8;
	s30 =	simm.s32 $0x3750  }
0x46: {  	[tilespmem:s30], [sflag:$0x2] =	stream.indirect.gather [hbm4b:s2+s12], $0x10, s28, s12, $0xb8;
	[tilespmem:$0x84D0] =	vst v63  }
0x47: {  	s28 =	simm.s32 $0x320;
	s30 =	simm.s32 $0x39D0  }
0x48: {  	[tilespmem:s30], [sflag:$0x2] =	stream.indirect.gather [hbm4b:s2+s12], $0x10, s28, s12, $0xb8;
	[tilespmem:$0x84D0] =	vst v63  }
0x49: {  	s28 =	simm.s32 $0x348;
	s30 =	simm.s32 $0x3C50  }
0x4a: {  	[tilespmem:s30], [sflag:$0x2] =	stream.indirect.gather [hbm4b:s2+s12], $0x10, s28, s12, $0xb8;
	[tilespmem:$0x84D0] =	vst v63  }
0x4b: {  	s28 =	simm.s32 $0x370;
	s30 =	simm.s32 $0x3ED0  }
0x4c: {  	[tilespmem:s30], [sflag:$0x2] =	stream.indirect.gather [hbm4b:s2+s12], $0x10, s28, s12, $0xb8;
	[tilespmem:$0x84D0] =	vst v63  }
0x4d: {  	s28 =	simm.s32 $0x398;
	s30 =	simm.s32 $0x4150  }
0x4e: {  	[tilespmem:s30], [sflag:$0x2] =	stream.indirect.gather [hbm4b:s2+s12], $0x10, s28, s12, $0xb8;
	[tilespmem:$0x84D0] =	vst v63  }
0x4f: {  	s28 =	simm.s32 $0x3C0;
	s30 =	simm.s32 $0x43D0  }
0x50: {  	[tilespmem:s30], [sflag:$0x2] =	stream.indirect.gather [hbm4b:s2+s12], $0x10, s28, s12, $0xb8;
	[tilespmem:$0x84D0] =	vst v63  }
0x51: {  	_ =	swait.ge [sflag:s15], $0x280  }
0x52: {  	[sflag:s15] =	ssyncset.done $0x0  }
0x53: {  	[sflag:s15] =	ssyncadd.s32 $0xFFFFFD80  }
0x54: {  	_ =	swait.ge [sflag:s15], $0x280  }
0x55: {  	[sflag:s15] =	ssyncset.done $0x0  }
0x56: {  	[sflag:s15] =	ssyncadd.s32 $0xFFFFFD80  }
0x57: {  	_ =	swait.ge [sflag:s15], $0x280  }
0x58: {  	[sflag:s15] =	ssyncset.done $0x0  }
0x59: {  	[sflag:s15] =	ssyncadd.s32 $0xFFFFFD80  }
0x5a: {  	_ =	swait.ge [sflag:s15], $0x280  }
0x5b: {  	[sflag:s15] =	ssyncset.done $0x0  }
0x5c: {  	[sflag:s15] =	ssyncadd.s32 $0xFFFFFD80  }
0x5d: {  	_ =	swait.ge [sflag:s15], $0x280  }
0x5e: {  	[sflag:s15] =	ssyncset.done $0x0  }
0x5f: {  	[sflag:s15] =	ssyncadd.s32 $0xFFFFFD80  }
0x60: {  	_ =	swait.ge [sflag:s15], $0x280  }
0x61: {  	[sflag:s15] =	ssyncset.done $0x0  }
0x62: {  	[sflag:s15] =	ssyncadd.s32 $0xFFFFFD80  }
0x63: {  	_ =	swait.ge [sflag:s15], $0x280  }
0x64: {  	[sflag:s15] =	ssyncset.done $0x0  }
0x65: {  	[sflag:s15] =	ssyncadd.s32 $0xFFFFFD80  }
0x66: {  	_ =	swait.ge [sflag:s15], $0x280  }
0x67: {  	[sflag:s15] =	ssyncset.done $0x0  }
0x68: {  	[sflag:s15] =	ssyncadd.s32 $0xFFFFFD80  }
0x69: {  	_ =	swait.ge [sflag:s15], $0x280  }
0x6a: {  	[sflag:s15] =	ssyncset.done $0x0  }
0x6b: {  	[sflag:s15] =	ssyncadd.s32 $0xFFFFFD80  }
0x6c: {  	_ =	swait.ge [sflag:s15], $0x280  }
0x6d: {  	[sflag:s15] =	ssyncset.done $0x0  }
0x6e: {  	[sflag:s15] =	ssyncadd.s32 $0xFFFFFD80  }
0x6f: {  	_ =	swait.ge [sflag:s15], $0x280  }
0x70: {  	[sflag:s15] =	ssyncset.done $0x0  }
0x71: {  	[sflag:s15] =	ssyncadd.s32 $0xFFFFFD80  }
0x72: {  	_ =	swait.ge [sflag:s15], $0x280  }
0x73: {  	[sflag:s15] =	ssyncset.done $0x0  }
0x74: {  	[sflag:s15] =	ssyncadd.s32 $0xFFFFFD80  }
0x75: {  	_ =	swait.ge [sflag:s15], $0x280  }
0x76: {  	[sflag:s15] =	ssyncset.done $0x0  }
0x77: {  	[sflag:s15] =	ssyncadd.s32 $0xFFFFFD80  }
0x78: {  	_ =	swait.ge [sflag:s15], $0x280  }
0x79: {  	[sflag:s15] =	ssyncset.done $0x0  }
0x7a: {  	[sflag:s15] =	ssyncadd.s32 $0xFFFFFD80  }
0x7b: {  	_ =	swait.ge [sflag:s15], $0x280  }
0x7c: {  	[sflag:s15] =	ssyncset.done $0x0  }
0x7d: {  	[sflag:s15] =	ssyncadd.s32 $0xFFFFFD80  }
0x7e: {  	_ =	swait.ge [sflag:s15], $0x280  }
0x7f: {  	[sflag:s15] =	ssyncset.done $0x0  }
0x80: {  	[sflag:s15] =	ssyncadd.s32 $0xFFFFFD80  }
0x81: {  	_ =	swait.ge [sflag:s15], $0x280  }
0x82: {  	[sflag:s15] =	ssyncset.done $0x0  }
0x83: {  	[sflag:s15] =	ssyncadd.s32 $0xFFFFFD80  }
0x84: {  	_ =	swait.ge [sflag:s15], $0x280  }
0x85: {  	[sflag:s15] =	ssyncset.done $0x0  }
0x86: {  	[sflag:s15] =	ssyncadd.s32 $0xFFFFFD80  }
0x87: {  	_ =	swait.ge [sflag:s15], $0x280  }
0x88: {  	[sflag:s15] =	ssyncset.done $0x0  }
0x89: {  	[sflag:s15] =	ssyncadd.s32 $0xFFFFFD80  }
0x8a: {  	_ =	swait.ge [sflag:s15], $0x280  }
0x8b: {  	[sflag:s15] =	ssyncset.done $0x0  }
0x8c: {  	[sflag:s15] =	ssyncadd.s32 $0xFFFFFD80  }
0x8d: {  	_ =	swait.ge [sflag:s15], $0x280  }
0x8e: {  	[sflag:s15] =	ssyncset.done $0x0  }
0x8f: {  	[sflag:s15] =	ssyncadd.s32 $0xFFFFFD80  }
0x90: {  	_ =	swait.ge [sflag:s15], $0x280  }
0x91: {  	[sflag:s15] =	ssyncset.done $0x0  }
0x92: {  	[sflag:s15] =	ssyncadd.s32 $0xFFFFFD80  }
0x93: {  	_ =	swait.ge [sflag:s15], $0x280  }
0x94: {  	[sflag:s15] =	ssyncset.done $0x0  }
0x95: {  	[sflag:s15] =	ssyncadd.s32 $0xFFFFFD80  }
0x96: {  	_ =	swait.ge [sflag:s15], $0x280  }
0x97: {  	[sflag:s15] =	ssyncset.done $0x0  }
0x98: {  	[sflag:s15] =	ssyncadd.s32 $0xFFFFFD80  }
0x99: {  	_ =	swait.ge [sflag:s15], $0x280  }
0x9a: {  	[sflag:s15] =	ssyncset.done $0x0  }
0x9b: {  	s28 =	sadd.s32 s26, s7;
	[sflag:s15] =	ssyncadd.s32 $0xFFFFFD80  }
0x9c: {  	[hbm4b:s28+s3] =	stream.linear.scatter [tilespmem:s13], [sflag:$0x3], $0x3E80, $0x38;
	[tilespmem:$0x84D0] =	vst v63  }
0x9d: {  	p0 =	seq.s32 s26, $0x17700;
	_ =	swait.ge [sflag:s10], $0x3E8  }
0x9e: {  	p1 =	seq.s32 @!p0 s26, $0x0;
	s29 =	sshrl.u32 @!p0 s25, $0x3;
	[sflag:s10] =	ssyncset.done $0x0  }
0x9f: {  	s29 =	sadd.s32 @!p0 s4, s29;
	s30 =	simm.s32 @!p0 $0x0;
	[sflag:s10] =	ssyncadd.s32 $0xFFFFFC18  }
0xa0: {  	[tilespmem:s30], [sflag:$0x1] =	stream.linear.gather @!p0 [hbm4b:s29+s30], $0x3E8, $0x38;
	[tilespmem:$0x84D0] =	vst v63  }
0xa1: {  	p0 =	por p0, !p1  }
0xa2: {  	_ =	swait.ge @p0 [sflag:s23], $0x3E80  }
0xa3: {  	[sflag:s23] =	ssyncset.done @p0 $0x0  }
0xa4: {  	[sflag:s23] =	ssyncadd.s32 @p0 $0xFFFFC180  }
0xa5: {  	[tilespmem:s16], [sflag:$0x2] =	stream.indirect.gather [hbm4b:s2+s12], $0x10, s11, s12, $0xb8;
	[tilespmem:$0x84D0] =	vst v63  }
0xa6: {  	s29 =	simm.s32 $0x410;
	s30 =	simm.s32 $0x48D0  }
0xa7: {  	[tilespmem:s30], [sflag:$0x2] =	stream.indirect.gather [hbm4b:s2+s12], $0x10, s29, s12, $0xb8;
	[tilespmem:$0x84D0] =	vst v63  }
0xa8: {  	s29 =	simm.s32 $0x438;
	s30 =	simm.s32 $0x4B50  }
0xa9: {  	[tilespmem:s30], [sflag:$0x2] =	stream.indirect.gather [hbm4b:s2+s12], $0x10, s29, s12, $0xb8;
	[tilespmem:$0x84D0] =	vst v63  }
0xaa: {  	s29 =	simm.s32 $0x460;
	s30 =	simm.s32 $0x4DD0  }
0xab: {  	[tilespmem:s30], [sflag:$0x2] =	stream.indirect.gather [hbm4b:s2+s12], $0x10, s29, s12, $0xb8;
	[tilespmem:$0x84D0] =	vst v63  }
0xac: {  	s29 =	simm.s32 $0x488;
	s30 =	simm.s32 $0x5050  }
0xad: {  	[tilespmem:s30], [sflag:$0x2] =	stream.indirect.gather [hbm4b:s2+s12], $0x10, s29, s12, $0xb8;
	[tilespmem:$0x84D0] =	vst v63  }
0xae: {  	s29 =	simm.s32 $0x4B0;
	s30 =	simm.s32 $0x52D0  }
0xaf: {  	[tilespmem:s30], [sflag:$0x2] =	stream.indirect.gather [hbm4b:s2+s12], $0x10, s29, s12, $0xb8;
	[tilespmem:$0x84D0] =	vst v63  }
0xb0: {  	s29 =	simm.s32 $0x4D8;
	s30 =	simm.s32 $0x5550  }
0xb1: {  	[tilespmem:s30], [sflag:$0x2] =	stream.indirect.gather [hbm4b:s2+s12], $0x10, s29, s12, $0xb8;
	[tilespmem:$0x84D0] =	vst v63  }
0xb2: {  	s29 =	simm.s32 $0x500;
	s30 =	simm.s32 $0x57D0  }
0xb3: {  	[tilespmem:s30], [sflag:$0x2] =	stream.indirect.gather [hbm4b:s2+s12], $0x10, s29, s12, $0xb8;
	[tilespmem:$0x84D0] =	vst v63  }
0xb4: {  	s29 =	simm.s32 $0x528;
	s30 =	simm.s32 $0x5A50  }
0xb5: {  	[tilespmem:s30], [sflag:$0x2] =	stream.indirect.gather [hbm4b:s2+s12], $0x10, s29, s12, $0xb8;
	[tilespmem:$0x84D0] =	vst v63  }
0xb6: {  	s29 =	simm.s32 $0x550;
	s30 =	simm.s32 $0x5CD0  }
0xb7: {  	[tilespmem:s30], [sflag:$0x2] =	stream.indirect.gather [hbm4b:s2+s12], $0x10, s29, s12, $0xb8;
	[tilespmem:$0x84D0] =	vst v63  }
0xb8: {  	s29 =	simm.s32 $0x578;
	s30 =	simm.s32 $0x5F50  }
0xb9: {  	[tilespmem:s30], [sflag:$0x2] =	stream.indirect.gather [hbm4b:s2+s12], $0x10, s29, s12, $0xb8;
	[tilespmem:$0x84D0] =	vst v63  }
0xba: {  	s29 =	simm.s32 $0x5A0;
	s30 =	simm.s32 $0x61D0  }
0xbb: {  	[tilespmem:s30], [sflag:$0x2] =	stream.indirect.gather [hbm4b:s2+s12], $0x10, s29, s12, $0xb8;
	[tilespmem:$0x84D0] =	vst v63  }
0xbc: {  	s29 =	simm.s32 $0x5C8;
	s30 =	simm.s32 $0x6450  }
0xbd: {  	[tilespmem:s30], [sflag:$0x2] =	stream.indirect.gather [hbm4b:s2+s12], $0x10, s29, s12, $0xb8;
	[tilespmem:$0x84D0] =	vst v63  }
0xbe: {  	s29 =	simm.s32 $0x5F0;
	s30 =	simm.s32 $0x66D0  }
0xbf: {  	[tilespmem:s30], [sflag:$0x2] =	stream.indirect.gather [hbm4b:s2+s12], $0x10, s29, s12, $0xb8;
	[tilespmem:$0x84D0] =	vst v63  }
0xc0: {  	s29 =	simm.s32 $0x618;
	s30 =	simm.s32 $0x6950  }
0xc1: {  	[tilespmem:s30], [sflag:$0x2] =	stream.indirect.gather [hbm4b:s2+s12], $0x10, s29, s12, $0xb8;
	[tilespmem:$0x84D0] =	vst v63  }
0xc2: {  	s29 =	simm.s32 $0x640;
	s30 =	simm.s32 $0x6BD0  }
0xc3: {  	[tilespmem:s30], [sflag:$0x2] =	stream.indirect.gather [hbm4b:s2+s12], $0x10, s29, s12, $0xb8;
	[tilespmem:$0x84D0] =	vst v63  }
0xc4: {  	s29 =	simm.s32 $0x668;
	s30 =	simm.s32 $0x6E50  }
0xc5: {  	[tilespmem:s30], [sflag:$0x2] =	stream.indirect.gather [hbm4b:s2+s12], $0x10, s29, s12, $0xb8;
	[tilespmem:$0x84D0] =	vst v63  }
0xc6: {  	s29 =	simm.s32 $0x690;
	s30 =	simm.s32 $0x70D0  }
0xc7: {  	[tilespmem:s30], [sflag:$0x2] =	stream.indirect.gather [hbm4b:s2+s12], $0x10, s29, s12, $0xb8;
	[tilespmem:$0x84D0] =	vst v63  }
0xc8: {  	_ = 	snop  }
0xc9: {  	[tilespmem:s1], [sflag:$0x2] =	stream.indirect.gather [hbm4b:s2+s12], $0x10, s31, s12, $0xb8;
	[tilespmem:$0x84D0] =	vst v63  }
0xca: {  	_ = 	snop  }
0xcb: {  	[tilespmem:s5], [sflag:$0x2] =	stream.indirect.gather [hbm4b:s2+s12], $0x10, s0, s12, $0xb8;
	[tilespmem:$0x84D0] =	vst v63  }
0xcc: {  	_ = 	snop  }
0xcd: {  	[tilespmem:s8], [sflag:$0x2] =	stream.indirect.gather [hbm4b:s2+s12], $0x10, s6, s12, $0xb8;
	[tilespmem:$0x84D0] =	vst v63  }
0xce: {  	_ = 	snop  }
0xcf: {  	[tilespmem:s14], [sflag:$0x2] =	stream.indirect.gather [hbm4b:s2+s12], $0x10, s9, s12, $0xb8;
	[tilespmem:$0x84D0] =	vst v63  }
0xd0: {  	_ = 	snop  }
0xd1: {  	[tilespmem:s18], [sflag:$0x2] =	stream.indirect.gather [hbm4b:s2+s12], $0x10, s17, s12, $0xb8;
	[tilespmem:$0x84D0] =	vst v63  }
0xd2: {  	_ = 	snop  }
0xd3: {  	[tilespmem:s20], [sflag:$0x2] =	stream.indirect.gather [hbm4b:s2+s12], $0x10, s19, s12, $0xb8;
	[tilespmem:$0x84D0] =	vst v63  }
0xd4: {  	_ = 	snop  }
0xd5: {  	[tilespmem:s22], [sflag:$0x2] =	stream.indirect.gather [hbm4b:s2+s12], $0x10, s21, s12, $0xb8;
	[tilespmem:$0x84D0] =	vst v63  }
0xd6: {  	_ =	swait.ge [sflag:s15], $0x280  }
0xd7: {  	[sflag:s15] =	ssyncset.done $0x0  }
0xd8: {  	[sflag:s15] =	ssyncadd.s32 $0xFFFFFD80  }
0xd9: {  	_ =	swait.ge [sflag:s15], $0x280  }
0xda: {  	[sflag:s15] =	ssyncset.done $0x0  }
0xdb: {  	[sflag:s15] =	ssyncadd.s32 $0xFFFFFD80  }
0xdc: {  	_ =	swait.ge [sflag:s15], $0x280  }
0xdd: {  	[sflag:s15] =	ssyncset.done $0x0  }
0xde: {  	[sflag:s15] =	ssyncadd.s32 $0xFFFFFD80  }
0xdf: {  	_ =	swait.ge [sflag:s15], $0x280  }
0xe0: {  	[sflag:s15] =	ssyncset.done $0x0  }
0xe1: {  	[sflag:s15] =	ssyncadd.s32 $0xFFFFFD80  }
0xe2: {  	_ =	swait.ge [sflag:s15], $0x280  }
0xe3: {  	[sflag:s15] =	ssyncset.done $0x0  }
0xe4: {  	[sflag:s15] =	ssyncadd.s32 $0xFFFFFD80  }
0xe5: {  	_ =	swait.ge [sflag:s15], $0x280  }
0xe6: {  	[sflag:s15] =	ssyncset.done $0x0  }
0xe7: {  	[sflag:s15] =	ssyncadd.s32 $0xFFFFFD80  }
0xe8: {  	_ =	swait.ge [sflag:s15], $0x280  }
0xe9: {  	[sflag:s15] =	ssyncset.done $0x0  }
0xea: {  	[sflag:s15] =	ssyncadd.s32 $0xFFFFFD80  }
0xeb: {  	_ =	swait.ge [sflag:s15], $0x280  }
0xec: {  	[sflag:s15] =	ssyncset.done $0x0  }
0xed: {  	[sflag:s15] =	ssyncadd.s32 $0xFFFFFD80  }
0xee: {  	_ =	swait.ge [sflag:s15], $0x280  }
0xef: {  	[sflag:s15] =	ssyncset.done $0x0  }
0xf0: {  	[sflag:s15] =	ssyncadd.s32 $0xFFFFFD80  }
0xf1: {  	_ =	swait.ge [sflag:s15], $0x280  }
0xf2: {  	[sflag:s15] =	ssyncset.done $0x0  }
0xf3: {  	[sflag:s15] =	ssyncadd.s32 $0xFFFFFD80  }
0xf4: {  	_ =	swait.ge [sflag:s15], $0x280  }
0xf5: {  	[sflag:s15] =	ssyncset.done $0x0  }
0xf6: {  	[sflag:s15] =	ssyncadd.s32 $0xFFFFFD80  }
0xf7: {  	_ =	swait.ge [sflag:s15], $0x280  }
0xf8: {  	[sflag:s15] =	ssyncset.done $0x0  }
0xf9: {  	[sflag:s15] =	ssyncadd.s32 $0xFFFFFD80  }
0xfa: {  	_ =	swait.ge [sflag:s15], $0x280  }
0xfb: {  	[sflag:s15] =	ssyncset.done $0x0  }
0xfc: {  	[sflag:s15] =	ssyncadd.s32 $0xFFFFFD80  }
0xfd: {  	_ =	swait.ge [sflag:s15], $0x280  }
0xfe: {  	[sflag:s15] =	ssyncset.done $0x0  }
0xff: {  	[sflag:s15] =	ssyncadd.s32 $0xFFFFFD80  }
0x100: {  	_ =	swait.ge [sflag:s15], $0x280  }
0x101: {  	[sflag:s15] =	ssyncset.done $0x0  }
0x102: {  	[sflag:s15] =	ssyncadd.s32 $0xFFFFFD80  }
0x103: {  	_ =	swait.ge [sflag:s15], $0x280  }
0x104: {  	[sflag:s15] =	ssyncset.done $0x0  }
0x105: {  	[sflag:s15] =	ssyncadd.s32 $0xFFFFFD80  }
0x106: {  	_ =	swait.ge [sflag:s15], $0x280  }
0x107: {  	[sflag:s15] =	ssyncset.done $0x0  }
0x108: {  	[sflag:s15] =	ssyncadd.s32 $0xFFFFFD80  }
0x109: {  	_ =	swait.ge [sflag:s15], $0x280  }
0x10a: {  	[sflag:s15] =	ssyncset.done $0x0  }
0x10b: {  	[sflag:s15] =	ssyncadd.s32 $0xFFFFFD80  }
0x10c: {  	_ =	swait.ge [sflag:s15], $0x280  }
0x10d: {  	[sflag:s15] =	ssyncset.done $0x0  }
0x10e: {  	[sflag:s15] =	ssyncadd.s32 $0xFFFFFD80  }
0x10f: {  	_ =	swait.ge [sflag:s15], $0x280  }
0x110: {  	[sflag:s15] =	ssyncset.done $0x0  }
0x111: {  	[sflag:s15] =	ssyncadd.s32 $0xFFFFFD80  }
0x112: {  	_ =	swait.ge [sflag:s15], $0x280  }
0x113: {  	[sflag:s15] =	ssyncset.done $0x0  }
0x114: {  	[sflag:s15] =	ssyncadd.s32 $0xFFFFFD80  }
0x115: {  	_ =	swait.ge [sflag:s15], $0x280  }
0x116: {  	[sflag:s15] =	ssyncset.done $0x0  }
0x117: {  	[sflag:s15] =	ssyncadd.s32 $0xFFFFFD80  }
0x118: {  	_ =	swait.ge [sflag:s15], $0x280  }
0x119: {  	[sflag:s15] =	ssyncset.done $0x0  }
0x11a: {  	[sflag:s15] =	ssyncadd.s32 $0xFFFFFD80  }
0x11b: {  	s26 =	sadd.s32 $0xFA0, s26;
	_ =	swait.ge [sflag:s15], $0x280  }
0x11c: {  	p0 =	sne.s32 s26, $0x186A0;
	[sflag:s15] =	ssyncset.done $0x0  }
.Ltmp0:
0x11d: {  	[sflag:s15] =	ssyncadd.s32 $0xFFFFFD80;
	(pc) =	sbr.rel @p0 .LBB2_2-.Ltmp0, $4  }
0x11e: {  	_ =	swait.ge [sflag:s15], $0x280  }
0x11f: {  	s24 =	sadd.s32 $0xFA, s24;
	[sflag:s15] =	ssyncset.done $0x0  }
0x120: {  	s25 =	sadd.s32 $0x7D0, s25;
	s28 =	sadd.s32 $0x7D0, s28;
	[sflag:s15] =	ssyncadd.s32 $0xFFFFFD80  }
0x121: {  	[hbm4b:s28+s3] =	stream.linear.scatter [tilespmem:s16], [sflag:$0x3], $0x3E80, $0x38;
	[tilespmem:$0x84D0] =	vst v63  }
0x122: {  	_ =	swait.ge [sflag:s23], $0x3E80  }
0x123: {  	[sflag:s23] =	ssyncset.done $0x0  }
0x124: {  	[sflag:s23] =	ssyncadd.s32 $0xFFFFC180  }
0x125: {  	_ =	swait.ge [sflag:s23], $0x3E80  }
0x126: {  	s25 =	rddreg [dreg:$0x7]  }
0x127: {  	s24 =	rddreg [dreg:$0x4];
	s25 =	sadd.s32 $0x1, s25  }
0x128: {  	p0 =	sne.s32 s25, s24  }
.Ltmp1:
0x129: {  	_ = 	snop;
	(pc) =	sbr.rel @p0 .LBB2_1-.Ltmp1, $3  }
0x12a: {  	_ =	sdelay $0x1  }
0x12b: {  	[sflag:s23] =	ssyncset.done $0x0  }
0x12c: {  	[sflag:s23] =	ssyncadd.s32 $0xFFFFC180  }
0x12d: {  	_ =	sfence.sel $0x180000  }
0x12e: {  	[bflag:$0x0] =	sbarrier.arrive $0xFFFF  }
0x12f: {  	_ =	strace $0x9000004D  }
0x130: {  	s0 =	stileid.u32;
	[bflag:$0x2] =	sbarrier.arrive $0xFFFF  }
0x131: {  	p0 =	sne.s32 s0, $0x0;
	s0 =	rddreg [dreg:$0x2]  }
0x132: {  	s0 =	sadd.s32 @!p0 $0x100000, s0  }
0x133: {  	[sflag:s0] =	ssyncadd.tile.s32 @!p0 $0x1;
	_ =	shalt  }
.Lfunc_end2:
_tile_overlayer_lowered:
.L_overlay_start_2:
0x134: {  	(tag) =	ssettag $0x2  }
0x135: {  	s0 =	rddreg [dreg:$0x0];
	s2 =	stileid.u32  }
0x136: {  	s1 =	rddreg [dreg:$0x1];
	p0 =	sne.s32 s2, $0x0  }
0x137: {  	s3 =	rddreg [dreg:$0x2];
	[bflag:$0x3] =	sbarrier.arrive $0xFFFF;
	s2 =	simm.s32 @!p0 $0x1C04  }
0x138: {  	[timem:s3], [sflag:s2] =	dma.local @!p0 [hbm:s0], s1  }
0x139: {  	s0 =	simm.s32 @!p0 $0x4  }
0x13a: {  	_ =	swait.ge @!p0 [sflag:s0], s1  }
0x13b: {  	s1 =	ssub.s32 @!p0 $0x0, s1;
	[sflag:s0] =	ssyncset.done @!p0 $0x0  }
0x13c: {  	[sflag:s0] =	ssyncadd.s32 @!p0 s1  }
0x13d: {  	[bflag:$0x3] =	sbarrier.arrive $0xFFFF  }
0x13e: {  	_ =	shalt  }

// kernel: kernel.18.cloned.1.call-start
scs
__scs_entry_jumppad:
0x0: {  	(pc) =	sbr.rel $0x88, $3  }
0x1: {  	(tag) =	ssettag $0x0;
	lr =	simm.s32 $0x1  }
0x2: {  	[smem:$0x3F96] =	sst lr;
	_ =	strace $0xD0000000  }
0x3: {  	_ = 	snop  }
0x4: {  	_ = 	snop  }
0x5: {  	_ = 	snop  }
0x6: {  	_ = 	snop  }
0x7: {  	_ = 	snop  }
__scs_overlays_trampoline_lowered:
0x8: {  	[smem:$0x3FA5] =	sst s0  }
0x9: {  	[smem:$0x3FA6] =	sst s1  }
0xa: {  	[smem:$0x3FA7] =	sst s2  }
0xb: {  	[smem:$0x3FA8] =	sst s3  }
0xc: {  	[smem:$0x3FA9] =	sst s4  }
0xd: {  	[smem:$0x3FAA] =	sst s5  }
0xe: {  	[smem:$0x3FAB] =	sst s6  }
0xf: {  	[smem:$0x3FAC] =	sst s7  }
0x10: {  	[smem:$0x3FAD] =	sst s8  }
0x11: {  	[smem:$0x3FAE] =	sst s9;
	s0 =	simm.s32 @!p0 $0x0  }
0x12: {  	s1 =	sld [smem:$0x3F94];
	s0 =	simm.s32 @p0 $0x1  }
0x13: {  	[smem:$0x3FAF] =	sst s0;
	s0 =	simm.s32 @!p1 $0x0  }
0x14: {  	s2 =	sld [smem:$0x3F93];
	s0 =	simm.s32 @p1 $0x1  }
0x15: {  	[smem:$0x3FB0] =	sst s0;
	s0 =	simm.s32 @!p2 $0x0  }
0x16: {  	s3 =	sld [smem:$0x3FDB];
	s0 =	simm.s32 @p2 $0x1  }
0x17: {  	s4 =	simm.s32 $0x1BF5;
	[smem:$0x3FB2] =	sst s0  }
0x18: {  	s0 =	sld [smem:$0x3F95];
	_ =	swait.ge [sflag:s4], $0x0  }
0x19: {  	s7 =	sld [smem:$0x3F96]  }
0x1a: {  	s8 =	sadd.s32 $0xFFFFE003, lr  }
0x1b: {  	s9 =	sadd.s32 $0xFFFFFEF7, lr;
	s5 =	simm.s32 $0xFFFFFFFF;
	p2 =	slt.u32 s8, $0xFFFFF086  }
0x1c: {  	p1 =	slt.u32 s9, $0xF7A;
	s5 =	simm.s32 @!p2 $0x0  }
0x1d: {  	s5 =	simm.s32 @p1 $0x1;
	p0 =	seq.s32 s7, s2  }
0x1e: {  	s7 =	smul.u32 @!p0 $0xF7A, s2;
	p2 =	seq.s32 @!p0 s5, $0x0  }
0x1f: {  	s9 =	smul.u32 $0xF7A, s1;
	s8 =	simm.s32 @!p0 $0x1BF5;
	p2 =	por !p2, p0  }
0x20: {  	[sflag:s8] =	ssyncset.s32 @!p0 $0xFFFFF086;
	s6 =	sadd.s32 @!p0 s3, s7;
	s7 =	simm.s32 @!p0 $0x108  }
0x21: {  	s3 =	sadd.s32 s3, s9;
	s6 =	sadd.s32 @!p0 $0x88, s6;
	s7 =	simm.s32 @p2 $0x1082  }
0x22: {  	[simem:s7], [sflag:s8] =	dma.local @!p0 [hbm:s6], $0xF7A  }
0x23: {  	s9 =	sor.u32 $0xD0000000, s2;
	s6 =	simm.s32 $0x108;
	_ =	swait.ge @!p0 [sflag:s8], $0x0  }
0x24: {  	s3 =	sadd.s32 $0x88, s3;
	s6 =	simm.s32 @!p1 $0x1082;
	[sflag:s4] =	ssyncset.s32 $0xFFFFF086  }
0x25: {  	[simem:s6], [sflag:s4] =	dma.local [hbm:s3], $0xF7A  }
0x26: {  	[smem:$0x3F96] =	sst s1;
	(tag) =	ssettag s2;
	_ =	strace s9  }
0x27: {  	s1 =	sld [smem:$0x3FA6]  }
0x28: {  	s2 =	sld [smem:$0x3FA7]  }
0x29: {  	s4 =	sld [smem:$0x3FA9]  }
0x2a: {  	p0 =	seq.s32 s5, $0x0;
	s5 =	sld [smem:$0x3FAA]  }
0x2b: {  	s6 =	sld [smem:$0x3FAB]  }
0x2c: {  	s7 =	sld [smem:$0x3FAC]  }
0x2d: {  	s3 =	simm.s32 $0x108;
	s8 =	sld [smem:$0x3FAD]  }
0x2e: {  	s3 =	simm.s32 @!p0 $0x1082;
	s9 =	sld [smem:$0x3FAE]  }
0x2f: {  	lr =	sadd.s32 s0, s3;
	s0 =	sld [smem:$0x3FA5]  }
0x30: {  	s3 =	sld [smem:$0x3FA8]  }
0x31: {  	[smem:$0x3FB1] =	sst s10  }
0x32: {  	s10 =	sld [smem:$0x3FAF];
	_ =	sdelay $0x3  }
0x33: {  	p0 =	seq.s32 s10, $0x1;
	s10 =	sld [smem:$0x3FB1];
	_ =	sdelay $0x3  }
0x34: {  	[smem:$0x3FB1] =	sst s10  }
0x35: {  	s10 =	sld [smem:$0x3FB0];
	_ =	sdelay $0x3  }
0x36: {  	p1 =	seq.s32 s10, $0x1;
	s10 =	sld [smem:$0x3FB1];
	_ =	sdelay $0x3  }
0x37: {  	[smem:$0x3FB1] =	sst s10  }
0x38: {  	s10 =	sld [smem:$0x3FB2]  }
0x39: {  	_ = 	snop;
	(pc) =	sbr.ind lr, $3  }
0x3a: {  	_ = 	snop  }
0x3b: {  	_ = 	snop  }
0x3c: {  	p2 =	seq.s32 s10, $0x1;
	s10 =	sld [smem:$0x3FB1]  }
0x3d: {  	_ =	shalt  }
0x3e: {  	_ =	shalt  }
0x3f: {  	_ =	shalt  }
0x40: {  	_ =	shalt  }
0x41: {  	_ =	shalt  }
0x42: {  	_ =	shalt  }
0x43: {  	_ =	shalt  }
0x44: {  	_ =	shalt  }
0x45: {  	_ =	shalt  }
0x46: {  	_ =	shalt  }
0x47: {  	_ =	shalt  }
0x48: {  	_ =	shalt  }
0x49: {  	_ =	shalt  }
0x4a: {  	_ =	shalt  }
0x4b: {  	_ =	shalt  }
0x4c: {  	_ =	shalt  }
0x4d: {  	_ =	shalt  }
0x4e: {  	_ =	shalt  }
0x4f: {  	_ =	shalt  }
0x50: {  	_ =	shalt  }
0x51: {  	_ =	shalt  }
0x52: {  	_ =	shalt  }
0x53: {  	_ =	shalt  }
0x54: {  	_ =	shalt  }
0x55: {  	_ =	shalt  }
0x56: {  	_ =	shalt  }
0x57: {  	_ =	shalt  }
0x58: {  	_ =	shalt  }
0x59: {  	_ =	shalt  }
0x5a: {  	_ =	shalt  }
0x5b: {  	_ =	shalt  }
0x5c: {  	_ =	shalt  }
0x5d: {  	_ =	shalt  }
0x5e: {  	_ =	shalt  }
0x5f: {  	_ =	shalt  }
0x60: {  	_ =	shalt  }
0x61: {  	_ =	shalt  }
0x62: {  	_ =	shalt  }
0x63: {  	_ =	shalt  }
0x64: {  	_ =	shalt  }
0x65: {  	_ =	shalt  }
0x66: {  	_ =	shalt  }
0x67: {  	_ =	shalt  }
0x68: {  	_ =	shalt  }
0x69: {  	_ =	shalt  }
0x6a: {  	_ =	shalt  }
0x6b: {  	_ =	shalt  }
0x6c: {  	_ =	shalt  }
0x6d: {  	_ =	shalt  }
0x6e: {  	_ =	shalt  }
0x6f: {  	_ =	shalt  }
0x70: {  	_ =	shalt  }
0x71: {  	_ =	shalt  }
0x72: {  	_ =	shalt  }
0x73: {  	_ =	shalt  }
0x74: {  	_ =	shalt  }
0x75: {  	_ =	shalt  }
0x76: {  	_ =	shalt  }
0x77: {  	_ =	shalt  }
0x78: {  	_ =	shalt  }
0x79: {  	_ =	shalt  }
0x7a: {  	_ =	shalt  }
0x7b: {  	_ =	shalt  }
0x7c: {  	_ =	shalt  }
0x7d: {  	_ =	shalt  }
0x7e: {  	_ =	shalt  }
0x7f: {  	_ =	shalt  }
0x80: {  	_ =	shalt  }
0x81: {  	_ =	shalt  }
0x82: {  	_ =	shalt  }
0x83: {  	_ =	shalt  }
0x84: {  	_ =	shalt  }
0x85: {  	_ =	shalt  }
0x86: {  	_ =	shalt  }
0x87: {  	_ =	shalt  }
.Lfunc_end0:
.L_simem_size_0:
called_computation.3_lowered:
.L_overlay_start_0:
0x88: {  	s2 =	sld [smem:$0x3FD9]  }
0x89: {  	s3 =	sld [smem:$0x3FFE];
	_ =	sdelay $0x1  }
0x8a: {  	s1 =	srdreg.scid  }
0x8b: {  	s0 =	sand.u32 $0x1, s1  }
0x8c: {  	s14 =	sshll.u32 s0, $0xA;
	s2 =	sadd.s32 s3, s2  }
0x8d: {  	s2 =	sadd.s32 s2, s14  }
0x8e: {  	[smem:$0x3FBD] =	sst s2  }
0x8f: {  	_ = 	snop  }
0x90: {  	s2 =	sld [smem:$0x3FD0];
	_ =	sdelay $0x2  }
0x91: {  	s15 =	simm.s32 $0xB;
	s4 =	simm.s32 $0x10  }
0x92: {  	[smem:s4], [sflag:s15] =	dma.local [hbm:s2], $0x1  }
0x93: {  	_ =	swait.eq [sflag:s15], $0x1  }
0x94: {  	[sflag:s15] =	ssyncset.done $0x0  }
0x95: {  	[sflag:s15] =	ssyncadd.s32 $0xFFFFFFFF  }
0x96: {  	s16 =	sld [smem:$0x11];
	(tm) =	ssettm $0x1  }
0x97: {  	s17 =	sld [smem:$0x3FFB];
	_ =	sdelay $0x3  }
0x98: {  	_ =	strace s17  }
0x99: {  	s3 =	sld [smem:$0x3FFC];
	_ =	sdelay $0x3  }
0x9a: {  	_ =	strace s3  }
0x9b: {  	s3 =	sld [smem:$0x3FFD];
	_ =	sdelay $0x3  }
0x9c: {  	_ =	strace s3  }
0x9d: {  	_ =	strace $0x8FFFFFFF  }
0x9e: {  	s18 =	sld [smem:$0x3FDB];
	_ =	sdelay $0x1  }
0x9f: {  	s19 =	simm.s32 $_scs_section_size  }
0xa0: {  	s5 =	simm.s32 $_size__tile_overlayer_lowered;
	s6 =	simm.s32 $_tile_overlayer_lowered  }
0xa1: {  	s22 =	simm.s32 $0x1BFF;
	s21 =	sshll.u32 s6, $0x1;
	s3 =	sadd.s32 s19, s18  }
0xa2: {  	s7 =	simm.s32 $0x0;
	s20 =	sshll.u32 s5, $0x1;
	s5 =	sadd.s32 s21, s3  }
0xa3: {  	[timem:s7], [sflag:s22] =	dma.local [hbm:s5], s20  }
0xa4: {  	_ =	swait.ge [sflag:s22], s20  }
0xa5: {  	s4 =	ssub.s32 $0x0, s20;
	[sflag:s22] =	ssyncset.done $0x0  }
0xa6: {  	[sflag:s22] =	ssyncadd.s32 s4;
	_ =	sdelay $0x1  }
0xa7: {  	s23 =	simm.s32 $0x1B8B  }
0xa8: {  	_ =	swait.ge [sflag:s23], $0x1  }
0xa9: {  	[sflag:s23] =	ssyncset.done $0x0  }
0xaa: {  	s25 =	simm.s32 $0x1B8E;
	s24 =	sld [smem:$0x3FFE];
	[sflag:s23] =	ssyncadd.s32 $0xFFFFFFFF  }
0xab: {  	s26 =	simm.s32 $execute0_lowered;
	[smem:$0x3FD2] =	sst s25  }
0xac: {  	s5 =	sshll.u32 s26, $0x1;
	_ =	strace $0x8000004F;
	[dreg:$0x1] =	wrdreg $0xFFFFFFFF  }
0xad: {  	s28 =	simm.s32 $_size_execute0_lowered;
	s3 =	sadd.s32 s3, s5;
	[dreg:$0x0] =	wrdreg $0x0  }
0xae: {  	s5 =	sshll.u32 s28, $0x1;
	[dreg:$0x2] =	wrdreg s3  }
0xaf: {  	[dreg:$0x3] =	wrdreg s5  }
0xb0: {  	[dreg:$0x4] =	wrdreg $0xC0  }
0xb1: {  	_ =	task [dreg:s7], $0x5FFFF  }
0xb2: {  	[dreg:$0x1] =	wrdreg $0xFFFFFFFF  }
0xb3: {  	[dreg:$0x0] =	wrdreg $0x60  }
0xb4: {  	[dreg:$0x2] =	wrdreg s16  }
0xb5: {  	[dreg:$0x3] =	wrdreg s24  }
0xb6: {  	[dreg:$0x4] =	wrdreg $0x35200  }
0xb7: {  	[dreg:$0x5] =	wrdreg $0x9  }
0xb8: {  	_ =	task.clear_ibuf [dreg:s7], $0x6FFFF;
	_ =	strace $0x9000004F  }
0xb9: {  	s29 =	simm.s32 $0x9;
	_ =	strace $0x80000051  }
0xba: {  	_ =	swait.ge [sflag:s29], $0x1  }
0xbb: {  	[sflag:s29] =	ssyncadd.s32 $0xFFFFFFFF  }
0xbc: {  	_ =	strace $0x90000051  }
0xbd: {  	_ =	sfence  }
0xbe: {  	s30 =	sld [smem:$0x0];
	_ =	sdelay $0x2  }
0xbf: {  	s31 =	sshll.u32 s1, $0xD;
	s1 =	sshrl.u32 s1, $0x2  }
0xc0: {  	s3 =	sand.u32 $0x4000, s31;
	s1 =	sadd.s32 s1, s30  }
0xc1: {  	s0 =	sor.u32 s3, s0;
	s1 =	sshll.u32 s1, $0x11  }
0xc2: {  	s0 =	sor.u32 s1, s0  }
0xc3: {  	s0 =	sadd.s32 $0x8F2B, s0  }
0xc4: {  	[sflag:s0] =	ssyncadd.remote.s32 $0x1  }
0xc5: {  	_ =	sfence.sel $0xFFFF  }
0xc6: {  	[dreg:$0x0] =	wrdreg $0xFFFFFFFF;
	(pc) =	sbr.abs _section_cstart, $3  }
0xc7: {  	[dreg:$0x1] =	wrdreg $0xFFFFFFFF  }
0xc8: {  	_ =	task.clear_ibuf [dreg:s7], $0x2FFFF;
	_ =	strace $0x9FFFFFFF  }
0xc9: {  	(tm) =	ssettm $0x7FFFFFFF  }
tec
execute0_lowered:
.L_overlay_start_1:
0x0: {  	(tag) =	ssettag $0x1  }
0x1: {  	s4 =	rddreg [dreg:$0x0]  }
0x2: {  	s3 =	rddreg [dreg:$0x1]  }
0x3: {  	s1 =	rddreg [dreg:$0x2]  }
0x4: {  	s0 =	rddreg [dreg:$0x3];
	s2 =	simm.s32 $0x0  }
0x5: {  	s6 =	srdreg.scid;
	s8 =	stileid.u32;
	p1 =	por $0x0, $0x0  }
0x6: {  	[smem:$0x7FF] =	sst s2;
	s5 =	sadd.s32 $0x7000, s3;
	s12 =	sadd.s32 $0xA200, s3  }
0x7: {  	s6 =	sand.u32 $0x1, s6;
	s7 =	sshll.u32 s8, $0x1;
	p0 =	sne.s32 s8, $0x0  }
0x8: {  	s9 =	sshll.u32 s6, $0xA;
	s10 =	ssub.s32 $0x2, s6;
	s6 =	sor.u32 s6, s7  }
0x9: {  	s8 =	simm.s32 $0x3200;
	s20 =	sshrl.u32 s10, $0x1;
	s21 =	smul.u32 $0xC80, s6  }
0xa: {  	s3 =	sadd.s32 s9, s3;
	s6 =	smul.u32 $0x1900, s6;
	s7 =	ssub.s32 s10, s20  }
0xb: {  	_ =	strace $0x80000050;
	s3 =	sadd.s32 $0xA600, s3;
	s17 =	smax.u32 s7, $0x1  }
0xc: {  	s22 =	sshrl.u32 s21, $0x3;
	s23 =	sadd.s32 $0x320, s21;
	s16 =	sadd.s32 s4, s6  }
0xd: {  	s26 =	sadd.s32 $0x640, s21;
	s9 =	sadd.s32 $0x960, s21;
	s19 =	sadd.s32 $0xFFFFFFFF, s17  }
0xe: {  	s15 =	sadd.s32 s5, s22;
	s24 =	sshll.u32 s23, $0x1;
	p2 =	sne.s32 s19, $0x0  }
.Ltmp0:
0xf: {  	s25 =	sshrl.u32 s23, $0x3;
	s28 =	sshll.u32 s26, $0x1;
	(pc) =	sbr.rel @!p2 .LBB2_3-.Ltmp0, $4  }
0x10: {  	s29 =	sshrl.u32 s26, $0x3;
	s30 =	sshll.u32 s9, $0x1;
	s31 =	sshrl.u32 s9, $0x3  }
0x11: {  	s9 =	simm.s32 $0x320;
	s14 =	sadd.s32 s4, s24;
	s13 =	sadd.s32 s5, s25  }
0x12: {  	s11 =	sadd.s32 s4, s28;
	s10 =	sadd.s32 s5, s29;
	s7 =	sadd.s32 s4, s30  }
0x13: {  	s6 =	sadd.s32 s5, s31;
	s4 =	sshrl.u32 @!p0 s1, $0x3;
	s5 =	simm.s32 $0x1  }
0x14: {  	s18 =	simm.s32 @!p0 $0x1C01;
	s17 =	simm.s32 @!p0 $0x1  }
0x15: {  	[spmem:s4], [sflag:s18] =	dma.local @!p0 [hbm:s12], $0x400  }
0x16: {  	_ =	swait.ge @!p0 [sflag:s17], $0x400  }
0x17: {  	[sflag:s17] =	ssyncset.done @!p0 $0x0  }
0x18: {  	[sflag:s17] =	ssyncadd.s32 @!p0 $0xFFFFFC00  }
0x19: {  	[bflag:$0x0] =	sbarrier.arrive $0xFFFF  }
0x1a: {  	[tilespmem:s2], [sflag:$0x1] =	stream.linear.gather [hbm4b:s16+s2], $0x3200, $0x38;
	[tilespmem:$0x3720] =	vst v63  }
0x1b: {  	_ =	swait.ge [sflag:s5], $0x3200  }
0x1c: {  	[sflag:s5] =	ssyncset.done $0x0  }
0x1d: {  	[sflag:s5] =	ssyncadd.s32 $0xFFFFCE00  }
0x1e: {  	[tilespmem:s8], [sflag:$0x1] =	stream.linear.gather [hbm4b:s15+s2], $0x320, $0x38;
	[tilespmem:$0x3720] =	vst v63  }
0x1f: {  	_ =	swait.ge [sflag:s5], $0x320  }
0x20: {  	[sflag:s5] =	ssyncset.done $0x0  }
0x21: {  	[sflag:s5] =	ssyncadd.s32 $0xFFFFFCE0  }
0x22: {  	[spmem:s1] =	stream.indirect.scatter.add.f32 [tilespmem:s2], [sflag:$0x1], $0x10, s8, s9, $0xb8;
	[tilespmem:$0x3720] =	vst v63  }
0x23: {  	_ =	swait.ge [sflag:s5], $0x3200  }
0x24: {  	[sflag:s5] =	ssyncset.done $0x0  }
0x25: {  	[sflag:s5] =	ssyncadd.s32 $0xFFFFCE00  }
0x26: {  	[tilespmem:s2], [sflag:$0x1] =	stream.linear.gather [hbm4b:s14+s2], $0x3200, $0x38;
	[tilespmem:$0x3720] =	vst v63  }
0x27: {  	_ =	swait.ge [sflag:s5], $0x3200  }
0x28: {  	[sflag:s5] =	ssyncset.done $0x0  }
0x29: {  	[sflag:s5] =	ssyncadd.s32 $0xFFFFCE00  }
0x2a: {  	[tilespmem:s8], [sflag:$0x1] =	stream.linear.gather [hbm4b:s13+s2], $0x320, $0x38;
	[tilespmem:$0x3720] =	vst v63  }
0x2b: {  	_ =	swait.ge [sflag:s5], $0x320  }
0x2c: {  	[sflag:s5] =	ssyncset.done $0x0  }
0x2d: {  	[sflag:s5] =	ssyncadd.s32 $0xFFFFFCE0  }
0x2e: {  	[spmem:s1] =	stream.indirect.scatter.add.f32 [tilespmem:s2], [sflag:$0x1], $0x10, s8, s9, $0xb8;
	[tilespmem:$0x3720] =	vst v63  }
0x2f: {  	_ =	swait.ge [sflag:s5], $0x3200  }
0x30: {  	[sflag:s5] =	ssyncset.done $0x0  }
0x31: {  	[sflag:s5] =	ssyncadd.s32 $0xFFFFCE00  }
0x32: {  	[tilespmem:s2], [sflag:$0x1] =	stream.linear.gather [hbm4b:s11+s2], $0x3200, $0x38;
	[tilespmem:$0x3720] =	vst v63  }
0x33: {  	_ =	swait.ge [sflag:s5], $0x3200  }
0x34: {  	[sflag:s5] =	ssyncset.done $0x0  }
0x35: {  	[sflag:s5] =	ssyncadd.s32 $0xFFFFCE00  }
0x36: {  	[tilespmem:s8], [sflag:$0x1] =	stream.linear.gather [hbm4b:s10+s2], $0x320, $0x38;
	[tilespmem:$0x3720] =	vst v63  }
0x37: {  	_ =	swait.ge [sflag:s5], $0x320  }
0x38: {  	[sflag:s5] =	ssyncset.done $0x0  }
0x39: {  	[sflag:s5] =	ssyncadd.s32 $0xFFFFFCE0  }
0x3a: {  	[spmem:s1] =	stream.indirect.scatter.add.f32 [tilespmem:s2], [sflag:$0x1], $0x10, s8, s9, $0xb8;
	[tilespmem:$0x3720] =	vst v63  }
0x3b: {  	_ =	swait.ge [sflag:s5], $0x3200  }
0x3c: {  	[sflag:s5] =	ssyncset.done $0x0  }
0x3d: {  	[sflag:s5] =	ssyncadd.s32 $0xFFFFCE00  }
0x3e: {  	[tilespmem:s2], [sflag:$0x1] =	stream.linear.gather [hbm4b:s7+s2], $0x3200, $0x38;
	[tilespmem:$0x3720] =	vst v63  }
0x3f: {  	_ =	swait.ge [sflag:s5], $0x3200  }
0x40: {  	[sflag:s5] =	ssyncset.done $0x0  }
0x41: {  	[sflag:s5] =	ssyncadd.s32 $0xFFFFCE00  }
0x42: {  	[tilespmem:s8], [sflag:$0x1] =	stream.linear.gather [hbm4b:s6+s2], $0x320, $0x38;
	[tilespmem:$0x3720] =	vst v63  }
0x43: {  	_ =	swait.ge [sflag:s5], $0x320  }
0x44: {  	[sflag:s5] =	ssyncset.done $0x0  }
0x45: {  	[sflag:s5] =	ssyncadd.s32 $0xFFFFFCE0  }
0x46: {  	[spmem:s1] =	stream.indirect.scatter.add.f32 [tilespmem:s2], [sflag:$0x1], $0x10, s8, s9, $0xb8;
	[tilespmem:$0x3720] =	vst v63  }
0x47: {  	s19 =	sadd.s32 $0xFFFFFFFF, s19;
	_ =	swait.ge [sflag:s5], $0x3200  }
0x48: {  	p2 =	sne.s32 s19, $0x0;
	[sflag:s5] =	ssyncset.done $0x0  }
.Ltmp1:
0x49: {  	[sflag:s5] =	ssyncadd.s32 $0xFFFFCE00;
	(pc) =	sbr.rel @!p2 .LBB2_3-.Ltmp1, $4  }
0x4a: {  	[bflag:$0x0] =	sbarrier.arrive $0xFFFF  }
0x4b: {  	[hbm:s3], [sflag:s18] =	dma.local @!p0 [spmem:s4], $0x400  }
0x4c: {  	_ =	swait.ge @!p0 [sflag:s17], $0x400  }
0x4d: {  	p1 =	por $0x1, $0x1;
	[sflag:s17] =	ssyncset.done @!p0 $0x0  }
.LBB2_2:
0x4e: {  	[sflag:s17] =	ssyncadd.s32 @!p0 $0xFFFFFC00  }
0x4f: {  	[spmem:s4], [sflag:s18] =	dma.local @!p0 [hbm:s12], $0x400  }
0x50: {  	s19 =	sadd.s32 $0xFFFFFFFF, s19;
	_ =	swait.ge @!p0 [sflag:s17], $0x400  }
0x51: {  	p2 =	sne.s32 s19, $0x0;
	[sflag:s17] =	ssyncset.done @!p0 $0x0  }
0x52: {  	[sflag:s17] =	ssyncadd.s32 @!p0 $0xFFFFFC00  }
0x53: {  	[bflag:$0x0] =	sbarrier.arrive $0xFFFF  }
0x54: {  	[tilespmem:s2], [sflag:$0x1] =	stream.linear.gather [hbm4b:s16+s2], $0x3200, $0x38;
	[tilespmem:$0x3720] =	vst v63  }
0x55: {  	_ =	swait.ge [sflag:s5], $0x3200  }
0x56: {  	[sflag:s5] =	ssyncset.done $0x0  }
0x57: {  	[sflag:s5] =	ssyncadd.s32 $0xFFFFCE00  }
0x58: {  	[tilespmem:s8], [sflag:$0x1] =	stream.linear.gather [hbm4b:s15+s2], $0x320, $0x38;
	[tilespmem:$0x3720] =	vst v63  }
0x59: {  	_ =	swait.ge [sflag:s5], $0x320  }
0x5a: {  	[sflag:s5] =	ssyncset.done $0x0  }
0x5b: {  	[sflag:s5] =	ssyncadd.s32 $0xFFFFFCE0  }
0x5c: {  	[spmem:s1] =	stream.indirect.scatter.add.f32 [tilespmem:s2], [sflag:$0x1], $0x10, s8, s9, $0xb8;
	[tilespmem:$0x3720] =	vst v63  }
0x5d: {  	_ =	swait.ge [sflag:s5], $0x3200  }
0x5e: {  	[sflag:s5] =	ssyncset.done $0x0  }
0x5f: {  	[sflag:s5] =	ssyncadd.s32 $0xFFFFCE00  }
0x60: {  	[tilespmem:s2], [sflag:$0x1] =	stream.linear.gather [hbm4b:s14+s2], $0x3200, $0x38;
	[tilespmem:$0x3720] =	vst v63  }
0x61: {  	_ =	swait.ge [sflag:s5], $0x3200  }
0x62: {  	[sflag:s5] =	ssyncset.done $0x0  }
0x63: {  	[sflag:s5] =	ssyncadd.s32 $0xFFFFCE00  }
0x64: {  	[tilespmem:s8], [sflag:$0x1] =	stream.linear.gather [hbm4b:s13+s2], $0x320, $0x38;
	[tilespmem:$0x3720] =	vst v63  }
0x65: {  	_ =	swait.ge [sflag:s5], $0x320  }
0x66: {  	[sflag:s5] =	ssyncset.done $0x0  }
0x67: {  	[sflag:s5] =	ssyncadd.s32 $0xFFFFFCE0  }
0x68: {  	[spmem:s1] =	stream.indirect.scatter.add.f32 [tilespmem:s2], [sflag:$0x1], $0x10, s8, s9, $0xb8;
	[tilespmem:$0x3720] =	vst v63  }
0x69: {  	_ =	swait.ge [sflag:s5], $0x3200  }
0x6a: {  	[sflag:s5] =	ssyncset.done $0x0  }
0x6b: {  	[sflag:s5] =	ssyncadd.s32 $0xFFFFCE00  }
0x6c: {  	[tilespmem:s2], [sflag:$0x1] =	stream.linear.gather [hbm4b:s11+s2], $0x3200, $0x38;
	[tilespmem:$0x3720] =	vst v63  }
0x6d: {  	_ =	swait.ge [sflag:s5], $0x3200  }
0x6e: {  	[sflag:s5] =	ssyncset.done $0x0  }
0x6f: {  	[sflag:s5] =	ssyncadd.s32 $0xFFFFCE00  }
0x70: {  	[tilespmem:s8], [sflag:$0x1] =	stream.linear.gather [hbm4b:s10+s2], $0x320, $0x38;
	[tilespmem:$0x3720] =	vst v63  }
0x71: {  	_ =	swait.ge [sflag:s5], $0x320  }
0x72: {  	[sflag:s5] =	ssyncset.done $0x0  }
0x73: {  	[sflag:s5] =	ssyncadd.s32 $0xFFFFFCE0  }
0x74: {  	[spmem:s1] =	stream.indirect.scatter.add.f32 [tilespmem:s2], [sflag:$0x1], $0x10, s8, s9, $0xb8;
	[tilespmem:$0x3720] =	vst v63  }
0x75: {  	_ =	swait.ge [sflag:s5], $0x3200  }
0x76: {  	[sflag:s5] =	ssyncset.done $0x0  }
0x77: {  	[sflag:s5] =	ssyncadd.s32 $0xFFFFCE00  }
0x78: {  	[tilespmem:s2], [sflag:$0x1] =	stream.linear.gather [hbm4b:s7+s2], $0x3200, $0x38;
	[tilespmem:$0x3720] =	vst v63  }
0x79: {  	_ =	swait.ge [sflag:s5], $0x3200  }
0x7a: {  	[sflag:s5] =	ssyncset.done $0x0  }
0x7b: {  	[sflag:s5] =	ssyncadd.s32 $0xFFFFCE00  }
0x7c: {  	[tilespmem:s8], [sflag:$0x1] =	stream.linear.gather [hbm4b:s6+s2], $0x320, $0x38;
	[tilespmem:$0x3720] =	vst v63  }
0x7d: {  	_ =	swait.ge [sflag:s5], $0x320  }
0x7e: {  	[sflag:s5] =	ssyncset.done $0x0  }
0x7f: {  	[sflag:s5] =	ssyncadd.s32 $0xFFFFFCE0  }
0x80: {  	[spmem:s1] =	stream.indirect.scatter.add.f32 [tilespmem:s2], [sflag:$0x1], $0x10, s8, s9, $0xb8;
	[tilespmem:$0x3720] =	vst v63  }
0x81: {  	_ =	swait.ge [sflag:s5], $0x3200  }
0x82: {  	[sflag:s5] =	ssyncset.done $0x0  }
.Ltmp2:
0x83: {  	[sflag:s5] =	ssyncadd.s32 $0xFFFFCE00;
	(pc) =	sbr.rel @p2 .LBB2_2-.Ltmp2, $4  }
0x84: {  	[bflag:$0x0] =	sbarrier.arrive $0xFFFF  }
0x85: {  	[hbm:s3], [sflag:s18] =	dma.local @!p0 [spmem:s4], $0x400  }
0x86: {  	_ =	swait.ge @!p0 [sflag:s17], $0x400  }
0x87: {  	[sflag:s17] =	ssyncset.done @!p0 $0x0  }
.LBB2_3:
0x88: {  	p1 =	por p0, !p1  }
0x89: {  	s18 =	simm.s32 @!p0 $0x1C01;
	s19 =	simm.s32 @!p0 $0x1;
	[sflag:s17] =	ssyncadd.s32 @!p1 $0xFFFFFC00  }
0x8a: {  	[spmem:s4], [sflag:s18] =	dma.local @!p0 [hbm:s12], $0x400  }
0x8b: {  	_ =	swait.ge @!p0 [sflag:s19], $0x400  }
0x8c: {  	[sflag:s19] =	ssyncset.done @!p0 $0x0  }
0x8d: {  	[sflag:s19] =	ssyncadd.s32 @!p0 $0xFFFFFC00  }
0x8e: {  	[bflag:$0x0] =	sbarrier.arrive $0xFFFF  }
0x8f: {  	[tilespmem:s2], [sflag:$0x1] =	stream.linear.gather [hbm4b:s16+s2], $0x3200, $0x38;
	[tilespmem:$0x3720] =	vst v63  }
0x90: {  	_ =	swait.ge [sflag:s5], $0x3200  }
0x91: {  	[sflag:s5] =	ssyncset.done $0x0  }
0x92: {  	[sflag:s5] =	ssyncadd.s32 $0xFFFFCE00  }
0x93: {  	[tilespmem:s8], [sflag:$0x1] =	stream.linear.gather [hbm4b:s15+s2], $0x320, $0x38;
	[tilespmem:$0x3720] =	vst v63  }
0x94: {  	_ =	swait.ge [sflag:s5], $0x320  }
0x95: {  	[sflag:s5] =	ssyncset.done $0x0  }
0x96: {  	[sflag:s5] =	ssyncadd.s32 $0xFFFFFCE0  }
0x97: {  	[spmem:s1] =	stream.indirect.scatter.add.f32 [tilespmem:s2], [sflag:$0x1], $0x10, s8, s9, $0xb8;
	[tilespmem:$0x3720] =	vst v63  }
0x98: {  	_ =	swait.ge [sflag:s5], $0x3200  }
0x99: {  	[sflag:s5] =	ssyncset.done $0x0  }
0x9a: {  	[sflag:s5] =	ssyncadd.s32 $0xFFFFCE00  }
0x9b: {  	[tilespmem:s2], [sflag:$0x1] =	stream.linear.gather [hbm4b:s14+s2], $0x3200, $0x38;
	[tilespmem:$0x3720] =	vst v63  }
0x9c: {  	_ =	swait.ge [sflag:s5], $0x3200  }
0x9d: {  	[sflag:s5] =	ssyncset.done $0x0  }
0x9e: {  	[sflag:s5] =	ssyncadd.s32 $0xFFFFCE00  }
0x9f: {  	[tilespmem:s8], [sflag:$0x1] =	stream.linear.gather [hbm4b:s13+s2], $0x320, $0x38;
	[tilespmem:$0x3720] =	vst v63  }
0xa0: {  	_ =	swait.ge [sflag:s5], $0x320  }
0xa1: {  	[sflag:s5] =	ssyncset.done $0x0  }
0xa2: {  	[sflag:s5] =	ssyncadd.s32 $0xFFFFFCE0  }
0xa3: {  	[spmem:s1] =	stream.indirect.scatter.add.f32 [tilespmem:s2], [sflag:$0x1], $0x10, s8, s9, $0xb8;
	[tilespmem:$0x3720] =	vst v63  }
0xa4: {  	_ =	swait.ge [sflag:s5], $0x3200  }
0xa5: {  	[sflag:s5] =	ssyncset.done $0x0  }
0xa6: {  	[sflag:s5] =	ssyncadd.s32 $0xFFFFCE00  }
0xa7: {  	[tilespmem:s2], [sflag:$0x1] =	stream.linear.gather [hbm4b:s11+s2], $0x3200, $0x38;
	[tilespmem:$0x3720] =	vst v63  }
0xa8: {  	_ =	swait.ge [sflag:s5], $0x3200  }
0xa9: {  	[sflag:s5] =	ssyncset.done $0x0  }
0xaa: {  	[sflag:s5] =	ssyncadd.s32 $0xFFFFCE00  }
0xab: {  	[tilespmem:s8], [sflag:$0x1] =	stream.linear.gather [hbm4b:s10+s2], $0x320, $0x38;
	[tilespmem:$0x3720] =	vst v63  }
0xac: {  	_ =	swait.ge [sflag:s5], $0x320  }
0xad: {  	[sflag:s5] =	ssyncset.done $0x0  }
0xae: {  	[sflag:s5] =	ssyncadd.s32 $0xFFFFFCE0  }
0xaf: {  	[spmem:s1] =	stream.indirect.scatter.add.f32 [tilespmem:s2], [sflag:$0x1], $0x10, s8, s9, $0xb8;
	[tilespmem:$0x3720] =	vst v63  }
0xb0: {  	_ =	swait.ge [sflag:s5], $0x3200  }
0xb1: {  	[sflag:s5] =	ssyncset.done $0x0  }
0xb2: {  	[sflag:s5] =	ssyncadd.s32 $0xFFFFCE00  }
0xb3: {  	[tilespmem:s2], [sflag:$0x1] =	stream.linear.gather [hbm4b:s7+s2], $0x3200, $0x38;
	[tilespmem:$0x3720] =	vst v63  }
0xb4: {  	_ =	swait.ge [sflag:s5], $0x3200  }
0xb5: {  	[sflag:s5] =	ssyncset.done $0x0  }
0xb6: {  	[sflag:s5] =	ssyncadd.s32 $0xFFFFCE00  }
0xb7: {  	[tilespmem:s8], [sflag:$0x1] =	stream.linear.gather [hbm4b:s6+s2], $0x320, $0x38;
	[tilespmem:$0x3720] =	vst v63  }
0xb8: {  	_ =	swait.ge [sflag:s5], $0x320  }
0xb9: {  	[sflag:s5] =	ssyncset.done $0x0  }
0xba: {  	[sflag:s5] =	ssyncadd.s32 $0xFFFFFCE0  }
0xbb: {  	[spmem:s1] =	stream.indirect.scatter.add.f32 [tilespmem:s2], [sflag:$0x1], $0x10, s8, s9, $0xb8;
	[tilespmem:$0x3720] =	vst v63  }
0xbc: {  	_ =	swait.ge [sflag:s5], $0x3200  }
0xbd: {  	[sflag:s5] =	ssyncset.done $0x0  }
0xbe: {  	[sflag:s5] =	ssyncadd.s32 $0xFFFFCE00  }
0xbf: {  	[bflag:$0x0] =	sbarrier.arrive $0xFFFF  }
0xc0: {  	[hbm:s3], [sflag:s18] =	dma.local @!p0 [spmem:s4], $0x400  }
0xc1: {  	_ =	swait.ge @!p0 [sflag:s19], $0x400  }
0xc2: {  	[sflag:s19] =	ssyncset.done @!p0 $0x0  }
0xc3: {  	[sflag:s19] =	ssyncadd.s32 @!p0 $0xFFFFFC00  }
0xc4: {  	_ =	sfence.sel $0x180000  }
0xc5: {  	[bflag:$0x0] =	sbarrier.arrive $0xFFFF  }
0xc6: {  	_ =	strace $0x90000050  }
0xc7: {  	s0 =	sadd.s32 @!p0 $0x100000, s0;
	[bflag:$0x2] =	sbarrier.arrive $0xFFFF  }
0xc8: {  	[sflag:s0] =	ssyncadd.tile.s32 @!p0 $0x1;
	_ =	shalt  }
.Lfunc_end2:
_tile_overlayer_lowered:
.L_overlay_start_2:
0xc9: {  	(tag) =	ssettag $0x2  }
0xca: {  	s0 =	rddreg [dreg:$0x0];
	s2 =	stileid.u32  }
0xcb: {  	s1 =	rddreg [dreg:$0x1];
	p0 =	sne.s32 s2, $0x0  }
0xcc: {  	s3 =	rddreg [dreg:$0x2];
	[bflag:$0x3] =	sbarrier.arrive $0xFFFF;
	s2 =	simm.s32 @!p0 $0x1C01  }
0xcd: {  	[timem:s3], [sflag:s2] =	dma.local @!p0 [hbm:s0], s1  }
0xce: {  	s0 =	simm.s32 @!p0 $0x1  }
0xcf: {  	_ =	swait.ge @!p0 [sflag:s0], s1  }
0xd0: {  	s1 =	ssub.s32 @!p0 $0x0, s1;
	[sflag:s0] =	ssyncset.done @!p0 $0x0  }
0xd1: {  	[sflag:s0] =	ssyncadd.s32 @!p0 s1  }
0xd2: {  	[bflag:$0x3] =	sbarrier.arrive $0xFFFF  }
0xd3: {  	_ =	shalt  }

// kernel: kernel.9.cloned.1.call-start
scs
__scs_entry_jumppad:
0x0: {  	(pc) =	sbr.rel $0x88, $3  }
0x1: {  	(tag) =	ssettag $0x0;
	lr =	simm.s32 $0x1  }
0x2: {  	[smem:$0x3F96] =	sst lr;
	_ =	strace $0xD0000000  }
0x3: {  	_ = 	snop  }
0x4: {  	_ = 	snop  }
0x5: {  	_ = 	snop  }
0x6: {  	_ = 	snop  }
0x7: {  	_ = 	snop  }
__scs_overlays_trampoline_lowered:
0x8: {  	[smem:$0x3FA5] =	sst s0  }
0x9: {  	[smem:$0x3FA6] =	sst s1  }
0xa: {  	[smem:$0x3FA7] =	sst s2  }
0xb: {  	[smem:$0x3FA8] =	sst s3  }
0xc: {  	[smem:$0x3FA9] =	sst s4  }
0xd: {  	[smem:$0x3FAA] =	sst s5  }
0xe: {  	[smem:$0x3FAB] =	sst s6  }
0xf: {  	[smem:$0x3FAC] =	sst s7  }
0x10: {  	[smem:$0x3FAD] =	sst s8  }
0x11: {  	[smem:$0x3FAE] =	sst s9;
	s0 =	simm.s32 @!p0 $0x0  }
0x12: {  	s1 =	sld [smem:$0x3F94];
	s0 =	simm.s32 @p0 $0x1  }
0x13: {  	[smem:$0x3FAF] =	sst s0;
	s0 =	simm.s32 @!p1 $0x0  }
0x14: {  	s2 =	sld [smem:$0x3F93];
	s0 =	simm.s32 @p1 $0x1  }
0x15: {  	[smem:$0x3FB0] =	sst s0;
	s0 =	simm.s32 @!p2 $0x0  }
0x16: {  	s3 =	sld [smem:$0x3FDB];
	s0 =	simm.s32 @p2 $0x1  }
0x17: {  	s4 =	simm.s32 $0x1BF5;
	[smem:$0x3FB2] =	sst s0  }
0x18: {  	s0 =	sld [smem:$0x3F95];
	_ =	swait.ge [sflag:s4], $0x0  }
0x19: {  	s7 =	sld [smem:$0x3F96]  }
0x1a: {  	s8 =	sadd.s32 $0xFFFFE003, lr  }
0x1b: {  	s9 =	sadd.s32 $0xFFFFFEF7, lr;
	s5 =	simm.s32 $0xFFFFFFFF;
	p2 =	slt.u32 s8, $0xFFFFF086  }
0x1c: {  	p1 =	slt.u32 s9, $0xF7A;
	s5 =	simm.s32 @!p2 $0x0  }
0x1d: {  	s5 =	simm.s32 @p1 $0x1;
	p0 =	seq.s32 s7, s2  }
0x1e: {  	s7 =	smul.u32 @!p0 $0xF7A, s2;
	p2 =	seq.s32 @!p0 s5, $0x0  }
0x1f: {  	s9 =	smul.u32 $0xF7A, s1;
	s8 =	simm.s32 @!p0 $0x1BF5;
	p2 =	por !p2, p0  }
0x20: {  	[sflag:s8] =	ssyncset.s32 @!p0 $0xFFFFF086;
	s6 =	sadd.s32 @!p0 s3, s7;
	s7 =	simm.s32 @!p0 $0x108  }
0x21: {  	s3 =	sadd.s32 s3, s9;
	s6 =	sadd.s32 @!p0 $0x88, s6;
	s7 =	simm.s32 @p2 $0x1082  }
0x22: {  	[simem:s7], [sflag:s8] =	dma.local @!p0 [hbm:s6], $0xF7A  }
0x23: {  	s9 =	sor.u32 $0xD0000000, s2;
	s6 =	simm.s32 $0x108;
	_ =	swait.ge @!p0 [sflag:s8], $0x0  }
0x24: {  	s3 =	sadd.s32 $0x88, s3;
	s6 =	simm.s32 @!p1 $0x1082;
	[sflag:s4] =	ssyncset.s32 $0xFFFFF086  }
0x25: {  	[simem:s6], [sflag:s4] =	dma.local [hbm:s3], $0xF7A  }
0x26: {  	[smem:$0x3F96] =	sst s1;
	(tag) =	ssettag s2;
	_ =	strace s9  }
0x27: {  	s1 =	sld [smem:$0x3FA6]  }
0x28: {  	s2 =	sld [smem:$0x3FA7]  }
0x29: {  	s4 =	sld [smem:$0x3FA9]  }
0x2a: {  	p0 =	seq.s32 s5, $0x0;
	s5 =	sld [smem:$0x3FAA]  }
0x2b: {  	s6 =	sld [smem:$0x3FAB]  }
0x2c: {  	s7 =	sld [smem:$0x3FAC]  }
0x2d: {  	s3 =	simm.s32 $0x108;
	s8 =	sld [smem:$0x3FAD]  }
0x2e: {  	s3 =	simm.s32 @!p0 $0x1082;
	s9 =	sld [smem:$0x3FAE]  }
0x2f: {  	lr =	sadd.s32 s0, s3;
	s0 =	sld [smem:$0x3FA5]  }
0x30: {  	s3 =	sld [smem:$0x3FA8]  }
0x31: {  	[smem:$0x3FB1] =	sst s10  }
0x32: {  	s10 =	sld [smem:$0x3FAF];
	_ =	sdelay $0x3  }
0x33: {  	p0 =	seq.s32 s10, $0x1;
	s10 =	sld [smem:$0x3FB1];
	_ =	sdelay $0x3  }
0x34: {  	[smem:$0x3FB1] =	sst s10  }
0x35: {  	s10 =	sld [smem:$0x3FB0];
	_ =	sdelay $0x3  }
0x36: {  	p1 =	seq.s32 s10, $0x1;
	s10 =	sld [smem:$0x3FB1];
	_ =	sdelay $0x3  }
0x37: {  	[smem:$0x3FB1] =	sst s10  }
0x38: {  	s10 =	sld [smem:$0x3FB2]  }
0x39: {  	_ = 	snop;
	(pc) =	sbr.ind lr, $3  }
0x3a: {  	_ = 	snop  }
0x3b: {  	_ = 	snop  }
0x3c: {  	p2 =	seq.s32 s10, $0x1;
	s10 =	sld [smem:$0x3FB1]  }
0x3d: {  	_ =	shalt  }
0x3e: {  	_ =	shalt  }
0x3f: {  	_ =	shalt  }
0x40: {  	_ =	shalt  }
0x41: {  	_ =	shalt  }
0x42: {  	_ =	shalt  }
0x43: {  	_ =	shalt  }
0x44: {  	_ =	shalt  }
0x45: {  	_ =	shalt  }
0x46: {  	_ =	shalt  }
0x47: {  	_ =	shalt  }
0x48: {  	_ =	shalt  }
0x49: {  	_ =	shalt  }
0x4a: {  	_ =	shalt  }
0x4b: {  	_ =	shalt  }
0x4c: {  	_ =	shalt  }
0x4d: {  	_ =	shalt  }
0x4e: {  	_ =	shalt  }
0x4f: {  	_ =	shalt  }
0x50: {  	_ =	shalt  }
0x51: {  	_ =	shalt  }
0x52: {  	_ =	shalt  }
0x53: {  	_ =	shalt  }
0x54: {  	_ =	shalt  }
0x55: {  	_ =	shalt  }
0x56: {  	_ =	shalt  }
0x57: {  	_ =	shalt  }
0x58: {  	_ =	shalt  }
0x59: {  	_ =	shalt  }
0x5a: {  	_ =	shalt  }
0x5b: {  	_ =	shalt  }
0x5c: {  	_ =	shalt  }
0x5d: {  	_ =	shalt  }
0x5e: {  	_ =	shalt  }
0x5f: {  	_ =	shalt  }
0x60: {  	_ =	shalt  }
0x61: {  	_ =	shalt  }
0x62: {  	_ =	shalt  }
0x63: {  	_ =	shalt  }
0x64: {  	_ =	shalt  }
0x65: {  	_ =	shalt  }
0x66: {  	_ =	shalt  }
0x67: {  	_ =	shalt  }
0x68: {  	_ =	shalt  }
0x69: {  	_ =	shalt  }
0x6a: {  	_ =	shalt  }
0x6b: {  	_ =	shalt  }
0x6c: {  	_ =	shalt  }
0x6d: {  	_ =	shalt  }
0x6e: {  	_ =	shalt  }
0x6f: {  	_ =	shalt  }
0x70: {  	_ =	shalt  }
0x71: {  	_ =	shalt  }
0x72: {  	_ =	shalt  }
0x73: {  	_ =	shalt  }
0x74: {  	_ =	shalt  }
0x75: {  	_ =	shalt  }
0x76: {  	_ =	shalt  }
0x77: {  	_ =	shalt  }
0x78: {  	_ =	shalt  }
0x79: {  	_ =	shalt  }
0x7a: {  	_ =	shalt  }
0x7b: {  	_ =	shalt  }
0x7c: {  	_ =	shalt  }
0x7d: {  	_ =	shalt  }
0x7e: {  	_ =	shalt  }
0x7f: {  	_ =	shalt  }
0x80: {  	_ =	shalt  }
0x81: {  	_ =	shalt  }
0x82: {  	_ =	shalt  }
0x83: {  	_ =	shalt  }
0x84: {  	_ =	shalt  }
0x85: {  	_ =	shalt  }
0x86: {  	_ =	shalt  }
0x87: {  	_ =	shalt  }
.Lfunc_end0:
.L_simem_size_0:
called_computation_lowered:
.L_overlay_start_0:
0x88: {  	s2 =	sld [smem:$0x3FD9]  }
0x89: {  	s3 =	sld [smem:$0x3FFE];
	_ =	sdelay $0x1  }
0x8a: {  	s1 =	srdreg.scid  }
0x8b: {  	s0 =	sand.u32 $0x1, s1  }
0x8c: {  	s14 =	sshll.u32 s0, $0xA;
	s2 =	sadd.s32 s3, s2  }
0x8d: {  	s2 =	sadd.s32 s2, s14  }
0x8e: {  	[smem:$0x3FBD] =	sst s2  }
0x8f: {  	_ = 	snop  }
0x90: {  	s2 =	sld [smem:$0x3FD0];
	_ =	sdelay $0x2  }
0x91: {  	s15 =	simm.s32 $0xB;
	s4 =	simm.s32 $0x10  }
0x92: {  	[smem:s4], [sflag:s15] =	dma.local [hbm:s2], $0x1  }
0x93: {  	_ =	swait.eq [sflag:s15], $0x1  }
0x94: {  	[sflag:s15] =	ssyncset.done $0x0  }
0x95: {  	[sflag:s15] =	ssyncadd.s32 $0xFFFFFFFF  }
0x96: {  	s16 =	sld [smem:$0x10];
	(tm) =	ssettm $0x1  }
0x97: {  	s17 =	sld [smem:$0x3FFB];
	_ =	sdelay $0x3  }
0x98: {  	_ =	strace s17  }
0x99: {  	s3 =	sld [smem:$0x3FFC];
	_ =	sdelay $0x3  }
0x9a: {  	_ =	strace s3  }
0x9b: {  	s3 =	sld [smem:$0x3FFD];
	_ =	sdelay $0x3  }
0x9c: {  	_ =	strace s3  }
0x9d: {  	_ =	strace $0x8FFFFFFF  }
0x9e: {  	s18 =	sld [smem:$0x3FDB];
	_ =	sdelay $0x1  }
0x9f: {  	s19 =	simm.s32 $_scs_section_size  }
0xa0: {  	s5 =	simm.s32 $_size__tile_overlayer_lowered;
	s6 =	simm.s32 $_tile_overlayer_lowered  }
0xa1: {  	s22 =	simm.s32 $0x1BFF;
	s21 =	sshll.u32 s6, $0x1;
	s3 =	sadd.s32 s19, s18  }
0xa2: {  	s7 =	simm.s32 $0x0;
	s20 =	sshll.u32 s5, $0x1;
	s5 =	sadd.s32 s21, s3  }
0xa3: {  	[timem:s7], [sflag:s22] =	dma.local [hbm:s5], s20  }
0xa4: {  	_ =	swait.ge [sflag:s22], s20  }
0xa5: {  	s4 =	ssub.s32 $0x0, s20;
	[sflag:s22] =	ssyncset.done $0x0  }
0xa6: {  	[sflag:s22] =	ssyncadd.s32 s4;
	_ =	sdelay $0x1  }
0xa7: {  	s23 =	simm.s32 $0x1B8B  }
0xa8: {  	_ =	swait.ge [sflag:s23], $0x1  }
0xa9: {  	[sflag:s23] =	ssyncset.done $0x0  }
0xaa: {  	s25 =	simm.s32 $0x1B8E;
	s24 =	sld [smem:$0x3FFE];
	[sflag:s23] =	ssyncadd.s32 $0xFFFFFFFF  }
0xab: {  	s26 =	simm.s32 $execute0_lowered;
	[smem:$0x3FD2] =	sst s25  }
0xac: {  	s5 =	sshll.u32 s26, $0x1;
	_ =	strace $0x80000046;
	[dreg:$0x1] =	wrdreg $0xFFFFFFFF  }
0xad: {  	s28 =	simm.s32 $_size_execute0_lowered;
	s3 =	sadd.s32 s3, s5;
	[dreg:$0x0] =	wrdreg $0x0  }
0xae: {  	s5 =	sshll.u32 s28, $0x1;
	[dreg:$0x2] =	wrdreg s3  }
0xaf: {  	[dreg:$0x3] =	wrdreg s5  }
0xb0: {  	[dreg:$0x4] =	wrdreg $0xC0  }
0xb1: {  	_ =	task [dreg:s7], $0x5FFFF  }
0xb2: {  	[dreg:$0x1] =	wrdreg $0xFFFFFFFF  }
0xb3: {  	[dreg:$0x0] =	wrdreg $0x60  }
0xb4: {  	[dreg:$0x2] =	wrdreg s16  }
0xb5: {  	[dreg:$0x3] =	wrdreg s24  }
0xb6: {  	[dreg:$0x4] =	wrdreg $0x9  }
0xb7: {  	_ =	task.clear_ibuf [dreg:s7], $0x5FFFF;
	_ =	strace $0x90000046  }
0xb8: {  	s29 =	simm.s32 $0x9;
	_ =	strace $0x80000048  }
0xb9: {  	_ =	swait.ge [sflag:s29], $0x1  }
0xba: {  	[sflag:s29] =	ssyncadd.s32 $0xFFFFFFFF  }
0xbb: {  	_ =	strace $0x90000048  }
0xbc: {  	_ =	sfence  }
0xbd: {  	s30 =	sld [smem:$0x0];
	_ =	sdelay $0x2  }
0xbe: {  	s31 =	sshll.u32 s1, $0xD;
	s1 =	sshrl.u32 s1, $0x2  }
0xbf: {  	s3 =	sand.u32 $0x4000, s31;
	s1 =	sadd.s32 s1, s30  }
0xc0: {  	s0 =	sor.u32 s3, s0;
	s1 =	sshll.u32 s1, $0x11  }
0xc1: {  	s0 =	sor.u32 s1, s0  }
0xc2: {  	s0 =	sadd.s32 $0x8F2B, s0  }
0xc3: {  	[sflag:s0] =	ssyncadd.remote.s32 $0x1  }
0xc4: {  	_ =	sfence.sel $0xFFFF  }
0xc5: {  	[dreg:$0x0] =	wrdreg $0xFFFFFFFF;
	(pc) =	sbr.abs _section_cstart, $3  }
0xc6: {  	[dreg:$0x1] =	wrdreg $0xFFFFFFFF  }
0xc7: {  	_ =	task.clear_ibuf [dreg:s7], $0x2FFFF;
	_ =	strace $0x9FFFFFFF  }
0xc8: {  	(tm) =	ssettm $0x7FFFFFFF  }
0xc9: {  	_ =	shalt  }
tec
execute0_lowered:
.L_overlay_start_1:
0x0: {  	(tag) =	ssettag $0x1  }
0x1: {  	s4 =	stileid.u32;
	s2 =	rddreg [dreg:$0x0]  }
0x2: {  	s0 =	srdreg.scid;
	s5 =	rddreg [dreg:$0x1]  }
0x3: {  	s3 =	simm.s32 $0x0;
	s11 =	simm.s32 $0x3E8;
	s12 =	simm.s32 $0x28  }
0x4: {  	s13 =	simm.s32 $0x7D0;
	s15 =	simm.s32 $0x2;
	s16 =	simm.s32 $0x4650  }
0x5: {  	s31 =	simm.s32 $0x6B8;
	s14 =	simm.s32 $0x7AD0;
	s17 =	simm.s32 $0x758  }
0x6: {  	s18 =	simm.s32 $0x7D50;
	s19 =	simm.s32 $0x780;
	s20 =	simm.s32 $0x7FD0  }
0x7: {  	s21 =	simm.s32 $0x7A8;
	s22 =	simm.s32 $0x8250;
	s6 =	smul.u32 $0x30D40, s4  }
0x8: {  	s0 =	sand.u32 $0x1, s0;
	s1 =	sshll.u32 s4, $0x1;
	s7 =	smul.u32 $0x186A0, s4  }
0x9: {  	[smem:$0x7FF] =	sst s3;
	s4 =	sadd.s32 $0x18DA00, s5;
	s9 =	smul.u32 $0xC350, s0  }
0xa: {  	s1 =	sor.u32 s0, s1;
	s8 =	ssub.s32 $0x2, s0;
	s0 =	smul.u32 $0x186A0, s0  }
0xb: {  	s23 =	simm.s32 $0x3;
	_ =	strace $0x80000047;
	s1 =	smul.u32 $0x186A, s1  }
0xc: {  	s10 =	sshrl.u32 s8, $0x1;
	s5 =	sadd.s32 s6, s5;
	s6 =	simm.s32 $0x708  }
0xd: {  	s24 =	ssub.s32 s8, s10;
	s25 =	sadd.s32 s9, s7;
	s0 =	sadd.s32 s0, s5  }
0xe: {  	s10 =	simm.s32 $0x1;
	s5 =	simm.s32 $0x75D0;
	s8 =	simm.s32 $0x7850  }
0xf: {  	s9 =	simm.s32 $0x730;
	s1 =	sadd.s32 s4, s1;
	s26 =	sadd.s32 $0x3E8, s25  }
0x10: {  	s28 =	smax.u32 s24, $0x1;
	s7 =	sadd.s32 $0x1BE800, s0;
	[dreg:$0x3] =	wrdreg s1  }
0x11: {  	s30 =	sadd.s32 $0x7D0, s25;
	[dreg:$0x4] =	wrdreg s28;
	s29 =	sshrl.u32 s26, $0x3  }
0x12: {  	s25 =	simm.s32 $0x0;
	[dreg:$0x5] =	wrdreg s30;
	s0 =	sadd.s32 s29, s4  }
0x13: {  	s1 =	simm.s32 $0x7350;
	[dreg:$0x6] =	wrdreg s0;
	s0 =	simm.s32 $0x6E0  }
.LBB2_1:
0x14: {  	[dreg:$0x7] =	wrdreg s25  }
0x15: {  	s24 =	rddreg [dreg:$0x3]  }
0x16: {  	s25 =	rddreg [dreg:$0x5]  }
0x17: {  	[tilespmem:s3], [sflag:$0x1] =	stream.linear.gather [hbm4b:s24+s3], $0x3E8, $0x38;
	[tilespmem:$0x84D0] =	vst v63  }
0x18: {  	s26 =	simm.s32 $0x0;
	s24 =	rddreg [dreg:$0x6]  }
.LBB2_2:
0x19: {  	_ =	swait.ge [sflag:s10], $0x3E8  }
0x1a: {  	p0 =	seq.s32 s26, $0x0;
	[sflag:s10] =	ssyncset.done $0x0  }
0x1b: {  	s28 =	simm.s32 @!p0 $0x3;
	[sflag:s10] =	ssyncadd.s32 $0xFFFFFC18  }
0x1c: {  	[tilespmem:s11], [sflag:$0x1] =	stream.linear.gather [hbm4b:s24+s3], $0x3E8, $0x38;
	[tilespmem:$0x84D0] =	vst v63  }
0x1d: {  	_ =	swait.ge @!p0 [sflag:s28], $0x3E80  }
0x1e: {  	[sflag:s28] =	ssyncset.done @!p0 $0x0  }
0x1f: {  	[sflag:s28] =	ssyncadd.s32 @!p0 $0xFFFFC180  }
0x20: {  	[tilespmem:s13], [sflag:$0x2] =	stream.indirect.gather [hbm4b:s2+s12], $0x10, s3, s12, $0xb8;
	[tilespmem:$0x84D0] =	vst v63  }
0x21: {  	s29 =	simm.s32 $0xA50  }
0x22: {  	[tilespmem:s29], [sflag:$0x2] =	stream.indirect.gather [hbm4b:s2+s12], $0x10, s12, s12, $0xb8;
	[tilespmem:$0x84D0] =	vst v63  }
0x23: {  	s30 =	simm.s32 $0x50;
	s29 =	simm.s32 $0xCD0  }
0x24: {  	[tilespmem:s29], [sflag:$0x2] =	stream.indirect.gather [hbm4b:s2+s12], $0x10, s30, s12, $0xb8;
	[tilespmem:$0x84D0] =	vst v63  }
0x25: {  	s28 =	simm.s32 $0x78;
	s30 =	simm.s32 $0xF50  }
0x26: {  	[tilespmem:s30], [sflag:$0x2] =	stream.indirect.gather [hbm4b:s2+s12], $0x10, s28, s12, $0xb8;
	[tilespmem:$0x84D0] =	vst v63  }
0x27: {  	s28 =	simm.s32 $0xA0;
	s30 =	simm.s32 $0x11D0  }
0x28: {  	[tilespmem:s30], [sflag:$0x2] =	stream.indirect.gather [hbm4b:s2+s12], $0x10, s28, s12, $0xb8;
	[tilespmem:$0x84D0] =	vst v63  }
0x29: {  	s28 =	simm.s32 $0xC8;
	s30 =	simm.s32 $0x1450  }
0x2a: {  	[tilespmem:s30], [sflag:$0x2] =	stream.indirect.gather [hbm4b:s2+s12], $0x10, s28, s12, $0xb8;
	[tilespmem:$0x84D0] =	vst v63  }
0x2b: {  	s28 =	simm.s32 $0xF0;
	s30 =	simm.s32 $0x16D0  }
0x2c: {  	[tilespmem:s30], [sflag:$0x2] =	stream.indirect.gather [hbm4b:s2+s12], $0x10, s28, s12, $0xb8;
	[tilespmem:$0x84D0] =	vst v63  }
0x2d: {  	s28 =	simm.s32 $0x118;
	s30 =	simm.s32 $0x1950  }
0x2e: {  	[tilespmem:s30], [sflag:$0x2] =	stream.indirect.gather [hbm4b:s2+s12], $0x10, s28, s12, $0xb8;
	[tilespmem:$0x84D0] =	vst v63  }
0x2f: {  	s28 =	simm.s32 $0x140;
	s30 =	simm.s32 $0x1BD0  }
0x30: {  	[tilespmem:s30], [sflag:$0x2] =	stream.indirect.gather [hbm4b:s2+s12], $0x10, s28, s12, $0xb8;
	[tilespmem:$0x84D0] =	vst v63  }
0x31: {  	s28 =	simm.s32 $0x168;
	s30 =	simm.s32 $0x1E50  }
0x32: {  	[tilespmem:s30], [sflag:$0x2] =	stream.indirect.gather [hbm4b:s2+s12], $0x10, s28, s12, $0xb8;
	[tilespmem:$0x84D0] =	vst v63  }
0x33: {  	s28 =	simm.s32 $0x190;
	s30 =	simm.s32 $0x20D0  }
0x34: {  	[tilespmem:s30], [sflag:$0x2] =	stream.indirect.gather [hbm4b:s2+s12], $0x10, s28, s12, $0xb8;
	[tilespmem:$0x84D0] =	vst v63  }
0x35: {  	s28 =	simm.s32 $0x1B8;
	s30 =	simm.s32 $0x2350  }
0x36: {  	[tilespmem:s30], [sflag:$0x2] =	stream.indirect.gather [hbm4b:s2+s12], $0x10, s28, s12, $0xb8;
	[tilespmem:$0x84D0] =	vst v63  }
0x37: {  	s28 =	simm.s32 $0x1E0;
	s30 =	simm.s32 $0x25D0  }
0x38: {  	[tilespmem:s30], [sflag:$0x2] =	stream.indirect.gather [hbm4b:s2+s12], $0x10, s28, s12, $0xb8;
	[tilespmem:$0x84D0] =	vst v63  }
0x39: {  	s28 =	simm.s32 $0x208;
	s30 =	simm.s32 $0x2850  }
0x3a: {  	[tilespmem:s30], [sflag:$0x2] =	stream.indirect.gather [hbm4b:s2+s12], $0x10, s28, s12, $0xb8;
	[tilespmem:$0x84D0] =	vst v63  }
0x3b: {  	s28 =	simm.s32 $0x230;
	s30 =	simm.s32 $0x2AD0  }
0x3c: {  	[tilespmem:s30], [sflag:$0x2] =	stream.indirect.gather [hbm4b:s2+s12], $0x10, s28, s12, $0xb8;
	[tilespmem:$0x84D0] =	vst v63  }
0x3d: {  	s28 =	simm.s32 $0x258;
	s30 =	simm.s32 $0x2D50  }
0x3e: {  	[tilespmem:s30], [sflag:$0x2] =	stream.indirect.gather [hbm4b:s2+s12], $0x10, s28, s12, $0xb8;
	[tilespmem:$0x84D0] =	vst v63  }
0x3f: {  	s28 =	simm.s32 $0x280;
	s30 =	simm.s32 $0x2FD0  }
0x40: {  	[tilespmem:s30], [sflag:$0x2] =	stream.indirect.gather [hbm4b:s2+s12], $0x10, s28, s12, $0xb8;
	[tilespmem:$0x84D0] =	vst v63  }
0x41: {  	s28 =	simm.s32 $0x2A8;
	s30 =	simm.s32 $0x3250  }
0x42: {  	[tilespmem:s30], [sflag:$0x2] =	stream.indirect.gather [hbm4b:s2+s12], $0x10, s28, s12, $0xb8;
	[tilespmem:$0x84D0] =	vst v63  }
0x43: {  	s28 =	simm.s32 $0x2D0;
	s30 =	simm.s32 $0x34D0  }
0x44: {  	[tilespmem:s30], [sflag:$0x2] =	stream.indirect.gather [hbm4b:s2+s12], $0x10, s28, s12, $0xb8;
	[tilespmem:$0x84D0] =	vst v63  }
0x45: {  	s28 =	simm.s32 $0x2F8;
	s30 =	simm.s32 $0x3750  }
0x46: {  	[tilespmem:s30], [sflag:$0x2] =	stream.indirect.gather [hbm4b:s2+s12], $0x10, s28, s12, $0xb8;
	[tilespmem:$0x84D0] =	vst v63  }
0x47: {  	s28 =	simm.s32 $0x320;
	s30 =	simm.s32 $0x39D0  }
0x48: {  	[tilespmem:s30], [sflag:$0x2] =	stream.indirect.gather [hbm4b:s2+s12], $0x10, s28, s12, $0xb8;
	[tilespmem:$0x84D0] =	vst v63  }
0x49: {  	s28 =	simm.s32 $0x348;
	s30 =	simm.s32 $0x3C50  }
0x4a: {  	[tilespmem:s30], [sflag:$0x2] =	stream.indirect.gather [hbm4b:s2+s12], $0x10, s28, s12, $0xb8;
	[tilespmem:$0x84D0] =	vst v63  }
0x4b: {  	s28 =	simm.s32 $0x370;
	s30 =	simm.s32 $0x3ED0  }
0x4c: {  	[tilespmem:s30], [sflag:$0x2] =	stream.indirect.gather [hbm4b:s2+s12], $0x10, s28, s12, $0xb8;
	[tilespmem:$0x84D0] =	vst v63  }
0x4d: {  	s28 =	simm.s32 $0x398;
	s30 =	simm.s32 $0x4150  }
0x4e: {  	[tilespmem:s30], [sflag:$0x2] =	stream.indirect.gather [hbm4b:s2+s12], $0x10, s28, s12, $0xb8;
	[tilespmem:$0x84D0] =	vst v63  }
0x4f: {  	s28 =	simm.s32 $0x3C0;
	s30 =	simm.s32 $0x43D0  }
0x50: {  	[tilespmem:s30], [sflag:$0x2] =	stream.indirect.gather [hbm4b:s2+s12], $0x10, s28, s12, $0xb8;
	[tilespmem:$0x84D0] =	vst v63  }
0x51: {  	_ =	swait.ge [sflag:s15], $0x280  }
0x52: {  	[sflag:s15] =	ssyncset.done $0x0  }
0x53: {  	[sflag:s15] =	ssyncadd.s32 $0xFFFFFD80  }
0x54: {  	_ =	swait.ge [sflag:s15], $0x280  }
0x55: {  	[sflag:s15] =	ssyncset.done $0x0  }
0x56: {  	[sflag:s15] =	ssyncadd.s32 $0xFFFFFD80  }
0x57: {  	_ =	swait.ge [sflag:s15], $0x280  }
0x58: {  	[sflag:s15] =	ssyncset.done $0x0  }
0x59: {  	[sflag:s15] =	ssyncadd.s32 $0xFFFFFD80  }
0x5a: {  	_ =	swait.ge [sflag:s15], $0x280  }
0x5b: {  	[sflag:s15] =	ssyncset.done $0x0  }
0x5c: {  	[sflag:s15] =	ssyncadd.s32 $0xFFFFFD80  }
0x5d: {  	_ =	swait.ge [sflag:s15], $0x280  }
0x5e: {  	[sflag:s15] =	ssyncset.done $0x0  }
0x5f: {  	[sflag:s15] =	ssyncadd.s32 $0xFFFFFD80  }
0x60: {  	_ =	swait.ge [sflag:s15], $0x280  }
0x61: {  	[sflag:s15] =	ssyncset.done $0x0  }
0x62: {  	[sflag:s15] =	ssyncadd.s32 $0xFFFFFD80  }
0x63: {  	_ =	swait.ge [sflag:s15], $0x280  }
0x64: {  	[sflag:s15] =	ssyncset.done $0x0  }
0x65: {  	[sflag:s15] =	ssyncadd.s32 $0xFFFFFD80  }
0x66: {  	_ =	swait.ge [sflag:s15], $0x280  }
0x67: {  	[sflag:s15] =	ssyncset.done $0x0  }
0x68: {  	[sflag:s15] =	ssyncadd.s32 $0xFFFFFD80  }
0x69: {  	_ =	swait.ge [sflag:s15], $0x280  }
0x6a: {  	[sflag:s15] =	ssyncset.done $0x0  }
0x6b: {  	[sflag:s15] =	ssyncadd.s32 $0xFFFFFD80  }
0x6c: {  	_ =	swait.ge [sflag:s15], $0x280  }
0x6d: {  	[sflag:s15] =	ssyncset.done $0x0  }
0x6e: {  	[sflag:s15] =	ssyncadd.s32 $0xFFFFFD80  }
0x6f: {  	_ =	swait.ge [sflag:s15], $0x280  }
0x70: {  	[sflag:s15] =	ssyncset.done $0x0  }
0x71: {  	[sflag:s15] =	ssyncadd.s32 $0xFFFFFD80  }
0x72: {  	_ =	swait.ge [sflag:s15], $0x280  }
0x73: {  	[sflag:s15] =	ssyncset.done $0x0  }
0x74: {  	[sflag:s15] =	ssyncadd.s32 $0xFFFFFD80  }
0x75: {  	_ =	swait.ge [sflag:s15], $0x280  }
0x76: {  	[sflag:s15] =	ssyncset.done $0x0  }
0x77: {  	[sflag:s15] =	ssyncadd.s32 $0xFFFFFD80  }
0x78: {  	_ =	swait.ge [sflag:s15], $0x280  }
0x79: {  	[sflag:s15] =	ssyncset.done $0x0  }
0x7a: {  	[sflag:s15] =	ssyncadd.s32 $0xFFFFFD80  }
0x7b: {  	_ =	swait.ge [sflag:s15], $0x280  }
0x7c: {  	[sflag:s15] =	ssyncset.done $0x0  }
0x7d: {  	[sflag:s15] =	ssyncadd.s32 $0xFFFFFD80  }
0x7e: {  	_ =	swait.ge [sflag:s15], $0x280  }
0x7f: {  	[sflag:s15] =	ssyncset.done $0x0  }
0x80: {  	[sflag:s15] =	ssyncadd.s32 $0xFFFFFD80  }
0x81: {  	_ =	swait.ge [sflag:s15], $0x280  }
0x82: {  	[sflag:s15] =	ssyncset.done $0x0  }
0x83: {  	[sflag:s15] =	ssyncadd.s32 $0xFFFFFD80  }
0x84: {  	_ =	swait.ge [sflag:s15], $0x280  }
0x85: {  	[sflag:s15] =	ssyncset.done $0x0  }
0x86: {  	[sflag:s15] =	ssyncadd.s32 $0xFFFFFD80  }
0x87: {  	_ =	swait.ge [sflag:s15], $0x280  }
0x88: {  	[sflag:s15] =	ssyncset.done $0x0  }
0x89: {  	[sflag:s15] =	ssyncadd.s32 $0xFFFFFD80  }
0x8a: {  	_ =	swait.ge [sflag:s15], $0x280  }
0x8b: {  	[sflag:s15] =	ssyncset.done $0x0  }
0x8c: {  	[sflag:s15] =	ssyncadd.s32 $0xFFFFFD80  }
0x8d: {  	_ =	swait.ge [sflag:s15], $0x280  }
0x8e: {  	[sflag:s15] =	ssyncset.done $0x0  }
0x8f: {  	[sflag:s15] =	ssyncadd.s32 $0xFFFFFD80  }
0x90: {  	_ =	swait.ge [sflag:s15], $0x280  }
0x91: {  	[sflag:s15] =	ssyncset.done $0x0  }
0x92: {  	[sflag:s15] =	ssyncadd.s32 $0xFFFFFD80  }
0x93: {  	_ =	swait.ge [sflag:s15], $0x280  }
0x94: {  	[sflag:s15] =	ssyncset.done $0x0  }
0x95: {  	[sflag:s15] =	ssyncadd.s32 $0xFFFFFD80  }
0x96: {  	_ =	swait.ge [sflag:s15], $0x280  }
0x97: {  	[sflag:s15] =	ssyncset.done $0x0  }
0x98: {  	[sflag:s15] =	ssyncadd.s32 $0xFFFFFD80  }
0x99: {  	_ =	swait.ge [sflag:s15], $0x280  }
0x9a: {  	[sflag:s15] =	ssyncset.done $0x0  }
0x9b: {  	s28 =	sadd.s32 s26, s7;
	[sflag:s15] =	ssyncadd.s32 $0xFFFFFD80  }
0x9c: {  	[hbm4b:s28+s3] =	stream.linear.scatter [tilespmem:s13], [sflag:$0x3], $0x3E80, $0x38;
	[tilespmem:$0x84D0] =	vst v63  }
0x9d: {  	p0 =	seq.s32 s26, $0x17700;
	_ =	swait.ge [sflag:s10], $0x3E8  }
0x9e: {  	p1 =	seq.s32 @!p0 s26, $0x0;
	s29 =	sshrl.u32 @!p0 s25, $0x3;
	[sflag:s10] =	ssyncset.done $0x0  }
0x9f: {  	s29 =	sadd.s32 @!p0 s4, s29;
	s30 =	simm.s32 @!p0 $0x0;
	[sflag:s10] =	ssyncadd.s32 $0xFFFFFC18  }
0xa0: {  	[tilespmem:s30], [sflag:$0x1] =	stream.linear.gather @!p0 [hbm4b:s29+s30], $0x3E8, $0x38;
	[tilespmem:$0x84D0] =	vst v63  }
0xa1: {  	p0 =	por p0, !p1  }
0xa2: {  	_ =	swait.ge @p0 [sflag:s23], $0x3E80  }
0xa3: {  	[sflag:s23] =	ssyncset.done @p0 $0x0  }
0xa4: {  	[sflag:s23] =	ssyncadd.s32 @p0 $0xFFFFC180  }
0xa5: {  	[tilespmem:s16], [sflag:$0x2] =	stream.indirect.gather [hbm4b:s2+s12], $0x10, s11, s12, $0xb8;
	[tilespmem:$0x84D0] =	vst v63  }
0xa6: {  	s29 =	simm.s32 $0x410;
	s30 =	simm.s32 $0x48D0  }
0xa7: {  	[tilespmem:s30], [sflag:$0x2] =	stream.indirect.gather [hbm4b:s2+s12], $0x10, s29, s12, $0xb8;
	[tilespmem:$0x84D0] =	vst v63  }
0xa8: {  	s29 =	simm.s32 $0x438;
	s30 =	simm.s32 $0x4B50  }
0xa9: {  	[tilespmem:s30], [sflag:$0x2] =	stream.indirect.gather [hbm4b:s2+s12], $0x10, s29, s12, $0xb8;
	[tilespmem:$0x84D0] =	vst v63  }
0xaa: {  	s29 =	simm.s32 $0x460;
	s30 =	simm.s32 $0x4DD0  }
0xab: {  	[tilespmem:s30], [sflag:$0x2] =	stream.indirect.gather [hbm4b:s2+s12], $0x10, s29, s12, $0xb8;
	[tilespmem:$0x84D0] =	vst v63  }
0xac: {  	s29 =	simm.s32 $0x488;
	s30 =	simm.s32 $0x5050  }
0xad: {  	[tilespmem:s30], [sflag:$0x2] =	stream.indirect.gather [hbm4b:s2+s12], $0x10, s29, s12, $0xb8;
	[tilespmem:$0x84D0] =	vst v63  }
0xae: {  	s29 =	simm.s32 $0x4B0;
	s30 =	simm.s32 $0x52D0  }
0xaf: {  	[tilespmem:s30], [sflag:$0x2] =	stream.indirect.gather [hbm4b:s2+s12], $0x10, s29, s12, $0xb8;
	[tilespmem:$0x84D0] =	vst v63  }
0xb0: {  	s29 =	simm.s32 $0x4D8;
	s30 =	simm.s32 $0x5550  }
0xb1: {  	[tilespmem:s30], [sflag:$0x2] =	stream.indirect.gather [hbm4b:s2+s12], $0x10, s29, s12, $0xb8;
	[tilespmem:$0x84D0] =	vst v63  }
0xb2: {  	s29 =	simm.s32 $0x500;
	s30 =	simm.s32 $0x57D0  }
0xb3: {  	[tilespmem:s30], [sflag:$0x2] =	stream.indirect.gather [hbm4b:s2+s12], $0x10, s29, s12, $0xb8;
	[tilespmem:$0x84D0] =	vst v63  }
0xb4: {  	s29 =	simm.s32 $0x528;
	s30 =	simm.s32 $0x5A50  }
0xb5: {  	[tilespmem:s30], [sflag:$0x2] =	stream.indirect.gather [hbm4b:s2+s12], $0x10, s29, s12, $0xb8;
	[tilespmem:$0x84D0] =	vst v63  }
0xb6: {  	s29 =	simm.s32 $0x550;
	s30 =	simm.s32 $0x5CD0  }
0xb7: {  	[tilespmem:s30], [sflag:$0x2] =	stream.indirect.gather [hbm4b:s2+s12], $0x10, s29, s12, $0xb8;
	[tilespmem:$0x84D0] =	vst v63  }
0xb8: {  	s29 =	simm.s32 $0x578;
	s30 =	simm.s32 $0x5F50  }
0xb9: {  	[tilespmem:s30], [sflag:$0x2] =	stream.indirect.gather [hbm4b:s2+s12], $0x10, s29, s12, $0xb8;
	[tilespmem:$0x84D0] =	vst v63  }
0xba: {  	s29 =	simm.s32 $0x5A0;
	s30 =	simm.s32 $0x61D0  }
0xbb: {  	[tilespmem:s30], [sflag:$0x2] =	stream.indirect.gather [hbm4b:s2+s12], $0x10, s29, s12, $0xb8;
	[tilespmem:$0x84D0] =	vst v63  }
0xbc: {  	s29 =	simm.s32 $0x5C8;
	s30 =	simm.s32 $0x6450  }
0xbd: {  	[tilespmem:s30], [sflag:$0x2] =	stream.indirect.gather [hbm4b:s2+s12], $0x10, s29, s12, $0xb8;
	[tilespmem:$0x84D0] =	vst v63  }
0xbe: {  	s29 =	simm.s32 $0x5F0;
	s30 =	simm.s32 $0x66D0  }
0xbf: {  	[tilespmem:s30], [sflag:$0x2] =	stream.indirect.gather [hbm4b:s2+s12], $0x10, s29, s12, $0xb8;
	[tilespmem:$0x84D0] =	vst v63  }
0xc0: {  	s29 =	simm.s32 $0x618;
	s30 =	simm.s32 $0x6950  }
0xc1: {  	[tilespmem:s30], [sflag:$0x2] =	stream.indirect.gather [hbm4b:s2+s12], $0x10, s29, s12, $0xb8;
	[tilespmem:$0x84D0] =	vst v63  }
0xc2: {  	s29 =	simm.s32 $0x640;
	s30 =	simm.s32 $0x6BD0  }
0xc3: {  	[tilespmem:s30], [sflag:$0x2] =	stream.indirect.gather [hbm4b:s2+s12], $0x10, s29, s12, $0xb8;
	[tilespmem:$0x84D0] =	vst v63  }
0xc4: {  	s29 =	simm.s32 $0x668;
	s30 =	simm.s32 $0x6E50  }
0xc5: {  	[tilespmem:s30], [sflag:$0x2] =	stream.indirect.gather [hbm4b:s2+s12], $0x10, s29, s12, $0xb8;
	[tilespmem:$0x84D0] =	vst v63  }
0xc6: {  	s29 =	simm.s32 $0x690;
	s30 =	simm.s32 $0x70D0  }
0xc7: {  	[tilespmem:s30], [sflag:$0x2] =	stream.indirect.gather [hbm4b:s2+s12], $0x10, s29, s12, $0xb8;
	[tilespmem:$0x84D0] =	vst v63  }
0xc8: {  	_ = 	snop  }
0xc9: {  	[tilespmem:s1], [sflag:$0x2] =	stream.indirect.gather [hbm4b:s2+s12], $0x10, s31, s12, $0xb8;
	[tilespmem:$0x84D0] =	vst v63  }
0xca: {  	_ = 	snop  }
0xcb: {  	[tilespmem:s5], [sflag:$0x2] =	stream.indirect.gather [hbm4b:s2+s12], $0x10, s0, s12, $0xb8;
	[tilespmem:$0x84D0] =	vst v63  }
0xcc: {  	_ = 	snop  }
0xcd: {  	[tilespmem:s8], [sflag:$0x2] =	stream.indirect.gather [hbm4b:s2+s12], $0x10, s6, s12, $0xb8;
	[tilespmem:$0x84D0] =	vst v63  }
0xce: {  	_ = 	snop  }
0xcf: {  	[tilespmem:s14], [sflag:$0x2] =	stream.indirect.gather [hbm4b:s2+s12], $0x10, s9, s12, $0xb8;
	[tilespmem:$0x84D0] =	vst v63  }
0xd0: {  	_ = 	snop  }
0xd1: {  	[tilespmem:s18], [sflag:$0x2] =	stream.indirect.gather [hbm4b:s2+s12], $0x10, s17, s12, $0xb8;
	[tilespmem:$0x84D0] =	vst v63  }
0xd2: {  	_ = 	snop  }
0xd3: {  	[tilespmem:s20], [sflag:$0x2] =	stream.indirect.gather [hbm4b:s2+s12], $0x10, s19, s12, $0xb8;
	[tilespmem:$0x84D0] =	vst v63  }
0xd4: {  	_ = 	snop  }
0xd5: {  	[tilespmem:s22], [sflag:$0x2] =	stream.indirect.gather [hbm4b:s2+s12], $0x10, s21, s12, $0xb8;
	[tilespmem:$0x84D0] =	vst v63  }
0xd6: {  	_ =	swait.ge [sflag:s15], $0x280  }
0xd7: {  	[sflag:s15] =	ssyncset.done $0x0  }
0xd8: {  	[sflag:s15] =	ssyncadd.s32 $0xFFFFFD80  }
0xd9: {  	_ =	swait.ge [sflag:s15], $0x280  }
0xda: {  	[sflag:s15] =	ssyncset.done $0x0  }
0xdb: {  	[sflag:s15] =	ssyncadd.s32 $0xFFFFFD80  }
0xdc: {  	_ =	swait.ge [sflag:s15], $0x280  }
0xdd: {  	[sflag:s15] =	ssyncset.done $0x0  }
0xde: {  	[sflag:s15] =	ssyncadd.s32 $0xFFFFFD80  }
0xdf: {  	_ =	swait.ge [sflag:s15], $0x280  }
0xe0: {  	[sflag:s15] =	ssyncset.done $0x0  }
0xe1: {  	[sflag:s15] =	ssyncadd.s32 $0xFFFFFD80  }
0xe2: {  	_ =	swait.ge [sflag:s15], $0x280  }
0xe3: {  	[sflag:s15] =	ssyncset.done $0x0  }
0xe4: {  	[sflag:s15] =	ssyncadd.s32 $0xFFFFFD80  }
0xe5: {  	_ =	swait.ge [sflag:s15], $0x280  }
0xe6: {  	[sflag:s15] =	ssyncset.done $0x0  }
0xe7: {  	[sflag:s15] =	ssyncadd.s32 $0xFFFFFD80  }
0xe8: {  	_ =	swait.ge [sflag:s15], $0x280  }
0xe9: {  	[sflag:s15] =	ssyncset.done $0x0  }
0xea: {  	[sflag:s15] =	ssyncadd.s32 $0xFFFFFD80  }
0xeb: {  	_ =	swait.ge [sflag:s15], $0x280  }
0xec: {  	[sflag:s15] =	ssyncset.done $0x0  }
0xed: {  	[sflag:s15] =	ssyncadd.s32 $0xFFFFFD80  }
0xee: {  	_ =	swait.ge [sflag:s15], $0x280  }
0xef: {  	[sflag:s15] =	ssyncset.done $0x0  }
0xf0: {  	[sflag:s15] =	ssyncadd.s32 $0xFFFFFD80  }
0xf1: {  	_ =	swait.ge [sflag:s15], $0x280  }
0xf2: {  	[sflag:s15] =	ssyncset.done $0x0  }
0xf3: {  	[sflag:s15] =	ssyncadd.s32 $0xFFFFFD80  }
0xf4: {  	_ =	swait.ge [sflag:s15], $0x280  }
0xf5: {  	[sflag:s15] =	ssyncset.done $0x0  }
0xf6: {  	[sflag:s15] =	ssyncadd.s32 $0xFFFFFD80  }
0xf7: {  	_ =	swait.ge [sflag:s15], $0x280  }
0xf8: {  	[sflag:s15] =	ssyncset.done $0x0  }
0xf9: {  	[sflag:s15] =	ssyncadd.s32 $0xFFFFFD80  }
0xfa: {  	_ =	swait.ge [sflag:s15], $0x280  }
0xfb: {  	[sflag:s15] =	ssyncset.done $0x0  }
0xfc: {  	[sflag:s15] =	ssyncadd.s32 $0xFFFFFD80  }
0xfd: {  	_ =	swait.ge [sflag:s15], $0x280  }
0xfe: {  	[sflag:s15] =	ssyncset.done $0x0  }
0xff: {  	[sflag:s15] =	ssyncadd.s32 $0xFFFFFD80  }
0x100: {  	_ =	swait.ge [sflag:s15], $0x280  }
0x101: {  	[sflag:s15] =	ssyncset.done $0x0  }
0x102: {  	[sflag:s15] =	ssyncadd.s32 $0xFFFFFD80  }
0x103: {  	_ =	swait.ge [sflag:s15], $0x280  }
0x104: {  	[sflag:s15] =	ssyncset.done $0x0  }
0x105: {  	[sflag:s15] =	ssyncadd.s32 $0xFFFFFD80  }
0x106: {  	_ =	swait.ge [sflag:s15], $0x280  }
0x107: {  	[sflag:s15] =	ssyncset.done $0x0  }
0x108: {  	[sflag:s15] =	ssyncadd.s32 $0xFFFFFD80  }
0x109: {  	_ =	swait.ge [sflag:s15], $0x280  }
0x10a: {  	[sflag:s15] =	ssyncset.done $0x0  }
0x10b: {  	[sflag:s15] =	ssyncadd.s32 $0xFFFFFD80  }
0x10c: {  	_ =	swait.ge [sflag:s15], $0x280  }
0x10d: {  	[sflag:s15] =	ssyncset.done $0x0  }
0x10e: {  	[sflag:s15] =	ssyncadd.s32 $0xFFFFFD80  }
0x10f: {  	_ =	swait.ge [sflag:s15], $0x280  }
0x110: {  	[sflag:s15] =	ssyncset.done $0x0  }
0x111: {  	[sflag:s15] =	ssyncadd.s32 $0xFFFFFD80  }
0x112: {  	_ =	swait.ge [sflag:s15], $0x280  }
0x113: {  	[sflag:s15] =	ssyncset.done $0x0  }
0x114: {  	[sflag:s15] =	ssyncadd.s32 $0xFFFFFD80  }
0x115: {  	_ =	swait.ge [sflag:s15], $0x280  }
0x116: {  	[sflag:s15] =	ssyncset.done $0x0  }
0x117: {  	[sflag:s15] =	ssyncadd.s32 $0xFFFFFD80  }
0x118: {  	_ =	swait.ge [sflag:s15], $0x280  }
0x119: {  	[sflag:s15] =	ssyncset.done $0x0  }
0x11a: {  	[sflag:s15] =	ssyncadd.s32 $0xFFFFFD80  }
0x11b: {  	s26 =	sadd.s32 $0xFA0, s26;
	_ =	swait.ge [sflag:s15], $0x280  }
0x11c: {  	p0 =	sne.s32 s26, $0x186A0;
	[sflag:s15] =	ssyncset.done $0x0  }
.Ltmp0:
0x11d: {  	[sflag:s15] =	ssyncadd.s32 $0xFFFFFD80;
	(pc) =	sbr.rel @p0 .LBB2_2-.Ltmp0, $4  }
0x11e: {  	_ =	swait.ge [sflag:s15], $0x280  }
0x11f: {  	s24 =	sadd.s32 $0xFA, s24;
	[sflag:s15] =	ssyncset.done $0x0  }
0x120: {  	s25 =	sadd.s32 $0x7D0, s25;
	s28 =	sadd.s32 $0x7D0, s28;
	[sflag:s15] =	ssyncadd.s32 $0xFFFFFD80  }
0x121: {  	[hbm4b:s28+s3] =	stream.linear.scatter [tilespmem:s16], [sflag:$0x3], $0x3E80, $0x38;
	[tilespmem:$0x84D0] =	vst v63  }
0x122: {  	_ =	swait.ge [sflag:s23], $0x3E80  }
0x123: {  	[sflag:s23] =	ssyncset.done $0x0  }
0x124: {  	[sflag:s23] =	ssyncadd.s32 $0xFFFFC180  }
0x125: {  	_ =	swait.ge [sflag:s23], $0x3E80  }
0x126: {  	s25 =	rddreg [dreg:$0x7]  }
0x127: {  	s24 =	rddreg [dreg:$0x4];
	s25 =	sadd.s32 $0x1, s25  }
0x128: {  	p0 =	sne.s32 s25, s24  }
.Ltmp1:
0x129: {  	_ = 	snop;
	(pc) =	sbr.rel @p0 .LBB2_1-.Ltmp1, $3  }
0x12a: {  	_ =	sdelay $0x1  }
0x12b: {  	[sflag:s23] =	ssyncset.done $0x0  }
0x12c: {  	[sflag:s23] =	ssyncadd.s32 $0xFFFFC180  }
0x12d: {  	_ =	sfence.sel $0x180000  }
0x12e: {  	[bflag:$0x0] =	sbarrier.arrive $0xFFFF  }
0x12f: {  	_ =	strace $0x90000047  }
0x130: {  	s0 =	stileid.u32;
	[bflag:$0x2] =	sbarrier.arrive $0xFFFF  }
0x131: {  	p0 =	sne.s32 s0, $0x0;
	s0 =	rddreg [dreg:$0x2]  }
0x132: {  	s0 =	sadd.s32 @!p0 $0x100000, s0  }
0x133: {  	[sflag:s0] =	ssyncadd.tile.s32 @!p0 $0x1;
	_ =	shalt  }
.Lfunc_end2:
_tile_overlayer_lowered:
.L_overlay_start_2:
0x134: {  	(tag) =	ssettag $0x2  }
0x135: {  	s0 =	rddreg [dreg:$0x0];
	s2 =	stileid.u32  }
0x136: {  	s1 =	rddreg [dreg:$0x1];
	p0 =	sne.s32 s2, $0x0  }
0x137: {  	s3 =	rddreg [dreg:$0x2];
	[bflag:$0x3] =	sbarrier.arrive $0xFFFF;
	s2 =	simm.s32 @!p0 $0x1C04  }
0x138: {  	[timem:s3], [sflag:s2] =	dma.local @!p0 [hbm:s0], s1  }
0x139: {  	s0 =	simm.s32 @!p0 $0x4  }
0x13a: {  	_ =	swait.ge @!p0 [sflag:s0], s1  }
0x13b: {  	s1 =	ssub.s32 @!p0 $0x0, s1;
	[sflag:s0] =	ssyncset.done @!p0 $0x0  }
0x13c: {  	[sflag:s0] =	ssyncadd.s32 @!p0 s1  }
0x13d: {  	[bflag:$0x3] =	sbarrier.arrive $0xFFFF  }
0x13e: {  	_ =	shalt  }

</sc_bundles>
